<compile_context>
chip_gen: v7x
topology: tpu7x:2x2x1
jax: 0.10.2.dev20260603
libtpu: 0.0.44.dev20260713+nightly
codegen_flags: <defaults>
</compile_context>

<pallas_src>
import jax
import jax.numpy as jnp
from jax import lax
from jax.experimental import pallas as pl
from jax.experimental.pallas import tpu as pltpu
from jax.experimental.pallas import tpu_sc as plsc

B = 16384
D = 32
L = 16

_info = plsc.get_sparse_core_info()
NC, NS = _info.num_cores, _info.num_subcores
NW = NC * NS
ROWS_PER_W = B // NW
SUB = 128
SUBS_PER_W = ROWS_PER_W // SUB
CHUNK_SUBS = 2
N_CHUNKS = SUBS_PER_W // CHUNK_SUBS
NT = 12


def _sc_body(eu, ei, eru, eri, idx_hbm, diff_out, reg_out,
             idx_v, rows_v, diff_v, vec_v, sem):
    wid = lax.axis_index("s") * NC + lax.axis_index("c")
    tables = [eu, eu, eu, ei, ei, ei, eru, eru, eru, eri, eri, eri]

    acc_sq = jnp.zeros((L,), jnp.float32)
    for g in range(N_CHUNKS):
        sub0 = wid * SUBS_PER_W + g * CHUNK_SUBS
        for t in range(NT):
            pltpu.sync_copy(idx_hbm.at[t, pl.ds(sub0, CHUNK_SUBS)],
                            idx_v.at[t])
        copies = []
        for t in range(NT):
            for j in range(CHUNK_SUBS):
                copies.append(pltpu.async_copy(
                    tables[t].at[idx_v.at[t, j]], rows_v.at[t, j], sem))
        for c in copies:
            c.wait()

        for j in range(CHUNK_SUBS):
            out_base = g * CHUNK_SUBS * SUB + j * SUB

            def body(r, acc, j=j, out_base=out_base):
                lo = [rows_v[t, j, r, pl.ds(0, L)] for t in range(NT)]
                hi = [rows_v[t, j, r, pl.ds(L, L)] for t in range(NT)]
                b_lo = lo[0] + lo[3] + lo[6] + lo[9]
                b_hi = hi[0] + hi[3] + hi[6] + hi[9]
                p_lo = lo[1] + lo[4] + lo[7] + lo[10]
                p_hi = hi[1] + hi[4] + hi[7] + hi[10]
                n_lo = lo[2] + lo[5] + lo[8] + lo[11]
                n_hi = hi[2] + hi[5] + hi[8] + hi[11]
                dv = b_lo * (n_lo - p_lo) + b_hi * (n_hi - p_hi)
                diff_v[out_base + r] = dv
                sq = acc
                for v in lo:
                    sq = sq + v * v
                for v in hi:
                    sq = sq + v * v
                return sq

            acc_sq = lax.fori_loop(0, SUB, body, acc_sq)

    vec_v[...] = acc_sq
    pltpu.sync_copy(diff_v, diff_out.at[pl.ds(wid * ROWS_PER_W, ROWS_PER_W)])
    pltpu.sync_copy(vec_v, reg_out.at[pl.ds(wid * L, L)])


def _finalize_body(diff_ref, reg_ref, loss_ref, regloss_ref):
    x = jnp.sum(diff_ref[...], axis=-1)
    sp = jnp.maximum(x, 0.0) + jnp.log1p(jnp.exp(-jnp.abs(x)))
    loss_ref[0, 0] = jnp.sum(sp) / float(B)
    regloss_ref[0, 0] = 0.5 * jnp.sum(reg_ref[...]) / float(B)


def kernel(user, item, user_pos, item_pos, user_neg, item_neg,
           rel_u, pos_rel_u, neg_rel_u, rel_i, pos_rel_i, neg_rel_i,
           embed_user, embed_item, embed_rel_u, embed_rel_i):
    idx_all = jnp.stack([user, user_pos, user_neg,
                         item, item_pos, item_neg,
                         rel_u, pos_rel_u, neg_rel_u,
                         rel_i, pos_rel_i, neg_rel_i]).astype(jnp.int32)
    idx_all = idx_all.reshape(NT, B // SUB, SUB)

    sc = pl.kernel(
        _sc_body,
        mesh=plsc.VectorSubcoreMesh(core_axis_name="c", subcore_axis_name="s"),
        compiler_params=pltpu.CompilerParams(use_tc_tiling_on_sc=False),
        out_type=[jax.ShapeDtypeStruct((B, L), jnp.float32),
                  jax.ShapeDtypeStruct((NW * L,), jnp.float32)],
        scratch_types=[
            pltpu.VMEM((NT, CHUNK_SUBS, SUB), jnp.int32),
            pltpu.VMEM((NT, CHUNK_SUBS, SUB, D), jnp.float32),
            pltpu.VMEM((ROWS_PER_W, L), jnp.float32),
            pltpu.VMEM((L,), jnp.float32),
            pltpu.SemaphoreType.DMA,
        ],
    )
    diff, reg_part = sc(embed_user, embed_item, embed_rel_u, embed_rel_i,
                        idx_all)

    loss, reg_loss = pl.pallas_call(
        _finalize_body,
        out_shape=[jax.ShapeDtypeStruct((1, 1), jnp.float32),
                   jax.ShapeDtypeStruct((1, 1), jnp.float32)],
        out_specs=[pl.BlockSpec(memory_space=pltpu.SMEM),
                   pl.BlockSpec(memory_space=pltpu.SMEM)],
    )(diff, reg_part.reshape(NW * L // 128, 128))
    return (loss[0, 0], reg_loss[0, 0])

# --- scband reference (transcript-rebuilt; emitter-appended) ---
"""Pipeline reference for scband-pmi-pr-48455821034183 (READ-ONLY COPY).

The authoritative reference and input builder live on the scoring server;
editing this copy changes nothing except your own understanding.
"""

import jax, jax.numpy as jnp
import numpy as np

B = 16384
USER_NUM = 1000000
ITEM_NUM = 1000000
REL_U_NUM = 1000
REL_I_NUM = 1000
D = 32


def setup_inputs(seed: int = 0) -> dict:
    key = jax.random.key(seed)
    ks = jax.random.split(key, 16)
    inp = {}
    inp["user"] = jax.random.randint(ks[0], (B,), 0, USER_NUM)
    inp["item"] = jax.random.randint(ks[1], (B,), 0, ITEM_NUM)
    inp["user_pos"] = jax.random.randint(ks[2], (B,), 0, USER_NUM)
    inp["item_pos"] = jax.random.randint(ks[3], (B,), 0, ITEM_NUM)
    inp["user_neg"] = jax.random.randint(ks[4], (B,), 0, USER_NUM)
    inp["item_neg"] = jax.random.randint(ks[5], (B,), 0, ITEM_NUM)
    inp["rel_u"] = jax.random.randint(ks[6], (B,), 0, REL_U_NUM)
    inp["pos_rel_u"] = jax.random.randint(ks[7], (B,), 0, REL_U_NUM)
    inp["neg_rel_u"] = jax.random.randint(ks[8], (B,), 0, REL_U_NUM)
    inp["rel_i"] = jax.random.randint(ks[9], (B,), 0, REL_I_NUM)
    inp["pos_rel_i"] = jax.random.randint(ks[10], (B,), 0, REL_I_NUM)
    inp["neg_rel_i"] = jax.random.randint(ks[11], (B,), 0, REL_I_NUM)
    inp["embed_user"] = jax.random.normal(ks[12], (USER_NUM, D), dtype=jnp.float32) * 0.01
    inp["embed_item"] = jax.random.normal(ks[13], (ITEM_NUM, D), dtype=jnp.float32) * 0.01
    inp["embed_rel_u"] = jax.random.normal(ks[14], (REL_U_NUM, D), dtype=jnp.float32) * 0.01
    inp["embed_rel_i"] = jax.random.normal(ks[15], (REL_I_NUM, D), dtype=jnp.float32) * 0.01
    return inp


def reference(user, item, user_pos, item_pos, user_neg, item_neg,
              rel_u, pos_rel_u, neg_rel_u, rel_i, pos_rel_i, neg_rel_i,
              embed_user, embed_item, embed_rel_u, embed_rel_i):
    users = jnp.take(embed_user, user, axis=0)
    items = jnp.take(embed_item, item, axis=0)
    up = jnp.take(embed_user, user_pos, axis=0)
    ip = jnp.take(embed_item, item_pos, axis=0)
    un = jnp.take(embed_user, user_neg, axis=0)
    ineg = jnp.take(embed_item, item_neg, axis=0)
    ru = jnp.take(embed_rel_u, rel_u, axis=0)
    pru = jnp.take(embed_rel_u, pos_rel_u, axis=0)
    nru = jnp.take(embed_rel_u, neg_rel_u, axis=0)
    ri = jnp.take(embed_rel_i, rel_i, axis=0)
    pri = jnp.take(embed_rel_i, pos_rel_i, axis=0)
    nri = jnp.take(embed_rel_i, neg_rel_i, axis=0)
    u_i_ = users + items + ru + ri
    u_i_pos = up + ip + pru + pri
    u_i_neg = un + ineg + nru + nri
    prediction_i = jnp.sum(u_i_ * u_i_pos, axis=-1)
    prediction_j = jnp.sum(u_i_ * u_i_neg, axis=-1)
    loss = jnp.mean(jax.nn.softplus(prediction_j - prediction_i))
    sq = lambda t: jnp.sum(t ** 2)
    reg_loss = 0.5 * (sq(users) + sq(items) + sq(up) + sq(ip) + sq(un) + sq(ineg)
                      + sq(ru) + sq(pru) + sq(nru) + sq(ri) + sq(pri) + sq(nri)) / float(B)
    return (loss, reg_loss)

if __name__ == "__main__":
    import jax
    _d = setup_inputs()
    print(jax.jit(kernel)(*tuple(_d.values())))

</pallas_src>

<mosaic_0001>
#map = affine_map<(d0, d1) -> (0, 0)>
#map1 = affine_map<(d0, d1) -> (0, 0, 0)>
#map2 = affine_map<(d0, d1) -> (0)>
module attributes {stable_mosaic.version = 14 : i64} {
  func.func @_sc_body(%arg0: i32, %arg1: i32, %arg2: memref<1000000x32xf32, #tpu.memory_space<hbm>>, %arg3: memref<1000000x32xf32, #tpu.memory_space<hbm>>, %arg4: memref<1000x32xf32, #tpu.memory_space<hbm>>, %arg5: memref<1000x32xf32, #tpu.memory_space<hbm>>, %arg6: memref<12x128x128xi32, #tpu.memory_space<hbm>>, %arg7: memref<16384x16xf32, #tpu.memory_space<hbm>>, %arg8: memref<512xf32, #tpu.memory_space<hbm>>, %arg9: memref<12x2x128xi32, #tpu.memory_space<vmem>>, %arg10: memref<12x2x128x32xf32, #tpu.memory_space<vmem>>, %arg11: memref<512x16xf32, #tpu.memory_space<vmem>>, %arg12: memref<16xf32, #tpu.memory_space<vmem>>, %arg13: memref<!tpu.dma_semaphore, #tpu.memory_space<semaphore_mem>>) attributes {dimension_semantics = [#tpu.dimension_semantics<core_parallel>, #tpu.dimension_semantics<subcore_parallel>], iteration_bounds = array<i64: 2, 16>, scalar_prefetch = 0 : i64, scratch_operands = 5 : i64, tpu.core_type = #tpu.core_type<sc_vector_subcore>, window_params = [{transform_indices = #map}, {transform_indices = #map}, {transform_indices = #map}, {transform_indices = #map}, {transform_indices = #map1}, {transform_indices = #map}, {transform_indices = #map2}]} {
    %mul3A = arith.constant 2 : i32
    %mul3A_0 = arith.muli %arg1, %mul3A : i32
    %add3A = arith.addi %mul3A_0, %arg0 : i32
    %broadcast_in_dim3A = arith.constant 0.000000e+00 : f32
    %broadcast_in_dim3A_1 = vector.broadcast %broadcast_in_dim3A : f32 to vector<16xf32>
    %mul3A_2 = arith.constant 4 : i32
    %mul3A_3 = arith.muli %add3A, %mul3A_2 : i32
    %add3A_4 = arith.constant 0 : i32
    %add3A_5 = arith.addi %mul3A_3, %add3A_4 : i32
    %run_scoped3A = arith.constant 0 : i32
    %run_scoped3A_6 = arith.constant 0 : i32
    "tpu.region"() ({
      %run_scoped3A_1429 = tpu.sem_alloc : memref<!tpu.dma_semaphore, #tpu.memory_space<semaphore_mem>>
      %dma_start3A_1430 = arith.constant 0 : i32
      %dma_start3A_1431 = arith.constant 0 : i32
      %dma_start3A_1432 = tpu.memref_slice %arg9[%run_scoped3A_6, %dma_start3A_1430, %dma_start3A_1431] : memref<12x2x128xi32, #tpu.memory_space<vmem>> -> memref<1x2x128xi32, #tpu.memory_space<vmem>>
      %dma_start3A_1433 = tpu.memref_squeeze %dma_start3A_1432 : memref<1x2x128xi32, #tpu.memory_space<vmem>> -> memref<2x128xi32, #tpu.memory_space<vmem>>
      %dma_start3A_1434 = arith.constant 0 : i32
      %dma_start3A_1435 = tpu.memref_slice %arg6[%run_scoped3A, %add3A_5, %dma_start3A_1434] : memref<12x128x128xi32, #tpu.memory_space<hbm>> -> memref<1x2x128xi32, #tpu.memory_space<hbm>>
      %dma_start3A_1436 = tpu.memref_squeeze %dma_start3A_1435 : memref<1x2x128xi32, #tpu.memory_space<hbm>> -> memref<2x128xi32, #tpu.memory_space<hbm>>
      %dma_start3A_1437 = arith.constant 0 : i32
      %dma_start3A_1438 = arith.constant 0 : i32
      %dma_start3A_1439 = tpu.memref_slice %arg9[%run_scoped3A_6, %dma_start3A_1437, %dma_start3A_1438] : memref<12x2x128xi32, #tpu.memory_space<vmem>> -> memref<1x2x128xi32, #tpu.memory_space<vmem>>
      %dma_start3A_1440 = tpu.memref_squeeze %dma_start3A_1439 : memref<1x2x128xi32, #tpu.memory_space<vmem>> -> memref<2x128xi32, #tpu.memory_space<vmem>>
      %dma_start3A_1441 = arith.constant 0 : i32
      %dma_start3A_1442 = tpu.memref_slice %arg6[%run_scoped3A, %add3A_5, %dma_start3A_1441] : memref<12x128x128xi32, #tpu.memory_space<hbm>> -> memref<1x2x128xi32, #tpu.memory_space<hbm>>
      %dma_start3A_1443 = tpu.memref_squeeze %dma_start3A_1442 : memref<1x2x128xi32, #tpu.memory_space<hbm>> -> memref<2x128xi32, #tpu.memory_space<hbm>>
      tpu.enqueue_dma source(%dma_start3A_1443 : memref<2x128xi32, #tpu.memory_space<hbm>>) target(%dma_start3A_1440 : memref<2x128xi32, #tpu.memory_space<vmem>>) target_semaphore(%run_scoped3A_1429 : memref<!tpu.dma_semaphore, #tpu.memory_space<semaphore_mem>>)
      %dma_wait3A_1444 = arith.constant 0 : i32
      %dma_wait3A_1445 = arith.constant 0 : i32
      %dma_wait3A_1446 = tpu.memref_slice %arg9[%run_scoped3A_6, %dma_wait3A_1444, %dma_wait3A_1445] : memref<12x2x128xi32, #tpu.memory_space<vmem>> -> memref<1x2x128xi32, #tpu.memory_space<vmem>>
      %dma_wait3A_1447 = tpu.memref_squeeze %dma_wait3A_1446 : memref<1x2x128xi32, #tpu.memory_space<vmem>> -> memref<2x128xi32, #tpu.memory_space<vmem>>
      %dma_wait3A_1448 = arith.constant 0 : i32
      %dma_wait3A_1449 = tpu.memref_slice %arg6[%run_scoped3A, %add3A_5, %dma_wait3A_1448] : memref<12x128x128xi32, #tpu.memory_space<hbm>> -> memref<1x2x128xi32, #tpu.memory_space<hbm>>
      %dma_wait3A_1450 = tpu.memref_squeeze %dma_wait3A_1449 : memref<1x2x128xi32, #tpu.memory_space<hbm>> -> memref<2x128xi32, #tpu.memory_space<hbm>>
      %dma_wait3A_1451 = arith.constant 0 : i32
      %dma_wait3A_1452 = arith.constant 0 : i32
      %dma_wait3A_1453 = tpu.memref_slice %arg9[%run_scoped3A_6, %dma_wait3A_1451, %dma_wait3A_1452] : memref<12x2x128xi32, #tpu.memory_space<vmem>> -> memref<1x2x128xi32, #tpu.memory_space<vmem>>
      %dma_wait3A_1454 = tpu.memref_squeeze %dma_wait3A_1453 : memref<1x2x128xi32, #tpu.memory_space<vmem>> -> memref<2x128xi32, #tpu.memory_space<vmem>>
      %dma_wait3A_1455 = arith.constant 0 : i32
      %dma_wait3A_1456 = tpu.memref_slice %arg6[%run_scoped3A, %add3A_5, %dma_wait3A_1455] : memref<12x128x128xi32, #tpu.memory_space<hbm>> -> memref<1x2x128xi32, #tpu.memory_space<hbm>>
      %dma_wait3A_1457 = tpu.memref_squeeze %dma_wait3A_1456 : memref<1x2x128xi32, #tpu.memory_space<hbm>> -> memref<2x128xi32, #tpu.memory_space<hbm>>
      tpu.wait_dma2 semaphore(%run_scoped3A_1429 : memref<!tpu.dma_semaphore, #tpu.memory_space<semaphore_mem>>) src(%dma_wait3A_1457 : memref<2x128xi32, #tpu.memory_space<hbm>>) dst(%dma_wait3A_1454 : memref<2x128xi32, #tpu.memory_space<vmem>>)
      tpu.yield
    }) : () -> ()
    %run_scoped3A_7 = arith.constant 1 : i32
    %run_scoped3A_8 = arith.constant 1 : i32
    "tpu.region"() ({
      %run_scoped3A_1429 = tpu.sem_alloc : memref<!tpu.dma_semaphore, #tpu.memory_space<semaphore_mem>>
      %dma_start3A_1430 = arith.constant 0 : i32
      %dma_start3A_1431 = arith.constant 0 : i32
      %dma_start3A_1432 = tpu.memref_slice %arg9[%run_scoped3A_8, %dma_start3A_1430, %dma_start3A_1431] : memref<12x2x128xi32, #tpu.memory_space<vmem>> -> memref<1x2x128xi32, #tpu.memory_space<vmem>>
      %dma_start3A_1433 = tpu.memref_squeeze %dma_start3A_1432 : memref<1x2x128xi32, #tpu.memory_space<vmem>> -> memref<2x128xi32, #tpu.memory_space<vmem>>
      %dma_start3A_1434 = arith.constant 0 : i32
      %dma_start3A_1435 = tpu.memref_slice %arg6[%run_scoped3A_7, %add3A_5, %dma_start3A_1434] : memref<12x128x128xi32, #tpu.memory_space<hbm>> -> memref<1x2x128xi32, #tpu.memory_space<hbm>>
      %dma_start3A_1436 = tpu.memref_squeeze %dma_start3A_1435 : memref<1x2x128xi32, #tpu.memory_space<hbm>> -> memref<2x128xi32, #tpu.memory_space<hbm>>
      %dma_start3A_1437 = arith.constant 0 : i32
      %dma_start3A_1438 = arith.constant 0 : i32
      %dma_start3A_1439 = tpu.memref_slice %arg9[%run_scoped3A_8, %dma_start3A_1437, %dma_start3A_1438] : memref<12x2x128xi32, #tpu.memory_space<vmem>> -> memref<1x2x128xi32, #tpu.memory_space<vmem>>
      %dma_start3A_1440 = tpu.memref_squeeze %dma_start3A_1439 : memref<1x2x128xi32, #tpu.memory_space<vmem>> -> memref<2x128xi32, #tpu.memory_space<vmem>>
      %dma_start3A_1441 = arith.constant 0 : i32
      %dma_start3A_1442 = tpu.memref_slice %arg6[%run_scoped3A_7, %add3A_5, %dma_start3A_1441] : memref<12x128x128xi32, #tpu.memory_space<hbm>> -> memref<1x2x128xi32, #tpu.memory_space<hbm>>
      %dma_start3A_1443 = tpu.memref_squeeze %dma_start3A_1442 : memref<1x2x128xi32, #tpu.memory_space<hbm>> -> memref<2x128xi32, #tpu.memory_space<hbm>>
      tpu.enqueue_dma source(%dma_start3A_1443 : memref<2x128xi32, #tpu.memory_space<hbm>>) target(%dma_start3A_1440 : memref<2x128xi32, #tpu.memory_space<vmem>>) target_semaphore(%run_scoped3A_1429 : memref<!tpu.dma_semaphore, #tpu.memory_space<semaphore_mem>>)
      %dma_wait3A_1444 = arith.constant 0 : i32
      %dma_wait3A_1445 = arith.constant 0 : i32
      %dma_wait3A_1446 = tpu.memref_slice %arg9[%run_scoped3A_8, %dma_wait3A_1444, %dma_wait3A_1445] : memref<12x2x128xi32, #tpu.memory_space<vmem>> -> memref<1x2x128xi32, #tpu.memory_space<vmem>>
      %dma_wait3A_1447 = tpu.memref_squeeze %dma_wait3A_1446 : memref<1x2x128xi32, #tpu.memory_space<vmem>> -> memref<2x128xi32, #tpu.memory_space<vmem>>
      %dma_wait3A_1448 = arith.constant 0 : i32
      %dma_wait3A_1449 = tpu.memref_slice %arg6[%run_scoped3A_7, %add3A_5, %dma_wait3A_1448] : memref<12x128x128xi32, #tpu.memory_space<hbm>> -> memref<1x2x128xi32, #tpu.memory_space<hbm>>
      %dma_wait3A_1450 = tpu.memref_squeeze %dma_wait3A_1449 : memref<1x2x128xi32, #tpu.memory_space<hbm>> -> memref<2x128xi32, #tpu.memory_space<hbm>>
      %dma_wait3A_1451 = arith.constant 0 : i32
      %dma_wait3A_1452 = arith.constant 0 : i32
      %dma_wait3A_1453 = tpu.memref_slice %arg9[%run_scoped3A_8, %dma_wait3A_1451, %dma_wait3A_1452] : memref<12x2x128xi32, #tpu.memory_space<vmem>> -> memref<1x2x128xi32, #tpu.memory_space<vmem>>
      %dma_wait3A_1454 = tpu.memref_squeeze %dma_wait3A_1453 : memref<1x2x128xi32, #tpu.memory_space<vmem>> -> memref<2x128xi32, #tpu.memory_space<vmem>>
      %dma_wait3A_1455 = arith.constant 0 : i32
      %dma_wait3A_1456 = tpu.memref_slice %arg6[%run_scoped3A_7, %add3A_5, %dma_wait3A_1455] : memref<12x128x128xi32, #tpu.memory_space<hbm>> -> memref<1x2x128xi32, #tpu.memory_space<hbm>>
      %dma_wait3A_1457 = tpu.memref_squeeze %dma_wait3A_1456 : memref<1x2x128xi32, #tpu.memory_space<hbm>> -> memref<2x128xi32, #tpu.memory_space<hbm>>
      tpu.wait_dma2 semaphore(%run_scoped3A_1429 : memref<!tpu.dma_semaphore, #tpu.memory_space<semaphore_mem>>) src(%dma_wait3A_1457 : memref<2x128xi32, #tpu.memory_space<hbm>>) dst(%dma_wait3A_1454 : memref<2x128xi32, #tpu.memory_space<vmem>>)
      tpu.yield
    }) : () -> ()
    %run_scoped3A_9 = arith.constant 2 : i32
    %run_scoped3A_10 = arith.constant 2 : i32
    "tpu.region"() ({
      %run_scoped3A_1429 = tpu.sem_alloc : memref<!tpu.dma_semaphore, #tpu.memory_space<semaphore_mem>>
      %dma_start3A_1430 = arith.constant 0 : i32
      %dma_start3A_1431 = arith.constant 0 : i32
      %dma_start3A_1432 = tpu.memref_slice %arg9[%run_scoped3A_10, %dma_start3A_1430, %dma_start3A_1431] : memref<12x2x128xi32, #tpu.memory_space<vmem>> -> memref<1x2x128xi32, #tpu.memory_space<vmem>>
      %dma_start3A_1433 = tpu.memref_squeeze %dma_start3A_1432 : memref<1x2x128xi32, #tpu.memory_space<vmem>> -> memref<2x128xi32, #tpu.memory_space<vmem>>
      %dma_start3A_1434 = arith.constant 0 : i32
      %dma_start3A_1435 = tpu.memref_slice %arg6[%run_scoped3A_9, %add3A_5, %dma_start3A_1434] : memref<12x128x128xi32, #tpu.memory_space<hbm>> -> memref<1x2x128xi32, #tpu.memory_space<hbm>>
      %dma_start3A_1436 = tpu.memref_squeeze %dma_start3A_1435 : memref<1x2x128xi32, #tpu.memory_space<hbm>> -> memref<2x128xi32, #tpu.memory_space<hbm>>
      %dma_start3A_1437 = arith.constant 0 : i32
      %dma_start3A_1438 = arith.constant 0 : i32
      %dma_start3A_1439 = tpu.memref_slice %arg9[%run_scoped3A_10, %dma_start3A_1437, %dma_start3A_1438] : memref<12x2x128xi32, #tpu.memory_space<vmem>> -> memref<1x2x128xi32, #tpu.memory_space<vmem>>
      %dma_start3A_1440 = tpu.memref_squeeze %dma_start3A_1439 : memref<1x2x128xi32, #tpu.memory_space<vmem>> -> memref<2x128xi32, #tpu.memory_space<vmem>>
      %dma_start3A_1441 = arith.constant 0 : i32
      %dma_start3A_1442 = tpu.memref_slice %arg6[%run_scoped3A_9, %add3A_5, %dma_start3A_1441] : memref<12x128x128xi32, #tpu.memory_space<hbm>> -> memref<1x2x128xi32, #tpu.memory_space<hbm>>
      %dma_start3A_1443 = tpu.memref_squeeze %dma_start3A_1442 : memref<1x2x128xi32, #tpu.memory_space<hbm>> -> memref<2x128xi32, #tpu.memory_space<hbm>>
      tpu.enqueue_dma source(%dma_start3A_1443 : memref<2x128xi32, #tpu.memory_space<hbm>>) target(%dma_start3A_1440 : memref<2x128xi32, #tpu.memory_space<vmem>>) target_semaphore(%run_scoped3A_1429 : memref<!tpu.dma_semaphore, #tpu.memory_space<semaphore_mem>>)
      %dma_wait3A_1444 = arith.constant 0 : i32
      %dma_wait3A_1445 = arith.constant 0 : i32
      %dma_wait3A_1446 = tpu.memref_slice %arg9[%run_scoped3A_10, %dma_wait3A_1444, %dma_wait3A_1445] : memref<12x2x128xi32, #tpu.memory_space<vmem>> -> memref<1x2x128xi32, #tpu.memory_space<vmem>>
      %dma_wait3A_1447 = tpu.memref_squeeze %dma_wait3A_1446 : memref<1x2x128xi32, #tpu.memory_space<vmem>> -> memref<2x128xi32, #tpu.memory_space<vmem>>
      %dma_wait3A_1448 = arith.constant 0 : i32
      %dma_wait3A_1449 = tpu.memref_slice %arg6[%run_scoped3A_9, %add3A_5, %dma_wait3A_1448] : memref<12x128x128xi32, #tpu.memory_space<hbm>> -> memref<1x2x128xi32, #tpu.memory_space<hbm>>
      %dma_wait3A_1450 = tpu.memref_squeeze %dma_wait3A_1449 : memref<1x2x128xi32, #tpu.memory_space<hbm>> -> memref<2x128xi32, #tpu.memory_space<hbm>>
      %dma_wait3A_1451 = arith.constant 0 : i32
      %dma_wait3A_1452 = arith.constant 0 : i32
      %dma_wait3A_1453 = tpu.memref_slice %arg9[%run_scoped3A_10, %dma_wait3A_1451, %dma_wait3A_1452] : memref<12x2x128xi32, #tpu.memory_space<vmem>> -> memref<1x2x128xi32, #tpu.memory_space<vmem>>
      %dma_wait3A_1454 = tpu.memref_squeeze %dma_wait3A_1453 : memref<1x2x128xi32, #tpu.memory_space<vmem>> -> memref<2x128xi32, #tpu.memory_space<vmem>>
      %dma_wait3A_1455 = arith.constant 0 : i32
      %dma_wait3A_1456 = tpu.memref_slice %arg6[%run_scoped3A_9, %add3A_5, %dma_wait3A_1455] : memref<12x128x128xi32, #tpu.memory_space<hbm>> -> memref<1x2x128xi32, #tpu.memory_space<hbm>>
      %dma_wait3A_1457 = tpu.memref_squeeze %dma_wait3A_1456 : memref<1x2x128xi32, #tpu.memory_space<hbm>> -> memref<2x128xi32, #tpu.memory_space<hbm>>
      tpu.wait_dma2 semaphore(%run_scoped3A_1429 : memref<!tpu.dma_semaphore, #tpu.memory_space<semaphore_mem>>) src(%dma_wait3A_1457 : memref<2x128xi32, #tpu.memory_space<hbm>>) dst(%dma_wait3A_1454 : memref<2x128xi32, #tpu.memory_space<vmem>>)
      tpu.yield
    }) : () -> ()
    %run_scoped3A_11 = arith.constant 3 : i32
    %run_scoped3A_12 = arith.constant 3 : i32
    "tpu.region"() ({
      %run_scoped3A_1429 = tpu.sem_alloc : memref<!tpu.dma_semaphore, #tpu.memory_space<semaphore_mem>>
      %dma_start3A_1430 = arith.constant 0 : i32
      %dma_start3A_1431 = arith.constant 0 : i32
      %dma_start3A_1432 = tpu.memref_slice %arg9[%run_scoped3A_12, %dma_start3A_1430, %dma_start3A_1431] : memref<12x2x128xi32, #tpu.memory_space<vmem>> -> memref<1x2x128xi32, #tpu.memory_space<vmem>>
      %dma_start3A_1433 = tpu.memref_squeeze %dma_start3A_1432 : memref<1x2x128xi32, #tpu.memory_space<vmem>> -> memref<2x128xi32, #tpu.memory_space<vmem>>
      %dma_start3A_1434 = arith.constant 0 : i32
      %dma_start3A_1435 = tpu.memref_slice %arg6[%run_scoped3A_11, %add3A_5, %dma_start3A_1434] : memref<12x128x128xi32, #tpu.memory_space<hbm>> -> memref<1x2x128xi32, #tpu.memory_space<hbm>>
      %dma_start3A_1436 = tpu.memref_squeeze %dma_start3A_1435 : memref<1x2x128xi32, #tpu.memory_space<hbm>> -> memref<2x128xi32, #tpu.memory_space<hbm>>
      %dma_start3A_1437 = arith.constant 0 : i32
      %dma_start3A_1438 = arith.constant 0 : i32
      %dma_start3A_1439 = tpu.memref_slice %arg9[%run_scoped3A_12, %dma_start3A_1437, %dma_start3A_1438] : memref<12x2x128xi32, #tpu.memory_space<vmem>> -> memref<1x2x128xi32, #tpu.memory_space<vmem>>
      %dma_start3A_1440 = tpu.memref_squeeze %dma_start3A_1439 : memref<1x2x128xi32, #tpu.memory_space<vmem>> -> memref<2x128xi32, #tpu.memory_space<vmem>>
      %dma_start3A_1441 = arith.constant 0 : i32
      %dma_start3A_1442 = tpu.memref_slice %arg6[%run_scoped3A_11, %add3A_5, %dma_start3A_1441] : memref<12x128x128xi32, #tpu.memory_space<hbm>> -> memref<1x2x128xi32, #tpu.memory_space<hbm>>
      %dma_start3A_1443 = tpu.memref_squeeze %dma_start3A_1442 : memref<1x2x128xi32, #tpu.memory_space<hbm>> -> memref<2x128xi32, #tpu.memory_space<hbm>>
      tpu.enqueue_dma source(%dma_start3A_1443 : memref<2x128xi32, #tpu.memory_space<hbm>>) target(%dma_start3A_1440 : memref<2x128xi32, #tpu.memory_space<vmem>>) target_semaphore(%run_scoped3A_1429 : memref<!tpu.dma_semaphore, #tpu.memory_space<semaphore_mem>>)
      %dma_wait3A_1444 = arith.constant 0 : i32
      %dma_wait3A_1445 = arith.constant 0 : i32
      %dma_wait3A_1446 = tpu.memref_slice %arg9[%run_scoped3A_12, %dma_wait3A_1444, %dma_wait3A_1445] : memref<12x2x128xi32, #tpu.memory_space<vmem>> -> memref<1x2x128xi32, #tpu.memory_space<vmem>>
      %dma_wait3A_1447 = tpu.memref_squeeze %dma_wait3A_1446 : memref<1x2x128xi32, #tpu.memory_space<vmem>> -> memref<2x128xi32, #tpu.memory_space<vmem>>
      %dma_wait3A_1448 = arith.constant 0 : i32
      %dma_wait3A_1449 = tpu.memref_slice %arg6[%run_scoped3A_11, %add3A_5, %dma_wait3A_1448] : memref<12x128x128xi32, #tpu.memory_space<hbm>> -> memref<1x2x128xi32, #tpu.memory_space<hbm>>
      %dma_wait3A_1450 = tpu.memref_squeeze %dma_wait3A_1449 : memref<1x2x128xi32, #tpu.memory_space<hbm>> -> memref<2x128xi32, #tpu.memory_space<hbm>>
      %dma_wait3A_1451 = arith.constant 0 : i32
      %dma_wait3A_1452 = arith.constant 0 : i32
      %dma_wait3A_1453 = tpu.memref_slice %arg9[%run_scoped3A_12, %dma_wait3A_1451, %dma_wait3A_1452] : memref<12x2x128xi32, #tpu.memory_space<vmem>> -> memref<1x2x128xi32, #tpu.memory_space<vmem>>
      %dma_wait3A_1454 = tpu.memref_squeeze %dma_wait3A_1453 : memref<1x2x128xi32, #tpu.memory_space<vmem>> -> memref<2x128xi32, #tpu.memory_space<vmem>>
      %dma_wait3A_1455 = arith.constant 0 : i32
      %dma_wait3A_1456 = tpu.memref_slice %arg6[%run_scoped3A_11, %add3A_5, %dma_wait3A_1455] : memref<12x128x128xi32, #tpu.memory_space<hbm>> -> memref<1x2x128xi32, #tpu.memory_space<hbm>>
      %dma_wait3A_1457 = tpu.memref_squeeze %dma_wait3A_1456 : memref<1x2x128xi32, #tpu.memory_space<hbm>> -> memref<2x128xi32, #tpu.memory_space<hbm>>
      tpu.wait_dma2 semaphore(%run_scoped3A_1429 : memref<!tpu.dma_semaphore, #tpu.memory_space<semaphore_mem>>) src(%dma_wait3A_1457 : memref<2x128xi32, #tpu.memory_space<hbm>>) dst(%dma_wait3A_1454 : memref<2x128xi32, #tpu.memory_space<vmem>>)
      tpu.yield
    }) : () -> ()
    %run_scoped3A_13 = arith.constant 4 : i32
    %run_scoped3A_14 = arith.constant 4 : i32
    "tpu.region"() ({
      %run_scoped3A_1429 = tpu.sem_alloc : memref<!tpu.dma_semaphore, #tpu.memory_space<semaphore_mem>>
      %dma_start3A_1430 = arith.constant 0 : i32
      %dma_start3A_1431 = arith.constant 0 : i32
      %dma_start3A_1432 = tpu.memref_slice %arg9[%run_scoped3A_14, %dma_start3A_1430, %dma_start3A_1431] : memref<12x2x128xi32, #tpu.memory_space<vmem>> -> memref<1x2x128xi32, #tpu.memory_space<vmem>>
      %dma_start3A_1433 = tpu.memref_squeeze %dma_start3A_1432 : memref<1x2x128xi32, #tpu.memory_space<vmem>> -> memref<2x128xi32, #tpu.memory_space<vmem>>
      %dma_start3A_1434 = arith.constant 0 : i32
      %dma_start3A_1435 = tpu.memref_slice %arg6[%run_scoped3A_13, %add3A_5, %dma_start3A_1434] : memref<12x128x128xi32, #tpu.memory_space<hbm>> -> memref<1x2x128xi32, #tpu.memory_space<hbm>>
      %dma_start3A_1436 = tpu.memref_squeeze %dma_start3A_1435 : memref<1x2x128xi32, #tpu.memory_space<hbm>> -> memref<2x128xi32, #tpu.memory_space<hbm>>
      %dma_start3A_1437 = arith.constant 0 : i32
      %dma_start3A_1438 = arith.constant 0 : i32
      %dma_start3A_1439 = tpu.memref_slice %arg9[%run_scoped3A_14, %dma_start3A_1437, %dma_start3A_1438] : memref<12x2x128xi32, #tpu.memory_space<vmem>> -> memref<1x2x128xi32, #tpu.memory_space<vmem>>
      %dma_start3A_1440 = tpu.memref_squeeze %dma_start3A_1439 : memref<1x2x128xi32, #tpu.memory_space<vmem>> -> memref<2x128xi32, #tpu.memory_space<vmem>>
      %dma_start3A_1441 = arith.constant 0 : i32
      %dma_start3A_1442 = tpu.memref_slice %arg6[%run_scoped3A_13, %add3A_5, %dma_start3A_1441] : memref<12x128x128xi32, #tpu.memory_space<hbm>> -> memref<1x2x128xi32, #tpu.memory_space<hbm>>
      %dma_start3A_1443 = tpu.memref_squeeze %dma_start3A_1442 : memref<1x2x128xi32, #tpu.memory_space<hbm>> -> memref<2x128xi32, #tpu.memory_space<hbm>>
      tpu.enqueue_dma source(%dma_start3A_1443 : memref<2x128xi32, #tpu.memory_space<hbm>>) target(%dma_start3A_1440 : memref<2x128xi32, #tpu.memory_space<vmem>>) target_semaphore(%run_scoped3A_1429 : memref<!tpu.dma_semaphore, #tpu.memory_space<semaphore_mem>>)
      %dma_wait3A_1444 = arith.constant 0 : i32
      %dma_wait3A_1445 = arith.constant 0 : i32
      %dma_wait3A_1446 = tpu.memref_slice %arg9[%run_scoped3A_14, %dma_wait3A_1444, %dma_wait3A_1445] : memref<12x2x128xi32, #tpu.memory_space<vmem>> -> memref<1x2x128xi32, #tpu.memory_space<vmem>>
      %dma_wait3A_1447 = tpu.memref_squeeze %dma_wait3A_1446 : memref<1x2x128xi32, #tpu.memory_space<vmem>> -> memref<2x128xi32, #tpu.memory_space<vmem>>
      %dma_wait3A_1448 = arith.constant 0 : i32
      %dma_wait3A_1449 = tpu.memref_slice %arg6[%run_scoped3A_13, %add3A_5, %dma_wait3A_1448] : memref<12x128x128xi32, #tpu.memory_space<hbm>> -> memref<1x2x128xi32, #tpu.memory_space<hbm>>
      %dma_wait3A_1450 = tpu.memref_squeeze %dma_wait3A_1449 : memref<1x2x128xi32, #tpu.memory_space<hbm>> -> memref<2x128xi32, #tpu.memory_space<hbm>>
      %dma_wait3A_1451 = arith.constant 0 : i32
      %dma_wait3A_1452 = arith.constant 0 : i32
      %dma_wait3A_1453 = tpu.memref_slice %arg9[%run_scoped3A_14, %dma_wait3A_1451, %dma_wait3A_1452] : memref<12x2x128xi32, #tpu.memory_space<vmem>> -> memref<1x2x128xi32, #tpu.memory_space<vmem>>
      %dma_wait3A_1454 = tpu.memref_squeeze %dma_wait3A_1453 : memref<1x2x128xi32, #tpu.memory_space<vmem>> -> memref<2x128xi32, #tpu.memory_space<vmem>>
      %dma_wait3A_1455 = arith.constant 0 : i32
      %dma_wait3A_1456 = tpu.memref_slice %arg6[%run_scoped3A_13, %add3A_5, %dma_wait3A_1455] : memref<12x128x128xi32, #tpu.memory_space<hbm>> -> memref<1x2x128xi32, #tpu.memory_space<hbm>>
      %dma_wait3A_1457 = tpu.memref_squeeze %dma_wait3A_1456 : memref<1x2x128xi32, #tpu.memory_space<hbm>> -> memref<2x128xi32, #tpu.memory_space<hbm>>
      tpu.wait_dma2 semaphore(%run_scoped3A_1429 : memref<!tpu.dma_semaphore, #tpu.memory_space<semaphore_mem>>) src(%dma_wait3A_1457 : memref<2x128xi32, #tpu.memory_space<hbm>>) dst(%dma_wait3A_1454 : memref<2x128xi32, #tpu.memory_space<vmem>>)
      tpu.yield
    }) : () -> ()
    %run_scoped3A_15 = arith.constant 5 : i32
    %run_scoped3A_16 = arith.constant 5 : i32
    "tpu.region"() ({
      %run_scoped3A_1429 = tpu.sem_alloc : memref<!tpu.dma_semaphore, #tpu.memory_space<semaphore_mem>>
      %dma_start3A_1430 = arith.constant 0 : i32
      %dma_start3A_1431 = arith.constant 0 : i32
      %dma_start3A_1432 = tpu.memref_slice %arg9[%run_scoped3A_16, %dma_start3A_1430, %dma_start3A_1431] : memref<12x2x128xi32, #tpu.memory_space<vmem>> -> memref<1x2x128xi32, #tpu.memory_space<vmem>>
      %dma_start3A_1433 = tpu.memref_squeeze %dma_start3A_1432 : memref<1x2x128xi32, #tpu.memory_space<vmem>> -> memref<2x128xi32, #tpu.memory_space<vmem>>
      %dma_start3A_1434 = arith.constant 0 : i32
      %dma_start3A_1435 = tpu.memref_slice %arg6[%run_scoped3A_15, %add3A_5, %dma_start3A_1434] : memref<12x128x128xi32, #tpu.memory_space<hbm>> -> memref<1x2x128xi32, #tpu.memory_space<hbm>>
      %dma_start3A_1436 = tpu.memref_squeeze %dma_start3A_1435 : memref<1x2x128xi32, #tpu.memory_space<hbm>> -> memref<2x128xi32, #tpu.memory_space<hbm>>
      %dma_start3A_1437 = arith.constant 0 : i32
      %dma_start3A_1438 = arith.constant 0 : i32
      %dma_start3A_1439 = tpu.memref_slice %arg9[%run_scoped3A_16, %dma_start3A_1437, %dma_start3A_1438] : memref<12x2x128xi32, #tpu.memory_space<vmem>> -> memref<1x2x128xi32, #tpu.memory_space<vmem>>
      %dma_start3A_1440 = tpu.memref_squeeze %dma_start3A_1439 : memref<1x2x128xi32, #tpu.memory_space<vmem>> -> memref<2x128xi32, #tpu.memory_space<vmem>>
      %dma_start3A_1441 = arith.constant 0 : i32
      %dma_start3A_1442 = tpu.memref_slice %arg6[%run_scoped3A_15, %add3A_5, %dma_start3A_1441] : memref<12x128x128xi32, #tpu.memory_space<hbm>> -> memref<1x2x128xi32, #tpu.memory_space<hbm>>
      %dma_start3A_1443 = tpu.memref_squeeze %dma_start3A_1442 : memref<1x2x128xi32, #tpu.memory_space<hbm>> -> memref<2x128xi32, #tpu.memory_space<hbm>>
      tpu.enqueue_dma source(%dma_start3A_1443 : memref<2x128xi32, #tpu.memory_space<hbm>>) target(%dma_start3A_1440 : memref<2x128xi32, #tpu.memory_space<vmem>>) target_semaphore(%run_scoped3A_1429 : memref<!tpu.dma_semaphore, #tpu.memory_space<semaphore_mem>>)
      %dma_wait3A_1444 = arith.constant 0 : i32
      %dma_wait3A_1445 = arith.constant 0 : i32
      %dma_wait3A_1446 = tpu.memref_slice %arg9[%run_scoped3A_16, %dma_wait3A_1444, %dma_wait3A_1445] : memref<12x2x128xi32, #tpu.memory_space<vmem>> -> memref<1x2x128xi32, #tpu.memory_space<vmem>>
      %dma_wait3A_1447 = tpu.memref_squeeze %dma_wait3A_1446 : memref<1x2x128xi32, #tpu.memory_space<vmem>> -> memref<2x128xi32, #tpu.memory_space<vmem>>
      %dma_wait3A_1448 = arith.constant 0 : i32
      %dma_wait3A_1449 = tpu.memref_slice %arg6[%run_scoped3A_15, %add3A_5, %dma_wait3A_1448] : memref<12x128x128xi32, #tpu.memory_space<hbm>> -> memref<1x2x128xi32, #tpu.memory_space<hbm>>
      %dma_wait3A_1450 = tpu.memref_squeeze %dma_wait3A_1449 : memref<1x2x128xi32, #tpu.memory_space<hbm>> -> memref<2x128xi32, #tpu.memory_space<hbm>>
      %dma_wait3A_1451 = arith.constant 0 : i32
      %dma_wait3A_1452 = arith.constant 0 : i32
      %dma_wait3A_1453 = tpu.memref_slice %arg9[%run_scoped3A_16, %dma_wait3A_1451, %dma_wait3A_1452] : memref<12x2x128xi32, #tpu.memory_space<vmem>> -> memref<1x2x128xi32, #tpu.memory_space<vmem>>
      %dma_wait3A_1454 = tpu.memref_squeeze %dma_wait3A_1453 : memref<1x2x128xi32, #tpu.memory_space<vmem>> -> memref<2x128xi32, #tpu.memory_space<vmem>>
      %dma_wait3A_1455 = arith.constant 0 : i32
      %dma_wait3A_1456 = tpu.memref_slice %arg6[%run_scoped3A_15, %add3A_5, %dma_wait3A_1455] : memref<12x128x128xi32, #tpu.memory_space<hbm>> -> memref<1x2x128xi32, #tpu.memory_space<hbm>>
      %dma_wait3A_1457 = tpu.memref_squeeze %dma_wait3A_1456 : memref<1x2x128xi32, #tpu.memory_space<hbm>> -> memref<2x128xi32, #tpu.memory_space<hbm>>
      tpu.wait_dma2 semaphore(%run_scoped3A_1429 : memref<!tpu.dma_semaphore, #tpu.memory_space<semaphore_mem>>) src(%dma_wait3A_1457 : memref<2x128xi32, #tpu.memory_space<hbm>>) dst(%dma_wait3A_1454 : memref<2x128xi32, #tpu.memory_space<vmem>>)
      tpu.yield
    }) : () -> ()
    %run_scoped3A_17 = arith.constant 6 : i32
    %run_scoped3A_18 = arith.constant 6 : i32
    "tpu.region"() ({
      %run_scoped3A_1429 = tpu.sem_alloc : memref<!tpu.dma_semaphore, #tpu.memory_space<semaphore_mem>>
      %dma_start3A_1430 = arith.constant 0 : i32
      %dma_start3A_1431 = arith.constant 0 : i32
      %dma_start3A_1432 = tpu.memref_slice %arg9[%run_scoped3A_18, %dma_start3A_1430, %dma_start3A_1431] : memref<12x2x128xi32, #tpu.memory_space<vmem>> -> memref<1x2x128xi32, #tpu.memory_space<vmem>>
      %dma_start3A_1433 = tpu.memref_squeeze %dma_start3A_1432 : memref<1x2x128xi32, #tpu.memory_space<vmem>> -> memref<2x128xi32, #tpu.memory_space<vmem>>
      %dma_start3A_1434 = arith.constant 0 : i32
      %dma_start3A_1435 = tpu.memref_slice %arg6[%run_scoped3A_17, %add3A_5, %dma_start3A_1434] : memref<12x128x128xi32, #tpu.memory_space<hbm>> -> memref<1x2x128xi32, #tpu.memory_space<hbm>>
      %dma_start3A_1436 = tpu.memref_squeeze %dma_start3A_1435 : memref<1x2x128xi32, #tpu.memory_space<hbm>> -> memref<2x128xi32, #tpu.memory_space<hbm>>
      %dma_start3A_1437 = arith.constant 0 : i32
      %dma_start3A_1438 = arith.constant 0 : i32
      %dma_start3A_1439 = tpu.memref_slice %arg9[%run_scoped3A_18, %dma_start3A_1437, %dma_start3A_1438] : memref<12x2x128xi32, #tpu.memory_space<vmem>> -> memref<1x2x128xi32, #tpu.memory_space<vmem>>
      %dma_start3A_1440 = tpu.memref_squeeze %dma_start3A_1439 : memref<1x2x128xi32, #tpu.memory_space<vmem>> -> memref<2x128xi32, #tpu.memory_space<vmem>>
      %dma_start3A_1441 = arith.constant 0 : i32
      %dma_start3A_1442 = tpu.memref_slice %arg6[%run_scoped3A_17, %add3A_5, %dma_start3A_1441] : memref<12x128x128xi32, #tpu.memory_space<hbm>> -> memref<1x2x128xi32, #tpu.memory_space<hbm>>
      %dma_start3A_1443 = tpu.memref_squeeze %dma_start3A_1442 : memref<1x2x128xi32, #tpu.memory_space<hbm>> -> memref<2x128xi32, #tpu.memory_space<hbm>>
      tpu.enqueue_dma source(%dma_start3A_1443 : memref<2x128xi32, #tpu.memory_space<hbm>>) target(%dma_start3A_1440 : memref<2x128xi32, #tpu.memory_space<vmem>>) target_semaphore(%run_scoped3A_1429 : memref<!tpu.dma_semaphore, #tpu.memory_space<semaphore_mem>>)
      %dma_wait3A_1444 = arith.constant 0 : i32
      %dma_wait3A_1445 = arith.constant 0 : i32
      %dma_wait3A_1446 = tpu.memref_slice %arg9[%run_scoped3A_18, %dma_wait3A_1444, %dma_wait3A_1445] : memref<12x2x128xi32, #tpu.memory_space<vmem>> -> memref<1x2x128xi32, #tpu.memory_space<vmem>>
      %dma_wait3A_1447 = tpu.memref_squeeze %dma_wait3A_1446 : memref<1x2x128xi32, #tpu.memory_space<vmem>> -> memref<2x128xi32, #tpu.memory_space<vmem>>
      %dma_wait3A_1448 = arith.constant 0 : i32
      %dma_wait3A_1449 = tpu.memref_slice %arg6[%run_scoped3A_17, %add3A_5, %dma_wait3A_1448] : memref<12x128x128xi32, #tpu.memory_space<hbm>> -> memref<1x2x128xi32, #tpu.memory_space<hbm>>
      %dma_wait3A_1450 = tpu.memref_squeeze %dma_wait3A_1449 : memref<1x2x128xi32, #tpu.memory_space<hbm>> -> memref<2x128xi32, #tpu.memory_space<hbm>>
      %dma_wait3A_1451 = arith.constant 0 : i32
      %dma_wait3A_1452 = arith.constant 0 : i32
      %dma_wait3A_1453 = tpu.memref_slice %arg9[%run_scoped3A_18, %dma_wait3A_1451, %dma_wait3A_1452] : memref<12x2x128xi32, #tpu.memory_space<vmem>> -> memref<1x2x128xi32, #tpu.memory_space<vmem>>
      %dma_wait3A_1454 = tpu.memref_squeeze %dma_wait3A_1453 : memref<1x2x128xi32, #tpu.memory_space<vmem>> -> memref<2x128xi32, #tpu.memory_space<vmem>>
      %dma_wait3A_1455 = arith.constant 0 : i32
      %dma_wait3A_1456 = tpu.memref_slice %arg6[%run_scoped3A_17, %add3A_5, %dma_wait3A_1455] : memref<12x128x128xi32, #tpu.memory_space<hbm>> -> memref<1x2x128xi32, #tpu.memory_space<hbm>>
      %dma_wait3A_1457 = tpu.memref_squeeze %dma_wait3A_1456 : memref<1x2x128xi32, #tpu.memory_space<hbm>> -> memref<2x128xi32, #tpu.memory_space<hbm>>
      tpu.wait_dma2 semaphore(%run_scoped3A_1429 : memref<!tpu.dma_semaphore, #tpu.memory_space<semaphore_mem>>) src(%dma_wait3A_1457 : memref<2x128xi32, #tpu.memory_space<hbm>>) dst(%dma_wait3A_1454 : memref<2x128xi32, #tpu.memory_space<vmem>>)
      tpu.yield
    }) : () -> ()
    %run_scoped3A_19 = arith.constant 7 : i32
    %run_scoped3A_20 = arith.constant 7 : i32
    "tpu.region"() ({
      %run_scoped3A_1429 = tpu.sem_alloc : memref<!tpu.dma_semaphore, #tpu.memory_space<semaphore_mem>>
      %dma_start3A_1430 = arith.constant 0 : i32
      %dma_start3A_1431 = arith.constant 0 : i32
      %dma_start3A_1432 = tpu.memref_slice %arg9[%run_scoped3A_20, %dma_start3A_1430, %dma_start3A_1431] : memref<12x2x128xi32, #tpu.memory_space<vmem>> -> memref<1x2x128xi32, #tpu.memory_space<vmem>>
      %dma_start3A_1433 = tpu.memref_squeeze %dma_start3A_1432 : memref<1x2x128xi32, #tpu.memory_space<vmem>> -> memref<2x128xi32, #tpu.memory_space<vmem>>
      %dma_start3A_1434 = arith.constant 0 : i32
      %dma_start3A_1435 = tpu.memref_slice %arg6[%run_scoped3A_19, %add3A_5, %dma_start3A_1434] : memref<12x128x128xi32, #tpu.memory_space<hbm>> -> memref<1x2x128xi32, #tpu.memory_space<hbm>>
      %dma_start3A_1436 = tpu.memref_squeeze %dma_start3A_1435 : memref<1x2x128xi32, #tpu.memory_space<hbm>> -> memref<2x128xi32, #tpu.memory_space<hbm>>
      %dma_start3A_1437 = arith.constant 0 : i32
      %dma_start3A_1438 = arith.constant 0 : i32
      %dma_start3A_1439 = tpu.memref_slice %arg9[%run_scoped3A_20, %dma_start3A_1437, %dma_start3A_1438] : memref<12x2x128xi32, #tpu.memory_space<vmem>> -> memref<1x2x128xi32, #tpu.memory_space<vmem>>
      %dma_start3A_1440 = tpu.memref_squeeze %dma_start3A_1439 : memref<1x2x128xi32, #tpu.memory_space<vmem>> -> memref<2x128xi32, #tpu.memory_space<vmem>>
      %dma_start3A_1441 = arith.constant 0 : i32
      %dma_start3A_1442 = tpu.memref_slice %arg6[%run_scoped3A_19, %add3A_5, %dma_start3A_1441] : memref<12x128x128xi32, #tpu.memory_space<hbm>> -> memref<1x2x128xi32, #tpu.memory_space<hbm>>
      %dma_start3A_1443 = tpu.memref_squeeze %dma_start3A_1442 : memref<1x2x128xi32, #tpu.memory_space<hbm>> -> memref<2x128xi32, #tpu.memory_space<hbm>>
      tpu.enqueue_dma source(%dma_start3A_1443 : memref<2x128xi32, #tpu.memory_space<hbm>>) target(%dma_start3A_1440 : memref<2x128xi32, #tpu.memory_space<vmem>>) target_semaphore(%run_scoped3A_1429 : memref<!tpu.dma_semaphore, #tpu.memory_space<semaphore_mem>>)
      %dma_wait3A_1444 = arith.constant 0 : i32
      %dma_wait3A_1445 = arith.constant 0 : i32
      %dma_wait3A_1446 = tpu.memref_slice %arg9[%run_scoped3A_20, %dma_wait3A_1444, %dma_wait3A_1445] : memref<12x2x128xi32, #tpu.memory_space<vmem>> -> memref<1x2x128xi32, #tpu.memory_space<vmem>>
      %dma_wait3A_1447 = tpu.memref_squeeze %dma_wait3A_1446 : memref<1x2x128xi32, #tpu.memory_space<vmem>> -> memref<2x128xi32, #tpu.memory_space<vmem>>
      %dma_wait3A_1448 = arith.constant 0 : i32
      %dma_wait3A_1449 = tpu.memref_slice %arg6[%run_scoped3A_19, %add3A_5, %dma_wait3A_1448] : memref<12x128x128xi32, #tpu.memory_space<hbm>> -> memref<1x2x128xi32, #tpu.memory_space<hbm>>
      %dma_wait3A_1450 = tpu.memref_squeeze %dma_wait3A_1449 : memref<1x2x128xi32, #tpu.memory_space<hbm>> -> memref<2x128xi32, #tpu.memory_space<hbm>>
      %dma_wait3A_1451 = arith.constant 0 : i32
      %dma_wait3A_1452 = arith.constant 0 : i32
      %dma_wait3A_1453 = tpu.memref_slice %arg9[%run_scoped3A_20, %dma_wait3A_1451, %dma_wait3A_1452] : memref<12x2x128xi32, #tpu.memory_space<vmem>> -> memref<1x2x128xi32, #tpu.memory_space<vmem>>
      %dma_wait3A_1454 = tpu.memref_squeeze %dma_wait3A_1453 : memref<1x2x128xi32, #tpu.memory_space<vmem>> -> memref<2x128xi32, #tpu.memory_space<vmem>>
      %dma_wait3A_1455 = arith.constant 0 : i32
      %dma_wait3A_1456 = tpu.memref_slice %arg6[%run_scoped3A_19, %add3A_5, %dma_wait3A_1455] : memref<12x128x128xi32, #tpu.memory_space<hbm>> -> memref<1x2x128xi32, #tpu.memory_space<hbm>>
      %dma_wait3A_1457 = tpu.memref_squeeze %dma_wait3A_1456 : memref<1x2x128xi32, #tpu.memory_space<hbm>> -> memref<2x128xi32, #tpu.memory_space<hbm>>
      tpu.wait_dma2 semaphore(%run_scoped3A_1429 : memref<!tpu.dma_semaphore, #tpu.memory_space<semaphore_mem>>) src(%dma_wait3A_1457 : memref<2x128xi32, #tpu.memory_space<hbm>>) dst(%dma_wait3A_1454 : memref<2x128xi32, #tpu.memory_space<vmem>>)
      tpu.yield
    }) : () -> ()
    %run_scoped3A_21 = arith.constant 8 : i32
    %run_scoped3A_22 = arith.constant 8 : i32
    "tpu.region"() ({
      %run_scoped3A_1429 = tpu.sem_alloc : memref<!tpu.dma_semaphore, #tpu.memory_space<semaphore_mem>>
      %dma_start3A_1430 = arith.constant 0 : i32
      %dma_start3A_1431 = arith.constant 0 : i32
      %dma_start3A_1432 = tpu.memref_slice %arg9[%run_scoped3A_22, %dma_start3A_1430, %dma_start3A_1431] : memref<12x2x128xi32, #tpu.memory_space<vmem>> -> memref<1x2x128xi32, #tpu.memory_space<vmem>>
      %dma_start3A_1433 = tpu.memref_squeeze %dma_start3A_1432 : memref<1x2x128xi32, #tpu.memory_space<vmem>> -> memref<2x128xi32, #tpu.memory_space<vmem>>
      %dma_start3A_1434 = arith.constant 0 : i32
      %dma_start3A_1435 = tpu.memref_slice %arg6[%run_scoped3A_21, %add3A_5, %dma_start3A_1434] : memref<12x128x128xi32, #tpu.memory_space<hbm>> -> memref<1x2x128xi32, #tpu.memory_space<hbm>>
      %dma_start3A_1436 = tpu.memref_squeeze %dma_start3A_1435 : memref<1x2x128xi32, #tpu.memory_space<hbm>> -> memref<2x128xi32, #tpu.memory_space<hbm>>
      %dma_start3A_1437 = arith.constant 0 : i32
      %dma_start3A_1438 = arith.constant 0 : i32
      %dma_start3A_1439 = tpu.memref_slice %arg9[%run_scoped3A_22, %dma_start3A_1437, %dma_start3A_1438] : memref<12x2x128xi32, #tpu.memory_space<vmem>> -> memref<1x2x128xi32, #tpu.memory_space<vmem>>
      %dma_start3A_1440 = tpu.memref_squeeze %dma_start3A_1439 : memref<1x2x128xi32, #tpu.memory_space<vmem>> -> memref<2x128xi32, #tpu.memory_space<vmem>>
      %dma_start3A_1441 = arith.constant 0 : i32
      %dma_start3A_1442 = tpu.memref_slice %arg6[%run_scoped3A_21, %add3A_5, %dma_start3A_1441] : memref<12x128x128xi32, #tpu.memory_space<hbm>> -> memref<1x2x128xi32, #tpu.memory_space<hbm>>
      %dma_start3A_1443 = tpu.memref_squeeze %dma_start3A_1442 : memref<1x2x128xi32, #tpu.memory_space<hbm>> -> memref<2x128xi32, #tpu.memory_space<hbm>>
      tpu.enqueue_dma source(%dma_start3A_1443 : memref<2x128xi32, #tpu.memory_space<hbm>>) target(%dma_start3A_1440 : memref<2x128xi32, #tpu.memory_space<vmem>>) target_semaphore(%run_scoped3A_1429 : memref<!tpu.dma_semaphore, #tpu.memory_space<semaphore_mem>>)
      %dma_wait3A_1444 = arith.constant 0 : i32
      %dma_wait3A_1445 = arith.constant 0 : i32
      %dma_wait3A_1446 = tpu.memref_slice %arg9[%run_scoped3A_22, %dma_wait3A_1444, %dma_wait3A_1445] : memref<12x2x128xi32, #tpu.memory_space<vmem>> -> memref<1x2x128xi32, #tpu.memory_space<vmem>>
      %dma_wait3A_1447 = tpu.memref_squeeze %dma_wait3A_1446 : memref<1x2x128xi32, #tpu.memory_space<vmem>> -> memref<2x128xi32, #tpu.memory_space<vmem>>
      %dma_wait3A_1448 = arith.constant 0 : i32
      %dma_wait3A_1449 = tpu.memref_slice %arg6[%run_scoped3A_21, %add3A_5, %dma_wait3A_1448] : memref<12x128x128xi32, #tpu.memory_space<hbm>> -> memref<1x2x128xi32, #tpu.memory_space<hbm>>
      %dma_wait3A_1450 = tpu.memref_squeeze %dma_wait3A_1449 : memref<1x2x128xi32, #tpu.memory_space<hbm>> -> memref<2x128xi32, #tpu.memory_space<hbm>>
      %dma_wait3A_1451 = arith.constant 0 : i32
      %dma_wait3A_1452 = arith.constant 0 : i32
      %dma_wait3A_1453 = tpu.memref_slice %arg9[%run_scoped3A_22, %dma_wait3A_1451, %dma_wait3A_1452] : memref<12x2x128xi32, #tpu.memory_space<vmem>> -> memref<1x2x128xi32, #tpu.memory_space<vmem>>
      %dma_wait3A_1454 = tpu.memref_squeeze %dma_wait3A_1453 : memref<1x2x128xi32, #tpu.memory_space<vmem>> -> memref<2x128xi32, #tpu.memory_space<vmem>>
      %dma_wait3A_1455 = arith.constant 0 : i32
      %dma_wait3A_1456 = tpu.memref_slice %arg6[%run_scoped3A_21, %add3A_5, %dma_wait3A_1455] : memref<12x128x128xi32, #tpu.memory_space<hbm>> -> memref<1x2x128xi32, #tpu.memory_space<hbm>>
      %dma_wait3A_1457 = tpu.memref_squeeze %dma_wait3A_1456 : memref<1x2x128xi32, #tpu.memory_space<hbm>> -> memref<2x128xi32, #tpu.memory_space<hbm>>
      tpu.wait_dma2 semaphore(%run_scoped3A_1429 : memref<!tpu.dma_semaphore, #tpu.memory_space<semaphore_mem>>) src(%dma_wait3A_1457 : memref<2x128xi32, #tpu.memory_space<hbm>>) dst(%dma_wait3A_1454 : memref<2x128xi32, #tpu.memory_space<vmem>>)
      tpu.yield
    }) : () -> ()
    %run_scoped3A_23 = arith.constant 9 : i32
    %run_scoped3A_24 = arith.constant 9 : i32
    "tpu.region"() ({
      %run_scoped3A_1429 = tpu.sem_alloc : memref<!tpu.dma_semaphore, #tpu.memory_space<semaphore_mem>>
      %dma_start3A_1430 = arith.constant 0 : i32
      %dma_start3A_1431 = arith.constant 0 : i32
      %dma_start3A_1432 = tpu.memref_slice %arg9[%run_scoped3A_24, %dma_start3A_1430, %dma_start3A_1431] : memref<12x2x128xi32, #tpu.memory_space<vmem>> -> memref<1x2x128xi32, #tpu.memory_space<vmem>>
      %dma_start3A_1433 = tpu.memref_squeeze %dma_start3A_1432 : memref<1x2x128xi32, #tpu.memory_space<vmem>> -> memref<2x128xi32, #tpu.memory_space<vmem>>
      %dma_start3A_1434 = arith.constant 0 : i32
      %dma_start3A_1435 = tpu.memref_slice %arg6[%run_scoped3A_23, %add3A_5, %dma_start3A_1434] : memref<12x128x128xi32, #tpu.memory_space<hbm>> -> memref<1x2x128xi32, #tpu.memory_space<hbm>>
      %dma_start3A_1436 = tpu.memref_squeeze %dma_start3A_1435 : memref<1x2x128xi32, #tpu.memory_space<hbm>> -> memref<2x128xi32, #tpu.memory_space<hbm>>
      %dma_start3A_1437 = arith.constant 0 : i32
      %dma_start3A_1438 = arith.constant 0 : i32
      %dma_start3A_1439 = tpu.memref_slice %arg9[%run_scoped3A_24, %dma_start3A_1437, %dma_start3A_1438] : memref<12x2x128xi32, #tpu.memory_space<vmem>> -> memref<1x2x128xi32, #tpu.memory_space<vmem>>
      %dma_start3A_1440 = tpu.memref_squeeze %dma_start3A_1439 : memref<1x2x128xi32, #tpu.memory_space<vmem>> -> memref<2x128xi32, #tpu.memory_space<vmem>>
      %dma_start3A_1441 = arith.constant 0 : i32
      %dma_start3A_1442 = tpu.memref_slice %arg6[%run_scoped3A_23, %add3A_5, %dma_start3A_1441] : memref<12x128x128xi32, #tpu.memory_space<hbm>> -> memref<1x2x128xi32, #tpu.memory_space<hbm>>
      %dma_start3A_1443 = tpu.memref_squeeze %dma_start3A_1442 : memref<1x2x128xi32, #tpu.memory_space<hbm>> -> memref<2x128xi32, #tpu.memory_space<hbm>>
      tpu.enqueue_dma source(%dma_start3A_1443 : memref<2x128xi32, #tpu.memory_space<hbm>>) target(%dma_start3A_1440 : memref<2x128xi32, #tpu.memory_space<vmem>>) target_semaphore(%run_scoped3A_1429 : memref<!tpu.dma_semaphore, #tpu.memory_space<semaphore_mem>>)
      %dma_wait3A_1444 = arith.constant 0 : i32
      %dma_wait3A_1445 = arith.constant 0 : i32
      %dma_wait3A_1446 = tpu.memref_slice %arg9[%run_scoped3A_24, %dma_wait3A_1444, %dma_wait3A_1445] : memref<12x2x128xi32, #tpu.memory_space<vmem>> -> memref<1x2x128xi32, #tpu.memory_space<vmem>>
      %dma_wait3A_1447 = tpu.memref_squeeze %dma_wait3A_1446 : memref<1x2x128xi32, #tpu.memory_space<vmem>> -> memref<2x128xi32, #tpu.memory_space<vmem>>
      %dma_wait3A_1448 = arith.constant 0 : i32
      %dma_wait3A_1449 = tpu.memref_slice %arg6[%run_scoped3A_23, %add3A_5, %dma_wait3A_1448] : memref<12x128x128xi32, #tpu.memory_space<hbm>> -> memref<1x2x128xi32, #tpu.memory_space<hbm>>
      %dma_wait3A_1450 = tpu.memref_squeeze %dma_wait3A_1449 : memref<1x2x128xi32, #tpu.memory_space<hbm>> -> memref<2x128xi32, #tpu.memory_space<hbm>>
      %dma_wait3A_1451 = arith.constant 0 : i32
      %dma_wait3A_1452 = arith.constant 0 : i32
      %dma_wait3A_1453 = tpu.memref_slice %arg9[%run_scoped3A_24, %dma_wait3A_1451, %dma_wait3A_1452] : memref<12x2x128xi32, #tpu.memory_space<vmem>> -> memref<1x2x128xi32, #tpu.memory_space<vmem>>
      %dma_wait3A_1454 = tpu.memref_squeeze %dma_wait3A_1453 : memref<1x2x128xi32, #tpu.memory_space<vmem>> -> memref<2x128xi32, #tpu.memory_space<vmem>>
      %dma_wait3A_1455 = arith.constant 0 : i32
      %dma_wait3A_1456 = tpu.memref_slice %arg6[%run_scoped3A_23, %add3A_5, %dma_wait3A_1455] : memref<12x128x128xi32, #tpu.memory_space<hbm>> -> memref<1x2x128xi32, #tpu.memory_space<hbm>>
      %dma_wait3A_1457 = tpu.memref_squeeze %dma_wait3A_1456 : memref<1x2x128xi32, #tpu.memory_space<hbm>> -> memref<2x128xi32, #tpu.memory_space<hbm>>
      tpu.wait_dma2 semaphore(%run_scoped3A_1429 : memref<!tpu.dma_semaphore, #tpu.memory_space<semaphore_mem>>) src(%dma_wait3A_1457 : memref<2x128xi32, #tpu.memory_space<hbm>>) dst(%dma_wait3A_1454 : memref<2x128xi32, #tpu.memory_space<vmem>>)
      tpu.yield
    }) : () -> ()
    %run_scoped3A_25 = arith.constant 10 : i32
    %run_scoped3A_26 = arith.constant 10 : i32
    "tpu.region"() ({
      %run_scoped3A_1429 = tpu.sem_alloc : memref<!tpu.dma_semaphore, #tpu.memory_space<semaphore_mem>>
      %dma_start3A_1430 = arith.constant 0 : i32
      %dma_start3A_1431 = arith.constant 0 : i32
      %dma_start3A_1432 = tpu.memref_slice %arg9[%run_scoped3A_26, %dma_start3A_1430, %dma_start3A_1431] : memref<12x2x128xi32, #tpu.memory_space<vmem>> -> memref<1x2x128xi32, #tpu.memory_space<vmem>>
      %dma_start3A_1433 = tpu.memref_squeeze %dma_start3A_1432 : memref<1x2x128xi32, #tpu.memory_space<vmem>> -> memref<2x128xi32, #tpu.memory_space<vmem>>
      %dma_start3A_1434 = arith.constant 0 : i32
      %dma_start3A_1435 = tpu.memref_slice %arg6[%run_scoped3A_25, %add3A_5, %dma_start3A_1434] : memref<12x128x128xi32, #tpu.memory_space<hbm>> -> memref<1x2x128xi32, #tpu.memory_space<hbm>>
      %dma_start3A_1436 = tpu.memref_squeeze %dma_start3A_1435 : memref<1x2x128xi32, #tpu.memory_space<hbm>> -> memref<2x128xi32, #tpu.memory_space<hbm>>
      %dma_start3A_1437 = arith.constant 0 : i32
      %dma_start3A_1438 = arith.constant 0 : i32
      %dma_start3A_1439 = tpu.memref_slice %arg9[%run_scoped3A_26, %dma_start3A_1437, %dma_start3A_1438] : memref<12x2x128xi32, #tpu.memory_space<vmem>> -> memref<1x2x128xi32, #tpu.memory_space<vmem>>
      %dma_start3A_1440 = tpu.memref_squeeze %dma_start3A_1439 : memref<1x2x128xi32, #tpu.memory_space<vmem>> -> memref<2x128xi32, #tpu.memory_space<vmem>>
      %dma_start3A_1441 = arith.constant 0 : i32
      %dma_start3A_1442 = tpu.memref_slice %arg6[%run_scoped3A_25, %add3A_5, %dma_start3A_1441] : memref<12x128x128xi32, #tpu.memory_space<hbm>> -> memref<1x2x128xi32, #tpu.memory_space<hbm>>
      %dma_start3A_1443 = tpu.memref_squeeze %dma_start3A_1442 : memref<1x2x128xi32, #tpu.memory_space<hbm>> -> memref<2x128xi32, #tpu.memory_space<hbm>>
      tpu.enqueue_dma source(%dma_start3A_1443 : memref<2x128xi32, #tpu.memory_space<hbm>>) target(%dma_start3A_1440 : memref<2x128xi32, #tpu.memory_space<vmem>>) target_semaphore(%run_scoped3A_1429 : memref<!tpu.dma_semaphore, #tpu.memory_space<semaphore_mem>>)
      %dma_wait3A_1444 = arith.constant 0 : i32
      %dma_wait3A_1445 = arith.constant 0 : i32
      %dma_wait3A_1446 = tpu.memref_slice %arg9[%run_scoped3A_26, %dma_wait3A_1444, %dma_wait3A_1445] : memref<12x2x128xi32, #tpu.memory_space<vmem>> -> memref<1x2x128xi32, #tpu.memory_space<vmem>>
      %dma_wait3A_1447 = tpu.memref_squeeze %dma_wait3A_1446 : memref<1x2x128xi32, #tpu.memory_space<vmem>> -> memref<2x128xi32, #tpu.memory_space<vmem>>
      %dma_wait3A_1448 = arith.constant 0 : i32
      %dma_wait3A_1449 = tpu.memref_slice %arg6[%run_scoped3A_25, %add3A_5, %dma_wait3A_1448] : memref<12x128x128xi32, #tpu.memory_space<hbm>> -> memref<1x2x128xi32, #tpu.memory_space<hbm>>
      %dma_wait3A_1450 = tpu.memref_squeeze %dma_wait3A_1449 : memref<1x2x128xi32, #tpu.memory_space<hbm>> -> memref<2x128xi32, #tpu.memory_space<hbm>>
      %dma_wait3A_1451 = arith.constant 0 : i32
      %dma_wait3A_1452 = arith.constant 0 : i32
      %dma_wait3A_1453 = tpu.memref_slice %arg9[%run_scoped3A_26, %dma_wait3A_1451, %dma_wait3A_1452] : memref<12x2x128xi32, #tpu.memory_space<vmem>> -> memref<1x2x128xi32, #tpu.memory_space<vmem>>
      %dma_wait3A_1454 = tpu.memref_squeeze %dma_wait3A_1453 : memref<1x2x128xi32, #tpu.memory_space<vmem>> -> memref<2x128xi32, #tpu.memory_space<vmem>>
      %dma_wait3A_1455 = arith.constant 0 : i32
      %dma_wait3A_1456 = tpu.memref_slice %arg6[%run_scoped3A_25, %add3A_5, %dma_wait3A_1455] : memref<12x128x128xi32, #tpu.memory_space<hbm>> -> memref<1x2x128xi32, #tpu.memory_space<hbm>>
      %dma_wait3A_1457 = tpu.memref_squeeze %dma_wait3A_1456 : memref<1x2x128xi32, #tpu.memory_space<hbm>> -> memref<2x128xi32, #tpu.memory_space<hbm>>
      tpu.wait_dma2 semaphore(%run_scoped3A_1429 : memref<!tpu.dma_semaphore, #tpu.memory_space<semaphore_mem>>) src(%dma_wait3A_1457 : memref<2x128xi32, #tpu.memory_space<hbm>>) dst(%dma_wait3A_1454 : memref<2x128xi32, #tpu.memory_space<vmem>>)
      tpu.yield
    }) : () -> ()
    %run_scoped3A_27 = arith.constant 11 : i32
    %run_scoped3A_28 = arith.constant 11 : i32
    "tpu.region"() ({
      %run_scoped3A_1429 = tpu.sem_alloc : memref<!tpu.dma_semaphore, #tpu.memory_space<semaphore_mem>>
      %dma_start3A_1430 = arith.constant 0 : i32
      %dma_start3A_1431 = arith.constant 0 : i32
      %dma_start3A_1432 = tpu.memref_slice %arg9[%run_scoped3A_28, %dma_start3A_1430, %dma_start3A_1431] : memref<12x2x128xi32, #tpu.memory_space<vmem>> -> memref<1x2x128xi32, #tpu.memory_space<vmem>>
      %dma_start3A_1433 = tpu.memref_squeeze %dma_start3A_1432 : memref<1x2x128xi32, #tpu.memory_space<vmem>> -> memref<2x128xi32, #tpu.memory_space<vmem>>
      %dma_start3A_1434 = arith.constant 0 : i32
      %dma_start3A_1435 = tpu.memref_slice %arg6[%run_scoped3A_27, %add3A_5, %dma_start3A_1434] : memref<12x128x128xi32, #tpu.memory_space<hbm>> -> memref<1x2x128xi32, #tpu.memory_space<hbm>>
      %dma_start3A_1436 = tpu.memref_squeeze %dma_start3A_1435 : memref<1x2x128xi32, #tpu.memory_space<hbm>> -> memref<2x128xi32, #tpu.memory_space<hbm>>
      %dma_start3A_1437 = arith.constant 0 : i32
      %dma_start3A_1438 = arith.constant 0 : i32
      %dma_start3A_1439 = tpu.memref_slice %arg9[%run_scoped3A_28, %dma_start3A_1437, %dma_start3A_1438] : memref<12x2x128xi32, #tpu.memory_space<vmem>> -> memref<1x2x128xi32, #tpu.memory_space<vmem>>
      %dma_start3A_1440 = tpu.memref_squeeze %dma_start3A_1439 : memref<1x2x128xi32, #tpu.memory_space<vmem>> -> memref<2x128xi32, #tpu.memory_space<vmem>>
      %dma_start3A_1441 = arith.constant 0 : i32
      %dma_start3A_1442 = tpu.memref_slice %arg6[%run_scoped3A_27, %add3A_5, %dma_start3A_1441] : memref<12x128x128xi32, #tpu.memory_space<hbm>> -> memref<1x2x128xi32, #tpu.memory_space<hbm>>
      %dma_start3A_1443 = tpu.memref_squeeze %dma_start3A_1442 : memref<1x2x128xi32, #tpu.memory_space<hbm>> -> memref<2x128xi32, #tpu.memory_space<hbm>>
      tpu.enqueue_dma source(%dma_start3A_1443 : memref<2x128xi32, #tpu.memory_space<hbm>>) target(%dma_start3A_1440 : memref<2x128xi32, #tpu.memory_space<vmem>>) target_semaphore(%run_scoped3A_1429 : memref<!tpu.dma_semaphore, #tpu.memory_space<semaphore_mem>>)
      %dma_wait3A_1444 = arith.constant 0 : i32
      %dma_wait3A_1445 = arith.constant 0 : i32
      %dma_wait3A_1446 = tpu.memref_slice %arg9[%run_scoped3A_28, %dma_wait3A_1444, %dma_wait3A_1445] : memref<12x2x128xi32, #tpu.memory_space<vmem>> -> memref<1x2x128xi32, #tpu.memory_space<vmem>>
      %dma_wait3A_1447 = tpu.memref_squeeze %dma_wait3A_1446 : memref<1x2x128xi32, #tpu.memory_space<vmem>> -> memref<2x128xi32, #tpu.memory_space<vmem>>
      %dma_wait3A_1448 = arith.constant 0 : i32
      %dma_wait3A_1449 = tpu.memref_slice %arg6[%run_scoped3A_27, %add3A_5, %dma_wait3A_1448] : memref<12x128x128xi32, #tpu.memory_space<hbm>> -> memref<1x2x128xi32, #tpu.memory_space<hbm>>
      %dma_wait3A_1450 = tpu.memref_squeeze %dma_wait3A_1449 : memref<1x2x128xi32, #tpu.memory_space<hbm>> -> memref<2x128xi32, #tpu.memory_space<hbm>>
      %dma_wait3A_1451 = arith.constant 0 : i32
      %dma_wait3A_1452 = arith.constant 0 : i32
      %dma_wait3A_1453 = tpu.memref_slice %arg9[%run_scoped3A_28, %dma_wait3A_1451, %dma_wait3A_1452] : memref<12x2x128xi32, #tpu.memory_space<vmem>> -> memref<1x2x128xi32, #tpu.memory_space<vmem>>
      %dma_wait3A_1454 = tpu.memref_squeeze %dma_wait3A_1453 : memref<1x2x128xi32, #tpu.memory_space<vmem>> -> memref<2x128xi32, #tpu.memory_space<vmem>>
      %dma_wait3A_1455 = arith.constant 0 : i32
      %dma_wait3A_1456 = tpu.memref_slice %arg6[%run_scoped3A_27, %add3A_5, %dma_wait3A_1455] : memref<12x128x128xi32, #tpu.memory_space<hbm>> -> memref<1x2x128xi32, #tpu.memory_space<hbm>>
      %dma_wait3A_1457 = tpu.memref_squeeze %dma_wait3A_1456 : memref<1x2x128xi32, #tpu.memory_space<hbm>> -> memref<2x128xi32, #tpu.memory_space<hbm>>
      tpu.wait_dma2 semaphore(%run_scoped3A_1429 : memref<!tpu.dma_semaphore, #tpu.memory_space<semaphore_mem>>) src(%dma_wait3A_1457 : memref<2x128xi32, #tpu.memory_space<hbm>>) dst(%dma_wait3A_1454 : memref<2x128xi32, #tpu.memory_space<vmem>>)
      tpu.yield
    }) : () -> ()
    %dma_start3A = arith.constant 0 : i32
    %dma_start3A_29 = arith.constant 0 : i32
    %dma_start3A_30 = arith.constant 0 : i32
    %dma_start3A_31 = arith.constant 0 : i32
    %dma_start3A_32 = arith.constant 0 : i32
    %dma_start3A_33 = arith.constant 0 : i32
    %dma_start3A_34 = tpu.memref_slice %arg10[%dma_start3A_30, %dma_start3A_31, %dma_start3A_32, %dma_start3A_33] : memref<12x2x128x32xf32, #tpu.memory_space<vmem>> -> memref<1x1x128x32xf32, #tpu.memory_space<vmem>>
    %dma_start3A_35 = tpu.memref_squeeze %dma_start3A_34 : memref<1x1x128x32xf32, #tpu.memory_space<vmem>> -> memref<128x32xf32, #tpu.memory_space<vmem>>
    %dma_start3A_36 = arith.constant 0 : i32
    %dma_start3A_37 = tpu.memref_slice %arg9[%dma_start3A, %dma_start3A_29, %dma_start3A_36] : memref<12x2x128xi32, #tpu.memory_space<vmem>> -> memref<1x1x128xi32, #tpu.memory_space<vmem>>
    %dma_start3A_38 = tpu.memref_squeeze %dma_start3A_37 : memref<1x1x128xi32, #tpu.memory_space<vmem>> -> memref<128xi32, #tpu.memory_space<vmem>>
    %dma_start3A_39 = arith.constant 0 : i32
    %dma_start3A_40 = arith.constant 0 : i32
    %dma_start3A_41 = tpu.memref_slice %arg2[%dma_start3A_39, %dma_start3A_40] : memref<1000000x32xf32, #tpu.memory_space<hbm>> -> memref<1000000x32xf32, #tpu.memory_space<hbm>>
    tpu.enqueue_indirect_dma source(%dma_start3A_41 : memref<1000000x32xf32, #tpu.memory_space<hbm>>) target(%dma_start3A_35 : memref<128x32xf32, #tpu.memory_space<vmem>>) offsets(%dma_start3A_38 : memref<128xi32, #tpu.memory_space<vmem>>) semaphore(%arg13 : memref<!tpu.dma_semaphore, #tpu.memory_space<semaphore_mem>>)
    %dma_start3A_42 = arith.constant 0 : i32
    %dma_start3A_43 = arith.constant 1 : i32
    %dma_start3A_44 = arith.constant 0 : i32
    %dma_start3A_45 = arith.constant 1 : i32
    %dma_start3A_46 = arith.constant 0 : i32
    %dma_start3A_47 = arith.constant 0 : i32
    %dma_start3A_48 = tpu.memref_slice %arg10[%dma_start3A_44, %dma_start3A_45, %dma_start3A_46, %dma_start3A_47] : memref<12x2x128x32xf32, #tpu.memory_space<vmem>> -> memref<1x1x128x32xf32, #tpu.memory_space<vmem>>
    %dma_start3A_49 = tpu.memref_squeeze %dma_start3A_48 : memref<1x1x128x32xf32, #tpu.memory_space<vmem>> -> memref<128x32xf32, #tpu.memory_space<vmem>>
    %dma_start3A_50 = arith.constant 0 : i32
    %dma_start3A_51 = tpu.memref_slice %arg9[%dma_start3A_42, %dma_start3A_43, %dma_start3A_50] : memref<12x2x128xi32, #tpu.memory_space<vmem>> -> memref<1x1x128xi32, #tpu.memory_space<vmem>>
    %dma_start3A_52 = tpu.memref_squeeze %dma_start3A_51 : memref<1x1x128xi32, #tpu.memory_space<vmem>> -> memref<128xi32, #tpu.memory_space<vmem>>
    %dma_start3A_53 = arith.constant 0 : i32
    %dma_start3A_54 = arith.constant 0 : i32
    %dma_start3A_55 = tpu.memref_slice %arg2[%dma_start3A_53, %dma_start3A_54] : memref<1000000x32xf32, #tpu.memory_space<hbm>> -> memref<1000000x32xf32, #tpu.memory_space<hbm>>
    tpu.enqueue_indirect_dma source(%dma_start3A_55 : memref<1000000x32xf32, #tpu.memory_space<hbm>>) target(%dma_start3A_49 : memref<128x32xf32, #tpu.memory_space<vmem>>) offsets(%dma_start3A_52 : memref<128xi32, #tpu.memory_space<vmem>>) semaphore(%arg13 : memref<!tpu.dma_semaphore, #tpu.memory_space<semaphore_mem>>)
    %dma_start3A_56 = arith.constant 1 : i32
    %dma_start3A_57 = arith.constant 0 : i32
    %dma_start3A_58 = arith.constant 1 : i32
    %dma_start3A_59 = arith.constant 0 : i32
    %dma_start3A_60 = arith.constant 0 : i32
    %dma_start3A_61 = arith.constant 0 : i32
    %dma_start3A_62 = tpu.memref_slice %arg10[%dma_start3A_58, %dma_start3A_59, %dma_start3A_60, %dma_start3A_61] : memref<12x2x128x32xf32, #tpu.memory_space<vmem>> -> memref<1x1x128x32xf32, #tpu.memory_space<vmem>>
    %dma_start3A_63 = tpu.memref_squeeze %dma_start3A_62 : memref<1x1x128x32xf32, #tpu.memory_space<vmem>> -> memref<128x32xf32, #tpu.memory_space<vmem>>
    %dma_start3A_64 = arith.constant 0 : i32
    %dma_start3A_65 = tpu.memref_slice %arg9[%dma_start3A_56, %dma_start3A_57, %dma_start3A_64] : memref<12x2x128xi32, #tpu.memory_space<vmem>> -> memref<1x1x128xi32, #tpu.memory_space<vmem>>
    %dma_start3A_66 = tpu.memref_squeeze %dma_start3A_65 : memref<1x1x128xi32, #tpu.memory_space<vmem>> -> memref<128xi32, #tpu.memory_space<vmem>>
    %dma_start3A_67 = arith.constant 0 : i32
    %dma_start3A_68 = arith.constant 0 : i32
    %dma_start3A_69 = tpu.memref_slice %arg2[%dma_start3A_67, %dma_start3A_68] : memref<1000000x32xf32, #tpu.memory_space<hbm>> -> memref<1000000x32xf32, #tpu.memory_space<hbm>>
    tpu.enqueue_indirect_dma source(%dma_start3A_69 : memref<1000000x32xf32, #tpu.memory_space<hbm>>) target(%dma_start3A_63 : memref<128x32xf32, #tpu.memory_space<vmem>>) offsets(%dma_start3A_66 : memref<128xi32, #tpu.memory_space<vmem>>) semaphore(%arg13 : memref<!tpu.dma_semaphore, #tpu.memory_space<semaphore_mem>>)
    %dma_start3A_70 = arith.constant 1 : i32
    %dma_start3A_71 = arith.constant 1 : i32
    %dma_start3A_72 = arith.constant 1 : i32
    %dma_start3A_73 = arith.constant 1 : i32
    %dma_start3A_74 = arith.constant 0 : i32
    %dma_start3A_75 = arith.constant 0 : i32
    %dma_start3A_76 = tpu.memref_slice %arg10[%dma_start3A_72, %dma_start3A_73, %dma_start3A_74, %dma_start3A_75] : memref<12x2x128x32xf32, #tpu.memory_space<vmem>> -> memref<1x1x128x32xf32, #tpu.memory_space<vmem>>
    %dma_start3A_77 = tpu.memref_squeeze %dma_start3A_76 : memref<1x1x128x32xf32, #tpu.memory_space<vmem>> -> memref<128x32xf32, #tpu.memory_space<vmem>>
    %dma_start3A_78 = arith.constant 0 : i32
    %dma_start3A_79 = tpu.memref_slice %arg9[%dma_start3A_70, %dma_start3A_71, %dma_start3A_78] : memref<12x2x128xi32, #tpu.memory_space<vmem>> -> memref<1x1x128xi32, #tpu.memory_space<vmem>>
    %dma_start3A_80 = tpu.memref_squeeze %dma_start3A_79 : memref<1x1x128xi32, #tpu.memory_space<vmem>> -> memref<128xi32, #tpu.memory_space<vmem>>
    %dma_start3A_81 = arith.constant 0 : i32
    %dma_start3A_82 = arith.constant 0 : i32
    %dma_start3A_83 = tpu.memref_slice %arg2[%dma_start3A_81, %dma_start3A_82] : memref<1000000x32xf32, #tpu.memory_space<hbm>> -> memref<1000000x32xf32, #tpu.memory_space<hbm>>
    tpu.enqueue_indirect_dma source(%dma_start3A_83 : memref<1000000x32xf32, #tpu.memory_space<hbm>>) target(%dma_start3A_77 : memref<128x32xf32, #tpu.memory_space<vmem>>) offsets(%dma_start3A_80 : memref<128xi32, #tpu.memory_space<vmem>>) semaphore(%arg13 : memref<!tpu.dma_semaphore, #tpu.memory_space<semaphore_mem>>)
    %dma_start3A_84 = arith.constant 2 : i32
    %dma_start3A_85 = arith.constant 0 : i32
    %dma_start3A_86 = arith.constant 2 : i32
    %dma_start3A_87 = arith.constant 0 : i32
    %dma_start3A_88 = arith.constant 0 : i32
    %dma_start3A_89 = arith.constant 0 : i32
    %dma_start3A_90 = tpu.memref_slice %arg10[%dma_start3A_86, %dma_start3A_87, %dma_start3A_88, %dma_start3A_89] : memref<12x2x128x32xf32, #tpu.memory_space<vmem>> -> memref<1x1x128x32xf32, #tpu.memory_space<vmem>>
    %dma_start3A_91 = tpu.memref_squeeze %dma_start3A_90 : memref<1x1x128x32xf32, #tpu.memory_space<vmem>> -> memref<128x32xf32, #tpu.memory_space<vmem>>
    %dma_start3A_92 = arith.constant 0 : i32
    %dma_start3A_93 = tpu.memref_slice %arg9[%dma_start3A_84, %dma_start3A_85, %dma_start3A_92] : memref<12x2x128xi32, #tpu.memory_space<vmem>> -> memref<1x1x128xi32, #tpu.memory_space<vmem>>
    %dma_start3A_94 = tpu.memref_squeeze %dma_start3A_93 : memref<1x1x128xi32, #tpu.memory_space<vmem>> -> memref<128xi32, #tpu.memory_space<vmem>>
    %dma_start3A_95 = arith.constant 0 : i32
    %dma_start3A_96 = arith.constant 0 : i32
    %dma_start3A_97 = tpu.memref_slice %arg2[%dma_start3A_95, %dma_start3A_96] : memref<1000000x32xf32, #tpu.memory_space<hbm>> -> memref<1000000x32xf32, #tpu.memory_space<hbm>>
    tpu.enqueue_indirect_dma source(%dma_start3A_97 : memref<1000000x32xf32, #tpu.memory_space<hbm>>) target(%dma_start3A_91 : memref<128x32xf32, #tpu.memory_space<vmem>>) offsets(%dma_start3A_94 : memref<128xi32, #tpu.memory_space<vmem>>) semaphore(%arg13 : memref<!tpu.dma_semaphore, #tpu.memory_space<semaphore_mem>>)
    %dma_start3A_98 = arith.constant 2 : i32
    %dma_start3A_99 = arith.constant 1 : i32
    %dma_start3A_100 = arith.constant 2 : i32
    %dma_start3A_101 = arith.constant 1 : i32
    %dma_start3A_102 = arith.constant 0 : i32
    %dma_start3A_103 = arith.constant 0 : i32
    %dma_start3A_104 = tpu.memref_slice %arg10[%dma_start3A_100, %dma_start3A_101, %dma_start3A_102, %dma_start3A_103] : memref<12x2x128x32xf32, #tpu.memory_space<vmem>> -> memref<1x1x128x32xf32, #tpu.memory_space<vmem>>
    %dma_start3A_105 = tpu.memref_squeeze %dma_start3A_104 : memref<1x1x128x32xf32, #tpu.memory_space<vmem>> -> memref<128x32xf32, #tpu.memory_space<vmem>>
    %dma_start3A_106 = arith.constant 0 : i32
    %dma_start3A_107 = tpu.memref_slice %arg9[%dma_start3A_98, %dma_start3A_99, %dma_start3A_106] : memref<12x2x128xi32, #tpu.memory_space<vmem>> -> memref<1x1x128xi32, #tpu.memory_space<vmem>>
    %dma_start3A_108 = tpu.memref_squeeze %dma_start3A_107 : memref<1x1x128xi32, #tpu.memory_space<vmem>> -> memref<128xi32, #tpu.memory_space<vmem>>
    %dma_start3A_109 = arith.constant 0 : i32
    %dma_start3A_110 = arith.constant 0 : i32
    %dma_start3A_111 = tpu.memref_slice %arg2[%dma_start3A_109, %dma_start3A_110] : memref<1000000x32xf32, #tpu.memory_space<hbm>> -> memref<1000000x32xf32, #tpu.memory_space<hbm>>
    tpu.enqueue_indirect_dma source(%dma_start3A_111 : memref<1000000x32xf32, #tpu.memory_space<hbm>>) target(%dma_start3A_105 : memref<128x32xf32, #tpu.memory_space<vmem>>) offsets(%dma_start3A_108 : memref<128xi32, #tpu.memory_space<vmem>>) semaphore(%arg13 : memref<!tpu.dma_semaphore, #tpu.memory_space<semaphore_mem>>)
    %dma_start3A_112 = arith.constant 3 : i32
    %dma_start3A_113 = arith.constant 0 : i32
    %dma_start3A_114 = arith.constant 3 : i32
    %dma_start3A_115 = arith.constant 0 : i32
    %dma_start3A_116 = arith.constant 0 : i32
    %dma_start3A_117 = arith.constant 0 : i32
    %dma_start3A_118 = tpu.memref_slice %arg10[%dma_start3A_114, %dma_start3A_115, %dma_start3A_116, %dma_start3A_117] : memref<12x2x128x32xf32, #tpu.memory_space<vmem>> -> memref<1x1x128x32xf32, #tpu.memory_space<vmem>>
    %dma_start3A_119 = tpu.memref_squeeze %dma_start3A_118 : memref<1x1x128x32xf32, #tpu.memory_space<vmem>> -> memref<128x32xf32, #tpu.memory_space<vmem>>
    %dma_start3A_120 = arith.constant 0 : i32
    %dma_start3A_121 = tpu.memref_slice %arg9[%dma_start3A_112, %dma_start3A_113, %dma_start3A_120] : memref<12x2x128xi32, #tpu.memory_space<vmem>> -> memref<1x1x128xi32, #tpu.memory_space<vmem>>
    %dma_start3A_122 = tpu.memref_squeeze %dma_start3A_121 : memref<1x1x128xi32, #tpu.memory_space<vmem>> -> memref<128xi32, #tpu.memory_space<vmem>>
    %dma_start3A_123 = arith.constant 0 : i32
    %dma_start3A_124 = arith.constant 0 : i32
    %dma_start3A_125 = tpu.memref_slice %arg3[%dma_start3A_123, %dma_start3A_124] : memref<1000000x32xf32, #tpu.memory_space<hbm>> -> memref<1000000x32xf32, #tpu.memory_space<hbm>>
    tpu.enqueue_indirect_dma source(%dma_start3A_125 : memref<1000000x32xf32, #tpu.memory_space<hbm>>) target(%dma_start3A_119 : memref<128x32xf32, #tpu.memory_space<vmem>>) offsets(%dma_start3A_122 : memref<128xi32, #tpu.memory_space<vmem>>) semaphore(%arg13 : memref<!tpu.dma_semaphore, #tpu.memory_space<semaphore_mem>>)
    %dma_start3A_126 = arith.constant 3 : i32
    %dma_start3A_127 = arith.constant 1 : i32
    %dma_start3A_128 = arith.constant 3 : i32
    %dma_start3A_129 = arith.constant 1 : i32
    %dma_start3A_130 = arith.constant 0 : i32
    %dma_start3A_131 = arith.constant 0 : i32
    %dma_start3A_132 = tpu.memref_slice %arg10[%dma_start3A_128, %dma_start3A_129, %dma_start3A_130, %dma_start3A_131] : memref<12x2x128x32xf32, #tpu.memory_space<vmem>> -> memref<1x1x128x32xf32, #tpu.memory_space<vmem>>
    %dma_start3A_133 = tpu.memref_squeeze %dma_start3A_132 : memref<1x1x128x32xf32, #tpu.memory_space<vmem>> -> memref<128x32xf32, #tpu.memory_space<vmem>>
    %dma_start3A_134 = arith.constant 0 : i32
    %dma_start3A_135 = tpu.memref_slice %arg9[%dma_start3A_126, %dma_start3A_127, %dma_start3A_134] : memref<12x2x128xi32, #tpu.memory_space<vmem>> -> memref<1x1x128xi32, #tpu.memory_space<vmem>>
    %dma_start3A_136 = tpu.memref_squeeze %dma_start3A_135 : memref<1x1x128xi32, #tpu.memory_space<vmem>> -> memref<128xi32, #tpu.memory_space<vmem>>
    %dma_start3A_137 = arith.constant 0 : i32
    %dma_start3A_138 = arith.constant 0 : i32
    %dma_start3A_139 = tpu.memref_slice %arg3[%dma_start3A_137, %dma_start3A_138] : memref<1000000x32xf32, #tpu.memory_space<hbm>> -> memref<1000000x32xf32, #tpu.memory_space<hbm>>
    tpu.enqueue_indirect_dma source(%dma_start3A_139 : memref<1000000x32xf32, #tpu.memory_space<hbm>>) target(%dma_start3A_133 : memref<128x32xf32, #tpu.memory_space<vmem>>) offsets(%dma_start3A_136 : memref<128xi32, #tpu.memory_space<vmem>>) semaphore(%arg13 : memref<!tpu.dma_semaphore, #tpu.memory_space<semaphore_mem>>)
    %dma_start3A_140 = arith.constant 4 : i32
    %dma_start3A_141 = arith.constant 0 : i32
    %dma_start3A_142 = arith.constant 4 : i32
    %dma_start3A_143 = arith.constant 0 : i32
    %dma_start3A_144 = arith.constant 0 : i32
    %dma_start3A_145 = arith.constant 0 : i32
    %dma_start3A_146 = tpu.memref_slice %arg10[%dma_start3A_142, %dma_start3A_143, %dma_start3A_144, %dma_start3A_145] : memref<12x2x128x32xf32, #tpu.memory_space<vmem>> -> memref<1x1x128x32xf32, #tpu.memory_space<vmem>>
    %dma_start3A_147 = tpu.memref_squeeze %dma_start3A_146 : memref<1x1x128x32xf32, #tpu.memory_space<vmem>> -> memref<128x32xf32, #tpu.memory_space<vmem>>
    %dma_start3A_148 = arith.constant 0 : i32
    %dma_start3A_149 = tpu.memref_slice %arg9[%dma_start3A_140, %dma_start3A_141, %dma_start3A_148] : memref<12x2x128xi32, #tpu.memory_space<vmem>> -> memref<1x1x128xi32, #tpu.memory_space<vmem>>
    %dma_start3A_150 = tpu.memref_squeeze %dma_start3A_149 : memref<1x1x128xi32, #tpu.memory_space<vmem>> -> memref<128xi32, #tpu.memory_space<vmem>>
    %dma_start3A_151 = arith.constant 0 : i32
    %dma_start3A_152 = arith.constant 0 : i32
    %dma_start3A_153 = tpu.memref_slice %arg3[%dma_start3A_151, %dma_start3A_152] : memref<1000000x32xf32, #tpu.memory_space<hbm>> -> memref<1000000x32xf32, #tpu.memory_space<hbm>>
    tpu.enqueue_indirect_dma source(%dma_start3A_153 : memref<1000000x32xf32, #tpu.memory_space<hbm>>) target(%dma_start3A_147 : memref<128x32xf32, #tpu.memory_space<vmem>>) offsets(%dma_start3A_150 : memref<128xi32, #tpu.memory_space<vmem>>) semaphore(%arg13 : memref<!tpu.dma_semaphore, #tpu.memory_space<semaphore_mem>>)
    %dma_start3A_154 = arith.constant 4 : i32
    %dma_start3A_155 = arith.constant 1 : i32
    %dma_start3A_156 = arith.constant 4 : i32
    %dma_start3A_157 = arith.constant 1 : i32
    %dma_start3A_158 = arith.constant 0 : i32
    %dma_start3A_159 = arith.constant 0 : i32
    %dma_start3A_160 = tpu.memref_slice %arg10[%dma_start3A_156, %dma_start3A_157, %dma_start3A_158, %dma_start3A_159] : memref<12x2x128x32xf32, #tpu.memory_space<vmem>> -> memref<1x1x128x32xf32, #tpu.memory_space<vmem>>
    %dma_start3A_161 = tpu.memref_squeeze %dma_start3A_160 : memref<1x1x128x32xf32, #tpu.memory_space<vmem>> -> memref<128x32xf32, #tpu.memory_space<vmem>>
    %dma_start3A_162 = arith.constant 0 : i32
    %dma_start3A_163 = tpu.memref_slice %arg9[%dma_start3A_154, %dma_start3A_155, %dma_start3A_162] : memref<12x2x128xi32, #tpu.memory_space<vmem>> -> memref<1x1x128xi32, #tpu.memory_space<vmem>>
    %dma_start3A_164 = tpu.memref_squeeze %dma_start3A_163 : memref<1x1x128xi32, #tpu.memory_space<vmem>> -> memref<128xi32, #tpu.memory_space<vmem>>
    %dma_start3A_165 = arith.constant 0 : i32
    %dma_start3A_166 = arith.constant 0 : i32
    %dma_start3A_167 = tpu.memref_slice %arg3[%dma_start3A_165, %dma_start3A_166] : memref<1000000x32xf32, #tpu.memory_space<hbm>> -> memref<1000000x32xf32, #tpu.memory_space<hbm>>
    tpu.enqueue_indirect_dma source(%dma_start3A_167 : memref<1000000x32xf32, #tpu.memory_space<hbm>>) target(%dma_start3A_161 : memref<128x32xf32, #tpu.memory_space<vmem>>) offsets(%dma_start3A_164 : memref<128xi32, #tpu.memory_space<vmem>>) semaphore(%arg13 : memref<!tpu.dma_semaphore, #tpu.memory_space<semaphore_mem>>)
    %dma_start3A_168 = arith.constant 5 : i32
    %dma_start3A_169 = arith.constant 0 : i32
    %dma_start3A_170 = arith.constant 5 : i32
    %dma_start3A_171 = arith.constant 0 : i32
    %dma_start3A_172 = arith.constant 0 : i32
    %dma_start3A_173 = arith.constant 0 : i32
    %dma_start3A_174 = tpu.memref_slice %arg10[%dma_start3A_170, %dma_start3A_171, %dma_start3A_172, %dma_start3A_173] : memref<12x2x128x32xf32, #tpu.memory_space<vmem>> -> memref<1x1x128x32xf32, #tpu.memory_space<vmem>>
    %dma_start3A_175 = tpu.memref_squeeze %dma_start3A_174 : memref<1x1x128x32xf32, #tpu.memory_space<vmem>> -> memref<128x32xf32, #tpu.memory_space<vmem>>
    %dma_start3A_176 = arith.constant 0 : i32
    %dma_start3A_177 = tpu.memref_slice %arg9[%dma_start3A_168, %dma_start3A_169, %dma_start3A_176] : memref<12x2x128xi32, #tpu.memory_space<vmem>> -> memref<1x1x128xi32, #tpu.memory_space<vmem>>
    %dma_start3A_178 = tpu.memref_squeeze %dma_start3A_177 : memref<1x1x128xi32, #tpu.memory_space<vmem>> -> memref<128xi32, #tpu.memory_space<vmem>>
    %dma_start3A_179 = arith.constant 0 : i32
    %dma_start3A_180 = arith.constant 0 : i32
    %dma_start3A_181 = tpu.memref_slice %arg3[%dma_start3A_179, %dma_start3A_180] : memref<1000000x32xf32, #tpu.memory_space<hbm>> -> memref<1000000x32xf32, #tpu.memory_space<hbm>>
    tpu.enqueue_indirect_dma source(%dma_start3A_181 : memref<1000000x32xf32, #tpu.memory_space<hbm>>) target(%dma_start3A_175 : memref<128x32xf32, #tpu.memory_space<vmem>>) offsets(%dma_start3A_178 : memref<128xi32, #tpu.memory_space<vmem>>) semaphore(%arg13 : memref<!tpu.dma_semaphore, #tpu.memory_space<semaphore_mem>>)
    %dma_start3A_182 = arith.constant 5 : i32
    %dma_start3A_183 = arith.constant 1 : i32
    %dma_start3A_184 = arith.constant 5 : i32
    %dma_start3A_185 = arith.constant 1 : i32
    %dma_start3A_186 = arith.constant 0 : i32
    %dma_start3A_187 = arith.constant 0 : i32
    %dma_start3A_188 = tpu.memref_slice %arg10[%dma_start3A_184, %dma_start3A_185, %dma_start3A_186, %dma_start3A_187] : memref<12x2x128x32xf32, #tpu.memory_space<vmem>> -> memref<1x1x128x32xf32, #tpu.memory_space<vmem>>
    %dma_start3A_189 = tpu.memref_squeeze %dma_start3A_188 : memref<1x1x128x32xf32, #tpu.memory_space<vmem>> -> memref<128x32xf32, #tpu.memory_space<vmem>>
    %dma_start3A_190 = arith.constant 0 : i32
    %dma_start3A_191 = tpu.memref_slice %arg9[%dma_start3A_182, %dma_start3A_183, %dma_start3A_190] : memref<12x2x128xi32, #tpu.memory_space<vmem>> -> memref<1x1x128xi32, #tpu.memory_space<vmem>>
    %dma_start3A_192 = tpu.memref_squeeze %dma_start3A_191 : memref<1x1x128xi32, #tpu.memory_space<vmem>> -> memref<128xi32, #tpu.memory_space<vmem>>
    %dma_start3A_193 = arith.constant 0 : i32
    %dma_start3A_194 = arith.constant 0 : i32
    %dma_start3A_195 = tpu.memref_slice %arg3[%dma_start3A_193, %dma_start3A_194] : memref<1000000x32xf32, #tpu.memory_space<hbm>> -> memref<1000000x32xf32, #tpu.memory_space<hbm>>
    tpu.enqueue_indirect_dma source(%dma_start3A_195 : memref<1000000x32xf32, #tpu.memory_space<hbm>>) target(%dma_start3A_189 : memref<128x32xf32, #tpu.memory_space<vmem>>) offsets(%dma_start3A_192 : memref<128xi32, #tpu.memory_space<vmem>>) semaphore(%arg13 : memref<!tpu.dma_semaphore, #tpu.memory_space<semaphore_mem>>)
    %dma_start3A_196 = arith.constant 6 : i32
    %dma_start3A_197 = arith.constant 0 : i32
    %dma_start3A_198 = arith.constant 6 : i32
    %dma_start3A_199 = arith.constant 0 : i32
    %dma_start3A_200 = arith.constant 0 : i32
    %dma_start3A_201 = arith.constant 0 : i32
    %dma_start3A_202 = tpu.memref_slice %arg10[%dma_start3A_198, %dma_start3A_199, %dma_start3A_200, %dma_start3A_201] : memref<12x2x128x32xf32, #tpu.memory_space<vmem>> -> memref<1x1x128x32xf32, #tpu.memory_space<vmem>>
    %dma_start3A_203 = tpu.memref_squeeze %dma_start3A_202 : memref<1x1x128x32xf32, #tpu.memory_space<vmem>> -> memref<128x32xf32, #tpu.memory_space<vmem>>
    %dma_start3A_204 = arith.constant 0 : i32
    %dma_start3A_205 = tpu.memref_slice %arg9[%dma_start3A_196, %dma_start3A_197, %dma_start3A_204] : memref<12x2x128xi32, #tpu.memory_space<vmem>> -> memref<1x1x128xi32, #tpu.memory_space<vmem>>
    %dma_start3A_206 = tpu.memref_squeeze %dma_start3A_205 : memref<1x1x128xi32, #tpu.memory_space<vmem>> -> memref<128xi32, #tpu.memory_space<vmem>>
    %dma_start3A_207 = arith.constant 0 : i32
    %dma_start3A_208 = arith.constant 0 : i32
    %dma_start3A_209 = tpu.memref_slice %arg4[%dma_start3A_207, %dma_start3A_208] : memref<1000x32xf32, #tpu.memory_space<hbm>> -> memref<1000x32xf32, #tpu.memory_space<hbm>>
    tpu.enqueue_indirect_dma source(%dma_start3A_209 : memref<1000x32xf32, #tpu.memory_space<hbm>>) target(%dma_start3A_203 : memref<128x32xf32, #tpu.memory_space<vmem>>) offsets(%dma_start3A_206 : memref<128xi32, #tpu.memory_space<vmem>>) semaphore(%arg13 : memref<!tpu.dma_semaphore, #tpu.memory_space<semaphore_mem>>)
    %dma_start3A_210 = arith.constant 6 : i32
    %dma_start3A_211 = arith.constant 1 : i32
    %dma_start3A_212 = arith.constant 6 : i32
    %dma_start3A_213 = arith.constant 1 : i32
    %dma_start3A_214 = arith.constant 0 : i32
    %dma_start3A_215 = arith.constant 0 : i32
    %dma_start3A_216 = tpu.memref_slice %arg10[%dma_start3A_212, %dma_start3A_213, %dma_start3A_214, %dma_start3A_215] : memref<12x2x128x32xf32, #tpu.memory_space<vmem>> -> memref<1x1x128x32xf32, #tpu.memory_space<vmem>>
    %dma_start3A_217 = tpu.memref_squeeze %dma_start3A_216 : memref<1x1x128x32xf32, #tpu.memory_space<vmem>> -> memref<128x32xf32, #tpu.memory_space<vmem>>
    %dma_start3A_218 = arith.constant 0 : i32
    %dma_start3A_219 = tpu.memref_slice %arg9[%dma_start3A_210, %dma_start3A_211, %dma_start3A_218] : memref<12x2x128xi32, #tpu.memory_space<vmem>> -> memref<1x1x128xi32, #tpu.memory_space<vmem>>
    %dma_start3A_220 = tpu.memref_squeeze %dma_start3A_219 : memref<1x1x128xi32, #tpu.memory_space<vmem>> -> memref<128xi32, #tpu.memory_space<vmem>>
    %dma_start3A_221 = arith.constant 0 : i32
    %dma_start3A_222 = arith.constant 0 : i32
    %dma_start3A_223 = tpu.memref_slice %arg4[%dma_start3A_221, %dma_start3A_222] : memref<1000x32xf32, #tpu.memory_space<hbm>> -> memref<1000x32xf32, #tpu.memory_space<hbm>>
    tpu.enqueue_indirect_dma source(%dma_start3A_223 : memref<1000x32xf32, #tpu.memory_space<hbm>>) target(%dma_start3A_217 : memref<128x32xf32, #tpu.memory_space<vmem>>) offsets(%dma_start3A_220 : memref<128xi32, #tpu.memory_space<vmem>>) semaphore(%arg13 : memref<!tpu.dma_semaphore, #tpu.memory_space<semaphore_mem>>)
    %dma_start3A_224 = arith.constant 7 : i32
    %dma_start3A_225 = arith.constant 0 : i32
    %dma_start3A_226 = arith.constant 7 : i32
    %dma_start3A_227 = arith.constant 0 : i32
    %dma_start3A_228 = arith.constant 0 : i32
    %dma_start3A_229 = arith.constant 0 : i32
    %dma_start3A_230 = tpu.memref_slice %arg10[%dma_start3A_226, %dma_start3A_227, %dma_start3A_228, %dma_start3A_229] : memref<12x2x128x32xf32, #tpu.memory_space<vmem>> -> memref<1x1x128x32xf32, #tpu.memory_space<vmem>>
    %dma_start3A_231 = tpu.memref_squeeze %dma_start3A_230 : memref<1x1x128x32xf32, #tpu.memory_space<vmem>> -> memref<128x32xf32, #tpu.memory_space<vmem>>
    %dma_start3A_232 = arith.constant 0 : i32
    %dma_start3A_233 = tpu.memref_slice %arg9[%dma_start3A_224, %dma_start3A_225, %dma_start3A_232] : memref<12x2x128xi32, #tpu.memory_space<vmem>> -> memref<1x1x128xi32, #tpu.memory_space<vmem>>
    %dma_start3A_234 = tpu.memref_squeeze %dma_start3A_233 : memref<1x1x128xi32, #tpu.memory_space<vmem>> -> memref<128xi32, #tpu.memory_space<vmem>>
    %dma_start3A_235 = arith.constant 0 : i32
    %dma_start3A_236 = arith.constant 0 : i32
    %dma_start3A_237 = tpu.memref_slice %arg4[%dma_start3A_235, %dma_start3A_236] : memref<1000x32xf32, #tpu.memory_space<hbm>> -> memref<1000x32xf32, #tpu.memory_space<hbm>>
    tpu.enqueue_indirect_dma source(%dma_start3A_237 : memref<1000x32xf32, #tpu.memory_space<hbm>>) target(%dma_start3A_231 : memref<128x32xf32, #tpu.memory_space<vmem>>) offsets(%dma_start3A_234 : memref<128xi32, #tpu.memory_space<vmem>>) semaphore(%arg13 : memref<!tpu.dma_semaphore, #tpu.memory_space<semaphore_mem>>)
    %dma_start3A_238 = arith.constant 7 : i32
    %dma_start3A_239 = arith.constant 1 : i32
    %dma_start3A_240 = arith.constant 7 : i32
    %dma_start3A_241 = arith.constant 1 : i32
    %dma_start3A_242 = arith.constant 0 : i32
    %dma_start3A_243 = arith.constant 0 : i32
    %dma_start3A_244 = tpu.memref_slice %arg10[%dma_start3A_240, %dma_start3A_241, %dma_start3A_242, %dma_start3A_243] : memref<12x2x128x32xf32, #tpu.memory_space<vmem>> -> memref<1x1x128x32xf32, #tpu.memory_space<vmem>>
    %dma_start3A_245 = tpu.memref_squeeze %dma_start3A_244 : memref<1x1x128x32xf32, #tpu.memory_space<vmem>> -> memref<128x32xf32, #tpu.memory_space<vmem>>
    %dma_start3A_246 = arith.constant 0 : i32
    %dma_start3A_247 = tpu.memref_slice %arg9[%dma_start3A_238, %dma_start3A_239, %dma_start3A_246] : memref<12x2x128xi32, #tpu.memory_space<vmem>> -> memref<1x1x128xi32, #tpu.memory_space<vmem>>
    %dma_start3A_248 = tpu.memref_squeeze %dma_start3A_247 : memref<1x1x128xi32, #tpu.memory_space<vmem>> -> memref<128xi32, #tpu.memory_space<vmem>>
    %dma_start3A_249 = arith.constant 0 : i32
    %dma_start3A_250 = arith.constant 0 : i32
    %dma_start3A_251 = tpu.memref_slice %arg4[%dma_start3A_249, %dma_start3A_250] : memref<1000x32xf32, #tpu.memory_space<hbm>> -> memref<1000x32xf32, #tpu.memory_space<hbm>>
    tpu.enqueue_indirect_dma source(%dma_start3A_251 : memref<1000x32xf32, #tpu.memory_space<hbm>>) target(%dma_start3A_245 : memref<128x32xf32, #tpu.memory_space<vmem>>) offsets(%dma_start3A_248 : memref<128xi32, #tpu.memory_space<vmem>>) semaphore(%arg13 : memref<!tpu.dma_semaphore, #tpu.memory_space<semaphore_mem>>)
    %dma_start3A_252 = arith.constant 8 : i32
    %dma_start3A_253 = arith.constant 0 : i32
    %dma_start3A_254 = arith.constant 8 : i32
    %dma_start3A_255 = arith.constant 0 : i32
    %dma_start3A_256 = arith.constant 0 : i32
    %dma_start3A_257 = arith.constant 0 : i32
    %dma_start3A_258 = tpu.memref_slice %arg10[%dma_start3A_254, %dma_start3A_255, %dma_start3A_256, %dma_start3A_257] : memref<12x2x128x32xf32, #tpu.memory_space<vmem>> -> memref<1x1x128x32xf32, #tpu.memory_space<vmem>>
    %dma_start3A_259 = tpu.memref_squeeze %dma_start3A_258 : memref<1x1x128x32xf32, #tpu.memory_space<vmem>> -> memref<128x32xf32, #tpu.memory_space<vmem>>
    %dma_start3A_260 = arith.constant 0 : i32
    %dma_start3A_261 = tpu.memref_slice %arg9[%dma_start3A_252, %dma_start3A_253, %dma_start3A_260] : memref<12x2x128xi32, #tpu.memory_space<vmem>> -> memref<1x1x128xi32, #tpu.memory_space<vmem>>
    %dma_start3A_262 = tpu.memref_squeeze %dma_start3A_261 : memref<1x1x128xi32, #tpu.memory_space<vmem>> -> memref<128xi32, #tpu.memory_space<vmem>>
    %dma_start3A_263 = arith.constant 0 : i32
    %dma_start3A_264 = arith.constant 0 : i32
    %dma_start3A_265 = tpu.memref_slice %arg4[%dma_start3A_263, %dma_start3A_264] : memref<1000x32xf32, #tpu.memory_space<hbm>> -> memref<1000x32xf32, #tpu.memory_space<hbm>>
    tpu.enqueue_indirect_dma source(%dma_start3A_265 : memref<1000x32xf32, #tpu.memory_space<hbm>>) target(%dma_start3A_259 : memref<128x32xf32, #tpu.memory_space<vmem>>) offsets(%dma_start3A_262 : memref<128xi32, #tpu.memory_space<vmem>>) semaphore(%arg13 : memref<!tpu.dma_semaphore, #tpu.memory_space<semaphore_mem>>)
    %dma_start3A_266 = arith.constant 8 : i32
    %dma_start3A_267 = arith.constant 1 : i32
    %dma_start3A_268 = arith.constant 8 : i32
    %dma_start3A_269 = arith.constant 1 : i32
    %dma_start3A_270 = arith.constant 0 : i32
    %dma_start3A_271 = arith.constant 0 : i32
    %dma_start3A_272 = tpu.memref_slice %arg10[%dma_start3A_268, %dma_start3A_269, %dma_start3A_270, %dma_start3A_271] : memref<12x2x128x32xf32, #tpu.memory_space<vmem>> -> memref<1x1x128x32xf32, #tpu.memory_space<vmem>>
    %dma_start3A_273 = tpu.memref_squeeze %dma_start3A_272 : memref<1x1x128x32xf32, #tpu.memory_space<vmem>> -> memref<128x32xf32, #tpu.memory_space<vmem>>
    %dma_start3A_274 = arith.constant 0 : i32
    %dma_start3A_275 = tpu.memref_slice %arg9[%dma_start3A_266, %dma_start3A_267, %dma_start3A_274] : memref<12x2x128xi32, #tpu.memory_space<vmem>> -> memref<1x1x128xi32, #tpu.memory_space<vmem>>
    %dma_start3A_276 = tpu.memref_squeeze %dma_start3A_275 : memref<1x1x128xi32, #tpu.memory_space<vmem>> -> memref<128xi32, #tpu.memory_space<vmem>>
    %dma_start3A_277 = arith.constant 0 : i32
    %dma_start3A_278 = arith.constant 0 : i32
    %dma_start3A_279 = tpu.memref_slice %arg4[%dma_start3A_277, %dma_start3A_278] : memref<1000x32xf32, #tpu.memory_space<hbm>> -> memref<1000x32xf32, #tpu.memory_space<hbm>>
    tpu.enqueue_indirect_dma source(%dma_start3A_279 : memref<1000x32xf32, #tpu.memory_space<hbm>>) target(%dma_start3A_273 : memref<128x32xf32, #tpu.memory_space<vmem>>) offsets(%dma_start3A_276 : memref<128xi32, #tpu.memory_space<vmem>>) semaphore(%arg13 : memref<!tpu.dma_semaphore, #tpu.memory_space<semaphore_mem>>)
    %dma_start3A_280 = arith.constant 9 : i32
    %dma_start3A_281 = arith.constant 0 : i32
    %dma_start3A_282 = arith.constant 9 : i32
    %dma_start3A_283 = arith.constant 0 : i32
    %dma_start3A_284 = arith.constant 0 : i32
    %dma_start3A_285 = arith.constant 0 : i32
    %dma_start3A_286 = tpu.memref_slice %arg10[%dma_start3A_282, %dma_start3A_283, %dma_start3A_284, %dma_start3A_285] : memref<12x2x128x32xf32, #tpu.memory_space<vmem>> -> memref<1x1x128x32xf32, #tpu.memory_space<vmem>>
    %dma_start3A_287 = tpu.memref_squeeze %dma_start3A_286 : memref<1x1x128x32xf32, #tpu.memory_space<vmem>> -> memref<128x32xf32, #tpu.memory_space<vmem>>
    %dma_start3A_288 = arith.constant 0 : i32
    %dma_start3A_289 = tpu.memref_slice %arg9[%dma_start3A_280, %dma_start3A_281, %dma_start3A_288] : memref<12x2x128xi32, #tpu.memory_space<vmem>> -> memref<1x1x128xi32, #tpu.memory_space<vmem>>
    %dma_start3A_290 = tpu.memref_squeeze %dma_start3A_289 : memref<1x1x128xi32, #tpu.memory_space<vmem>> -> memref<128xi32, #tpu.memory_space<vmem>>
    %dma_start3A_291 = arith.constant 0 : i32
    %dma_start3A_292 = arith.constant 0 : i32
    %dma_start3A_293 = tpu.memref_slice %arg5[%dma_start3A_291, %dma_start3A_292] : memref<1000x32xf32, #tpu.memory_space<hbm>> -> memref<1000x32xf32, #tpu.memory_space<hbm>>
    tpu.enqueue_indirect_dma source(%dma_start3A_293 : memref<1000x32xf32, #tpu.memory_space<hbm>>) target(%dma_start3A_287 : memref<128x32xf32, #tpu.memory_space<vmem>>) offsets(%dma_start3A_290 : memref<128xi32, #tpu.memory_space<vmem>>) semaphore(%arg13 : memref<!tpu.dma_semaphore, #tpu.memory_space<semaphore_mem>>)
    %dma_start3A_294 = arith.constant 9 : i32
    %dma_start3A_295 = arith.constant 1 : i32
    %dma_start3A_296 = arith.constant 9 : i32
    %dma_start3A_297 = arith.constant 1 : i32
    %dma_start3A_298 = arith.constant 0 : i32
    %dma_start3A_299 = arith.constant 0 : i32
    %dma_start3A_300 = tpu.memref_slice %arg10[%dma_start3A_296, %dma_start3A_297, %dma_start3A_298, %dma_start3A_299] : memref<12x2x128x32xf32, #tpu.memory_space<vmem>> -> memref<1x1x128x32xf32, #tpu.memory_space<vmem>>
    %dma_start3A_301 = tpu.memref_squeeze %dma_start3A_300 : memref<1x1x128x32xf32, #tpu.memory_space<vmem>> -> memref<128x32xf32, #tpu.memory_space<vmem>>
    %dma_start3A_302 = arith.constant 0 : i32
    %dma_start3A_303 = tpu.memref_slice %arg9[%dma_start3A_294, %dma_start3A_295, %dma_start3A_302] : memref<12x2x128xi32, #tpu.memory_space<vmem>> -> memref<1x1x128xi32, #tpu.memory_space<vmem>>
    %dma_start3A_304 = tpu.memref_squeeze %dma_start3A_303 : memref<1x1x128xi32, #tpu.memory_space<vmem>> -> memref<128xi32, #tpu.memory_space<vmem>>
    %dma_start3A_305 = arith.constant 0 : i32
    %dma_start3A_306 = arith.constant 0 : i32
    %dma_start3A_307 = tpu.memref_slice %arg5[%dma_start3A_305, %dma_start3A_306] : memref<1000x32xf32, #tpu.memory_space<hbm>> -> memref<1000x32xf32, #tpu.memory_space<hbm>>
    tpu.enqueue_indirect_dma source(%dma_start3A_307 : memref<1000x32xf32, #tpu.memory_space<hbm>>) target(%dma_start3A_301 : memref<128x32xf32, #tpu.memory_space<vmem>>) offsets(%dma_start3A_304 : memref<128xi32, #tpu.memory_space<vmem>>) semaphore(%arg13 : memref<!tpu.dma_semaphore, #tpu.memory_space<semaphore_mem>>)
    %dma_start3A_308 = arith.constant 10 : i32
    %dma_start3A_309 = arith.constant 0 : i32
    %dma_start3A_310 = arith.constant 10 : i32
    %dma_start3A_311 = arith.constant 0 : i32
    %dma_start3A_312 = arith.constant 0 : i32
    %dma_start3A_313 = arith.constant 0 : i32
    %dma_start3A_314 = tpu.memref_slice %arg10[%dma_start3A_310, %dma_start3A_311, %dma_start3A_312, %dma_start3A_313] : memref<12x2x128x32xf32, #tpu.memory_space<vmem>> -> memref<1x1x128x32xf32, #tpu.memory_space<vmem>>
    %dma_start3A_315 = tpu.memref_squeeze %dma_start3A_314 : memref<1x1x128x32xf32, #tpu.memory_space<vmem>> -> memref<128x32xf32, #tpu.memory_space<vmem>>
    %dma_start3A_316 = arith.constant 0 : i32
    %dma_start3A_317 = tpu.memref_slice %arg9[%dma_start3A_308, %dma_start3A_309, %dma_start3A_316] : memref<12x2x128xi32, #tpu.memory_space<vmem>> -> memref<1x1x128xi32, #tpu.memory_space<vmem>>
    %dma_start3A_318 = tpu.memref_squeeze %dma_start3A_317 : memref<1x1x128xi32, #tpu.memory_space<vmem>> -> memref<128xi32, #tpu.memory_space<vmem>>
    %dma_start3A_319 = arith.constant 0 : i32
    %dma_start3A_320 = arith.constant 0 : i32
    %dma_start3A_321 = tpu.memref_slice %arg5[%dma_start3A_319, %dma_start3A_320] : memref<1000x32xf32, #tpu.memory_space<hbm>> -> memref<1000x32xf32, #tpu.memory_space<hbm>>
    tpu.enqueue_indirect_dma source(%dma_start3A_321 : memref<1000x32xf32, #tpu.memory_space<hbm>>) target(%dma_start3A_315 : memref<128x32xf32, #tpu.memory_space<vmem>>) offsets(%dma_start3A_318 : memref<128xi32, #tpu.memory_space<vmem>>) semaphore(%arg13 : memref<!tpu.dma_semaphore, #tpu.memory_space<semaphore_mem>>)
    %dma_start3A_322 = arith.constant 10 : i32
    %dma_start3A_323 = arith.constant 1 : i32
    %dma_start3A_324 = arith.constant 10 : i32
    %dma_start3A_325 = arith.constant 1 : i32
    %dma_start3A_326 = arith.constant 0 : i32
    %dma_start3A_327 = arith.constant 0 : i32
    %dma_start3A_328 = tpu.memref_slice %arg10[%dma_start3A_324, %dma_start3A_325, %dma_start3A_326, %dma_start3A_327] : memref<12x2x128x32xf32, #tpu.memory_space<vmem>> -> memref<1x1x128x32xf32, #tpu.memory_space<vmem>>
    %dma_start3A_329 = tpu.memref_squeeze %dma_start3A_328 : memref<1x1x128x32xf32, #tpu.memory_space<vmem>> -> memref<128x32xf32, #tpu.memory_space<vmem>>
    %dma_start3A_330 = arith.constant 0 : i32
    %dma_start3A_331 = tpu.memref_slice %arg9[%dma_start3A_322, %dma_start3A_323, %dma_start3A_330] : memref<12x2x128xi32, #tpu.memory_space<vmem>> -> memref<1x1x128xi32, #tpu.memory_space<vmem>>
    %dma_start3A_332 = tpu.memref_squeeze %dma_start3A_331 : memref<1x1x128xi32, #tpu.memory_space<vmem>> -> memref<128xi32, #tpu.memory_space<vmem>>
    %dma_start3A_333 = arith.constant 0 : i32
    %dma_start3A_334 = arith.constant 0 : i32
    %dma_start3A_335 = tpu.memref_slice %arg5[%dma_start3A_333, %dma_start3A_334] : memref<1000x32xf32, #tpu.memory_space<hbm>> -> memref<1000x32xf32, #tpu.memory_space<hbm>>
    tpu.enqueue_indirect_dma source(%dma_start3A_335 : memref<1000x32xf32, #tpu.memory_space<hbm>>) target(%dma_start3A_329 : memref<128x32xf32, #tpu.memory_space<vmem>>) offsets(%dma_start3A_332 : memref<128xi32, #tpu.memory_space<vmem>>) semaphore(%arg13 : memref<!tpu.dma_semaphore, #tpu.memory_space<semaphore_mem>>)
    %dma_start3A_336 = arith.constant 11 : i32
    %dma_start3A_337 = arith.constant 0 : i32
    %dma_start3A_338 = arith.constant 11 : i32
    %dma_start3A_339 = arith.constant 0 : i32
    %dma_start3A_340 = arith.constant 0 : i32
    %dma_start3A_341 = arith.constant 0 : i32
    %dma_start3A_342 = tpu.memref_slice %arg10[%dma_start3A_338, %dma_start3A_339, %dma_start3A_340, %dma_start3A_341] : memref<12x2x128x32xf32, #tpu.memory_space<vmem>> -> memref<1x1x128x32xf32, #tpu.memory_space<vmem>>
    %dma_start3A_343 = tpu.memref_squeeze %dma_start3A_342 : memref<1x1x128x32xf32, #tpu.memory_space<vmem>> -> memref<128x32xf32, #tpu.memory_space<vmem>>
    %dma_start3A_344 = arith.constant 0 : i32
    %dma_start3A_345 = tpu.memref_slice %arg9[%dma_start3A_336, %dma_start3A_337, %dma_start3A_344] : memref<12x2x128xi32, #tpu.memory_space<vmem>> -> memref<1x1x128xi32, #tpu.memory_space<vmem>>
    %dma_start3A_346 = tpu.memref_squeeze %dma_start3A_345 : memref<1x1x128xi32, #tpu.memory_space<vmem>> -> memref<128xi32, #tpu.memory_space<vmem>>
    %dma_start3A_347 = arith.constant 0 : i32
    %dma_start3A_348 = arith.constant 0 : i32
    %dma_start3A_349 = tpu.memref_slice %arg5[%dma_start3A_347, %dma_start3A_348] : memref<1000x32xf32, #tpu.memory_space<hbm>> -> memref<1000x32xf32, #tpu.memory_space<hbm>>
    tpu.enqueue_indirect_dma source(%dma_start3A_349 : memref<1000x32xf32, #tpu.memory_space<hbm>>) target(%dma_start3A_343 : memref<128x32xf32, #tpu.memory_space<vmem>>) offsets(%dma_start3A_346 : memref<128xi32, #tpu.memory_space<vmem>>) semaphore(%arg13 : memref<!tpu.dma_semaphore, #tpu.memory_space<semaphore_mem>>)
    %dma_start3A_350 = arith.constant 11 : i32
    %dma_start3A_351 = arith.constant 1 : i32
    %dma_start3A_352 = arith.constant 11 : i32
    %dma_start3A_353 = arith.constant 1 : i32
    %dma_start3A_354 = arith.constant 0 : i32
    %dma_start3A_355 = arith.constant 0 : i32
    %dma_start3A_356 = tpu.memref_slice %arg10[%dma_start3A_352, %dma_start3A_353, %dma_start3A_354, %dma_start3A_355] : memref<12x2x128x32xf32, #tpu.memory_space<vmem>> -> memref<1x1x128x32xf32, #tpu.memory_space<vmem>>
    %dma_start3A_357 = tpu.memref_squeeze %dma_start3A_356 : memref<1x1x128x32xf32, #tpu.memory_space<vmem>> -> memref<128x32xf32, #tpu.memory_space<vmem>>
    %dma_start3A_358 = arith.constant 0 : i32
    %dma_start3A_359 = tpu.memref_slice %arg9[%dma_start3A_350, %dma_start3A_351, %dma_start3A_358] : memref<12x2x128xi32, #tpu.memory_space<vmem>> -> memref<1x1x128xi32, #tpu.memory_space<vmem>>
    %dma_start3A_360 = tpu.memref_squeeze %dma_start3A_359 : memref<1x1x128xi32, #tpu.memory_space<vmem>> -> memref<128xi32, #tpu.memory_space<vmem>>
    %dma_start3A_361 = arith.constant 0 : i32
    %dma_start3A_362 = arith.constant 0 : i32
    %dma_start3A_363 = tpu.memref_slice %arg5[%dma_start3A_361, %dma_start3A_362] : memref<1000x32xf32, #tpu.memory_space<hbm>> -> memref<1000x32xf32, #tpu.memory_space<hbm>>
    tpu.enqueue_indirect_dma source(%dma_start3A_363 : memref<1000x32xf32, #tpu.memory_space<hbm>>) target(%dma_start3A_357 : memref<128x32xf32, #tpu.memory_space<vmem>>) offsets(%dma_start3A_360 : memref<128xi32, #tpu.memory_space<vmem>>) semaphore(%arg13 : memref<!tpu.dma_semaphore, #tpu.memory_space<semaphore_mem>>)
    %dma_wait3A = arith.constant 0 : i32
    %dma_wait3A_364 = arith.constant 0 : i32
    %dma_wait3A_365 = arith.constant 0 : i32
    %dma_wait3A_366 = arith.constant 0 : i32
    %dma_wait3A_367 = arith.constant 0 : i32
    %dma_wait3A_368 = arith.constant 0 : i32
    %dma_wait3A_369 = tpu.memref_slice %arg10[%dma_wait3A_365, %dma_wait3A_366, %dma_wait3A_367, %dma_wait3A_368] : memref<12x2x128x32xf32, #tpu.memory_space<vmem>> -> memref<1x1x128x32xf32, #tpu.memory_space<vmem>>
    %dma_wait3A_370 = tpu.memref_squeeze %dma_wait3A_369 : memref<1x1x128x32xf32, #tpu.memory_space<vmem>> -> memref<128x32xf32, #tpu.memory_space<vmem>>
    %dma_wait3A_371 = arith.constant 0 : i32
    %dma_wait3A_372 = tpu.memref_slice %arg9[%dma_wait3A, %dma_wait3A_364, %dma_wait3A_371] : memref<12x2x128xi32, #tpu.memory_space<vmem>> -> memref<1x1x128xi32, #tpu.memory_space<vmem>>
    %dma_wait3A_373 = tpu.memref_squeeze %dma_wait3A_372 : memref<1x1x128xi32, #tpu.memory_space<vmem>> -> memref<128xi32, #tpu.memory_space<vmem>>
    %dma_wait3A_374 = arith.constant 0 : i32
    %dma_wait3A_375 = arith.constant 0 : i32
    %dma_wait3A_376 = tpu.memref_slice %arg2[%dma_wait3A_374, %dma_wait3A_375] : memref<1000000x32xf32, #tpu.memory_space<hbm>> -> memref<1000000x32xf32, #tpu.memory_space<hbm>>
    tpu.wait_indirect_dma semaphore(%arg13 : memref<!tpu.dma_semaphore, #tpu.memory_space<semaphore_mem>>) src(%dma_wait3A_376 : memref<1000000x32xf32, #tpu.memory_space<hbm>>) dst(%dma_wait3A_370 : memref<128x32xf32, #tpu.memory_space<vmem>>)
    %dma_wait3A_377 = arith.constant 0 : i32
    %dma_wait3A_378 = arith.constant 1 : i32
    %dma_wait3A_379 = arith.constant 0 : i32
    %dma_wait3A_380 = arith.constant 1 : i32
    %dma_wait3A_381 = arith.constant 0 : i32
    %dma_wait3A_382 = arith.constant 0 : i32
    %dma_wait3A_383 = tpu.memref_slice %arg10[%dma_wait3A_379, %dma_wait3A_380, %dma_wait3A_381, %dma_wait3A_382] : memref<12x2x128x32xf32, #tpu.memory_space<vmem>> -> memref<1x1x128x32xf32, #tpu.memory_space<vmem>>
    %dma_wait3A_384 = tpu.memref_squeeze %dma_wait3A_383 : memref<1x1x128x32xf32, #tpu.memory_space<vmem>> -> memref<128x32xf32, #tpu.memory_space<vmem>>
    %dma_wait3A_385 = arith.constant 0 : i32
    %dma_wait3A_386 = tpu.memref_slice %arg9[%dma_wait3A_377, %dma_wait3A_378, %dma_wait3A_385] : memref<12x2x128xi32, #tpu.memory_space<vmem>> -> memref<1x1x128xi32, #tpu.memory_space<vmem>>
    %dma_wait3A_387 = tpu.memref_squeeze %dma_wait3A_386 : memref<1x1x128xi32, #tpu.memory_space<vmem>> -> memref<128xi32, #tpu.memory_space<vmem>>
    %dma_wait3A_388 = arith.constant 0 : i32
    %dma_wait3A_389 = arith.constant 0 : i32
    %dma_wait3A_390 = tpu.memref_slice %arg2[%dma_wait3A_388, %dma_wait3A_389] : memref<1000000x32xf32, #tpu.memory_space<hbm>> -> memref<1000000x32xf32, #tpu.memory_space<hbm>>
    tpu.wait_indirect_dma semaphore(%arg13 : memref<!tpu.dma_semaphore, #tpu.memory_space<semaphore_mem>>) src(%dma_wait3A_390 : memref<1000000x32xf32, #tpu.memory_space<hbm>>) dst(%dma_wait3A_384 : memref<128x32xf32, #tpu.memory_space<vmem>>)
    %dma_wait3A_391 = arith.constant 1 : i32
    %dma_wait3A_392 = arith.constant 0 : i32
    %dma_wait3A_393 = arith.constant 1 : i32
    %dma_wait3A_394 = arith.constant 0 : i32
    %dma_wait3A_395 = arith.constant 0 : i32
    %dma_wait3A_396 = arith.constant 0 : i32
    %dma_wait3A_397 = tpu.memref_slice %arg10[%dma_wait3A_393, %dma_wait3A_394, %dma_wait3A_395, %dma_wait3A_396] : memref<12x2x128x32xf32, #tpu.memory_space<vmem>> -> memref<1x1x128x32xf32, #tpu.memory_space<vmem>>
    %dma_wait3A_398 = tpu.memref_squeeze %dma_wait3A_397 : memref<1x1x128x32xf32, #tpu.memory_space<vmem>> -> memref<128x32xf32, #tpu.memory_space<vmem>>
    %dma_wait3A_399 = arith.constant 0 : i32
    %dma_wait3A_400 = tpu.memref_slice %arg9[%dma_wait3A_391, %dma_wait3A_392, %dma_wait3A_399] : memref<12x2x128xi32, #tpu.memory_space<vmem>> -> memref<1x1x128xi32, #tpu.memory_space<vmem>>
    %dma_wait3A_401 = tpu.memref_squeeze %dma_wait3A_400 : memref<1x1x128xi32, #tpu.memory_space<vmem>> -> memref<128xi32, #tpu.memory_space<vmem>>
    %dma_wait3A_402 = arith.constant 0 : i32
    %dma_wait3A_403 = arith.constant 0 : i32
    %dma_wait3A_404 = tpu.memref_slice %arg2[%dma_wait3A_402, %dma_wait3A_403] : memref<1000000x32xf32, #tpu.memory_space<hbm>> -> memref<1000000x32xf32, #tpu.memory_space<hbm>>
    tpu.wait_indirect_dma semaphore(%arg13 : memref<!tpu.dma_semaphore, #tpu.memory_space<semaphore_mem>>) src(%dma_wait3A_404 : memref<1000000x32xf32, #tpu.memory_space<hbm>>) dst(%dma_wait3A_398 : memref<128x32xf32, #tpu.memory_space<vmem>>)
    %dma_wait3A_405 = arith.constant 1 : i32
    %dma_wait3A_406 = arith.constant 1 : i32
    %dma_wait3A_407 = arith.constant 1 : i32
    %dma_wait3A_408 = arith.constant 1 : i32
    %dma_wait3A_409 = arith.constant 0 : i32
    %dma_wait3A_410 = arith.constant 0 : i32
    %dma_wait3A_411 = tpu.memref_slice %arg10[%dma_wait3A_407, %dma_wait3A_408, %dma_wait3A_409, %dma_wait3A_410] : memref<12x2x128x32xf32, #tpu.memory_space<vmem>> -> memref<1x1x128x32xf32, #tpu.memory_space<vmem>>
    %dma_wait3A_412 = tpu.memref_squeeze %dma_wait3A_411 : memref<1x1x128x32xf32, #tpu.memory_space<vmem>> -> memref<128x32xf32, #tpu.memory_space<vmem>>
    %dma_wait3A_413 = arith.constant 0 : i32
    %dma_wait3A_414 = tpu.memref_slice %arg9[%dma_wait3A_405, %dma_wait3A_406, %dma_wait3A_413] : memref<12x2x128xi32, #tpu.memory_space<vmem>> -> memref<1x1x128xi32, #tpu.memory_space<vmem>>
    %dma_wait3A_415 = tpu.memref_squeeze %dma_wait3A_414 : memref<1x1x128xi32, #tpu.memory_space<vmem>> -> memref<128xi32, #tpu.memory_space<vmem>>
    %dma_wait3A_416 = arith.constant 0 : i32
    %dma_wait3A_417 = arith.constant 0 : i32
    %dma_wait3A_418 = tpu.memref_slice %arg2[%dma_wait3A_416, %dma_wait3A_417] : memref<1000000x32xf32, #tpu.memory_space<hbm>> -> memref<1000000x32xf32, #tpu.memory_space<hbm>>
    tpu.wait_indirect_dma semaphore(%arg13 : memref<!tpu.dma_semaphore, #tpu.memory_space<semaphore_mem>>) src(%dma_wait3A_418 : memref<1000000x32xf32, #tpu.memory_space<hbm>>) dst(%dma_wait3A_412 : memref<128x32xf32, #tpu.memory_space<vmem>>)
    %dma_wait3A_419 = arith.constant 2 : i32
    %dma_wait3A_420 = arith.constant 0 : i32
    %dma_wait3A_421 = arith.constant 2 : i32
    %dma_wait3A_422 = arith.constant 0 : i32
    %dma_wait3A_423 = arith.constant 0 : i32
    %dma_wait3A_424 = arith.constant 0 : i32
    %dma_wait3A_425 = tpu.memref_slice %arg10[%dma_wait3A_421, %dma_wait3A_422, %dma_wait3A_423, %dma_wait3A_424] : memref<12x2x128x32xf32, #tpu.memory_space<vmem>> -> memref<1x1x128x32xf32, #tpu.memory_space<vmem>>
    %dma_wait3A_426 = tpu.memref_squeeze %dma_wait3A_425 : memref<1x1x128x32xf32, #tpu.memory_space<vmem>> -> memref<128x32xf32, #tpu.memory_space<vmem>>
    %dma_wait3A_427 = arith.constant 0 : i32
    %dma_wait3A_428 = tpu.memref_slice %arg9[%dma_wait3A_419, %dma_wait3A_420, %dma_wait3A_427] : memref<12x2x128xi32, #tpu.memory_space<vmem>> -> memref<1x1x128xi32, #tpu.memory_space<vmem>>
    %dma_wait3A_429 = tpu.memref_squeeze %dma_wait3A_428 : memref<1x1x128xi32, #tpu.memory_space<vmem>> -> memref<128xi32, #tpu.memory_space<vmem>>
    %dma_wait3A_430 = arith.constant 0 : i32
    %dma_wait3A_431 = arith.constant 0 : i32
    %dma_wait3A_432 = tpu.memref_slice %arg2[%dma_wait3A_430, %dma_wait3A_431] : memref<1000000x32xf32, #tpu.memory_space<hbm>> -> memref<1000000x32xf32, #tpu.memory_space<hbm>>
    tpu.wait_indirect_dma semaphore(%arg13 : memref<!tpu.dma_semaphore, #tpu.memory_space<semaphore_mem>>) src(%dma_wait3A_432 : memref<1000000x32xf32, #tpu.memory_space<hbm>>) dst(%dma_wait3A_426 : memref<128x32xf32, #tpu.memory_space<vmem>>)
    %dma_wait3A_433 = arith.constant 2 : i32
    %dma_wait3A_434 = arith.constant 1 : i32
    %dma_wait3A_435 = arith.constant 2 : i32
    %dma_wait3A_436 = arith.constant 1 : i32
    %dma_wait3A_437 = arith.constant 0 : i32
    %dma_wait3A_438 = arith.constant 0 : i32
    %dma_wait3A_439 = tpu.memref_slice %arg10[%dma_wait3A_435, %dma_wait3A_436, %dma_wait3A_437, %dma_wait3A_438] : memref<12x2x128x32xf32, #tpu.memory_space<vmem>> -> memref<1x1x128x32xf32, #tpu.memory_space<vmem>>
    %dma_wait3A_440 = tpu.memref_squeeze %dma_wait3A_439 : memref<1x1x128x32xf32, #tpu.memory_space<vmem>> -> memref<128x32xf32, #tpu.memory_space<vmem>>
    %dma_wait3A_441 = arith.constant 0 : i32
    %dma_wait3A_442 = tpu.memref_slice %arg9[%dma_wait3A_433, %dma_wait3A_434, %dma_wait3A_441] : memref<12x2x128xi32, #tpu.memory_space<vmem>> -> memref<1x1x128xi32, #tpu.memory_space<vmem>>
    %dma_wait3A_443 = tpu.memref_squeeze %dma_wait3A_442 : memref<1x1x128xi32, #tpu.memory_space<vmem>> -> memref<128xi32, #tpu.memory_space<vmem>>
    %dma_wait3A_444 = arith.constant 0 : i32
    %dma_wait3A_445 = arith.constant 0 : i32
    %dma_wait3A_446 = tpu.memref_slice %arg2[%dma_wait3A_444, %dma_wait3A_445] : memref<1000000x32xf32, #tpu.memory_space<hbm>> -> memref<1000000x32xf32, #tpu.memory_space<hbm>>
    tpu.wait_indirect_dma semaphore(%arg13 : memref<!tpu.dma_semaphore, #tpu.memory_space<semaphore_mem>>) src(%dma_wait3A_446 : memref<1000000x32xf32, #tpu.memory_space<hbm>>) dst(%dma_wait3A_440 : memref<128x32xf32, #tpu.memory_space<vmem>>)
    %dma_wait3A_447 = arith.constant 3 : i32
    %dma_wait3A_448 = arith.constant 0 : i32
    %dma_wait3A_449 = arith.constant 3 : i32
    %dma_wait3A_450 = arith.constant 0 : i32
    %dma_wait3A_451 = arith.constant 0 : i32
    %dma_wait3A_452 = arith.constant 0 : i32
    %dma_wait3A_453 = tpu.memref_slice %arg10[%dma_wait3A_449, %dma_wait3A_450, %dma_wait3A_451, %dma_wait3A_452] : memref<12x2x128x32xf32, #tpu.memory_space<vmem>> -> memref<1x1x128x32xf32, #tpu.memory_space<vmem>>
    %dma_wait3A_454 = tpu.memref_squeeze %dma_wait3A_453 : memref<1x1x128x32xf32, #tpu.memory_space<vmem>> -> memref<128x32xf32, #tpu.memory_space<vmem>>
    %dma_wait3A_455 = arith.constant 0 : i32
    %dma_wait3A_456 = tpu.memref_slice %arg9[%dma_wait3A_447, %dma_wait3A_448, %dma_wait3A_455] : memref<12x2x128xi32, #tpu.memory_space<vmem>> -> memref<1x1x128xi32, #tpu.memory_space<vmem>>
    %dma_wait3A_457 = tpu.memref_squeeze %dma_wait3A_456 : memref<1x1x128xi32, #tpu.memory_space<vmem>> -> memref<128xi32, #tpu.memory_space<vmem>>
    %dma_wait3A_458 = arith.constant 0 : i32
    %dma_wait3A_459 = arith.constant 0 : i32
    %dma_wait3A_460 = tpu.memref_slice %arg3[%dma_wait3A_458, %dma_wait3A_459] : memref<1000000x32xf32, #tpu.memory_space<hbm>> -> memref<1000000x32xf32, #tpu.memory_space<hbm>>
    tpu.wait_indirect_dma semaphore(%arg13 : memref<!tpu.dma_semaphore, #tpu.memory_space<semaphore_mem>>) src(%dma_wait3A_460 : memref<1000000x32xf32, #tpu.memory_space<hbm>>) dst(%dma_wait3A_454 : memref<128x32xf32, #tpu.memory_space<vmem>>)
    %dma_wait3A_461 = arith.constant 3 : i32
    %dma_wait3A_462 = arith.constant 1 : i32
    %dma_wait3A_463 = arith.constant 3 : i32
    %dma_wait3A_464 = arith.constant 1 : i32
    %dma_wait3A_465 = arith.constant 0 : i32
    %dma_wait3A_466 = arith.constant 0 : i32
    %dma_wait3A_467 = tpu.memref_slice %arg10[%dma_wait3A_463, %dma_wait3A_464, %dma_wait3A_465, %dma_wait3A_466] : memref<12x2x128x32xf32, #tpu.memory_space<vmem>> -> memref<1x1x128x32xf32, #tpu.memory_space<vmem>>
    %dma_wait3A_468 = tpu.memref_squeeze %dma_wait3A_467 : memref<1x1x128x32xf32, #tpu.memory_space<vmem>> -> memref<128x32xf32, #tpu.memory_space<vmem>>
    %dma_wait3A_469 = arith.constant 0 : i32
    %dma_wait3A_470 = tpu.memref_slice %arg9[%dma_wait3A_461, %dma_wait3A_462, %dma_wait3A_469] : memref<12x2x128xi32, #tpu.memory_space<vmem>> -> memref<1x1x128xi32, #tpu.memory_space<vmem>>
    %dma_wait3A_471 = tpu.memref_squeeze %dma_wait3A_470 : memref<1x1x128xi32, #tpu.memory_space<vmem>> -> memref<128xi32, #tpu.memory_space<vmem>>
    %dma_wait3A_472 = arith.constant 0 : i32
    %dma_wait3A_473 = arith.constant 0 : i32
    %dma_wait3A_474 = tpu.memref_slice %arg3[%dma_wait3A_472, %dma_wait3A_473] : memref<1000000x32xf32, #tpu.memory_space<hbm>> -> memref<1000000x32xf32, #tpu.memory_space<hbm>>
    tpu.wait_indirect_dma semaphore(%arg13 : memref<!tpu.dma_semaphore, #tpu.memory_space<semaphore_mem>>) src(%dma_wait3A_474 : memref<1000000x32xf32, #tpu.memory_space<hbm>>) dst(%dma_wait3A_468 : memref<128x32xf32, #tpu.memory_space<vmem>>)
    %dma_wait3A_475 = arith.constant 4 : i32
    %dma_wait3A_476 = arith.constant 0 : i32
    %dma_wait3A_477 = arith.constant 4 : i32
    %dma_wait3A_478 = arith.constant 0 : i32
    %dma_wait3A_479 = arith.constant 0 : i32
    %dma_wait3A_480 = arith.constant 0 : i32
    %dma_wait3A_481 = tpu.memref_slice %arg10[%dma_wait3A_477, %dma_wait3A_478, %dma_wait3A_479, %dma_wait3A_480] : memref<12x2x128x32xf32, #tpu.memory_space<vmem>> -> memref<1x1x128x32xf32, #tpu.memory_space<vmem>>
    %dma_wait3A_482 = tpu.memref_squeeze %dma_wait3A_481 : memref<1x1x128x32xf32, #tpu.memory_space<vmem>> -> memref<128x32xf32, #tpu.memory_space<vmem>>
    %dma_wait3A_483 = arith.constant 0 : i32
    %dma_wait3A_484 = tpu.memref_slice %arg9[%dma_wait3A_475, %dma_wait3A_476, %dma_wait3A_483] : memref<12x2x128xi32, #tpu.memory_space<vmem>> -> memref<1x1x128xi32, #tpu.memory_space<vmem>>
    %dma_wait3A_485 = tpu.memref_squeeze %dma_wait3A_484 : memref<1x1x128xi32, #tpu.memory_space<vmem>> -> memref<128xi32, #tpu.memory_space<vmem>>
    %dma_wait3A_486 = arith.constant 0 : i32
    %dma_wait3A_487 = arith.constant 0 : i32
    %dma_wait3A_488 = tpu.memref_slice %arg3[%dma_wait3A_486, %dma_wait3A_487] : memref<1000000x32xf32, #tpu.memory_space<hbm>> -> memref<1000000x32xf32, #tpu.memory_space<hbm>>
    tpu.wait_indirect_dma semaphore(%arg13 : memref<!tpu.dma_semaphore, #tpu.memory_space<semaphore_mem>>) src(%dma_wait3A_488 : memref<1000000x32xf32, #tpu.memory_space<hbm>>) dst(%dma_wait3A_482 : memref<128x32xf32, #tpu.memory_space<vmem>>)
    %dma_wait3A_489 = arith.constant 4 : i32
    %dma_wait3A_490 = arith.constant 1 : i32
    %dma_wait3A_491 = arith.constant 4 : i32
    %dma_wait3A_492 = arith.constant 1 : i32
    %dma_wait3A_493 = arith.constant 0 : i32
    %dma_wait3A_494 = arith.constant 0 : i32
    %dma_wait3A_495 = tpu.memref_slice %arg10[%dma_wait3A_491, %dma_wait3A_492, %dma_wait3A_493, %dma_wait3A_494] : memref<12x2x128x32xf32, #tpu.memory_space<vmem>> -> memref<1x1x128x32xf32, #tpu.memory_space<vmem>>
    %dma_wait3A_496 = tpu.memref_squeeze %dma_wait3A_495 : memref<1x1x128x32xf32, #tpu.memory_space<vmem>> -> memref<128x32xf32, #tpu.memory_space<vmem>>
    %dma_wait3A_497 = arith.constant 0 : i32
    %dma_wait3A_498 = tpu.memref_slice %arg9[%dma_wait3A_489, %dma_wait3A_490, %dma_wait3A_497] : memref<12x2x128xi32, #tpu.memory_space<vmem>> -> memref<1x1x128xi32, #tpu.memory_space<vmem>>
    %dma_wait3A_499 = tpu.memref_squeeze %dma_wait3A_498 : memref<1x1x128xi32, #tpu.memory_space<vmem>> -> memref<128xi32, #tpu.memory_space<vmem>>
    %dma_wait3A_500 = arith.constant 0 : i32
    %dma_wait3A_501 = arith.constant 0 : i32
    %dma_wait3A_502 = tpu.memref_slice %arg3[%dma_wait3A_500, %dma_wait3A_501] : memref<1000000x32xf32, #tpu.memory_space<hbm>> -> memref<1000000x32xf32, #tpu.memory_space<hbm>>
    tpu.wait_indirect_dma semaphore(%arg13 : memref<!tpu.dma_semaphore, #tpu.memory_space<semaphore_mem>>) src(%dma_wait3A_502 : memref<1000000x32xf32, #tpu.memory_space<hbm>>) dst(%dma_wait3A_496 : memref<128x32xf32, #tpu.memory_space<vmem>>)
    %dma_wait3A_503 = arith.constant 5 : i32
    %dma_wait3A_504 = arith.constant 0 : i32
    %dma_wait3A_505 = arith.constant 5 : i32
    %dma_wait3A_506 = arith.constant 0 : i32
    %dma_wait3A_507 = arith.constant 0 : i32
    %dma_wait3A_508 = arith.constant 0 : i32
    %dma_wait3A_509 = tpu.memref_slice %arg10[%dma_wait3A_505, %dma_wait3A_506, %dma_wait3A_507, %dma_wait3A_508] : memref<12x2x128x32xf32, #tpu.memory_space<vmem>> -> memref<1x1x128x32xf32, #tpu.memory_space<vmem>>
    %dma_wait3A_510 = tpu.memref_squeeze %dma_wait3A_509 : memref<1x1x128x32xf32, #tpu.memory_space<vmem>> -> memref<128x32xf32, #tpu.memory_space<vmem>>
    %dma_wait3A_511 = arith.constant 0 : i32
    %dma_wait3A_512 = tpu.memref_slice %arg9[%dma_wait3A_503, %dma_wait3A_504, %dma_wait3A_511] : memref<12x2x128xi32, #tpu.memory_space<vmem>> -> memref<1x1x128xi32, #tpu.memory_space<vmem>>
    %dma_wait3A_513 = tpu.memref_squeeze %dma_wait3A_512 : memref<1x1x128xi32, #tpu.memory_space<vmem>> -> memref<128xi32, #tpu.memory_space<vmem>>
    %dma_wait3A_514 = arith.constant 0 : i32
    %dma_wait3A_515 = arith.constant 0 : i32
    %dma_wait3A_516 = tpu.memref_slice %arg3[%dma_wait3A_514, %dma_wait3A_515] : memref<1000000x32xf32, #tpu.memory_space<hbm>> -> memref<1000000x32xf32, #tpu.memory_space<hbm>>
    tpu.wait_indirect_dma semaphore(%arg13 : memref<!tpu.dma_semaphore, #tpu.memory_space<semaphore_mem>>) src(%dma_wait3A_516 : memref<1000000x32xf32, #tpu.memory_space<hbm>>) dst(%dma_wait3A_510 : memref<128x32xf32, #tpu.memory_space<vmem>>)
    %dma_wait3A_517 = arith.constant 5 : i32
    %dma_wait3A_518 = arith.constant 1 : i32
    %dma_wait3A_519 = arith.constant 5 : i32
    %dma_wait3A_520 = arith.constant 1 : i32
    %dma_wait3A_521 = arith.constant 0 : i32
    %dma_wait3A_522 = arith.constant 0 : i32
    %dma_wait3A_523 = tpu.memref_slice %arg10[%dma_wait3A_519, %dma_wait3A_520, %dma_wait3A_521, %dma_wait3A_522] : memref<12x2x128x32xf32, #tpu.memory_space<vmem>> -> memref<1x1x128x32xf32, #tpu.memory_space<vmem>>
    %dma_wait3A_524 = tpu.memref_squeeze %dma_wait3A_523 : memref<1x1x128x32xf32, #tpu.memory_space<vmem>> -> memref<128x32xf32, #tpu.memory_space<vmem>>
    %dma_wait3A_525 = arith.constant 0 : i32
    %dma_wait3A_526 = tpu.memref_slice %arg9[%dma_wait3A_517, %dma_wait3A_518, %dma_wait3A_525] : memref<12x2x128xi32, #tpu.memory_space<vmem>> -> memref<1x1x128xi32, #tpu.memory_space<vmem>>
    %dma_wait3A_527 = tpu.memref_squeeze %dma_wait3A_526 : memref<1x1x128xi32, #tpu.memory_space<vmem>> -> memref<128xi32, #tpu.memory_space<vmem>>
    %dma_wait3A_528 = arith.constant 0 : i32
    %dma_wait3A_529 = arith.constant 0 : i32
    %dma_wait3A_530 = tpu.memref_slice %arg3[%dma_wait3A_528, %dma_wait3A_529] : memref<1000000x32xf32, #tpu.memory_space<hbm>> -> memref<1000000x32xf32, #tpu.memory_space<hbm>>
    tpu.wait_indirect_dma semaphore(%arg13 : memref<!tpu.dma_semaphore, #tpu.memory_space<semaphore_mem>>) src(%dma_wait3A_530 : memref<1000000x32xf32, #tpu.memory_space<hbm>>) dst(%dma_wait3A_524 : memref<128x32xf32, #tpu.memory_space<vmem>>)
    %dma_wait3A_531 = arith.constant 6 : i32
    %dma_wait3A_532 = arith.constant 0 : i32
    %dma_wait3A_533 = arith.constant 6 : i32
    %dma_wait3A_534 = arith.constant 0 : i32
    %dma_wait3A_535 = arith.constant 0 : i32
    %dma_wait3A_536 = arith.constant 0 : i32
    %dma_wait3A_537 = tpu.memref_slice %arg10[%dma_wait3A_533, %dma_wait3A_534, %dma_wait3A_535, %dma_wait3A_536] : memref<12x2x128x32xf32, #tpu.memory_space<vmem>> -> memref<1x1x128x32xf32, #tpu.memory_space<vmem>>
    %dma_wait3A_538 = tpu.memref_squeeze %dma_wait3A_537 : memref<1x1x128x32xf32, #tpu.memory_space<vmem>> -> memref<128x32xf32, #tpu.memory_space<vmem>>
    %dma_wait3A_539 = arith.constant 0 : i32
    %dma_wait3A_540 = tpu.memref_slice %arg9[%dma_wait3A_531, %dma_wait3A_532, %dma_wait3A_539] : memref<12x2x128xi32, #tpu.memory_space<vmem>> -> memref<1x1x128xi32, #tpu.memory_space<vmem>>
    %dma_wait3A_541 = tpu.memref_squeeze %dma_wait3A_540 : memref<1x1x128xi32, #tpu.memory_space<vmem>> -> memref<128xi32, #tpu.memory_space<vmem>>
    %dma_wait3A_542 = arith.constant 0 : i32
    %dma_wait3A_543 = arith.constant 0 : i32
    %dma_wait3A_544 = tpu.memref_slice %arg4[%dma_wait3A_542, %dma_wait3A_543] : memref<1000x32xf32, #tpu.memory_space<hbm>> -> memref<1000x32xf32, #tpu.memory_space<hbm>>
    tpu.wait_indirect_dma semaphore(%arg13 : memref<!tpu.dma_semaphore, #tpu.memory_space<semaphore_mem>>) src(%dma_wait3A_544 : memref<1000x32xf32, #tpu.memory_space<hbm>>) dst(%dma_wait3A_538 : memref<128x32xf32, #tpu.memory_space<vmem>>)
    %dma_wait3A_545 = arith.constant 6 : i32
    %dma_wait3A_546 = arith.constant 1 : i32
    %dma_wait3A_547 = arith.constant 6 : i32
    %dma_wait3A_548 = arith.constant 1 : i32
    %dma_wait3A_549 = arith.constant 0 : i32
    %dma_wait3A_550 = arith.constant 0 : i32
    %dma_wait3A_551 = tpu.memref_slice %arg10[%dma_wait3A_547, %dma_wait3A_548, %dma_wait3A_549, %dma_wait3A_550] : memref<12x2x128x32xf32, #tpu.memory_space<vmem>> -> memref<1x1x128x32xf32, #tpu.memory_space<vmem>>
    %dma_wait3A_552 = tpu.memref_squeeze %dma_wait3A_551 : memref<1x1x128x32xf32, #tpu.memory_space<vmem>> -> memref<128x32xf32, #tpu.memory_space<vmem>>
    %dma_wait3A_553 = arith.constant 0 : i32
    %dma_wait3A_554 = tpu.memref_slice %arg9[%dma_wait3A_545, %dma_wait3A_546, %dma_wait3A_553] : memref<12x2x128xi32, #tpu.memory_space<vmem>> -> memref<1x1x128xi32, #tpu.memory_space<vmem>>
    %dma_wait3A_555 = tpu.memref_squeeze %dma_wait3A_554 : memref<1x1x128xi32, #tpu.memory_space<vmem>> -> memref<128xi32, #tpu.memory_space<vmem>>
    %dma_wait3A_556 = arith.constant 0 : i32
    %dma_wait3A_557 = arith.constant 0 : i32
    %dma_wait3A_558 = tpu.memref_slice %arg4[%dma_wait3A_556, %dma_wait3A_557] : memref<1000x32xf32, #tpu.memory_space<hbm>> -> memref<1000x32xf32, #tpu.memory_space<hbm>>
    tpu.wait_indirect_dma semaphore(%arg13 : memref<!tpu.dma_semaphore, #tpu.memory_space<semaphore_mem>>) src(%dma_wait3A_558 : memref<1000x32xf32, #tpu.memory_space<hbm>>) dst(%dma_wait3A_552 : memref<128x32xf32, #tpu.memory_space<vmem>>)
    %dma_wait3A_559 = arith.constant 7 : i32
    %dma_wait3A_560 = arith.constant 0 : i32
    %dma_wait3A_561 = arith.constant 7 : i32
    %dma_wait3A_562 = arith.constant 0 : i32
    %dma_wait3A_563 = arith.constant 0 : i32
    %dma_wait3A_564 = arith.constant 0 : i32
    %dma_wait3A_565 = tpu.memref_slice %arg10[%dma_wait3A_561, %dma_wait3A_562, %dma_wait3A_563, %dma_wait3A_564] : memref<12x2x128x32xf32, #tpu.memory_space<vmem>> -> memref<1x1x128x32xf32, #tpu.memory_space<vmem>>
    %dma_wait3A_566 = tpu.memref_squeeze %dma_wait3A_565 : memref<1x1x128x32xf32, #tpu.memory_space<vmem>> -> memref<128x32xf32, #tpu.memory_space<vmem>>
    %dma_wait3A_567 = arith.constant 0 : i32
    %dma_wait3A_568 = tpu.memref_slice %arg9[%dma_wait3A_559, %dma_wait3A_560, %dma_wait3A_567] : memref<12x2x128xi32, #tpu.memory_space<vmem>> -> memref<1x1x128xi32, #tpu.memory_space<vmem>>
    %dma_wait3A_569 = tpu.memref_squeeze %dma_wait3A_568 : memref<1x1x128xi32, #tpu.memory_space<vmem>> -> memref<128xi32, #tpu.memory_space<vmem>>
    %dma_wait3A_570 = arith.constant 0 : i32
    %dma_wait3A_571 = arith.constant 0 : i32
    %dma_wait3A_572 = tpu.memref_slice %arg4[%dma_wait3A_570, %dma_wait3A_571] : memref<1000x32xf32, #tpu.memory_space<hbm>> -> memref<1000x32xf32, #tpu.memory_space<hbm>>
    tpu.wait_indirect_dma semaphore(%arg13 : memref<!tpu.dma_semaphore, #tpu.memory_space<semaphore_mem>>) src(%dma_wait3A_572 : memref<1000x32xf32, #tpu.memory_space<hbm>>) dst(%dma_wait3A_566 : memref<128x32xf32, #tpu.memory_space<vmem>>)
    %dma_wait3A_573 = arith.constant 7 : i32
    %dma_wait3A_574 = arith.constant 1 : i32
    %dma_wait3A_575 = arith.constant 7 : i32
    %dma_wait3A_576 = arith.constant 1 : i32
    %dma_wait3A_577 = arith.constant 0 : i32
    %dma_wait3A_578 = arith.constant 0 : i32
    %dma_wait3A_579 = tpu.memref_slice %arg10[%dma_wait3A_575, %dma_wait3A_576, %dma_wait3A_577, %dma_wait3A_578] : memref<12x2x128x32xf32, #tpu.memory_space<vmem>> -> memref<1x1x128x32xf32, #tpu.memory_space<vmem>>
    %dma_wait3A_580 = tpu.memref_squeeze %dma_wait3A_579 : memref<1x1x128x32xf32, #tpu.memory_space<vmem>> -> memref<128x32xf32, #tpu.memory_space<vmem>>
    %dma_wait3A_581 = arith.constant 0 : i32
    %dma_wait3A_582 = tpu.memref_slice %arg9[%dma_wait3A_573, %dma_wait3A_574, %dma_wait3A_581] : memref<12x2x128xi32, #tpu.memory_space<vmem>> -> memref<1x1x128xi32, #tpu.memory_space<vmem>>
    %dma_wait3A_583 = tpu.memref_squeeze %dma_wait3A_582 : memref<1x1x128xi32, #tpu.memory_space<vmem>> -> memref<128xi32, #tpu.memory_space<vmem>>
    %dma_wait3A_584 = arith.constant 0 : i32
    %dma_wait3A_585 = arith.constant 0 : i32
    %dma_wait3A_586 = tpu.memref_slice %arg4[%dma_wait3A_584, %dma_wait3A_585] : memref<1000x32xf32, #tpu.memory_space<hbm>> -> memref<1000x32xf32, #tpu.memory_space<hbm>>
    tpu.wait_indirect_dma semaphore(%arg13 : memref<!tpu.dma_semaphore, #tpu.memory_space<semaphore_mem>>) src(%dma_wait3A_586 : memref<1000x32xf32, #tpu.memory_space<hbm>>) dst(%dma_wait3A_580 : memref<128x32xf32, #tpu.memory_space<vmem>>)
    %dma_wait3A_587 = arith.constant 8 : i32
    %dma_wait3A_588 = arith.constant 0 : i32
    %dma_wait3A_589 = arith.constant 8 : i32
    %dma_wait3A_590 = arith.constant 0 : i32
    %dma_wait3A_591 = arith.constant 0 : i32
    %dma_wait3A_592 = arith.constant 0 : i32
    %dma_wait3A_593 = tpu.memref_slice %arg10[%dma_wait3A_589, %dma_wait3A_590, %dma_wait3A_591, %dma_wait3A_592] : memref<12x2x128x32xf32, #tpu.memory_space<vmem>> -> memref<1x1x128x32xf32, #tpu.memory_space<vmem>>
    %dma_wait3A_594 = tpu.memref_squeeze %dma_wait3A_593 : memref<1x1x128x32xf32, #tpu.memory_space<vmem>> -> memref<128x32xf32, #tpu.memory_space<vmem>>
    %dma_wait3A_595 = arith.constant 0 : i32
    %dma_wait3A_596 = tpu.memref_slice %arg9[%dma_wait3A_587, %dma_wait3A_588, %dma_wait3A_595] : memref<12x2x128xi32, #tpu.memory_space<vmem>> -> memref<1x1x128xi32, #tpu.memory_space<vmem>>
    %dma_wait3A_597 = tpu.memref_squeeze %dma_wait3A_596 : memref<1x1x128xi32, #tpu.memory_space<vmem>> -> memref<128xi32, #tpu.memory_space<vmem>>
    %dma_wait3A_598 = arith.constant 0 : i32
    %dma_wait3A_599 = arith.constant 0 : i32
    %dma_wait3A_600 = tpu.memref_slice %arg4[%dma_wait3A_598, %dma_wait3A_599] : memref<1000x32xf32, #tpu.memory_space<hbm>> -> memref<1000x32xf32, #tpu.memory_space<hbm>>
    tpu.wait_indirect_dma semaphore(%arg13 : memref<!tpu.dma_semaphore, #tpu.memory_space<semaphore_mem>>) src(%dma_wait3A_600 : memref<1000x32xf32, #tpu.memory_space<hbm>>) dst(%dma_wait3A_594 : memref<128x32xf32, #tpu.memory_space<vmem>>)
    %dma_wait3A_601 = arith.constant 8 : i32
    %dma_wait3A_602 = arith.constant 1 : i32
    %dma_wait3A_603 = arith.constant 8 : i32
    %dma_wait3A_604 = arith.constant 1 : i32
    %dma_wait3A_605 = arith.constant 0 : i32
    %dma_wait3A_606 = arith.constant 0 : i32
    %dma_wait3A_607 = tpu.memref_slice %arg10[%dma_wait3A_603, %dma_wait3A_604, %dma_wait3A_605, %dma_wait3A_606] : memref<12x2x128x32xf32, #tpu.memory_space<vmem>> -> memref<1x1x128x32xf32, #tpu.memory_space<vmem>>
    %dma_wait3A_608 = tpu.memref_squeeze %dma_wait3A_607 : memref<1x1x128x32xf32, #tpu.memory_space<vmem>> -> memref<128x32xf32, #tpu.memory_space<vmem>>
    %dma_wait3A_609 = arith.constant 0 : i32
    %dma_wait3A_610 = tpu.memref_slice %arg9[%dma_wait3A_601, %dma_wait3A_602, %dma_wait3A_609] : memref<12x2x128xi32, #tpu.memory_space<vmem>> -> memref<1x1x128xi32, #tpu.memory_space<vmem>>
    %dma_wait3A_611 = tpu.memref_squeeze %dma_wait3A_610 : memref<1x1x128xi32, #tpu.memory_space<vmem>> -> memref<128xi32, #tpu.memory_space<vmem>>
    %dma_wait3A_612 = arith.constant 0 : i32
    %dma_wait3A_613 = arith.constant 0 : i32
    %dma_wait3A_614 = tpu.memref_slice %arg4[%dma_wait3A_612, %dma_wait3A_613] : memref<1000x32xf32, #tpu.memory_space<hbm>> -> memref<1000x32xf32, #tpu.memory_space<hbm>>
    tpu.wait_indirect_dma semaphore(%arg13 : memref<!tpu.dma_semaphore, #tpu.memory_space<semaphore_mem>>) src(%dma_wait3A_614 : memref<1000x32xf32, #tpu.memory_space<hbm>>) dst(%dma_wait3A_608 : memref<128x32xf32, #tpu.memory_space<vmem>>)
    %dma_wait3A_615 = arith.constant 9 : i32
    %dma_wait3A_616 = arith.constant 0 : i32
    %dma_wait3A_617 = arith.constant 9 : i32
    %dma_wait3A_618 = arith.constant 0 : i32
    %dma_wait3A_619 = arith.constant 0 : i32
    %dma_wait3A_620 = arith.constant 0 : i32
    %dma_wait3A_621 = tpu.memref_slice %arg10[%dma_wait3A_617, %dma_wait3A_618, %dma_wait3A_619, %dma_wait3A_620] : memref<12x2x128x32xf32, #tpu.memory_space<vmem>> -> memref<1x1x128x32xf32, #tpu.memory_space<vmem>>
    %dma_wait3A_622 = tpu.memref_squeeze %dma_wait3A_621 : memref<1x1x128x32xf32, #tpu.memory_space<vmem>> -> memref<128x32xf32, #tpu.memory_space<vmem>>
    %dma_wait3A_623 = arith.constant 0 : i32
    %dma_wait3A_624 = tpu.memref_slice %arg9[%dma_wait3A_615, %dma_wait3A_616, %dma_wait3A_623] : memref<12x2x128xi32, #tpu.memory_space<vmem>> -> memref<1x1x128xi32, #tpu.memory_space<vmem>>
    %dma_wait3A_625 = tpu.memref_squeeze %dma_wait3A_624 : memref<1x1x128xi32, #tpu.memory_space<vmem>> -> memref<128xi32, #tpu.memory_space<vmem>>
    %dma_wait3A_626 = arith.constant 0 : i32
    %dma_wait3A_627 = arith.constant 0 : i32
    %dma_wait3A_628 = tpu.memref_slice %arg5[%dma_wait3A_626, %dma_wait3A_627] : memref<1000x32xf32, #tpu.memory_space<hbm>> -> memref<1000x32xf32, #tpu.memory_space<hbm>>
    tpu.wait_indirect_dma semaphore(%arg13 : memref<!tpu.dma_semaphore, #tpu.memory_space<semaphore_mem>>) src(%dma_wait3A_628 : memref<1000x32xf32, #tpu.memory_space<hbm>>) dst(%dma_wait3A_622 : memref<128x32xf32, #tpu.memory_space<vmem>>)
    %dma_wait3A_629 = arith.constant 9 : i32
    %dma_wait3A_630 = arith.constant 1 : i32
    %dma_wait3A_631 = arith.constant 9 : i32
    %dma_wait3A_632 = arith.constant 1 : i32
    %dma_wait3A_633 = arith.constant 0 : i32
    %dma_wait3A_634 = arith.constant 0 : i32
    %dma_wait3A_635 = tpu.memref_slice %arg10[%dma_wait3A_631, %dma_wait3A_632, %dma_wait3A_633, %dma_wait3A_634] : memref<12x2x128x32xf32, #tpu.memory_space<vmem>> -> memref<1x1x128x32xf32, #tpu.memory_space<vmem>>
    %dma_wait3A_636 = tpu.memref_squeeze %dma_wait3A_635 : memref<1x1x128x32xf32, #tpu.memory_space<vmem>> -> memref<128x32xf32, #tpu.memory_space<vmem>>
    %dma_wait3A_637 = arith.constant 0 : i32
    %dma_wait3A_638 = tpu.memref_slice %arg9[%dma_wait3A_629, %dma_wait3A_630, %dma_wait3A_637] : memref<12x2x128xi32, #tpu.memory_space<vmem>> -> memref<1x1x128xi32, #tpu.memory_space<vmem>>
    %dma_wait3A_639 = tpu.memref_squeeze %dma_wait3A_638 : memref<1x1x128xi32, #tpu.memory_space<vmem>> -> memref<128xi32, #tpu.memory_space<vmem>>
    %dma_wait3A_640 = arith.constant 0 : i32
    %dma_wait3A_641 = arith.constant 0 : i32
    %dma_wait3A_642 = tpu.memref_slice %arg5[%dma_wait3A_640, %dma_wait3A_641] : memref<1000x32xf32, #tpu.memory_space<hbm>> -> memref<1000x32xf32, #tpu.memory_space<hbm>>
    tpu.wait_indirect_dma semaphore(%arg13 : memref<!tpu.dma_semaphore, #tpu.memory_space<semaphore_mem>>) src(%dma_wait3A_642 : memref<1000x32xf32, #tpu.memory_space<hbm>>) dst(%dma_wait3A_636 : memref<128x32xf32, #tpu.memory_space<vmem>>)
    %dma_wait3A_643 = arith.constant 10 : i32
    %dma_wait3A_644 = arith.constant 0 : i32
    %dma_wait3A_645 = arith.constant 10 : i32
    %dma_wait3A_646 = arith.constant 0 : i32
    %dma_wait3A_647 = arith.constant 0 : i32
    %dma_wait3A_648 = arith.constant 0 : i32
    %dma_wait3A_649 = tpu.memref_slice %arg10[%dma_wait3A_645, %dma_wait3A_646, %dma_wait3A_647, %dma_wait3A_648] : memref<12x2x128x32xf32, #tpu.memory_space<vmem>> -> memref<1x1x128x32xf32, #tpu.memory_space<vmem>>
    %dma_wait3A_650 = tpu.memref_squeeze %dma_wait3A_649 : memref<1x1x128x32xf32, #tpu.memory_space<vmem>> -> memref<128x32xf32, #tpu.memory_space<vmem>>
    %dma_wait3A_651 = arith.constant 0 : i32
    %dma_wait3A_652 = tpu.memref_slice %arg9[%dma_wait3A_643, %dma_wait3A_644, %dma_wait3A_651] : memref<12x2x128xi32, #tpu.memory_space<vmem>> -> memref<1x1x128xi32, #tpu.memory_space<vmem>>
    %dma_wait3A_653 = tpu.memref_squeeze %dma_wait3A_652 : memref<1x1x128xi32, #tpu.memory_space<vmem>> -> memref<128xi32, #tpu.memory_space<vmem>>
    %dma_wait3A_654 = arith.constant 0 : i32
    %dma_wait3A_655 = arith.constant 0 : i32
    %dma_wait3A_656 = tpu.memref_slice %arg5[%dma_wait3A_654, %dma_wait3A_655] : memref<1000x32xf32, #tpu.memory_space<hbm>> -> memref<1000x32xf32, #tpu.memory_space<hbm>>
    tpu.wait_indirect_dma semaphore(%arg13 : memref<!tpu.dma_semaphore, #tpu.memory_space<semaphore_mem>>) src(%dma_wait3A_656 : memref<1000x32xf32, #tpu.memory_space<hbm>>) dst(%dma_wait3A_650 : memref<128x32xf32, #tpu.memory_space<vmem>>)
    %dma_wait3A_657 = arith.constant 10 : i32
    %dma_wait3A_658 = arith.constant 1 : i32
    %dma_wait3A_659 = arith.constant 10 : i32
    %dma_wait3A_660 = arith.constant 1 : i32
    %dma_wait3A_661 = arith.constant 0 : i32
    %dma_wait3A_662 = arith.constant 0 : i32
    %dma_wait3A_663 = tpu.memref_slice %arg10[%dma_wait3A_659, %dma_wait3A_660, %dma_wait3A_661, %dma_wait3A_662] : memref<12x2x128x32xf32, #tpu.memory_space<vmem>> -> memref<1x1x128x32xf32, #tpu.memory_space<vmem>>
    %dma_wait3A_664 = tpu.memref_squeeze %dma_wait3A_663 : memref<1x1x128x32xf32, #tpu.memory_space<vmem>> -> memref<128x32xf32, #tpu.memory_space<vmem>>
    %dma_wait3A_665 = arith.constant 0 : i32
    %dma_wait3A_666 = tpu.memref_slice %arg9[%dma_wait3A_657, %dma_wait3A_658, %dma_wait3A_665] : memref<12x2x128xi32, #tpu.memory_space<vmem>> -> memref<1x1x128xi32, #tpu.memory_space<vmem>>
    %dma_wait3A_667 = tpu.memref_squeeze %dma_wait3A_666 : memref<1x1x128xi32, #tpu.memory_space<vmem>> -> memref<128xi32, #tpu.memory_space<vmem>>
    %dma_wait3A_668 = arith.constant 0 : i32
    %dma_wait3A_669 = arith.constant 0 : i32
    %dma_wait3A_670 = tpu.memref_slice %arg5[%dma_wait3A_668, %dma_wait3A_669] : memref<1000x32xf32, #tpu.memory_space<hbm>> -> memref<1000x32xf32, #tpu.memory_space<hbm>>
    tpu.wait_indirect_dma semaphore(%arg13 : memref<!tpu.dma_semaphore, #tpu.memory_space<semaphore_mem>>) src(%dma_wait3A_670 : memref<1000x32xf32, #tpu.memory_space<hbm>>) dst(%dma_wait3A_664 : memref<128x32xf32, #tpu.memory_space<vmem>>)
    %dma_wait3A_671 = arith.constant 11 : i32
    %dma_wait3A_672 = arith.constant 0 : i32
    %dma_wait3A_673 = arith.constant 11 : i32
    %dma_wait3A_674 = arith.constant 0 : i32
    %dma_wait3A_675 = arith.constant 0 : i32
    %dma_wait3A_676 = arith.constant 0 : i32
    %dma_wait3A_677 = tpu.memref_slice %arg10[%dma_wait3A_673, %dma_wait3A_674, %dma_wait3A_675, %dma_wait3A_676] : memref<12x2x128x32xf32, #tpu.memory_space<vmem>> -> memref<1x1x128x32xf32, #tpu.memory_space<vmem>>
    %dma_wait3A_678 = tpu.memref_squeeze %dma_wait3A_677 : memref<1x1x128x32xf32, #tpu.memory_space<vmem>> -> memref<128x32xf32, #tpu.memory_space<vmem>>
    %dma_wait3A_679 = arith.constant 0 : i32
    %dma_wait3A_680 = tpu.memref_slice %arg9[%dma_wait3A_671, %dma_wait3A_672, %dma_wait3A_679] : memref<12x2x128xi32, #tpu.memory_space<vmem>> -> memref<1x1x128xi32, #tpu.memory_space<vmem>>
    %dma_wait3A_681 = tpu.memref_squeeze %dma_wait3A_680 : memref<1x1x128xi32, #tpu.memory_space<vmem>> -> memref<128xi32, #tpu.memory_space<vmem>>
    %dma_wait3A_682 = arith.constant 0 : i32
    %dma_wait3A_683 = arith.constant 0 : i32
    %dma_wait3A_684 = tpu.memref_slice %arg5[%dma_wait3A_682, %dma_wait3A_683] : memref<1000x32xf32, #tpu.memory_space<hbm>> -> memref<1000x32xf32, #tpu.memory_space<hbm>>
    tpu.wait_indirect_dma semaphore(%arg13 : memref<!tpu.dma_semaphore, #tpu.memory_space<semaphore_mem>>) src(%dma_wait3A_684 : memref<1000x32xf32, #tpu.memory_space<hbm>>) dst(%dma_wait3A_678 : memref<128x32xf32, #tpu.memory_space<vmem>>)
    %dma_wait3A_685 = arith.constant 11 : i32
    %dma_wait3A_686 = arith.constant 1 : i32
    %dma_wait3A_687 = arith.constant 11 : i32
    %dma_wait3A_688 = arith.constant 1 : i32
    %dma_wait3A_689 = arith.constant 0 : i32
    %dma_wait3A_690 = arith.constant 0 : i32
    %dma_wait3A_691 = tpu.memref_slice %arg10[%dma_wait3A_687, %dma_wait3A_688, %dma_wait3A_689, %dma_wait3A_690] : memref<12x2x128x32xf32, #tpu.memory_space<vmem>> -> memref<1x1x128x32xf32, #tpu.memory_space<vmem>>
    %dma_wait3A_692 = tpu.memref_squeeze %dma_wait3A_691 : memref<1x1x128x32xf32, #tpu.memory_space<vmem>> -> memref<128x32xf32, #tpu.memory_space<vmem>>
    %dma_wait3A_693 = arith.constant 0 : i32
    %dma_wait3A_694 = tpu.memref_slice %arg9[%dma_wait3A_685, %dma_wait3A_686, %dma_wait3A_693] : memref<12x2x128xi32, #tpu.memory_space<vmem>> -> memref<1x1x128xi32, #tpu.memory_space<vmem>>
    %dma_wait3A_695 = tpu.memref_squeeze %dma_wait3A_694 : memref<1x1x128xi32, #tpu.memory_space<vmem>> -> memref<128xi32, #tpu.memory_space<vmem>>
    %dma_wait3A_696 = arith.constant 0 : i32
    %dma_wait3A_697 = arith.constant 0 : i32
    %dma_wait3A_698 = tpu.memref_slice %arg5[%dma_wait3A_696, %dma_wait3A_697] : memref<1000x32xf32, #tpu.memory_space<hbm>> -> memref<1000x32xf32, #tpu.memory_space<hbm>>
    tpu.wait_indirect_dma semaphore(%arg13 : memref<!tpu.dma_semaphore, #tpu.memory_space<semaphore_mem>>) src(%dma_wait3A_698 : memref<1000x32xf32, #tpu.memory_space<hbm>>) dst(%dma_wait3A_692 : memref<128x32xf32, #tpu.memory_space<vmem>>)
    %scan3A = arith.constant 0 : i32
    %scan3A_699 = arith.constant 128 : i32
    %scan3A_700 = arith.addi %scan3A, %scan3A_699 : i32
    %scan3A_701 = arith.constant 1 : i32
    %scan3A_702 = scf.for %scan3A_1429 = %scan3A to %scan3A_700 step %scan3A_701 iter_args(%scan3A_1430 = %broadcast_in_dim3A_1) -> (vector<16xf32>)  : i32 {
      %get3A = arith.constant 0 : i32
      %get3A_1431 = arith.constant 0 : i32
      %get3A_1432 = arith.index_cast %get3A : i32 to index
      %get3A_1433 = arith.index_cast %get3A_1431 : i32 to index
      %get3A_1434 = arith.index_cast %scan3A_1429 : i32 to index
      %get3A_1435 = arith.constant 0 : index
      %get3A_1436 = tpu.vector_load %arg10[%get3A_1432, %get3A_1433, %get3A_1434, %get3A_1435] {strides = array<i32>} : memref<12x2x128x32xf32, #tpu.memory_space<vmem>>, vector<1x1x1x16xf32>,
      %get3A_1437 = vector.shape_cast %get3A_1436 : vector<1x1x1x16xf32> to vector<16xf32>
      %get3A_1438 = arith.constant 1 : i32
      %get3A_1439 = arith.constant 0 : i32
      %get3A_1440 = arith.index_cast %get3A_1438 : i32 to index
      %get3A_1441 = arith.index_cast %get3A_1439 : i32 to index
      %get3A_1442 = arith.index_cast %scan3A_1429 : i32 to index
      %get3A_1443 = arith.constant 0 : index
      %get3A_1444 = tpu.vector_load %arg10[%get3A_1440, %get3A_1441, %get3A_1442, %get3A_1443] {strides = array<i32>} : memref<12x2x128x32xf32, #tpu.memory_space<vmem>>, vector<1x1x1x16xf32>,
      %get3A_1445 = vector.shape_cast %get3A_1444 : vector<1x1x1x16xf32> to vector<16xf32>
      %get3A_1446 = arith.constant 2 : i32
      %get3A_1447 = arith.constant 0 : i32
      %get3A_1448 = arith.index_cast %get3A_1446 : i32 to index
      %get3A_1449 = arith.index_cast %get3A_1447 : i32 to index
      %get3A_1450 = arith.index_cast %scan3A_1429 : i32 to index
      %get3A_1451 = arith.constant 0 : index
      %get3A_1452 = tpu.vector_load %arg10[%get3A_1448, %get3A_1449, %get3A_1450, %get3A_1451] {strides = array<i32>} : memref<12x2x128x32xf32, #tpu.memory_space<vmem>>, vector<1x1x1x16xf32>,
      %get3A_1453 = vector.shape_cast %get3A_1452 : vector<1x1x1x16xf32> to vector<16xf32>
      %get3A_1454 = arith.constant 3 : i32
      %get3A_1455 = arith.constant 0 : i32
      %get3A_1456 = arith.index_cast %get3A_1454 : i32 to index
      %get3A_1457 = arith.index_cast %get3A_1455 : i32 to index
      %get3A_1458 = arith.index_cast %scan3A_1429 : i32 to index
      %get3A_1459 = arith.constant 0 : index
      %get3A_1460 = tpu.vector_load %arg10[%get3A_1456, %get3A_1457, %get3A_1458, %get3A_1459] {strides = array<i32>} : memref<12x2x128x32xf32, #tpu.memory_space<vmem>>, vector<1x1x1x16xf32>,
      %get3A_1461 = vector.shape_cast %get3A_1460 : vector<1x1x1x16xf32> to vector<16xf32>
      %get3A_1462 = arith.constant 4 : i32
      %get3A_1463 = arith.constant 0 : i32
      %get3A_1464 = arith.index_cast %get3A_1462 : i32 to index
      %get3A_1465 = arith.index_cast %get3A_1463 : i32 to index
      %get3A_1466 = arith.index_cast %scan3A_1429 : i32 to index
      %get3A_1467 = arith.constant 0 : index
      %get3A_1468 = tpu.vector_load %arg10[%get3A_1464, %get3A_1465, %get3A_1466, %get3A_1467] {strides = array<i32>} : memref<12x2x128x32xf32, #tpu.memory_space<vmem>>, vector<1x1x1x16xf32>,
      %get3A_1469 = vector.shape_cast %get3A_1468 : vector<1x1x1x16xf32> to vector<16xf32>
      %get3A_1470 = arith.constant 5 : i32
      %get3A_1471 = arith.constant 0 : i32
      %get3A_1472 = arith.index_cast %get3A_1470 : i32 to index
      %get3A_1473 = arith.index_cast %get3A_1471 : i32 to index
      %get3A_1474 = arith.index_cast %scan3A_1429 : i32 to index
      %get3A_1475 = arith.constant 0 : index
      %get3A_1476 = tpu.vector_load %arg10[%get3A_1472, %get3A_1473, %get3A_1474, %get3A_1475] {strides = array<i32>} : memref<12x2x128x32xf32, #tpu.memory_space<vmem>>, vector<1x1x1x16xf32>,
      %get3A_1477 = vector.shape_cast %get3A_1476 : vector<1x1x1x16xf32> to vector<16xf32>
      %get3A_1478 = arith.constant 6 : i32
      %get3A_1479 = arith.constant 0 : i32
      %get3A_1480 = arith.index_cast %get3A_1478 : i32 to index
      %get3A_1481 = arith.index_cast %get3A_1479 : i32 to index
      %get3A_1482 = arith.index_cast %scan3A_1429 : i32 to index
      %get3A_1483 = arith.constant 0 : index
      %get3A_1484 = tpu.vector_load %arg10[%get3A_1480, %get3A_1481, %get3A_1482, %get3A_1483] {strides = array<i32>} : memref<12x2x128x32xf32, #tpu.memory_space<vmem>>, vector<1x1x1x16xf32>,
      %get3A_1485 = vector.shape_cast %get3A_1484 : vector<1x1x1x16xf32> to vector<16xf32>
      %get3A_1486 = arith.constant 7 : i32
      %get3A_1487 = arith.constant 0 : i32
      %get3A_1488 = arith.index_cast %get3A_1486 : i32 to index
      %get3A_1489 = arith.index_cast %get3A_1487 : i32 to index
      %get3A_1490 = arith.index_cast %scan3A_1429 : i32 to index
      %get3A_1491 = arith.constant 0 : index
      %get3A_1492 = tpu.vector_load %arg10[%get3A_1488, %get3A_1489, %get3A_1490, %get3A_1491] {strides = array<i32>} : memref<12x2x128x32xf32, #tpu.memory_space<vmem>>, vector<1x1x1x16xf32>,
      %get3A_1493 = vector.shape_cast %get3A_1492 : vector<1x1x1x16xf32> to vector<16xf32>
      %get3A_1494 = arith.constant 8 : i32
      %get3A_1495 = arith.constant 0 : i32
      %get3A_1496 = arith.index_cast %get3A_1494 : i32 to index
      %get3A_1497 = arith.index_cast %get3A_1495 : i32 to index
      %get3A_1498 = arith.index_cast %scan3A_1429 : i32 to index
      %get3A_1499 = arith.constant 0 : index
      %get3A_1500 = tpu.vector_load %arg10[%get3A_1496, %get3A_1497, %get3A_1498, %get3A_1499] {strides = array<i32>} : memref<12x2x128x32xf32, #tpu.memory_space<vmem>>, vector<1x1x1x16xf32>,
      %get3A_1501 = vector.shape_cast %get3A_1500 : vector<1x1x1x16xf32> to vector<16xf32>
      %get3A_1502 = arith.constant 9 : i32
      %get3A_1503 = arith.constant 0 : i32
      %get3A_1504 = arith.index_cast %get3A_1502 : i32 to index
      %get3A_1505 = arith.index_cast %get3A_1503 : i32 to index
      %get3A_1506 = arith.index_cast %scan3A_1429 : i32 to index
      %get3A_1507 = arith.constant 0 : index
      %get3A_1508 = tpu.vector_load %arg10[%get3A_1504, %get3A_1505, %get3A_1506, %get3A_1507] {strides = array<i32>} : memref<12x2x128x32xf32, #tpu.memory_space<vmem>>, vector<1x1x1x16xf32>,
      %get3A_1509 = vector.shape_cast %get3A_1508 : vector<1x1x1x16xf32> to vector<16xf32>
      %get3A_1510 = arith.constant 10 : i32
      %get3A_1511 = arith.constant 0 : i32
      %get3A_1512 = arith.index_cast %get3A_1510 : i32 to index
      %get3A_1513 = arith.index_cast %get3A_1511 : i32 to index
      %get3A_1514 = arith.index_cast %scan3A_1429 : i32 to index
      %get3A_1515 = arith.constant 0 : index
      %get3A_1516 = tpu.vector_load %arg10[%get3A_1512, %get3A_1513, %get3A_1514, %get3A_1515] {strides = array<i32>} : memref<12x2x128x32xf32, #tpu.memory_space<vmem>>, vector<1x1x1x16xf32>,
      %get3A_1517 = vector.shape_cast %get3A_1516 : vector<1x1x1x16xf32> to vector<16xf32>
      %get3A_1518 = arith.constant 11 : i32
      %get3A_1519 = arith.constant 0 : i32
      %get3A_1520 = arith.index_cast %get3A_1518 : i32 to index
      %get3A_1521 = arith.index_cast %get3A_1519 : i32 to index
      %get3A_1522 = arith.index_cast %scan3A_1429 : i32 to index
      %get3A_1523 = arith.constant 0 : index
      %get3A_1524 = tpu.vector_load %arg10[%get3A_1520, %get3A_1521, %get3A_1522, %get3A_1523] {strides = array<i32>} : memref<12x2x128x32xf32, #tpu.memory_space<vmem>>, vector<1x1x1x16xf32>,
      %get3A_1525 = vector.shape_cast %get3A_1524 : vector<1x1x1x16xf32> to vector<16xf32>
      %get3A_1526 = arith.constant 0 : i32
      %get3A_1527 = arith.constant 0 : i32
      %get3A_1528 = arith.index_cast %get3A_1526 : i32 to index
      %get3A_1529 = arith.index_cast %get3A_1527 : i32 to index
      %get3A_1530 = arith.index_cast %scan3A_1429 : i32 to index
      %get3A_1531 = arith.constant 16 : index
      %get3A_1532 = tpu.vector_load %arg10[%get3A_1528, %get3A_1529, %get3A_1530, %get3A_1531] {strides = array<i32>} : memref<12x2x128x32xf32, #tpu.memory_space<vmem>>, vector<1x1x1x16xf32>,
      %get3A_1533 = vector.shape_cast %get3A_1532 : vector<1x1x1x16xf32> to vector<16xf32>
      %get3A_1534 = arith.constant 1 : i32
      %get3A_1535 = arith.constant 0 : i32
      %get3A_1536 = arith.index_cast %get3A_1534 : i32 to index
      %get3A_1537 = arith.index_cast %get3A_1535 : i32 to index
      %get3A_1538 = arith.index_cast %scan3A_1429 : i32 to index
      %get3A_1539 = arith.constant 16 : index
      %get3A_1540 = tpu.vector_load %arg10[%get3A_1536, %get3A_1537, %get3A_1538, %get3A_1539] {strides = array<i32>} : memref<12x2x128x32xf32, #tpu.memory_space<vmem>>, vector<1x1x1x16xf32>,
      %get3A_1541 = vector.shape_cast %get3A_1540 : vector<1x1x1x16xf32> to vector<16xf32>
      %get3A_1542 = arith.constant 2 : i32
      %get3A_1543 = arith.constant 0 : i32
      %get3A_1544 = arith.index_cast %get3A_1542 : i32 to index
      %get3A_1545 = arith.index_cast %get3A_1543 : i32 to index
      %get3A_1546 = arith.index_cast %scan3A_1429 : i32 to index
      %get3A_1547 = arith.constant 16 : index
      %get3A_1548 = tpu.vector_load %arg10[%get3A_1544, %get3A_1545, %get3A_1546, %get3A_1547] {strides = array<i32>} : memref<12x2x128x32xf32, #tpu.memory_space<vmem>>, vector<1x1x1x16xf32>,
      %get3A_1549 = vector.shape_cast %get3A_1548 : vector<1x1x1x16xf32> to vector<16xf32>
      %get3A_1550 = arith.constant 3 : i32
      %get3A_1551 = arith.constant 0 : i32
      %get3A_1552 = arith.index_cast %get3A_1550 : i32 to index
      %get3A_1553 = arith.index_cast %get3A_1551 : i32 to index
      %get3A_1554 = arith.index_cast %scan3A_1429 : i32 to index
      %get3A_1555 = arith.constant 16 : index
      %get3A_1556 = tpu.vector_load %arg10[%get3A_1552, %get3A_1553, %get3A_1554, %get3A_1555] {strides = array<i32>} : memref<12x2x128x32xf32, #tpu.memory_space<vmem>>, vector<1x1x1x16xf32>,
      %get3A_1557 = vector.shape_cast %get3A_1556 : vector<1x1x1x16xf32> to vector<16xf32>
      %get3A_1558 = arith.constant 4 : i32
      %get3A_1559 = arith.constant 0 : i32
      %get3A_1560 = arith.index_cast %get3A_1558 : i32 to index
      %get3A_1561 = arith.index_cast %get3A_1559 : i32 to index
      %get3A_1562 = arith.index_cast %scan3A_1429 : i32 to index
      %get3A_1563 = arith.constant 16 : index
      %get3A_1564 = tpu.vector_load %arg10[%get3A_1560, %get3A_1561, %get3A_1562, %get3A_1563] {strides = array<i32>} : memref<12x2x128x32xf32, #tpu.memory_space<vmem>>, vector<1x1x1x16xf32>,
      %get3A_1565 = vector.shape_cast %get3A_1564 : vector<1x1x1x16xf32> to vector<16xf32>
      %get3A_1566 = arith.constant 5 : i32
      %get3A_1567 = arith.constant 0 : i32
      %get3A_1568 = arith.index_cast %get3A_1566 : i32 to index
      %get3A_1569 = arith.index_cast %get3A_1567 : i32 to index
      %get3A_1570 = arith.index_cast %scan3A_1429 : i32 to index
      %get3A_1571 = arith.constant 16 : index
      %get3A_1572 = tpu.vector_load %arg10[%get3A_1568, %get3A_1569, %get3A_1570, %get3A_1571] {strides = array<i32>} : memref<12x2x128x32xf32, #tpu.memory_space<vmem>>, vector<1x1x1x16xf32>,
      %get3A_1573 = vector.shape_cast %get3A_1572 : vector<1x1x1x16xf32> to vector<16xf32>
      %get3A_1574 = arith.constant 6 : i32
      %get3A_1575 = arith.constant 0 : i32
      %get3A_1576 = arith.index_cast %get3A_1574 : i32 to index
      %get3A_1577 = arith.index_cast %get3A_1575 : i32 to index
      %get3A_1578 = arith.index_cast %scan3A_1429 : i32 to index
      %get3A_1579 = arith.constant 16 : index
      %get3A_1580 = tpu.vector_load %arg10[%get3A_1576, %get3A_1577, %get3A_1578, %get3A_1579] {strides = array<i32>} : memref<12x2x128x32xf32, #tpu.memory_space<vmem>>, vector<1x1x1x16xf32>,
      %get3A_1581 = vector.shape_cast %get3A_1580 : vector<1x1x1x16xf32> to vector<16xf32>
      %get3A_1582 = arith.constant 7 : i32
      %get3A_1583 = arith.constant 0 : i32
      %get3A_1584 = arith.index_cast %get3A_1582 : i32 to index
      %get3A_1585 = arith.index_cast %get3A_1583 : i32 to index
      %get3A_1586 = arith.index_cast %scan3A_1429 : i32 to index
      %get3A_1587 = arith.constant 16 : index
      %get3A_1588 = tpu.vector_load %arg10[%get3A_1584, %get3A_1585, %get3A_1586, %get3A_1587] {strides = array<i32>} : memref<12x2x128x32xf32, #tpu.memory_space<vmem>>, vector<1x1x1x16xf32>,
      %get3A_1589 = vector.shape_cast %get3A_1588 : vector<1x1x1x16xf32> to vector<16xf32>
      %get3A_1590 = arith.constant 8 : i32
      %get3A_1591 = arith.constant 0 : i32
      %get3A_1592 = arith.index_cast %get3A_1590 : i32 to index
      %get3A_1593 = arith.index_cast %get3A_1591 : i32 to index
      %get3A_1594 = arith.index_cast %scan3A_1429 : i32 to index
      %get3A_1595 = arith.constant 16 : index
      %get3A_1596 = tpu.vector_load %arg10[%get3A_1592, %get3A_1593, %get3A_1594, %get3A_1595] {strides = array<i32>} : memref<12x2x128x32xf32, #tpu.memory_space<vmem>>, vector<1x1x1x16xf32>,
      %get3A_1597 = vector.shape_cast %get3A_1596 : vector<1x1x1x16xf32> to vector<16xf32>
      %get3A_1598 = arith.constant 9 : i32
      %get3A_1599 = arith.constant 0 : i32
      %get3A_1600 = arith.index_cast %get3A_1598 : i32 to index
      %get3A_1601 = arith.index_cast %get3A_1599 : i32 to index
      %get3A_1602 = arith.index_cast %scan3A_1429 : i32 to index
      %get3A_1603 = arith.constant 16 : index
      %get3A_1604 = tpu.vector_load %arg10[%get3A_1600, %get3A_1601, %get3A_1602, %get3A_1603] {strides = array<i32>} : memref<12x2x128x32xf32, #tpu.memory_space<vmem>>, vector<1x1x1x16xf32>,
      %get3A_1605 = vector.shape_cast %get3A_1604 : vector<1x1x1x16xf32> to vector<16xf32>
      %get3A_1606 = arith.constant 10 : i32
      %get3A_1607 = arith.constant 0 : i32
      %get3A_1608 = arith.index_cast %get3A_1606 : i32 to index
      %get3A_1609 = arith.index_cast %get3A_1607 : i32 to index
      %get3A_1610 = arith.index_cast %scan3A_1429 : i32 to index
      %get3A_1611 = arith.constant 16 : index
      %get3A_1612 = tpu.vector_load %arg10[%get3A_1608, %get3A_1609, %get3A_1610, %get3A_1611] {strides = array<i32>} : memref<12x2x128x32xf32, #tpu.memory_space<vmem>>, vector<1x1x1x16xf32>,
      %get3A_1613 = vector.shape_cast %get3A_1612 : vector<1x1x1x16xf32> to vector<16xf32>
      %get3A_1614 = arith.constant 11 : i32
      %get3A_1615 = arith.constant 0 : i32
      %get3A_1616 = arith.index_cast %get3A_1614 : i32 to index
      %get3A_1617 = arith.index_cast %get3A_1615 : i32 to index
      %get3A_1618 = arith.index_cast %scan3A_1429 : i32 to index
      %get3A_1619 = arith.constant 16 : index
      %get3A_1620 = tpu.vector_load %arg10[%get3A_1616, %get3A_1617, %get3A_1618, %get3A_1619] {strides = array<i32>} : memref<12x2x128x32xf32, #tpu.memory_space<vmem>>, vector<1x1x1x16xf32>,
      %get3A_1621 = vector.shape_cast %get3A_1620 : vector<1x1x1x16xf32> to vector<16xf32>
      %add3A_1622 = arith.addf %get3A_1437, %get3A_1461 : vector<16xf32>
      %add3A_1623 = arith.addf %add3A_1622, %get3A_1485 : vector<16xf32>
      %add3A_1624 = arith.addf %add3A_1623, %get3A_1509 : vector<16xf32>
      %add3A_1625 = arith.addf %get3A_1533, %get3A_1557 : vector<16xf32>
      %add3A_1626 = arith.addf %add3A_1625, %get3A_1581 : vector<16xf32>
      %add3A_1627 = arith.addf %add3A_1626, %get3A_1605 : vector<16xf32>
      %add3A_1628 = arith.addf %get3A_1445, %get3A_1469 : vector<16xf32>
      %add3A_1629 = arith.addf %add3A_1628, %get3A_1493 : vector<16xf32>
      %add3A_1630 = arith.addf %add3A_1629, %get3A_1517 : vector<16xf32>
      %add3A_1631 = arith.addf %get3A_1541, %get3A_1565 : vector<16xf32>
      %add3A_1632 = arith.addf %add3A_1631, %get3A_1589 : vector<16xf32>
      %add3A_1633 = arith.addf %add3A_1632, %get3A_1613 : vector<16xf32>
      %add3A_1634 = arith.addf %get3A_1453, %get3A_1477 : vector<16xf32>
      %add3A_1635 = arith.addf %add3A_1634, %get3A_1501 : vector<16xf32>
      %add3A_1636 = arith.addf %add3A_1635, %get3A_1525 : vector<16xf32>
      %add3A_1637 = arith.addf %get3A_1549, %get3A_1573 : vector<16xf32>
      %add3A_1638 = arith.addf %add3A_1637, %get3A_1597 : vector<16xf32>
      %add3A_1639 = arith.addf %add3A_1638, %get3A_1621 : vector<16xf32>
      %sub3A = arith.subf %add3A_1636, %add3A_1630 : vector<16xf32>
      %mul3A_1640 = arith.mulf %add3A_1624, %sub3A : vector<16xf32>
      %sub3A_1641 = arith.subf %add3A_1639, %add3A_1633 : vector<16xf32>
      %mul3A_1642 = arith.mulf %add3A_1627, %sub3A_1641 : vector<16xf32>
      %add3A_1643 = arith.addf %mul3A_1640, %mul3A_1642 : vector<16xf32>
      %add3A_1644 = arith.constant 0 : i32
      %add3A_1645 = arith.addi %add3A_1644, %scan3A_1429 : i32
      %swap3A_1646 = arith.index_cast %add3A_1645 : i32 to index
      %swap3A_1647 = arith.constant 0 : index
      %swap3A_1648 = tpu.vector_load %arg11[%swap3A_1646, %swap3A_1647] {strides = array<i32>} : memref<512x16xf32, #tpu.memory_space<vmem>>, vector<1x16xf32>,
      %swap3A_1649 = vector.shape_cast %swap3A_1648 : vector<1x16xf32> to vector<16xf32>
      %swap3A_1650 = vector.shape_cast %add3A_1643 : vector<16xf32> to vector<1x16xf32>
      tpu.vector_store %arg11[%swap3A_1646, %swap3A_1647], %swap3A_1650 {strides = array<i32>} : memref<512x16xf32, #tpu.memory_space<vmem>>, vector<1x16xf32>,
      %mul3A_1651 = arith.mulf %get3A_1437, %get3A_1437 : vector<16xf32>
      %add3A_1652 = arith.addf %scan3A_1430, %mul3A_1651 : vector<16xf32>
      %mul3A_1653 = arith.mulf %get3A_1445, %get3A_1445 : vector<16xf32>
      %add3A_1654 = arith.addf %add3A_1652, %mul3A_1653 : vector<16xf32>
      %mul3A_1655 = arith.mulf %get3A_1453, %get3A_1453 : vector<16xf32>
      %add3A_1656 = arith.addf %add3A_1654, %mul3A_1655 : vector<16xf32>
      %mul3A_1657 = arith.mulf %get3A_1461, %get3A_1461 : vector<16xf32>
      %add3A_1658 = arith.addf %add3A_1656, %mul3A_1657 : vector<16xf32>
      %mul3A_1659 = arith.mulf %get3A_1469, %get3A_1469 : vector<16xf32>
      %add3A_1660 = arith.addf %add3A_1658, %mul3A_1659 : vector<16xf32>
      %mul3A_1661 = arith.mulf %get3A_1477, %get3A_1477 : vector<16xf32>
      %add3A_1662 = arith.addf %add3A_1660, %mul3A_1661 : vector<16xf32>
      %mul3A_1663 = arith.mulf %get3A_1485, %get3A_1485 : vector<16xf32>
      %add3A_1664 = arith.addf %add3A_1662, %mul3A_1663 : vector<16xf32>
      %mul3A_1665 = arith.mulf %get3A_1493, %get3A_1493 : vector<16xf32>
      %add3A_1666 = arith.addf %add3A_1664, %mul3A_1665 : vector<16xf32>
      %mul3A_1667 = arith.mulf %get3A_1501, %get3A_1501 : vector<16xf32>
      %add3A_1668 = arith.addf %add3A_1666, %mul3A_1667 : vector<16xf32>
      %mul3A_1669 = arith.mulf %get3A_1509, %get3A_1509 : vector<16xf32>
      %add3A_1670 = arith.addf %add3A_1668, %mul3A_1669 : vector<16xf32>
      %mul3A_1671 = arith.mulf %get3A_1517, %get3A_1517 : vector<16xf32>
      %add3A_1672 = arith.addf %add3A_1670, %mul3A_1671 : vector<16xf32>
      %mul3A_1673 = arith.mulf %get3A_1525, %get3A_1525 : vector<16xf32>
      %add3A_1674 = arith.addf %add3A_1672, %mul3A_1673 : vector<16xf32>
      %mul3A_1675 = arith.mulf %get3A_1533, %get3A_1533 : vector<16xf32>
      %add3A_1676 = arith.addf %add3A_1674, %mul3A_1675 : vector<16xf32>
      %mul3A_1677 = arith.mulf %get3A_1541, %get3A_1541 : vector<16xf32>
      %add3A_1678 = arith.addf %add3A_1676, %mul3A_1677 : vector<16xf32>
      %mul3A_1679 = arith.mulf %get3A_1549, %get3A_1549 : vector<16xf32>
      %add3A_1680 = arith.addf %add3A_1678, %mul3A_1679 : vector<16xf32>
      %mul3A_1681 = arith.mulf %get3A_1557, %get3A_1557 : vector<16xf32>
      %add3A_1682 = arith.addf %add3A_1680, %mul3A_1681 : vector<16xf32>
      %mul3A_1683 = arith.mulf %get3A_1565, %get3A_1565 : vector<16xf32>
      %add3A_1684 = arith.addf %add3A_1682, %mul3A_1683 : vector<16xf32>
      %mul3A_1685 = arith.mulf %get3A_1573, %get3A_1573 : vector<16xf32>
      %add3A_1686 = arith.addf %add3A_1684, %mul3A_1685 : vector<16xf32>
      %mul3A_1687 = arith.mulf %get3A_1581, %get3A_1581 : vector<16xf32>
      %add3A_1688 = arith.addf %add3A_1686, %mul3A_1687 : vector<16xf32>
      %mul3A_1689 = arith.mulf %get3A_1589, %get3A_1589 : vector<16xf32>
      %add3A_1690 = arith.addf %add3A_1688, %mul3A_1689 : vector<16xf32>
      %mul3A_1691 = arith.mulf %get3A_1597, %get3A_1597 : vector<16xf32>
      %add3A_1692 = arith.addf %add3A_1690, %mul3A_1691 : vector<16xf32>
      %mul3A_1693 = arith.mulf %get3A_1605, %get3A_1605 : vector<16xf32>
      %add3A_1694 = arith.addf %add3A_1692, %mul3A_1693 : vector<16xf32>
      %mul3A_1695 = arith.mulf %get3A_1613, %get3A_1613 : vector<16xf32>
      %add3A_1696 = arith.addf %add3A_1694, %mul3A_1695 : vector<16xf32>
      %mul3A_1697 = arith.mulf %get3A_1621, %get3A_1621 : vector<16xf32>
      %add3A_1698 = arith.addf %add3A_1696, %mul3A_1697 : vector<16xf32>
      scf.yield %add3A_1698 : vector<16xf32>
    }
    %scan3A_703 = arith.constant 128 : i32
    %scan3A_704 = arith.constant 0 : i32
    %scan3A_705 = arith.constant 128 : i32
    %scan3A_706 = arith.addi %scan3A_704, %scan3A_705 : i32
    %scan3A_707 = arith.constant 1 : i32
    %scan3A_708 = scf.for %scan3A_1429 = %scan3A_704 to %scan3A_706 step %scan3A_707 iter_args(%scan3A_1430 = %scan3A_702) -> (vector<16xf32>)  : i32 {
      %get3A = arith.constant 0 : i32
      %get3A_1431 = arith.constant 1 : i32
      %get3A_1432 = arith.index_cast %get3A : i32 to index
      %get3A_1433 = arith.index_cast %get3A_1431 : i32 to index
      %get3A_1434 = arith.index_cast %scan3A_1429 : i32 to index
      %get3A_1435 = arith.constant 0 : index
      %get3A_1436 = tpu.vector_load %arg10[%get3A_1432, %get3A_1433, %get3A_1434, %get3A_1435] {strides = array<i32>} : memref<12x2x128x32xf32, #tpu.memory_space<vmem>>, vector<1x1x1x16xf32>,
      %get3A_1437 = vector.shape_cast %get3A_1436 : vector<1x1x1x16xf32> to vector<16xf32>
      %get3A_1438 = arith.constant 1 : i32
      %get3A_1439 = arith.constant 1 : i32
      %get3A_1440 = arith.index_cast %get3A_1438 : i32 to index
      %get3A_1441 = arith.index_cast %get3A_1439 : i32 to index
      %get3A_1442 = arith.index_cast %scan3A_1429 : i32 to index
      %get3A_1443 = arith.constant 0 : index
      %get3A_1444 = tpu.vector_load %arg10[%get3A_1440, %get3A_1441, %get3A_1442, %get3A_1443] {strides = array<i32>} : memref<12x2x128x32xf32, #tpu.memory_space<vmem>>, vector<1x1x1x16xf32>,
      %get3A_1445 = vector.shape_cast %get3A_1444 : vector<1x1x1x16xf32> to vector<16xf32>
      %get3A_1446 = arith.constant 2 : i32
      %get3A_1447 = arith.constant 1 : i32
      %get3A_1448 = arith.index_cast %get3A_1446 : i32 to index
      %get3A_1449 = arith.index_cast %get3A_1447 : i32 to index
      %get3A_1450 = arith.index_cast %scan3A_1429 : i32 to index
      %get3A_1451 = arith.constant 0 : index
      %get3A_1452 = tpu.vector_load %arg10[%get3A_1448, %get3A_1449, %get3A_1450, %get3A_1451] {strides = array<i32>} : memref<12x2x128x32xf32, #tpu.memory_space<vmem>>, vector<1x1x1x16xf32>,
      %get3A_1453 = vector.shape_cast %get3A_1452 : vector<1x1x1x16xf32> to vector<16xf32>
      %get3A_1454 = arith.constant 3 : i32
      %get3A_1455 = arith.constant 1 : i32
      %get3A_1456 = arith.index_cast %get3A_1454 : i32 to index
      %get3A_1457 = arith.index_cast %get3A_1455 : i32 to index
      %get3A_1458 = arith.index_cast %scan3A_1429 : i32 to index
      %get3A_1459 = arith.constant 0 : index
      %get3A_1460 = tpu.vector_load %arg10[%get3A_1456, %get3A_1457, %get3A_1458, %get3A_1459] {strides = array<i32>} : memref<12x2x128x32xf32, #tpu.memory_space<vmem>>, vector<1x1x1x16xf32>,
      %get3A_1461 = vector.shape_cast %get3A_1460 : vector<1x1x1x16xf32> to vector<16xf32>
      %get3A_1462 = arith.constant 4 : i32
      %get3A_1463 = arith.constant 1 : i32
      %get3A_1464 = arith.index_cast %get3A_1462 : i32 to index
      %get3A_1465 = arith.index_cast %get3A_1463 : i32 to index
      %get3A_1466 = arith.index_cast %scan3A_1429 : i32 to index
      %get3A_1467 = arith.constant 0 : index
      %get3A_1468 = tpu.vector_load %arg10[%get3A_1464, %get3A_1465, %get3A_1466, %get3A_1467] {strides = array<i32>} : memref<12x2x128x32xf32, #tpu.memory_space<vmem>>, vector<1x1x1x16xf32>,
      %get3A_1469 = vector.shape_cast %get3A_1468 : vector<1x1x1x16xf32> to vector<16xf32>
      %get3A_1470 = arith.constant 5 : i32
      %get3A_1471 = arith.constant 1 : i32
      %get3A_1472 = arith.index_cast %get3A_1470 : i32 to index
      %get3A_1473 = arith.index_cast %get3A_1471 : i32 to index
      %get3A_1474 = arith.index_cast %scan3A_1429 : i32 to index
      %get3A_1475 = arith.constant 0 : index
      %get3A_1476 = tpu.vector_load %arg10[%get3A_1472, %get3A_1473, %get3A_1474, %get3A_1475] {strides = array<i32>} : memref<12x2x128x32xf32, #tpu.memory_space<vmem>>, vector<1x1x1x16xf32>,
      %get3A_1477 = vector.shape_cast %get3A_1476 : vector<1x1x1x16xf32> to vector<16xf32>
      %get3A_1478 = arith.constant 6 : i32
      %get3A_1479 = arith.constant 1 : i32
      %get3A_1480 = arith.index_cast %get3A_1478 : i32 to index
      %get3A_1481 = arith.index_cast %get3A_1479 : i32 to index
      %get3A_1482 = arith.index_cast %scan3A_1429 : i32 to index
      %get3A_1483 = arith.constant 0 : index
      %get3A_1484 = tpu.vector_load %arg10[%get3A_1480, %get3A_1481, %get3A_1482, %get3A_1483] {strides = array<i32>} : memref<12x2x128x32xf32, #tpu.memory_space<vmem>>, vector<1x1x1x16xf32>,
      %get3A_1485 = vector.shape_cast %get3A_1484 : vector<1x1x1x16xf32> to vector<16xf32>
      %get3A_1486 = arith.constant 7 : i32
      %get3A_1487 = arith.constant 1 : i32
      %get3A_1488 = arith.index_cast %get3A_1486 : i32 to index
      %get3A_1489 = arith.index_cast %get3A_1487 : i32 to index
      %get3A_1490 = arith.index_cast %scan3A_1429 : i32 to index
      %get3A_1491 = arith.constant 0 : index
      %get3A_1492 = tpu.vector_load %arg10[%get3A_1488, %get3A_1489, %get3A_1490, %get3A_1491] {strides = array<i32>} : memref<12x2x128x32xf32, #tpu.memory_space<vmem>>, vector<1x1x1x16xf32>,
      %get3A_1493 = vector.shape_cast %get3A_1492 : vector<1x1x1x16xf32> to vector<16xf32>
      %get3A_1494 = arith.constant 8 : i32
      %get3A_1495 = arith.constant 1 : i32
      %get3A_1496 = arith.index_cast %get3A_1494 : i32 to index
      %get3A_1497 = arith.index_cast %get3A_1495 : i32 to index
      %get3A_1498 = arith.index_cast %scan3A_1429 : i32 to index
      %get3A_1499 = arith.constant 0 : index
      %get3A_1500 = tpu.vector_load %arg10[%get3A_1496, %get3A_1497, %get3A_1498, %get3A_1499] {strides = array<i32>} : memref<12x2x128x32xf32, #tpu.memory_space<vmem>>, vector<1x1x1x16xf32>,
      %get3A_1501 = vector.shape_cast %get3A_1500 : vector<1x1x1x16xf32> to vector<16xf32>
      %get3A_1502 = arith.constant 9 : i32
      %get3A_1503 = arith.constant 1 : i32
      %get3A_1504 = arith.index_cast %get3A_1502 : i32 to index
      %get3A_1505 = arith.index_cast %get3A_1503 : i32 to index
      %get3A_1506 = arith.index_cast %scan3A_1429 : i32 to index
      %get3A_1507 = arith.constant 0 : index
      %get3A_1508 = tpu.vector_load %arg10[%get3A_1504, %get3A_1505, %get3A_1506, %get3A_1507] {strides = array<i32>} : memref<12x2x128x32xf32, #tpu.memory_space<vmem>>, vector<1x1x1x16xf32>,
      %get3A_1509 = vector.shape_cast %get3A_1508 : vector<1x1x1x16xf32> to vector<16xf32>
      %get3A_1510 = arith.constant 10 : i32
      %get3A_1511 = arith.constant 1 : i32
      %get3A_1512 = arith.index_cast %get3A_1510 : i32 to index
      %get3A_1513 = arith.index_cast %get3A_1511 : i32 to index
      %get3A_1514 = arith.index_cast %scan3A_1429 : i32 to index
      %get3A_1515 = arith.constant 0 : index
      %get3A_1516 = tpu.vector_load %arg10[%get3A_1512, %get3A_1513, %get3A_1514, %get3A_1515] {strides = array<i32>} : memref<12x2x128x32xf32, #tpu.memory_space<vmem>>, vector<1x1x1x16xf32>,
      %get3A_1517 = vector.shape_cast %get3A_1516 : vector<1x1x1x16xf32> to vector<16xf32>
      %get3A_1518 = arith.constant 11 : i32
      %get3A_1519 = arith.constant 1 : i32
      %get3A_1520 = arith.index_cast %get3A_1518 : i32 to index
      %get3A_1521 = arith.index_cast %get3A_1519 : i32 to index
      %get3A_1522 = arith.index_cast %scan3A_1429 : i32 to index
      %get3A_1523 = arith.constant 0 : index
      %get3A_1524 = tpu.vector_load %arg10[%get3A_1520, %get3A_1521, %get3A_1522, %get3A_1523] {strides = array<i32>} : memref<12x2x128x32xf32, #tpu.memory_space<vmem>>, vector<1x1x1x16xf32>,
      %get3A_1525 = vector.shape_cast %get3A_1524 : vector<1x1x1x16xf32> to vector<16xf32>
      %get3A_1526 = arith.constant 0 : i32
      %get3A_1527 = arith.constant 1 : i32
      %get3A_1528 = arith.index_cast %get3A_1526 : i32 to index
      %get3A_1529 = arith.index_cast %get3A_1527 : i32 to index
      %get3A_1530 = arith.index_cast %scan3A_1429 : i32 to index
      %get3A_1531 = arith.constant 16 : index
      %get3A_1532 = tpu.vector_load %arg10[%get3A_1528, %get3A_1529, %get3A_1530, %get3A_1531] {strides = array<i32>} : memref<12x2x128x32xf32, #tpu.memory_space<vmem>>, vector<1x1x1x16xf32>,
      %get3A_1533 = vector.shape_cast %get3A_1532 : vector<1x1x1x16xf32> to vector<16xf32>
      %get3A_1534 = arith.constant 1 : i32
      %get3A_1535 = arith.constant 1 : i32
      %get3A_1536 = arith.index_cast %get3A_1534 : i32 to index
      %get3A_1537 = arith.index_cast %get3A_1535 : i32 to index
      %get3A_1538 = arith.index_cast %scan3A_1429 : i32 to index
      %get3A_1539 = arith.constant 16 : index
      %get3A_1540 = tpu.vector_load %arg10[%get3A_1536, %get3A_1537, %get3A_1538, %get3A_1539] {strides = array<i32>} : memref<12x2x128x32xf32, #tpu.memory_space<vmem>>, vector<1x1x1x16xf32>,
      %get3A_1541 = vector.shape_cast %get3A_1540 : vector<1x1x1x16xf32> to vector<16xf32>
      %get3A_1542 = arith.constant 2 : i32
      %get3A_1543 = arith.constant 1 : i32
      %get3A_1544 = arith.index_cast %get3A_1542 : i32 to index
      %get3A_1545 = arith.index_cast %get3A_1543 : i32 to index
      %get3A_1546 = arith.index_cast %scan3A_1429 : i32 to index
      %get3A_1547 = arith.constant 16 : index
      %get3A_1548 = tpu.vector_load %arg10[%get3A_1544, %get3A_1545, %get3A_1546, %get3A_1547] {strides = array<i32>} : memref<12x2x128x32xf32, #tpu.memory_space<vmem>>, vector<1x1x1x16xf32>,
      %get3A_1549 = vector.shape_cast %get3A_1548 : vector<1x1x1x16xf32> to vector<16xf32>
      %get3A_1550 = arith.constant 3 : i32
      %get3A_1551 = arith.constant 1 : i32
      %get3A_1552 = arith.index_cast %get3A_1550 : i32 to index
      %get3A_1553 = arith.index_cast %get3A_1551 : i32 to index
      %get3A_1554 = arith.index_cast %scan3A_1429 : i32 to index
      %get3A_1555 = arith.constant 16 : index
      %get3A_1556 = tpu.vector_load %arg10[%get3A_1552, %get3A_1553, %get3A_1554, %get3A_1555] {strides = array<i32>} : memref<12x2x128x32xf32, #tpu.memory_space<vmem>>, vector<1x1x1x16xf32>,
      %get3A_1557 = vector.shape_cast %get3A_1556 : vector<1x1x1x16xf32> to vector<16xf32>
      %get3A_1558 = arith.constant 4 : i32
      %get3A_1559 = arith.constant 1 : i32
      %get3A_1560 = arith.index_cast %get3A_1558 : i32 to index
      %get3A_1561 = arith.index_cast %get3A_1559 : i32 to index
      %get3A_1562 = arith.index_cast %scan3A_1429 : i32 to index
      %get3A_1563 = arith.constant 16 : index
      %get3A_1564 = tpu.vector_load %arg10[%get3A_1560, %get3A_1561, %get3A_1562, %get3A_1563] {strides = array<i32>} : memref<12x2x128x32xf32, #tpu.memory_space<vmem>>, vector<1x1x1x16xf32>,
      %get3A_1565 = vector.shape_cast %get3A_1564 : vector<1x1x1x16xf32> to vector<16xf32>
      %get3A_1566 = arith.constant 5 : i32
      %get3A_1567 = arith.constant 1 : i32
      %get3A_1568 = arith.index_cast %get3A_1566 : i32 to index
      %get3A_1569 = arith.index_cast %get3A_1567 : i32 to index
      %get3A_1570 = arith.index_cast %scan3A_1429 : i32 to index
      %get3A_1571 = arith.constant 16 : index
      %get3A_1572 = tpu.vector_load %arg10[%get3A_1568, %get3A_1569, %get3A_1570, %get3A_1571] {strides = array<i32>} : memref<12x2x128x32xf32, #tpu.memory_space<vmem>>, vector<1x1x1x16xf32>,
      %get3A_1573 = vector.shape_cast %get3A_1572 : vector<1x1x1x16xf32> to vector<16xf32>
      %get3A_1574 = arith.constant 6 : i32
      %get3A_1575 = arith.constant 1 : i32
      %get3A_1576 = arith.index_cast %get3A_1574 : i32 to index
      %get3A_1577 = arith.index_cast %get3A_1575 : i32 to index
      %get3A_1578 = arith.index_cast %scan3A_1429 : i32 to index
      %get3A_1579 = arith.constant 16 : index
      %get3A_1580 = tpu.vector_load %arg10[%get3A_1576, %get3A_1577, %get3A_1578, %get3A_1579] {strides = array<i32>} : memref<12x2x128x32xf32, #tpu.memory_space<vmem>>, vector<1x1x1x16xf32>,
      %get3A_1581 = vector.shape_cast %get3A_1580 : vector<1x1x1x16xf32> to vector<16xf32>
      %get3A_1582 = arith.constant 7 : i32
      %get3A_1583 = arith.constant 1 : i32
      %get3A_1584 = arith.index_cast %get3A_1582 : i32 to index
      %get3A_1585 = arith.index_cast %get3A_1583 : i32 to index
      %get3A_1586 = arith.index_cast %scan3A_1429 : i32 to index
      %get3A_1587 = arith.constant 16 : index
      %get3A_1588 = tpu.vector_load %arg10[%get3A_1584, %get3A_1585, %get3A_1586, %get3A_1587] {strides = array<i32>} : memref<12x2x128x32xf32, #tpu.memory_space<vmem>>, vector<1x1x1x16xf32>,
      %get3A_1589 = vector.shape_cast %get3A_1588 : vector<1x1x1x16xf32> to vector<16xf32>
      %get3A_1590 = arith.constant 8 : i32
      %get3A_1591 = arith.constant 1 : i32
      %get3A_1592 = arith.index_cast %get3A_1590 : i32 to index
      %get3A_1593 = arith.index_cast %get3A_1591 : i32 to index
      %get3A_1594 = arith.index_cast %scan3A_1429 : i32 to index
      %get3A_1595 = arith.constant 16 : index
      %get3A_1596 = tpu.vector_load %arg10[%get3A_1592, %get3A_1593, %get3A_1594, %get3A_1595] {strides = array<i32>} : memref<12x2x128x32xf32, #tpu.memory_space<vmem>>, vector<1x1x1x16xf32>,
      %get3A_1597 = vector.shape_cast %get3A_1596 : vector<1x1x1x16xf32> to vector<16xf32>
      %get3A_1598 = arith.constant 9 : i32
      %get3A_1599 = arith.constant 1 : i32
      %get3A_1600 = arith.index_cast %get3A_1598 : i32 to index
      %get3A_1601 = arith.index_cast %get3A_1599 : i32 to index
      %get3A_1602 = arith.index_cast %scan3A_1429 : i32 to index
      %get3A_1603 = arith.constant 16 : index
      %get3A_1604 = tpu.vector_load %arg10[%get3A_1600, %get3A_1601, %get3A_1602, %get3A_1603] {strides = array<i32>} : memref<12x2x128x32xf32, #tpu.memory_space<vmem>>, vector<1x1x1x16xf32>,
      %get3A_1605 = vector.shape_cast %get3A_1604 : vector<1x1x1x16xf32> to vector<16xf32>
      %get3A_1606 = arith.constant 10 : i32
      %get3A_1607 = arith.constant 1 : i32
      %get3A_1608 = arith.index_cast %get3A_1606 : i32 to index
      %get3A_1609 = arith.index_cast %get3A_1607 : i32 to index
      %get3A_1610 = arith.index_cast %scan3A_1429 : i32 to index
      %get3A_1611 = arith.constant 16 : index
      %get3A_1612 = tpu.vector_load %arg10[%get3A_1608, %get3A_1609, %get3A_1610, %get3A_1611] {strides = array<i32>} : memref<12x2x128x32xf32, #tpu.memory_space<vmem>>, vector<1x1x1x16xf32>,
      %get3A_1613 = vector.shape_cast %get3A_1612 : vector<1x1x1x16xf32> to vector<16xf32>
      %get3A_1614 = arith.constant 11 : i32
      %get3A_1615 = arith.constant 1 : i32
      %get3A_1616 = arith.index_cast %get3A_1614 : i32 to index
      %get3A_1617 = arith.index_cast %get3A_1615 : i32 to index
      %get3A_1618 = arith.index_cast %scan3A_1429 : i32 to index
      %get3A_1619 = arith.constant 16 : index
      %get3A_1620 = tpu.vector_load %arg10[%get3A_1616, %get3A_1617, %get3A_1618, %get3A_1619] {strides = array<i32>} : memref<12x2x128x32xf32, #tpu.memory_space<vmem>>, vector<1x1x1x16xf32>,
      %get3A_1621 = vector.shape_cast %get3A_1620 : vector<1x1x1x16xf32> to vector<16xf32>
      %add3A_1622 = arith.addf %get3A_1437, %get3A_1461 : vector<16xf32>
      %add3A_1623 = arith.addf %add3A_1622, %get3A_1485 : vector<16xf32>
      %add3A_1624 = arith.addf %add3A_1623, %get3A_1509 : vector<16xf32>
      %add3A_1625 = arith.addf %get3A_1533, %get3A_1557 : vector<16xf32>
      %add3A_1626 = arith.addf %add3A_1625, %get3A_1581 : vector<16xf32>
      %add3A_1627 = arith.addf %add3A_1626, %get3A_1605 : vector<16xf32>
      %add3A_1628 = arith.addf %get3A_1445, %get3A_1469 : vector<16xf32>
      %add3A_1629 = arith.addf %add3A_1628, %get3A_1493 : vector<16xf32>
      %add3A_1630 = arith.addf %add3A_1629, %get3A_1517 : vector<16xf32>
      %add3A_1631 = arith.addf %get3A_1541, %get3A_1565 : vector<16xf32>
      %add3A_1632 = arith.addf %add3A_1631, %get3A_1589 : vector<16xf32>
      %add3A_1633 = arith.addf %add3A_1632, %get3A_1613 : vector<16xf32>
      %add3A_1634 = arith.addf %get3A_1453, %get3A_1477 : vector<16xf32>
      %add3A_1635 = arith.addf %add3A_1634, %get3A_1501 : vector<16xf32>
      %add3A_1636 = arith.addf %add3A_1635, %get3A_1525 : vector<16xf32>
      %add3A_1637 = arith.addf %get3A_1549, %get3A_1573 : vector<16xf32>
      %add3A_1638 = arith.addf %add3A_1637, %get3A_1597 : vector<16xf32>
      %add3A_1639 = arith.addf %add3A_1638, %get3A_1621 : vector<16xf32>
      %sub3A = arith.subf %add3A_1636, %add3A_1630 : vector<16xf32>
      %mul3A_1640 = arith.mulf %add3A_1624, %sub3A : vector<16xf32>
      %sub3A_1641 = arith.subf %add3A_1639, %add3A_1633 : vector<16xf32>
      %mul3A_1642 = arith.mulf %add3A_1627, %sub3A_1641 : vector<16xf32>
      %add3A_1643 = arith.addf %mul3A_1640, %mul3A_1642 : vector<16xf32>
      %add3A_1644 = arith.constant 128 : i32
      %add3A_1645 = arith.addi %add3A_1644, %scan3A_1429 : i32
      %swap3A_1646 = arith.index_cast %add3A_1645 : i32 to index
      %swap3A_1647 = arith.constant 0 : index
      %swap3A_1648 = tpu.vector_load %arg11[%swap3A_1646, %swap3A_1647] {strides = array<i32>} : memref<512x16xf32, #tpu.memory_space<vmem>>, vector<1x16xf32>,
      %swap3A_1649 = vector.shape_cast %swap3A_1648 : vector<1x16xf32> to vector<16xf32>
      %swap3A_1650 = vector.shape_cast %add3A_1643 : vector<16xf32> to vector<1x16xf32>
      tpu.vector_store %arg11[%swap3A_1646, %swap3A_1647], %swap3A_1650 {strides = array<i32>} : memref<512x16xf32, #tpu.memory_space<vmem>>, vector<1x16xf32>,
      %mul3A_1651 = arith.mulf %get3A_1437, %get3A_1437 : vector<16xf32>
      %add3A_1652 = arith.addf %scan3A_1430, %mul3A_1651 : vector<16xf32>
      %mul3A_1653 = arith.mulf %get3A_1445, %get3A_1445 : vector<16xf32>
      %add3A_1654 = arith.addf %add3A_1652, %mul3A_1653 : vector<16xf32>
      %mul3A_1655 = arith.mulf %get3A_1453, %get3A_1453 : vector<16xf32>
      %add3A_1656 = arith.addf %add3A_1654, %mul3A_1655 : vector<16xf32>
      %mul3A_1657 = arith.mulf %get3A_1461, %get3A_1461 : vector<16xf32>
      %add3A_1658 = arith.addf %add3A_1656, %mul3A_1657 : vector<16xf32>
      %mul3A_1659 = arith.mulf %get3A_1469, %get3A_1469 : vector<16xf32>
      %add3A_1660 = arith.addf %add3A_1658, %mul3A_1659 : vector<16xf32>
      %mul3A_1661 = arith.mulf %get3A_1477, %get3A_1477 : vector<16xf32>
      %add3A_1662 = arith.addf %add3A_1660, %mul3A_1661 : vector<16xf32>
      %mul3A_1663 = arith.mulf %get3A_1485, %get3A_1485 : vector<16xf32>
      %add3A_1664 = arith.addf %add3A_1662, %mul3A_1663 : vector<16xf32>
      %mul3A_1665 = arith.mulf %get3A_1493, %get3A_1493 : vector<16xf32>
      %add3A_1666 = arith.addf %add3A_1664, %mul3A_1665 : vector<16xf32>
      %mul3A_1667 = arith.mulf %get3A_1501, %get3A_1501 : vector<16xf32>
      %add3A_1668 = arith.addf %add3A_1666, %mul3A_1667 : vector<16xf32>
      %mul3A_1669 = arith.mulf %get3A_1509, %get3A_1509 : vector<16xf32>
      %add3A_1670 = arith.addf %add3A_1668, %mul3A_1669 : vector<16xf32>
      %mul3A_1671 = arith.mulf %get3A_1517, %get3A_1517 : vector<16xf32>
      %add3A_1672 = arith.addf %add3A_1670, %mul3A_1671 : vector<16xf32>
      %mul3A_1673 = arith.mulf %get3A_1525, %get3A_1525 : vector<16xf32>
      %add3A_1674 = arith.addf %add3A_1672, %mul3A_1673 : vector<16xf32>
      %mul3A_1675 = arith.mulf %get3A_1533, %get3A_1533 : vector<16xf32>
      %add3A_1676 = arith.addf %add3A_1674, %mul3A_1675 : vector<16xf32>
      %mul3A_1677 = arith.mulf %get3A_1541, %get3A_1541 : vector<16xf32>
      %add3A_1678 = arith.addf %add3A_1676, %mul3A_1677 : vector<16xf32>
      %mul3A_1679 = arith.mulf %get3A_1549, %get3A_1549 : vector<16xf32>
      %add3A_1680 = arith.addf %add3A_1678, %mul3A_1679 : vector<16xf32>
      %mul3A_1681 = arith.mulf %get3A_1557, %get3A_1557 : vector<16xf32>
      %add3A_1682 = arith.addf %add3A_1680, %mul3A_1681 : vector<16xf32>
      %mul3A_1683 = arith.mulf %get3A_1565, %get3A_1565 : vector<16xf32>
      %add3A_1684 = arith.addf %add3A_1682, %mul3A_1683 : vector<16xf32>
      %mul3A_1685 = arith.mulf %get3A_1573, %get3A_1573 : vector<16xf32>
      %add3A_1686 = arith.addf %add3A_1684, %mul3A_1685 : vector<16xf32>
      %mul3A_1687 = arith.mulf %get3A_1581, %get3A_1581 : vector<16xf32>
      %add3A_1688 = arith.addf %add3A_1686, %mul3A_1687 : vector<16xf32>
      %mul3A_1689 = arith.mulf %get3A_1589, %get3A_1589 : vector<16xf32>
      %add3A_1690 = arith.addf %add3A_1688, %mul3A_1689 : vector<16xf32>
      %mul3A_1691 = arith.mulf %get3A_1597, %get3A_1597 : vector<16xf32>
      %add3A_1692 = arith.addf %add3A_1690, %mul3A_1691 : vector<16xf32>
      %mul3A_1693 = arith.mulf %get3A_1605, %get3A_1605 : vector<16xf32>
      %add3A_1694 = arith.addf %add3A_1692, %mul3A_1693 : vector<16xf32>
      %mul3A_1695 = arith.mulf %get3A_1613, %get3A_1613 : vector<16xf32>
      %add3A_1696 = arith.addf %add3A_1694, %mul3A_1695 : vector<16xf32>
      %mul3A_1697 = arith.mulf %get3A_1621, %get3A_1621 : vector<16xf32>
      %add3A_1698 = arith.addf %add3A_1696, %mul3A_1697 : vector<16xf32>
      scf.yield %add3A_1698 : vector<16xf32>
    }
    %scan3A_709 = arith.constant 128 : i32
    %mul3A_710 = arith.constant 4 : i32
    %mul3A_711 = arith.muli %add3A, %mul3A_710 : i32
    %add3A_712 = arith.constant 2 : i32
    %add3A_713 = arith.addi %mul3A_711, %add3A_712 : i32
    %run_scoped3A_714 = arith.constant 0 : i32
    %run_scoped3A_715 = arith.constant 0 : i32
    "tpu.region"() ({
      %run_scoped3A_1429 = tpu.sem_alloc : memref<!tpu.dma_semaphore, #tpu.memory_space<semaphore_mem>>
      %dma_start3A_1430 = arith.constant 0 : i32
      %dma_start3A_1431 = arith.constant 0 : i32
      %dma_start3A_1432 = tpu.memref_slice %arg9[%run_scoped3A_715, %dma_start3A_1430, %dma_start3A_1431] : memref<12x2x128xi32, #tpu.memory_space<vmem>> -> memref<1x2x128xi32, #tpu.memory_space<vmem>>
      %dma_start3A_1433 = tpu.memref_squeeze %dma_start3A_1432 : memref<1x2x128xi32, #tpu.memory_space<vmem>> -> memref<2x128xi32, #tpu.memory_space<vmem>>
      %dma_start3A_1434 = arith.constant 0 : i32
      %dma_start3A_1435 = tpu.memref_slice %arg6[%run_scoped3A_714, %add3A_713, %dma_start3A_1434] : memref<12x128x128xi32, #tpu.memory_space<hbm>> -> memref<1x2x128xi32, #tpu.memory_space<hbm>>
      %dma_start3A_1436 = tpu.memref_squeeze %dma_start3A_1435 : memref<1x2x128xi32, #tpu.memory_space<hbm>> -> memref<2x128xi32, #tpu.memory_space<hbm>>
      %dma_start3A_1437 = arith.constant 0 : i32
      %dma_start3A_1438 = arith.constant 0 : i32
      %dma_start3A_1439 = tpu.memref_slice %arg9[%run_scoped3A_715, %dma_start3A_1437, %dma_start3A_1438] : memref<12x2x128xi32, #tpu.memory_space<vmem>> -> memref<1x2x128xi32, #tpu.memory_space<vmem>>
      %dma_start3A_1440 = tpu.memref_squeeze %dma_start3A_1439 : memref<1x2x128xi32, #tpu.memory_space<vmem>> -> memref<2x128xi32, #tpu.memory_space<vmem>>
      %dma_start3A_1441 = arith.constant 0 : i32
      %dma_start3A_1442 = tpu.memref_slice %arg6[%run_scoped3A_714, %add3A_713, %dma_start3A_1441] : memref<12x128x128xi32, #tpu.memory_space<hbm>> -> memref<1x2x128xi32, #tpu.memory_space<hbm>>
      %dma_start3A_1443 = tpu.memref_squeeze %dma_start3A_1442 : memref<1x2x128xi32, #tpu.memory_space<hbm>> -> memref<2x128xi32, #tpu.memory_space<hbm>>
      tpu.enqueue_dma source(%dma_start3A_1443 : memref<2x128xi32, #tpu.memory_space<hbm>>) target(%dma_start3A_1440 : memref<2x128xi32, #tpu.memory_space<vmem>>) target_semaphore(%run_scoped3A_1429 : memref<!tpu.dma_semaphore, #tpu.memory_space<semaphore_mem>>)
      %dma_wait3A_1444 = arith.constant 0 : i32
      %dma_wait3A_1445 = arith.constant 0 : i32
      %dma_wait3A_1446 = tpu.memref_slice %arg9[%run_scoped3A_715, %dma_wait3A_1444, %dma_wait3A_1445] : memref<12x2x128xi32, #tpu.memory_space<vmem>> -> memref<1x2x128xi32, #tpu.memory_space<vmem>>
      %dma_wait3A_1447 = tpu.memref_squeeze %dma_wait3A_1446 : memref<1x2x128xi32, #tpu.memory_space<vmem>> -> memref<2x128xi32, #tpu.memory_space<vmem>>
      %dma_wait3A_1448 = arith.constant 0 : i32
      %dma_wait3A_1449 = tpu.memref_slice %arg6[%run_scoped3A_714, %add3A_713, %dma_wait3A_1448] : memref<12x128x128xi32, #tpu.memory_space<hbm>> -> memref<1x2x128xi32, #tpu.memory_space<hbm>>
      %dma_wait3A_1450 = tpu.memref_squeeze %dma_wait3A_1449 : memref<1x2x128xi32, #tpu.memory_space<hbm>> -> memref<2x128xi32, #tpu.memory_space<hbm>>
      %dma_wait3A_1451 = arith.constant 0 : i32
      %dma_wait3A_1452 = arith.constant 0 : i32
      %dma_wait3A_1453 = tpu.memref_slice %arg9[%run_scoped3A_715, %dma_wait3A_1451, %dma_wait3A_1452] : memref<12x2x128xi32, #tpu.memory_space<vmem>> -> memref<1x2x128xi32, #tpu.memory_space<vmem>>
      %dma_wait3A_1454 = tpu.memref_squeeze %dma_wait3A_1453 : memref<1x2x128xi32, #tpu.memory_space<vmem>> -> memref<2x128xi32, #tpu.memory_space<vmem>>
      %dma_wait3A_1455 = arith.constant 0 : i32
      %dma_wait3A_1456 = tpu.memref_slice %arg6[%run_scoped3A_714, %add3A_713, %dma_wait3A_1455] : memref<12x128x128xi32, #tpu.memory_space<hbm>> -> memref<1x2x128xi32, #tpu.memory_space<hbm>>
      %dma_wait3A_1457 = tpu.memref_squeeze %dma_wait3A_1456 : memref<1x2x128xi32, #tpu.memory_space<hbm>> -> memref<2x128xi32, #tpu.memory_space<hbm>>
      tpu.wait_dma2 semaphore(%run_scoped3A_1429 : memref<!tpu.dma_semaphore, #tpu.memory_space<semaphore_mem>>) src(%dma_wait3A_1457 : memref<2x128xi32, #tpu.memory_space<hbm>>) dst(%dma_wait3A_1454 : memref<2x128xi32, #tpu.memory_space<vmem>>)
      tpu.yield
    }) : () -> ()
    %run_scoped3A_716 = arith.constant 1 : i32
    %run_scoped3A_717 = arith.constant 1 : i32
    "tpu.region"() ({
      %run_scoped3A_1429 = tpu.sem_alloc : memref<!tpu.dma_semaphore, #tpu.memory_space<semaphore_mem>>
      %dma_start3A_1430 = arith.constant 0 : i32
      %dma_start3A_1431 = arith.constant 0 : i32
      %dma_start3A_1432 = tpu.memref_slice %arg9[%run_scoped3A_717, %dma_start3A_1430, %dma_start3A_1431] : memref<12x2x128xi32, #tpu.memory_space<vmem>> -> memref<1x2x128xi32, #tpu.memory_space<vmem>>
      %dma_start3A_1433 = tpu.memref_squeeze %dma_start3A_1432 : memref<1x2x128xi32, #tpu.memory_space<vmem>> -> memref<2x128xi32, #tpu.memory_space<vmem>>
      %dma_start3A_1434 = arith.constant 0 : i32
      %dma_start3A_1435 = tpu.memref_slice %arg6[%run_scoped3A_716, %add3A_713, %dma_start3A_1434] : memref<12x128x128xi32, #tpu.memory_space<hbm>> -> memref<1x2x128xi32, #tpu.memory_space<hbm>>
      %dma_start3A_1436 = tpu.memref_squeeze %dma_start3A_1435 : memref<1x2x128xi32, #tpu.memory_space<hbm>> -> memref<2x128xi32, #tpu.memory_space<hbm>>
      %dma_start3A_1437 = arith.constant 0 : i32
      %dma_start3A_1438 = arith.constant 0 : i32
      %dma_start3A_1439 = tpu.memref_slice %arg9[%run_scoped3A_717, %dma_start3A_1437, %dma_start3A_1438] : memref<12x2x128xi32, #tpu.memory_space<vmem>> -> memref<1x2x128xi32, #tpu.memory_space<vmem>>
      %dma_start3A_1440 = tpu.memref_squeeze %dma_start3A_1439 : memref<1x2x128xi32, #tpu.memory_space<vmem>> -> memref<2x128xi32, #tpu.memory_space<vmem>>
      %dma_start3A_1441 = arith.constant 0 : i32
      %dma_start3A_1442 = tpu.memref_slice %arg6[%run_scoped3A_716, %add3A_713, %dma_start3A_1441] : memref<12x128x128xi32, #tpu.memory_space<hbm>> -> memref<1x2x128xi32, #tpu.memory_space<hbm>>
      %dma_start3A_1443 = tpu.memref_squeeze %dma_start3A_1442 : memref<1x2x128xi32, #tpu.memory_space<hbm>> -> memref<2x128xi32, #tpu.memory_space<hbm>>
      tpu.enqueue_dma source(%dma_start3A_1443 : memref<2x128xi32, #tpu.memory_space<hbm>>) target(%dma_start3A_1440 : memref<2x128xi32, #tpu.memory_space<vmem>>) target_semaphore(%run_scoped3A_1429 : memref<!tpu.dma_semaphore, #tpu.memory_space<semaphore_mem>>)
      %dma_wait3A_1444 = arith.constant 0 : i32
      %dma_wait3A_1445 = arith.constant 0 : i32
      %dma_wait3A_1446 = tpu.memref_slice %arg9[%run_scoped3A_717, %dma_wait3A_1444, %dma_wait3A_1445] : memref<12x2x128xi32, #tpu.memory_space<vmem>> -> memref<1x2x128xi32, #tpu.memory_space<vmem>>
      %dma_wait3A_1447 = tpu.memref_squeeze %dma_wait3A_1446 : memref<1x2x128xi32, #tpu.memory_space<vmem>> -> memref<2x128xi32, #tpu.memory_space<vmem>>
      %dma_wait3A_1448 = arith.constant 0 : i32
      %dma_wait3A_1449 = tpu.memref_slice %arg6[%run_scoped3A_716, %add3A_713, %dma_wait3A_1448] : memref<12x128x128xi32, #tpu.memory_space<hbm>> -> memref<1x2x128xi32, #tpu.memory_space<hbm>>
      %dma_wait3A_1450 = tpu.memref_squeeze %dma_wait3A_1449 : memref<1x2x128xi32, #tpu.memory_space<hbm>> -> memref<2x128xi32, #tpu.memory_space<hbm>>
      %dma_wait3A_1451 = arith.constant 0 : i32
      %dma_wait3A_1452 = arith.constant 0 : i32
      %dma_wait3A_1453 = tpu.memref_slice %arg9[%run_scoped3A_717, %dma_wait3A_1451, %dma_wait3A_1452] : memref<12x2x128xi32, #tpu.memory_space<vmem>> -> memref<1x2x128xi32, #tpu.memory_space<vmem>>
      %dma_wait3A_1454 = tpu.memref_squeeze %dma_wait3A_1453 : memref<1x2x128xi32, #tpu.memory_space<vmem>> -> memref<2x128xi32, #tpu.memory_space<vmem>>
      %dma_wait3A_1455 = arith.constant 0 : i32
      %dma_wait3A_1456 = tpu.memref_slice %arg6[%run_scoped3A_716, %add3A_713, %dma_wait3A_1455] : memref<12x128x128xi32, #tpu.memory_space<hbm>> -> memref<1x2x128xi32, #tpu.memory_space<hbm>>
      %dma_wait3A_1457 = tpu.memref_squeeze %dma_wait3A_1456 : memref<1x2x128xi32, #tpu.memory_space<hbm>> -> memref<2x128xi32, #tpu.memory_space<hbm>>
      tpu.wait_dma2 semaphore(%run_scoped3A_1429 : memref<!tpu.dma_semaphore, #tpu.memory_space<semaphore_mem>>) src(%dma_wait3A_1457 : memref<2x128xi32, #tpu.memory_space<hbm>>) dst(%dma_wait3A_1454 : memref<2x128xi32, #tpu.memory_space<vmem>>)
      tpu.yield
    }) : () -> ()
    %run_scoped3A_718 = arith.constant 2 : i32
    %run_scoped3A_719 = arith.constant 2 : i32
    "tpu.region"() ({
      %run_scoped3A_1429 = tpu.sem_alloc : memref<!tpu.dma_semaphore, #tpu.memory_space<semaphore_mem>>
      %dma_start3A_1430 = arith.constant 0 : i32
      %dma_start3A_1431 = arith.constant 0 : i32
      %dma_start3A_1432 = tpu.memref_slice %arg9[%run_scoped3A_719, %dma_start3A_1430, %dma_start3A_1431] : memref<12x2x128xi32, #tpu.memory_space<vmem>> -> memref<1x2x128xi32, #tpu.memory_space<vmem>>
      %dma_start3A_1433 = tpu.memref_squeeze %dma_start3A_1432 : memref<1x2x128xi32, #tpu.memory_space<vmem>> -> memref<2x128xi32, #tpu.memory_space<vmem>>
      %dma_start3A_1434 = arith.constant 0 : i32
      %dma_start3A_1435 = tpu.memref_slice %arg6[%run_scoped3A_718, %add3A_713, %dma_start3A_1434] : memref<12x128x128xi32, #tpu.memory_space<hbm>> -> memref<1x2x128xi32, #tpu.memory_space<hbm>>
      %dma_start3A_1436 = tpu.memref_squeeze %dma_start3A_1435 : memref<1x2x128xi32, #tpu.memory_space<hbm>> -> memref<2x128xi32, #tpu.memory_space<hbm>>
      %dma_start3A_1437 = arith.constant 0 : i32
      %dma_start3A_1438 = arith.constant 0 : i32
      %dma_start3A_1439 = tpu.memref_slice %arg9[%run_scoped3A_719, %dma_start3A_1437, %dma_start3A_1438] : memref<12x2x128xi32, #tpu.memory_space<vmem>> -> memref<1x2x128xi32, #tpu.memory_space<vmem>>
      %dma_start3A_1440 = tpu.memref_squeeze %dma_start3A_1439 : memref<1x2x128xi32, #tpu.memory_space<vmem>> -> memref<2x128xi32, #tpu.memory_space<vmem>>
      %dma_start3A_1441 = arith.constant 0 : i32
      %dma_start3A_1442 = tpu.memref_slice %arg6[%run_scoped3A_718, %add3A_713, %dma_start3A_1441] : memref<12x128x128xi32, #tpu.memory_space<hbm>> -> memref<1x2x128xi32, #tpu.memory_space<hbm>>
      %dma_start3A_1443 = tpu.memref_squeeze %dma_start3A_1442 : memref<1x2x128xi32, #tpu.memory_space<hbm>> -> memref<2x128xi32, #tpu.memory_space<hbm>>
      tpu.enqueue_dma source(%dma_start3A_1443 : memref<2x128xi32, #tpu.memory_space<hbm>>) target(%dma_start3A_1440 : memref<2x128xi32, #tpu.memory_space<vmem>>) target_semaphore(%run_scoped3A_1429 : memref<!tpu.dma_semaphore, #tpu.memory_space<semaphore_mem>>)
      %dma_wait3A_1444 = arith.constant 0 : i32
      %dma_wait3A_1445 = arith.constant 0 : i32
      %dma_wait3A_1446 = tpu.memref_slice %arg9[%run_scoped3A_719, %dma_wait3A_1444, %dma_wait3A_1445] : memref<12x2x128xi32, #tpu.memory_space<vmem>> -> memref<1x2x128xi32, #tpu.memory_space<vmem>>
      %dma_wait3A_1447 = tpu.memref_squeeze %dma_wait3A_1446 : memref<1x2x128xi32, #tpu.memory_space<vmem>> -> memref<2x128xi32, #tpu.memory_space<vmem>>
      %dma_wait3A_1448 = arith.constant 0 : i32
      %dma_wait3A_1449 = tpu.memref_slice %arg6[%run_scoped3A_718, %add3A_713, %dma_wait3A_1448] : memref<12x128x128xi32, #tpu.memory_space<hbm>> -> memref<1x2x128xi32, #tpu.memory_space<hbm>>
      %dma_wait3A_1450 = tpu.memref_squeeze %dma_wait3A_1449 : memref<1x2x128xi32, #tpu.memory_space<hbm>> -> memref<2x128xi32, #tpu.memory_space<hbm>>
      %dma_wait3A_1451 = arith.constant 0 : i32
      %dma_wait3A_1452 = arith.constant 0 : i32
      %dma_wait3A_1453 = tpu.memref_slice %arg9[%run_scoped3A_719, %dma_wait3A_1451, %dma_wait3A_1452] : memref<12x2x128xi32, #tpu.memory_space<vmem>> -> memref<1x2x128xi32, #tpu.memory_space<vmem>>
      %dma_wait3A_1454 = tpu.memref_squeeze %dma_wait3A_1453 : memref<1x2x128xi32, #tpu.memory_space<vmem>> -> memref<2x128xi32, #tpu.memory_space<vmem>>
      %dma_wait3A_1455 = arith.constant 0 : i32
      %dma_wait3A_1456 = tpu.memref_slice %arg6[%run_scoped3A_718, %add3A_713, %dma_wait3A_1455] : memref<12x128x128xi32, #tpu.memory_space<hbm>> -> memref<1x2x128xi32, #tpu.memory_space<hbm>>
      %dma_wait3A_1457 = tpu.memref_squeeze %dma_wait3A_1456 : memref<1x2x128xi32, #tpu.memory_space<hbm>> -> memref<2x128xi32, #tpu.memory_space<hbm>>
      tpu.wait_dma2 semaphore(%run_scoped3A_1429 : memref<!tpu.dma_semaphore, #tpu.memory_space<semaphore_mem>>) src(%dma_wait3A_1457 : memref<2x128xi32, #tpu.memory_space<hbm>>) dst(%dma_wait3A_1454 : memref<2x128xi32, #tpu.memory_space<vmem>>)
      tpu.yield
    }) : () -> ()
    %run_scoped3A_720 = arith.constant 3 : i32
    %run_scoped3A_721 = arith.constant 3 : i32
    "tpu.region"() ({
      %run_scoped3A_1429 = tpu.sem_alloc : memref<!tpu.dma_semaphore, #tpu.memory_space<semaphore_mem>>
      %dma_start3A_1430 = arith.constant 0 : i32
      %dma_start3A_1431 = arith.constant 0 : i32
      %dma_start3A_1432 = tpu.memref_slice %arg9[%run_scoped3A_721, %dma_start3A_1430, %dma_start3A_1431] : memref<12x2x128xi32, #tpu.memory_space<vmem>> -> memref<1x2x128xi32, #tpu.memory_space<vmem>>
      %dma_start3A_1433 = tpu.memref_squeeze %dma_start3A_1432 : memref<1x2x128xi32, #tpu.memory_space<vmem>> -> memref<2x128xi32, #tpu.memory_space<vmem>>
      %dma_start3A_1434 = arith.constant 0 : i32
      %dma_start3A_1435 = tpu.memref_slice %arg6[%run_scoped3A_720, %add3A_713, %dma_start3A_1434] : memref<12x128x128xi32, #tpu.memory_space<hbm>> -> memref<1x2x128xi32, #tpu.memory_space<hbm>>
      %dma_start3A_1436 = tpu.memref_squeeze %dma_start3A_1435 : memref<1x2x128xi32, #tpu.memory_space<hbm>> -> memref<2x128xi32, #tpu.memory_space<hbm>>
      %dma_start3A_1437 = arith.constant 0 : i32
      %dma_start3A_1438 = arith.constant 0 : i32
      %dma_start3A_1439 = tpu.memref_slice %arg9[%run_scoped3A_721, %dma_start3A_1437, %dma_start3A_1438] : memref<12x2x128xi32, #tpu.memory_space<vmem>> -> memref<1x2x128xi32, #tpu.memory_space<vmem>>
      %dma_start3A_1440 = tpu.memref_squeeze %dma_start3A_1439 : memref<1x2x128xi32, #tpu.memory_space<vmem>> -> memref<2x128xi32, #tpu.memory_space<vmem>>
      %dma_start3A_1441 = arith.constant 0 : i32
      %dma_start3A_1442 = tpu.memref_slice %arg6[%run_scoped3A_720, %add3A_713, %dma_start3A_1441] : memref<12x128x128xi32, #tpu.memory_space<hbm>> -> memref<1x2x128xi32, #tpu.memory_space<hbm>>
      %dma_start3A_1443 = tpu.memref_squeeze %dma_start3A_1442 : memref<1x2x128xi32, #tpu.memory_space<hbm>> -> memref<2x128xi32, #tpu.memory_space<hbm>>
      tpu.enqueue_dma source(%dma_start3A_1443 : memref<2x128xi32, #tpu.memory_space<hbm>>) target(%dma_start3A_1440 : memref<2x128xi32, #tpu.memory_space<vmem>>) target_semaphore(%run_scoped3A_1429 : memref<!tpu.dma_semaphore, #tpu.memory_space<semaphore_mem>>)
      %dma_wait3A_1444 = arith.constant 0 : i32
      %dma_wait3A_1445 = arith.constant 0 : i32
      %dma_wait3A_1446 = tpu.memref_slice %arg9[%run_scoped3A_721, %dma_wait3A_1444, %dma_wait3A_1445] : memref<12x2x128xi32, #tpu.memory_space<vmem>> -> memref<1x2x128xi32, #tpu.memory_space<vmem>>
      %dma_wait3A_1447 = tpu.memref_squeeze %dma_wait3A_1446 : memref<1x2x128xi32, #tpu.memory_space<vmem>> -> memref<2x128xi32, #tpu.memory_space<vmem>>
      %dma_wait3A_1448 = arith.constant 0 : i32
      %dma_wait3A_1449 = tpu.memref_slice %arg6[%run_scoped3A_720, %add3A_713, %dma_wait3A_1448] : memref<12x128x128xi32, #tpu.memory_space<hbm>> -> memref<1x2x128xi32, #tpu.memory_space<hbm>>
      %dma_wait3A_1450 = tpu.memref_squeeze %dma_wait3A_1449 : memref<1x2x128xi32, #tpu.memory_space<hbm>> -> memref<2x128xi32, #tpu.memory_space<hbm>>
      %dma_wait3A_1451 = arith.constant 0 : i32
      %dma_wait3A_1452 = arith.constant 0 : i32
      %dma_wait3A_1453 = tpu.memref_slice %arg9[%run_scoped3A_721, %dma_wait3A_1451, %dma_wait3A_1452] : memref<12x2x128xi32, #tpu.memory_space<vmem>> -> memref<1x2x128xi32, #tpu.memory_space<vmem>>
      %dma_wait3A_1454 = tpu.memref_squeeze %dma_wait3A_1453 : memref<1x2x128xi32, #tpu.memory_space<vmem>> -> memref<2x128xi32, #tpu.memory_space<vmem>>
      %dma_wait3A_1455 = arith.constant 0 : i32
      %dma_wait3A_1456 = tpu.memref_slice %arg6[%run_scoped3A_720, %add3A_713, %dma_wait3A_1455] : memref<12x128x128xi32, #tpu.memory_space<hbm>> -> memref<1x2x128xi32, #tpu.memory_space<hbm>>
      %dma_wait3A_1457 = tpu.memref_squeeze %dma_wait3A_1456 : memref<1x2x128xi32, #tpu.memory_space<hbm>> -> memref<2x128xi32, #tpu.memory_space<hbm>>
      tpu.wait_dma2 semaphore(%run_scoped3A_1429 : memref<!tpu.dma_semaphore, #tpu.memory_space<semaphore_mem>>) src(%dma_wait3A_1457 : memref<2x128xi32, #tpu.memory_space<hbm>>) dst(%dma_wait3A_1454 : memref<2x128xi32, #tpu.memory_space<vmem>>)
      tpu.yield
    }) : () -> ()
    %run_scoped3A_722 = arith.constant 4 : i32
    %run_scoped3A_723 = arith.constant 4 : i32
    "tpu.region"() ({
      %run_scoped3A_1429 = tpu.sem_alloc : memref<!tpu.dma_semaphore, #tpu.memory_space<semaphore_mem>>
      %dma_start3A_1430 = arith.constant 0 : i32
      %dma_start3A_1431 = arith.constant 0 : i32
      %dma_start3A_1432 = tpu.memref_slice %arg9[%run_scoped3A_723, %dma_start3A_1430, %dma_start3A_1431] : memref<12x2x128xi32, #tpu.memory_space<vmem>> -> memref<1x2x128xi32, #tpu.memory_space<vmem>>
      %dma_start3A_1433 = tpu.memref_squeeze %dma_start3A_1432 : memref<1x2x128xi32, #tpu.memory_space<vmem>> -> memref<2x128xi32, #tpu.memory_space<vmem>>
      %dma_start3A_1434 = arith.constant 0 : i32
      %dma_start3A_1435 = tpu.memref_slice %arg6[%run_scoped3A_722, %add3A_713, %dma_start3A_1434] : memref<12x128x128xi32, #tpu.memory_space<hbm>> -> memref<1x2x128xi32, #tpu.memory_space<hbm>>
      %dma_start3A_1436 = tpu.memref_squeeze %dma_start3A_1435 : memref<1x2x128xi32, #tpu.memory_space<hbm>> -> memref<2x128xi32, #tpu.memory_space<hbm>>
      %dma_start3A_1437 = arith.constant 0 : i32
      %dma_start3A_1438 = arith.constant 0 : i32
      %dma_start3A_1439 = tpu.memref_slice %arg9[%run_scoped3A_723, %dma_start3A_1437, %dma_start3A_1438] : memref<12x2x128xi32, #tpu.memory_space<vmem>> -> memref<1x2x128xi32, #tpu.memory_space<vmem>>
      %dma_start3A_1440 = tpu.memref_squeeze %dma_start3A_1439 : memref<1x2x128xi32, #tpu.memory_space<vmem>> -> memref<2x128xi32, #tpu.memory_space<vmem>>
      %dma_start3A_1441 = arith.constant 0 : i32
      %dma_start3A_1442 = tpu.memref_slice %arg6[%run_scoped3A_722, %add3A_713, %dma_start3A_1441] : memref<12x128x128xi32, #tpu.memory_space<hbm>> -> memref<1x2x128xi32, #tpu.memory_space<hbm>>
      %dma_start3A_1443 = tpu.memref_squeeze %dma_start3A_1442 : memref<1x2x128xi32, #tpu.memory_space<hbm>> -> memref<2x128xi32, #tpu.memory_space<hbm>>
      tpu.enqueue_dma source(%dma_start3A_1443 : memref<2x128xi32, #tpu.memory_space<hbm>>) target(%dma_start3A_1440 : memref<2x128xi32, #tpu.memory_space<vmem>>) target_semaphore(%run_scoped3A_1429 : memref<!tpu.dma_semaphore, #tpu.memory_space<semaphore_mem>>)
      %dma_wait3A_1444 = arith.constant 0 : i32
      %dma_wait3A_1445 = arith.constant 0 : i32
      %dma_wait3A_1446 = tpu.memref_slice %arg9[%run_scoped3A_723, %dma_wait3A_1444, %dma_wait3A_1445] : memref<12x2x128xi32, #tpu.memory_space<vmem>> -> memref<1x2x128xi32, #tpu.memory_space<vmem>>
      %dma_wait3A_1447 = tpu.memref_squeeze %dma_wait3A_1446 : memref<1x2x128xi32, #tpu.memory_space<vmem>> -> memref<2x128xi32, #tpu.memory_space<vmem>>
      %dma_wait3A_1448 = arith.constant 0 : i32
      %dma_wait3A_1449 = tpu.memref_slice %arg6[%run_scoped3A_722, %add3A_713, %dma_wait3A_1448] : memref<12x128x128xi32, #tpu.memory_space<hbm>> -> memref<1x2x128xi32, #tpu.memory_space<hbm>>
      %dma_wait3A_1450 = tpu.memref_squeeze %dma_wait3A_1449 : memref<1x2x128xi32, #tpu.memory_space<hbm>> -> memref<2x128xi32, #tpu.memory_space<hbm>>
      %dma_wait3A_1451 = arith.constant 0 : i32
      %dma_wait3A_1452 = arith.constant 0 : i32
      %dma_wait3A_1453 = tpu.memref_slice %arg9[%run_scoped3A_723, %dma_wait3A_1451, %dma_wait3A_1452] : memref<12x2x128xi32, #tpu.memory_space<vmem>> -> memref<1x2x128xi32, #tpu.memory_space<vmem>>
      %dma_wait3A_1454 = tpu.memref_squeeze %dma_wait3A_1453 : memref<1x2x128xi32, #tpu.memory_space<vmem>> -> memref<2x128xi32, #tpu.memory_space<vmem>>
      %dma_wait3A_1455 = arith.constant 0 : i32
      %dma_wait3A_1456 = tpu.memref_slice %arg6[%run_scoped3A_722, %add3A_713, %dma_wait3A_1455] : memref<12x128x128xi32, #tpu.memory_space<hbm>> -> memref<1x2x128xi32, #tpu.memory_space<hbm>>
      %dma_wait3A_1457 = tpu.memref_squeeze %dma_wait3A_1456 : memref<1x2x128xi32, #tpu.memory_space<hbm>> -> memref<2x128xi32, #tpu.memory_space<hbm>>
      tpu.wait_dma2 semaphore(%run_scoped3A_1429 : memref<!tpu.dma_semaphore, #tpu.memory_space<semaphore_mem>>) src(%dma_wait3A_1457 : memref<2x128xi32, #tpu.memory_space<hbm>>) dst(%dma_wait3A_1454 : memref<2x128xi32, #tpu.memory_space<vmem>>)
      tpu.yield
    }) : () -> ()
    %run_scoped3A_724 = arith.constant 5 : i32
    %run_scoped3A_725 = arith.constant 5 : i32
    "tpu.region"() ({
      %run_scoped3A_1429 = tpu.sem_alloc : memref<!tpu.dma_semaphore, #tpu.memory_space<semaphore_mem>>
      %dma_start3A_1430 = arith.constant 0 : i32
      %dma_start3A_1431 = arith.constant 0 : i32
      %dma_start3A_1432 = tpu.memref_slice %arg9[%run_scoped3A_725, %dma_start3A_1430, %dma_start3A_1431] : memref<12x2x128xi32, #tpu.memory_space<vmem>> -> memref<1x2x128xi32, #tpu.memory_space<vmem>>
      %dma_start3A_1433 = tpu.memref_squeeze %dma_start3A_1432 : memref<1x2x128xi32, #tpu.memory_space<vmem>> -> memref<2x128xi32, #tpu.memory_space<vmem>>
      %dma_start3A_1434 = arith.constant 0 : i32
      %dma_start3A_1435 = tpu.memref_slice %arg6[%run_scoped3A_724, %add3A_713, %dma_start3A_1434] : memref<12x128x128xi32, #tpu.memory_space<hbm>> -> memref<1x2x128xi32, #tpu.memory_space<hbm>>
      %dma_start3A_1436 = tpu.memref_squeeze %dma_start3A_1435 : memref<1x2x128xi32, #tpu.memory_space<hbm>> -> memref<2x128xi32, #tpu.memory_space<hbm>>
      %dma_start3A_1437 = arith.constant 0 : i32
      %dma_start3A_1438 = arith.constant 0 : i32
      %dma_start3A_1439 = tpu.memref_slice %arg9[%run_scoped3A_725, %dma_start3A_1437, %dma_start3A_1438] : memref<12x2x128xi32, #tpu.memory_space<vmem>> -> memref<1x2x128xi32, #tpu.memory_space<vmem>>
      %dma_start3A_1440 = tpu.memref_squeeze %dma_start3A_1439 : memref<1x2x128xi32, #tpu.memory_space<vmem>> -> memref<2x128xi32, #tpu.memory_space<vmem>>
      %dma_start3A_1441 = arith.constant 0 : i32
      %dma_start3A_1442 = tpu.memref_slice %arg6[%run_scoped3A_724, %add3A_713, %dma_start3A_1441] : memref<12x128x128xi32, #tpu.memory_space<hbm>> -> memref<1x2x128xi32, #tpu.memory_space<hbm>>
      %dma_start3A_1443 = tpu.memref_squeeze %dma_start3A_1442 : memref<1x2x128xi32, #tpu.memory_space<hbm>> -> memref<2x128xi32, #tpu.memory_space<hbm>>
      tpu.enqueue_dma source(%dma_start3A_1443 : memref<2x128xi32, #tpu.memory_space<hbm>>) target(%dma_start3A_1440 : memref<2x128xi32, #tpu.memory_space<vmem>>) target_semaphore(%run_scoped3A_1429 : memref<!tpu.dma_semaphore, #tpu.memory_space<semaphore_mem>>)
      %dma_wait3A_1444 = arith.constant 0 : i32
      %dma_wait3A_1445 = arith.constant 0 : i32
      %dma_wait3A_1446 = tpu.memref_slice %arg9[%run_scoped3A_725, %dma_wait3A_1444, %dma_wait3A_1445] : memref<12x2x128xi32, #tpu.memory_space<vmem>> -> memref<1x2x128xi32, #tpu.memory_space<vmem>>
      %dma_wait3A_1447 = tpu.memref_squeeze %dma_wait3A_1446 : memref<1x2x128xi32, #tpu.memory_space<vmem>> -> memref<2x128xi32, #tpu.memory_space<vmem>>
      %dma_wait3A_1448 = arith.constant 0 : i32
      %dma_wait3A_1449 = tpu.memref_slice %arg6[%run_scoped3A_724, %add3A_713, %dma_wait3A_1448] : memref<12x128x128xi32, #tpu.memory_space<hbm>> -> memref<1x2x128xi32, #tpu.memory_space<hbm>>
      %dma_wait3A_1450 = tpu.memref_squeeze %dma_wait3A_1449 : memref<1x2x128xi32, #tpu.memory_space<hbm>> -> memref<2x128xi32, #tpu.memory_space<hbm>>
      %dma_wait3A_1451 = arith.constant 0 : i32
      %dma_wait3A_1452 = arith.constant 0 : i32
      %dma_wait3A_1453 = tpu.memref_slice %arg9[%run_scoped3A_725, %dma_wait3A_1451, %dma_wait3A_1452] : memref<12x2x128xi32, #tpu.memory_space<vmem>> -> memref<1x2x128xi32, #tpu.memory_space<vmem>>
      %dma_wait3A_1454 = tpu.memref_squeeze %dma_wait3A_1453 : memref<1x2x128xi32, #tpu.memory_space<vmem>> -> memref<2x128xi32, #tpu.memory_space<vmem>>
      %dma_wait3A_1455 = arith.constant 0 : i32
      %dma_wait3A_1456 = tpu.memref_slice %arg6[%run_scoped3A_724, %add3A_713, %dma_wait3A_1455] : memref<12x128x128xi32, #tpu.memory_space<hbm>> -> memref<1x2x128xi32, #tpu.memory_space<hbm>>
      %dma_wait3A_1457 = tpu.memref_squeeze %dma_wait3A_1456 : memref<1x2x128xi32, #tpu.memory_space<hbm>> -> memref<2x128xi32, #tpu.memory_space<hbm>>
      tpu.wait_dma2 semaphore(%run_scoped3A_1429 : memref<!tpu.dma_semaphore, #tpu.memory_space<semaphore_mem>>) src(%dma_wait3A_1457 : memref<2x128xi32, #tpu.memory_space<hbm>>) dst(%dma_wait3A_1454 : memref<2x128xi32, #tpu.memory_space<vmem>>)
      tpu.yield
    }) : () -> ()
    %run_scoped3A_726 = arith.constant 6 : i32
    %run_scoped3A_727 = arith.constant 6 : i32
    "tpu.region"() ({
      %run_scoped3A_1429 = tpu.sem_alloc : memref<!tpu.dma_semaphore, #tpu.memory_space<semaphore_mem>>
      %dma_start3A_1430 = arith.constant 0 : i32
      %dma_start3A_1431 = arith.constant 0 : i32
      %dma_start3A_1432 = tpu.memref_slice %arg9[%run_scoped3A_727, %dma_start3A_1430, %dma_start3A_1431] : memref<12x2x128xi32, #tpu.memory_space<vmem>> -> memref<1x2x128xi32, #tpu.memory_space<vmem>>
      %dma_start3A_1433 = tpu.memref_squeeze %dma_start3A_1432 : memref<1x2x128xi32, #tpu.memory_space<vmem>> -> memref<2x128xi32, #tpu.memory_space<vmem>>
      %dma_start3A_1434 = arith.constant 0 : i32
      %dma_start3A_1435 = tpu.memref_slice %arg6[%run_scoped3A_726, %add3A_713, %dma_start3A_1434] : memref<12x128x128xi32, #tpu.memory_space<hbm>> -> memref<1x2x128xi32, #tpu.memory_space<hbm>>
      %dma_start3A_1436 = tpu.memref_squeeze %dma_start3A_1435 : memref<1x2x128xi32, #tpu.memory_space<hbm>> -> memref<2x128xi32, #tpu.memory_space<hbm>>
      %dma_start3A_1437 = arith.constant 0 : i32
      %dma_start3A_1438 = arith.constant 0 : i32
      %dma_start3A_1439 = tpu.memref_slice %arg9[%run_scoped3A_727, %dma_start3A_1437, %dma_start3A_1438] : memref<12x2x128xi32, #tpu.memory_space<vmem>> -> memref<1x2x128xi32, #tpu.memory_space<vmem>>
      %dma_start3A_1440 = tpu.memref_squeeze %dma_start3A_1439 : memref<1x2x128xi32, #tpu.memory_space<vmem>> -> memref<2x128xi32, #tpu.memory_space<vmem>>
      %dma_start3A_1441 = arith.constant 0 : i32
      %dma_start3A_1442 = tpu.memref_slice %arg6[%run_scoped3A_726, %add3A_713, %dma_start3A_1441] : memref<12x128x128xi32, #tpu.memory_space<hbm>> -> memref<1x2x128xi32, #tpu.memory_space<hbm>>
      %dma_start3A_1443 = tpu.memref_squeeze %dma_start3A_1442 : memref<1x2x128xi32, #tpu.memory_space<hbm>> -> memref<2x128xi32, #tpu.memory_space<hbm>>
      tpu.enqueue_dma source(%dma_start3A_1443 : memref<2x128xi32, #tpu.memory_space<hbm>>) target(%dma_start3A_1440 : memref<2x128xi32, #tpu.memory_space<vmem>>) target_semaphore(%run_scoped3A_1429 : memref<!tpu.dma_semaphore, #tpu.memory_space<semaphore_mem>>)
      %dma_wait3A_1444 = arith.constant 0 : i32
      %dma_wait3A_1445 = arith.constant 0 : i32
      %dma_wait3A_1446 = tpu.memref_slice %arg9[%run_scoped3A_727, %dma_wait3A_1444, %dma_wait3A_1445] : memref<12x2x128xi32, #tpu.memory_space<vmem>> -> memref<1x2x128xi32, #tpu.memory_space<vmem>>
      %dma_wait3A_1447 = tpu.memref_squeeze %dma_wait3A_1446 : memref<1x2x128xi32, #tpu.memory_space<vmem>> -> memref<2x128xi32, #tpu.memory_space<vmem>>
      %dma_wait3A_1448 = arith.constant 0 : i32
      %dma_wait3A_1449 = tpu.memref_slice %arg6[%run_scoped3A_726, %add3A_713, %dma_wait3A_1448] : memref<12x128x128xi32, #tpu.memory_space<hbm>> -> memref<1x2x128xi32, #tpu.memory_space<hbm>>
      %dma_wait3A_1450 = tpu.memref_squeeze %dma_wait3A_1449 : memref<1x2x128xi32, #tpu.memory_space<hbm>> -> memref<2x128xi32, #tpu.memory_space<hbm>>
      %dma_wait3A_1451 = arith.constant 0 : i32
      %dma_wait3A_1452 = arith.constant 0 : i32
      %dma_wait3A_1453 = tpu.memref_slice %arg9[%run_scoped3A_727, %dma_wait3A_1451, %dma_wait3A_1452] : memref<12x2x128xi32, #tpu.memory_space<vmem>> -> memref<1x2x128xi32, #tpu.memory_space<vmem>>
      %dma_wait3A_1454 = tpu.memref_squeeze %dma_wait3A_1453 : memref<1x2x128xi32, #tpu.memory_space<vmem>> -> memref<2x128xi32, #tpu.memory_space<vmem>>
      %dma_wait3A_1455 = arith.constant 0 : i32
      %dma_wait3A_1456 = tpu.memref_slice %arg6[%run_scoped3A_726, %add3A_713, %dma_wait3A_1455] : memref<12x128x128xi32, #tpu.memory_space<hbm>> -> memref<1x2x128xi32, #tpu.memory_space<hbm>>
      %dma_wait3A_1457 = tpu.memref_squeeze %dma_wait3A_1456 : memref<1x2x128xi32, #tpu.memory_space<hbm>> -> memref<2x128xi32, #tpu.memory_space<hbm>>
      tpu.wait_dma2 semaphore(%run_scoped3A_1429 : memref<!tpu.dma_semaphore, #tpu.memory_space<semaphore_mem>>) src(%dma_wait3A_1457 : memref<2x128xi32, #tpu.memory_space<hbm>>) dst(%dma_wait3A_1454 : memref<2x128xi32, #tpu.memory_space<vmem>>)
      tpu.yield
    }) : () -> ()
    %run_scoped3A_728 = arith.constant 7 : i32
    %run_scoped3A_729 = arith.constant 7 : i32
    "tpu.region"() ({
      %run_scoped3A_1429 = tpu.sem_alloc : memref<!tpu.dma_semaphore, #tpu.memory_space<semaphore_mem>>
      %dma_start3A_1430 = arith.constant 0 : i32
      %dma_start3A_1431 = arith.constant 0 : i32
      %dma_start3A_1432 = tpu.memref_slice %arg9[%run_scoped3A_729, %dma_start3A_1430, %dma_start3A_1431] : memref<12x2x128xi32, #tpu.memory_space<vmem>> -> memref<1x2x128xi32, #tpu.memory_space<vmem>>
      %dma_start3A_1433 = tpu.memref_squeeze %dma_start3A_1432 : memref<1x2x128xi32, #tpu.memory_space<vmem>> -> memref<2x128xi32, #tpu.memory_space<vmem>>
      %dma_start3A_1434 = arith.constant 0 : i32
      %dma_start3A_1435 = tpu.memref_slice %arg6[%run_scoped3A_728, %add3A_713, %dma_start3A_1434] : memref<12x128x128xi32, #tpu.memory_space<hbm>> -> memref<1x2x128xi32, #tpu.memory_space<hbm>>
      %dma_start3A_1436 = tpu.memref_squeeze %dma_start3A_1435 : memref<1x2x128xi32, #tpu.memory_space<hbm>> -> memref<2x128xi32, #tpu.memory_space<hbm>>
      %dma_start3A_1437 = arith.constant 0 : i32
      %dma_start3A_1438 = arith.constant 0 : i32
      %dma_start3A_1439 = tpu.memref_slice %arg9[%run_scoped3A_729, %dma_start3A_1437, %dma_start3A_1438] : memref<12x2x128xi32, #tpu.memory_space<vmem>> -> memref<1x2x128xi32, #tpu.memory_space<vmem>>
      %dma_start3A_1440 = tpu.memref_squeeze %dma_start3A_1439 : memref<1x2x128xi32, #tpu.memory_space<vmem>> -> memref<2x128xi32, #tpu.memory_space<vmem>>
      %dma_start3A_1441 = arith.constant 0 : i32
      %dma_start3A_1442 = tpu.memref_slice %arg6[%run_scoped3A_728, %add3A_713, %dma_start3A_1441] : memref<12x128x128xi32, #tpu.memory_space<hbm>> -> memref<1x2x128xi32, #tpu.memory_space<hbm>>
      %dma_start3A_1443 = tpu.memref_squeeze %dma_start3A_1442 : memref<1x2x128xi32, #tpu.memory_space<hbm>> -> memref<2x128xi32, #tpu.memory_space<hbm>>
      tpu.enqueue_dma source(%dma_start3A_1443 : memref<2x128xi32, #tpu.memory_space<hbm>>) target(%dma_start3A_1440 : memref<2x128xi32, #tpu.memory_space<vmem>>) target_semaphore(%run_scoped3A_1429 : memref<!tpu.dma_semaphore, #tpu.memory_space<semaphore_mem>>)
      %dma_wait3A_1444 = arith.constant 0 : i32
      %dma_wait3A_1445 = arith.constant 0 : i32
      %dma_wait3A_1446 = tpu.memref_slice %arg9[%run_scoped3A_729, %dma_wait3A_1444, %dma_wait3A_1445] : memref<12x2x128xi32, #tpu.memory_space<vmem>> -> memref<1x2x128xi32, #tpu.memory_space<vmem>>
      %dma_wait3A_1447 = tpu.memref_squeeze %dma_wait3A_1446 : memref<1x2x128xi32, #tpu.memory_space<vmem>> -> memref<2x128xi32, #tpu.memory_space<vmem>>
      %dma_wait3A_1448 = arith.constant 0 : i32
      %dma_wait3A_1449 = tpu.memref_slice %arg6[%run_scoped3A_728, %add3A_713, %dma_wait3A_1448] : memref<12x128x128xi32, #tpu.memory_space<hbm>> -> memref<1x2x128xi32, #tpu.memory_space<hbm>>
      %dma_wait3A_1450 = tpu.memref_squeeze %dma_wait3A_1449 : memref<1x2x128xi32, #tpu.memory_space<hbm>> -> memref<2x128xi32, #tpu.memory_space<hbm>>
      %dma_wait3A_1451 = arith.constant 0 : i32
      %dma_wait3A_1452 = arith.constant 0 : i32
      %dma_wait3A_1453 = tpu.memref_slice %arg9[%run_scoped3A_729, %dma_wait3A_1451, %dma_wait3A_1452] : memref<12x2x128xi32, #tpu.memory_space<vmem>> -> memref<1x2x128xi32, #tpu.memory_space<vmem>>
      %dma_wait3A_1454 = tpu.memref_squeeze %dma_wait3A_1453 : memref<1x2x128xi32, #tpu.memory_space<vmem>> -> memref<2x128xi32, #tpu.memory_space<vmem>>
      %dma_wait3A_1455 = arith.constant 0 : i32
      %dma_wait3A_1456 = tpu.memref_slice %arg6[%run_scoped3A_728, %add3A_713, %dma_wait3A_1455] : memref<12x128x128xi32, #tpu.memory_space<hbm>> -> memref<1x2x128xi32, #tpu.memory_space<hbm>>
      %dma_wait3A_1457 = tpu.memref_squeeze %dma_wait3A_1456 : memref<1x2x128xi32, #tpu.memory_space<hbm>> -> memref<2x128xi32, #tpu.memory_space<hbm>>
      tpu.wait_dma2 semaphore(%run_scoped3A_1429 : memref<!tpu.dma_semaphore, #tpu.memory_space<semaphore_mem>>) src(%dma_wait3A_1457 : memref<2x128xi32, #tpu.memory_space<hbm>>) dst(%dma_wait3A_1454 : memref<2x128xi32, #tpu.memory_space<vmem>>)
      tpu.yield
    }) : () -> ()
    %run_scoped3A_730 = arith.constant 8 : i32
    %run_scoped3A_731 = arith.constant 8 : i32
    "tpu.region"() ({
      %run_scoped3A_1429 = tpu.sem_alloc : memref<!tpu.dma_semaphore, #tpu.memory_space<semaphore_mem>>
      %dma_start3A_1430 = arith.constant 0 : i32
      %dma_start3A_1431 = arith.constant 0 : i32
      %dma_start3A_1432 = tpu.memref_slice %arg9[%run_scoped3A_731, %dma_start3A_1430, %dma_start3A_1431] : memref<12x2x128xi32, #tpu.memory_space<vmem>> -> memref<1x2x128xi32, #tpu.memory_space<vmem>>
      %dma_start3A_1433 = tpu.memref_squeeze %dma_start3A_1432 : memref<1x2x128xi32, #tpu.memory_space<vmem>> -> memref<2x128xi32, #tpu.memory_space<vmem>>
      %dma_start3A_1434 = arith.constant 0 : i32
      %dma_start3A_1435 = tpu.memref_slice %arg6[%run_scoped3A_730, %add3A_713, %dma_start3A_1434] : memref<12x128x128xi32, #tpu.memory_space<hbm>> -> memref<1x2x128xi32, #tpu.memory_space<hbm>>
      %dma_start3A_1436 = tpu.memref_squeeze %dma_start3A_1435 : memref<1x2x128xi32, #tpu.memory_space<hbm>> -> memref<2x128xi32, #tpu.memory_space<hbm>>
      %dma_start3A_1437 = arith.constant 0 : i32
      %dma_start3A_1438 = arith.constant 0 : i32
      %dma_start3A_1439 = tpu.memref_slice %arg9[%run_scoped3A_731, %dma_start3A_1437, %dma_start3A_1438] : memref<12x2x128xi32, #tpu.memory_space<vmem>> -> memref<1x2x128xi32, #tpu.memory_space<vmem>>
      %dma_start3A_1440 = tpu.memref_squeeze %dma_start3A_1439 : memref<1x2x128xi32, #tpu.memory_space<vmem>> -> memref<2x128xi32, #tpu.memory_space<vmem>>
      %dma_start3A_1441 = arith.constant 0 : i32
      %dma_start3A_1442 = tpu.memref_slice %arg6[%run_scoped3A_730, %add3A_713, %dma_start3A_1441] : memref<12x128x128xi32, #tpu.memory_space<hbm>> -> memref<1x2x128xi32, #tpu.memory_space<hbm>>
      %dma_start3A_1443 = tpu.memref_squeeze %dma_start3A_1442 : memref<1x2x128xi32, #tpu.memory_space<hbm>> -> memref<2x128xi32, #tpu.memory_space<hbm>>
      tpu.enqueue_dma source(%dma_start3A_1443 : memref<2x128xi32, #tpu.memory_space<hbm>>) target(%dma_start3A_1440 : memref<2x128xi32, #tpu.memory_space<vmem>>) target_semaphore(%run_scoped3A_1429 : memref<!tpu.dma_semaphore, #tpu.memory_space<semaphore_mem>>)
      %dma_wait3A_1444 = arith.constant 0 : i32
      %dma_wait3A_1445 = arith.constant 0 : i32
      %dma_wait3A_1446 = tpu.memref_slice %arg9[%run_scoped3A_731, %dma_wait3A_1444, %dma_wait3A_1445] : memref<12x2x128xi32, #tpu.memory_space<vmem>> -> memref<1x2x128xi32, #tpu.memory_space<vmem>>
      %dma_wait3A_1447 = tpu.memref_squeeze %dma_wait3A_1446 : memref<1x2x128xi32, #tpu.memory_space<vmem>> -> memref<2x128xi32, #tpu.memory_space<vmem>>
      %dma_wait3A_1448 = arith.constant 0 : i32
      %dma_wait3A_1449 = tpu.memref_slice %arg6[%run_scoped3A_730, %add3A_713, %dma_wait3A_1448] : memref<12x128x128xi32, #tpu.memory_space<hbm>> -> memref<1x2x128xi32, #tpu.memory_space<hbm>>
      %dma_wait3A_1450 = tpu.memref_squeeze %dma_wait3A_1449 : memref<1x2x128xi32, #tpu.memory_space<hbm>> -> memref<2x128xi32, #tpu.memory_space<hbm>>
      %dma_wait3A_1451 = arith.constant 0 : i32
      %dma_wait3A_1452 = arith.constant 0 : i32
      %dma_wait3A_1453 = tpu.memref_slice %arg9[%run_scoped3A_731, %dma_wait3A_1451, %dma_wait3A_1452] : memref<12x2x128xi32, #tpu.memory_space<vmem>> -> memref<1x2x128xi32, #tpu.memory_space<vmem>>
      %dma_wait3A_1454 = tpu.memref_squeeze %dma_wait3A_1453 : memref<1x2x128xi32, #tpu.memory_space<vmem>> -> memref<2x128xi32, #tpu.memory_space<vmem>>
      %dma_wait3A_1455 = arith.constant 0 : i32
      %dma_wait3A_1456 = tpu.memref_slice %arg6[%run_scoped3A_730, %add3A_713, %dma_wait3A_1455] : memref<12x128x128xi32, #tpu.memory_space<hbm>> -> memref<1x2x128xi32, #tpu.memory_space<hbm>>
      %dma_wait3A_1457 = tpu.memref_squeeze %dma_wait3A_1456 : memref<1x2x128xi32, #tpu.memory_space<hbm>> -> memref<2x128xi32, #tpu.memory_space<hbm>>
      tpu.wait_dma2 semaphore(%run_scoped3A_1429 : memref<!tpu.dma_semaphore, #tpu.memory_space<semaphore_mem>>) src(%dma_wait3A_1457 : memref<2x128xi32, #tpu.memory_space<hbm>>) dst(%dma_wait3A_1454 : memref<2x128xi32, #tpu.memory_space<vmem>>)
      tpu.yield
    }) : () -> ()
    %run_scoped3A_732 = arith.constant 9 : i32
    %run_scoped3A_733 = arith.constant 9 : i32
    "tpu.region"() ({
      %run_scoped3A_1429 = tpu.sem_alloc : memref<!tpu.dma_semaphore, #tpu.memory_space<semaphore_mem>>
      %dma_start3A_1430 = arith.constant 0 : i32
      %dma_start3A_1431 = arith.constant 0 : i32
      %dma_start3A_1432 = tpu.memref_slice %arg9[%run_scoped3A_733, %dma_start3A_1430, %dma_start3A_1431] : memref<12x2x128xi32, #tpu.memory_space<vmem>> -> memref<1x2x128xi32, #tpu.memory_space<vmem>>
      %dma_start3A_1433 = tpu.memref_squeeze %dma_start3A_1432 : memref<1x2x128xi32, #tpu.memory_space<vmem>> -> memref<2x128xi32, #tpu.memory_space<vmem>>
      %dma_start3A_1434 = arith.constant 0 : i32
      %dma_start3A_1435 = tpu.memref_slice %arg6[%run_scoped3A_732, %add3A_713, %dma_start3A_1434] : memref<12x128x128xi32, #tpu.memory_space<hbm>> -> memref<1x2x128xi32, #tpu.memory_space<hbm>>
      %dma_start3A_1436 = tpu.memref_squeeze %dma_start3A_1435 : memref<1x2x128xi32, #tpu.memory_space<hbm>> -> memref<2x128xi32, #tpu.memory_space<hbm>>
      %dma_start3A_1437 = arith.constant 0 : i32
      %dma_start3A_1438 = arith.constant 0 : i32
      %dma_start3A_1439 = tpu.memref_slice %arg9[%run_scoped3A_733, %dma_start3A_1437, %dma_start3A_1438] : memref<12x2x128xi32, #tpu.memory_space<vmem>> -> memref<1x2x128xi32, #tpu.memory_space<vmem>>
      %dma_start3A_1440 = tpu.memref_squeeze %dma_start3A_1439 : memref<1x2x128xi32, #tpu.memory_space<vmem>> -> memref<2x128xi32, #tpu.memory_space<vmem>>
      %dma_start3A_1441 = arith.constant 0 : i32
      %dma_start3A_1442 = tpu.memref_slice %arg6[%run_scoped3A_732, %add3A_713, %dma_start3A_1441] : memref<12x128x128xi32, #tpu.memory_space<hbm>> -> memref<1x2x128xi32, #tpu.memory_space<hbm>>
      %dma_start3A_1443 = tpu.memref_squeeze %dma_start3A_1442 : memref<1x2x128xi32, #tpu.memory_space<hbm>> -> memref<2x128xi32, #tpu.memory_space<hbm>>
      tpu.enqueue_dma source(%dma_start3A_1443 : memref<2x128xi32, #tpu.memory_space<hbm>>) target(%dma_start3A_1440 : memref<2x128xi32, #tpu.memory_space<vmem>>) target_semaphore(%run_scoped3A_1429 : memref<!tpu.dma_semaphore, #tpu.memory_space<semaphore_mem>>)
      %dma_wait3A_1444 = arith.constant 0 : i32
      %dma_wait3A_1445 = arith.constant 0 : i32
      %dma_wait3A_1446 = tpu.memref_slice %arg9[%run_scoped3A_733, %dma_wait3A_1444, %dma_wait3A_1445] : memref<12x2x128xi32, #tpu.memory_space<vmem>> -> memref<1x2x128xi32, #tpu.memory_space<vmem>>
      %dma_wait3A_1447 = tpu.memref_squeeze %dma_wait3A_1446 : memref<1x2x128xi32, #tpu.memory_space<vmem>> -> memref<2x128xi32, #tpu.memory_space<vmem>>
      %dma_wait3A_1448 = arith.constant 0 : i32
      %dma_wait3A_1449 = tpu.memref_slice %arg6[%run_scoped3A_732, %add3A_713, %dma_wait3A_1448] : memref<12x128x128xi32, #tpu.memory_space<hbm>> -> memref<1x2x128xi32, #tpu.memory_space<hbm>>
      %dma_wait3A_1450 = tpu.memref_squeeze %dma_wait3A_1449 : memref<1x2x128xi32, #tpu.memory_space<hbm>> -> memref<2x128xi32, #tpu.memory_space<hbm>>
      %dma_wait3A_1451 = arith.constant 0 : i32
      %dma_wait3A_1452 = arith.constant 0 : i32
      %dma_wait3A_1453 = tpu.memref_slice %arg9[%run_scoped3A_733, %dma_wait3A_1451, %dma_wait3A_1452] : memref<12x2x128xi32, #tpu.memory_space<vmem>> -> memref<1x2x128xi32, #tpu.memory_space<vmem>>
      %dma_wait3A_1454 = tpu.memref_squeeze %dma_wait3A_1453 : memref<1x2x128xi32, #tpu.memory_space<vmem>> -> memref<2x128xi32, #tpu.memory_space<vmem>>
      %dma_wait3A_1455 = arith.constant 0 : i32
      %dma_wait3A_1456 = tpu.memref_slice %arg6[%run_scoped3A_732, %add3A_713, %dma_wait3A_1455] : memref<12x128x128xi32, #tpu.memory_space<hbm>> -> memref<1x2x128xi32, #tpu.memory_space<hbm>>
      %dma_wait3A_1457 = tpu.memref_squeeze %dma_wait3A_1456 : memref<1x2x128xi32, #tpu.memory_space<hbm>> -> memref<2x128xi32, #tpu.memory_space<hbm>>
      tpu.wait_dma2 semaphore(%run_scoped3A_1429 : memref<!tpu.dma_semaphore, #tpu.memory_space<semaphore_mem>>) src(%dma_wait3A_1457 : memref<2x128xi32, #tpu.memory_space<hbm>>) dst(%dma_wait3A_1454 : memref<2x128xi32, #tpu.memory_space<vmem>>)
      tpu.yield
    }) : () -> ()
    %run_scoped3A_734 = arith.constant 10 : i32
    %run_scoped3A_735 = arith.constant 10 : i32
    "tpu.region"() ({
      %run_scoped3A_1429 = tpu.sem_alloc : memref<!tpu.dma_semaphore, #tpu.memory_space<semaphore_mem>>
      %dma_start3A_1430 = arith.constant 0 : i32
      %dma_start3A_1431 = arith.constant 0 : i32
      %dma_start3A_1432 = tpu.memref_slice %arg9[%run_scoped3A_735, %dma_start3A_1430, %dma_start3A_1431] : memref<12x2x128xi32, #tpu.memory_space<vmem>> -> memref<1x2x128xi32, #tpu.memory_space<vmem>>
      %dma_start3A_1433 = tpu.memref_squeeze %dma_start3A_1432 : memref<1x2x128xi32, #tpu.memory_space<vmem>> -> memref<2x128xi32, #tpu.memory_space<vmem>>
      %dma_start3A_1434 = arith.constant 0 : i32
      %dma_start3A_1435 = tpu.memref_slice %arg6[%run_scoped3A_734, %add3A_713, %dma_start3A_1434] : memref<12x128x128xi32, #tpu.memory_space<hbm>> -> memref<1x2x128xi32, #tpu.memory_space<hbm>>
      %dma_start3A_1436 = tpu.memref_squeeze %dma_start3A_1435 : memref<1x2x128xi32, #tpu.memory_space<hbm>> -> memref<2x128xi32, #tpu.memory_space<hbm>>
      %dma_start3A_1437 = arith.constant 0 : i32
      %dma_start3A_1438 = arith.constant 0 : i32
      %dma_start3A_1439 = tpu.memref_slice %arg9[%run_scoped3A_735, %dma_start3A_1437, %dma_start3A_1438] : memref<12x2x128xi32, #tpu.memory_space<vmem>> -> memref<1x2x128xi32, #tpu.memory_space<vmem>>
      %dma_start3A_1440 = tpu.memref_squeeze %dma_start3A_1439 : memref<1x2x128xi32, #tpu.memory_space<vmem>> -> memref<2x128xi32, #tpu.memory_space<vmem>>
      %dma_start3A_1441 = arith.constant 0 : i32
      %dma_start3A_1442 = tpu.memref_slice %arg6[%run_scoped3A_734, %add3A_713, %dma_start3A_1441] : memref<12x128x128xi32, #tpu.memory_space<hbm>> -> memref<1x2x128xi32, #tpu.memory_space<hbm>>
      %dma_start3A_1443 = tpu.memref_squeeze %dma_start3A_1442 : memref<1x2x128xi32, #tpu.memory_space<hbm>> -> memref<2x128xi32, #tpu.memory_space<hbm>>
      tpu.enqueue_dma source(%dma_start3A_1443 : memref<2x128xi32, #tpu.memory_space<hbm>>) target(%dma_start3A_1440 : memref<2x128xi32, #tpu.memory_space<vmem>>) target_semaphore(%run_scoped3A_1429 : memref<!tpu.dma_semaphore, #tpu.memory_space<semaphore_mem>>)
      %dma_wait3A_1444 = arith.constant 0 : i32
      %dma_wait3A_1445 = arith.constant 0 : i32
      %dma_wait3A_1446 = tpu.memref_slice %arg9[%run_scoped3A_735, %dma_wait3A_1444, %dma_wait3A_1445] : memref<12x2x128xi32, #tpu.memory_space<vmem>> -> memref<1x2x128xi32, #tpu.memory_space<vmem>>
      %dma_wait3A_1447 = tpu.memref_squeeze %dma_wait3A_1446 : memref<1x2x128xi32, #tpu.memory_space<vmem>> -> memref<2x128xi32, #tpu.memory_space<vmem>>
      %dma_wait3A_1448 = arith.constant 0 : i32
      %dma_wait3A_1449 = tpu.memref_slice %arg6[%run_scoped3A_734, %add3A_713, %dma_wait3A_1448] : memref<12x128x128xi32, #tpu.memory_space<hbm>> -> memref<1x2x128xi32, #tpu.memory_space<hbm>>
      %dma_wait3A_1450 = tpu.memref_squeeze %dma_wait3A_1449 : memref<1x2x128xi32, #tpu.memory_space<hbm>> -> memref<2x128xi32, #tpu.memory_space<hbm>>
      %dma_wait3A_1451 = arith.constant 0 : i32
      %dma_wait3A_1452 = arith.constant 0 : i32
      %dma_wait3A_1453 = tpu.memref_slice %arg9[%run_scoped3A_735, %dma_wait3A_1451, %dma_wait3A_1452] : memref<12x2x128xi32, #tpu.memory_space<vmem>> -> memref<1x2x128xi32, #tpu.memory_space<vmem>>
      %dma_wait3A_1454 = tpu.memref_squeeze %dma_wait3A_1453 : memref<1x2x128xi32, #tpu.memory_space<vmem>> -> memref<2x128xi32, #tpu.memory_space<vmem>>
      %dma_wait3A_1455 = arith.constant 0 : i32
      %dma_wait3A_1456 = tpu.memref_slice %arg6[%run_scoped3A_734, %add3A_713, %dma_wait3A_1455] : memref<12x128x128xi32, #tpu.memory_space<hbm>> -> memref<1x2x128xi32, #tpu.memory_space<hbm>>
      %dma_wait3A_1457 = tpu.memref_squeeze %dma_wait3A_1456 : memref<1x2x128xi32, #tpu.memory_space<hbm>> -> memref<2x128xi32, #tpu.memory_space<hbm>>
      tpu.wait_dma2 semaphore(%run_scoped3A_1429 : memref<!tpu.dma_semaphore, #tpu.memory_space<semaphore_mem>>) src(%dma_wait3A_1457 : memref<2x128xi32, #tpu.memory_space<hbm>>) dst(%dma_wait3A_1454 : memref<2x128xi32, #tpu.memory_space<vmem>>)
      tpu.yield
    }) : () -> ()
    %run_scoped3A_736 = arith.constant 11 : i32
    %run_scoped3A_737 = arith.constant 11 : i32
    "tpu.region"() ({
      %run_scoped3A_1429 = tpu.sem_alloc : memref<!tpu.dma_semaphore, #tpu.memory_space<semaphore_mem>>
      %dma_start3A_1430 = arith.constant 0 : i32
      %dma_start3A_1431 = arith.constant 0 : i32
      %dma_start3A_1432 = tpu.memref_slice %arg9[%run_scoped3A_737, %dma_start3A_1430, %dma_start3A_1431] : memref<12x2x128xi32, #tpu.memory_space<vmem>> -> memref<1x2x128xi32, #tpu.memory_space<vmem>>
      %dma_start3A_1433 = tpu.memref_squeeze %dma_start3A_1432 : memref<1x2x128xi32, #tpu.memory_space<vmem>> -> memref<2x128xi32, #tpu.memory_space<vmem>>
      %dma_start3A_1434 = arith.constant 0 : i32
      %dma_start3A_1435 = tpu.memref_slice %arg6[%run_scoped3A_736, %add3A_713, %dma_start3A_1434] : memref<12x128x128xi32, #tpu.memory_space<hbm>> -> memref<1x2x128xi32, #tpu.memory_space<hbm>>
      %dma_start3A_1436 = tpu.memref_squeeze %dma_start3A_1435 : memref<1x2x128xi32, #tpu.memory_space<hbm>> -> memref<2x128xi32, #tpu.memory_space<hbm>>
      %dma_start3A_1437 = arith.constant 0 : i32
      %dma_start3A_1438 = arith.constant 0 : i32
      %dma_start3A_1439 = tpu.memref_slice %arg9[%run_scoped3A_737, %dma_start3A_1437, %dma_start3A_1438] : memref<12x2x128xi32, #tpu.memory_space<vmem>> -> memref<1x2x128xi32, #tpu.memory_space<vmem>>
      %dma_start3A_1440 = tpu.memref_squeeze %dma_start3A_1439 : memref<1x2x128xi32, #tpu.memory_space<vmem>> -> memref<2x128xi32, #tpu.memory_space<vmem>>
      %dma_start3A_1441 = arith.constant 0 : i32
      %dma_start3A_1442 = tpu.memref_slice %arg6[%run_scoped3A_736, %add3A_713, %dma_start3A_1441] : memref<12x128x128xi32, #tpu.memory_space<hbm>> -> memref<1x2x128xi32, #tpu.memory_space<hbm>>
      %dma_start3A_1443 = tpu.memref_squeeze %dma_start3A_1442 : memref<1x2x128xi32, #tpu.memory_space<hbm>> -> memref<2x128xi32, #tpu.memory_space<hbm>>
      tpu.enqueue_dma source(%dma_start3A_1443 : memref<2x128xi32, #tpu.memory_space<hbm>>) target(%dma_start3A_1440 : memref<2x128xi32, #tpu.memory_space<vmem>>) target_semaphore(%run_scoped3A_1429 : memref<!tpu.dma_semaphore, #tpu.memory_space<semaphore_mem>>)
      %dma_wait3A_1444 = arith.constant 0 : i32
      %dma_wait3A_1445 = arith.constant 0 : i32
      %dma_wait3A_1446 = tpu.memref_slice %arg9[%run_scoped3A_737, %dma_wait3A_1444, %dma_wait3A_1445] : memref<12x2x128xi32, #tpu.memory_space<vmem>> -> memref<1x2x128xi32, #tpu.memory_space<vmem>>
      %dma_wait3A_1447 = tpu.memref_squeeze %dma_wait3A_1446 : memref<1x2x128xi32, #tpu.memory_space<vmem>> -> memref<2x128xi32, #tpu.memory_space<vmem>>
      %dma_wait3A_1448 = arith.constant 0 : i32
      %dma_wait3A_1449 = tpu.memref_slice %arg6[%run_scoped3A_736, %add3A_713, %dma_wait3A_1448] : memref<12x128x128xi32, #tpu.memory_space<hbm>> -> memref<1x2x128xi32, #tpu.memory_space<hbm>>
      %dma_wait3A_1450 = tpu.memref_squeeze %dma_wait3A_1449 : memref<1x2x128xi32, #tpu.memory_space<hbm>> -> memref<2x128xi32, #tpu.memory_space<hbm>>
      %dma_wait3A_1451 = arith.constant 0 : i32
      %dma_wait3A_1452 = arith.constant 0 : i32
      %dma_wait3A_1453 = tpu.memref_slice %arg9[%run_scoped3A_737, %dma_wait3A_1451, %dma_wait3A_1452] : memref<12x2x128xi32, #tpu.memory_space<vmem>> -> memref<1x2x128xi32, #tpu.memory_space<vmem>>
      %dma_wait3A_1454 = tpu.memref_squeeze %dma_wait3A_1453 : memref<1x2x128xi32, #tpu.memory_space<vmem>> -> memref<2x128xi32, #tpu.memory_space<vmem>>
      %dma_wait3A_1455 = arith.constant 0 : i32
      %dma_wait3A_1456 = tpu.memref_slice %arg6[%run_scoped3A_736, %add3A_713, %dma_wait3A_1455] : memref<12x128x128xi32, #tpu.memory_space<hbm>> -> memref<1x2x128xi32, #tpu.memory_space<hbm>>
      %dma_wait3A_1457 = tpu.memref_squeeze %dma_wait3A_1456 : memref<1x2x128xi32, #tpu.memory_space<hbm>> -> memref<2x128xi32, #tpu.memory_space<hbm>>
      tpu.wait_dma2 semaphore(%run_scoped3A_1429 : memref<!tpu.dma_semaphore, #tpu.memory_space<semaphore_mem>>) src(%dma_wait3A_1457 : memref<2x128xi32, #tpu.memory_space<hbm>>) dst(%dma_wait3A_1454 : memref<2x128xi32, #tpu.memory_space<vmem>>)
      tpu.yield
    }) : () -> ()
    %dma_start3A_738 = arith.constant 0 : i32
    %dma_start3A_739 = arith.constant 0 : i32
    %dma_start3A_740 = arith.constant 0 : i32
    %dma_start3A_741 = arith.constant 0 : i32
    %dma_start3A_742 = arith.constant 0 : i32
    %dma_start3A_743 = arith.constant 0 : i32
    %dma_start3A_744 = tpu.memref_slice %arg10[%dma_start3A_740, %dma_start3A_741, %dma_start3A_742, %dma_start3A_743] : memref<12x2x128x32xf32, #tpu.memory_space<vmem>> -> memref<1x1x128x32xf32, #tpu.memory_space<vmem>>
    %dma_start3A_745 = tpu.memref_squeeze %dma_start3A_744 : memref<1x1x128x32xf32, #tpu.memory_space<vmem>> -> memref<128x32xf32, #tpu.memory_space<vmem>>
    %dma_start3A_746 = arith.constant 0 : i32
    %dma_start3A_747 = tpu.memref_slice %arg9[%dma_start3A_738, %dma_start3A_739, %dma_start3A_746] : memref<12x2x128xi32, #tpu.memory_space<vmem>> -> memref<1x1x128xi32, #tpu.memory_space<vmem>>
    %dma_start3A_748 = tpu.memref_squeeze %dma_start3A_747 : memref<1x1x128xi32, #tpu.memory_space<vmem>> -> memref<128xi32, #tpu.memory_space<vmem>>
    %dma_start3A_749 = arith.constant 0 : i32
    %dma_start3A_750 = arith.constant 0 : i32
    %dma_start3A_751 = tpu.memref_slice %arg2[%dma_start3A_749, %dma_start3A_750] : memref<1000000x32xf32, #tpu.memory_space<hbm>> -> memref<1000000x32xf32, #tpu.memory_space<hbm>>
    tpu.enqueue_indirect_dma source(%dma_start3A_751 : memref<1000000x32xf32, #tpu.memory_space<hbm>>) target(%dma_start3A_745 : memref<128x32xf32, #tpu.memory_space<vmem>>) offsets(%dma_start3A_748 : memref<128xi32, #tpu.memory_space<vmem>>) semaphore(%arg13 : memref<!tpu.dma_semaphore, #tpu.memory_space<semaphore_mem>>)
    %dma_start3A_752 = arith.constant 0 : i32
    %dma_start3A_753 = arith.constant 1 : i32
    %dma_start3A_754 = arith.constant 0 : i32
    %dma_start3A_755 = arith.constant 1 : i32
    %dma_start3A_756 = arith.constant 0 : i32
    %dma_start3A_757 = arith.constant 0 : i32
    %dma_start3A_758 = tpu.memref_slice %arg10[%dma_start3A_754, %dma_start3A_755, %dma_start3A_756, %dma_start3A_757] : memref<12x2x128x32xf32, #tpu.memory_space<vmem>> -> memref<1x1x128x32xf32, #tpu.memory_space<vmem>>
    %dma_start3A_759 = tpu.memref_squeeze %dma_start3A_758 : memref<1x1x128x32xf32, #tpu.memory_space<vmem>> -> memref<128x32xf32, #tpu.memory_space<vmem>>
    %dma_start3A_760 = arith.constant 0 : i32
    %dma_start3A_761 = tpu.memref_slice %arg9[%dma_start3A_752, %dma_start3A_753, %dma_start3A_760] : memref<12x2x128xi32, #tpu.memory_space<vmem>> -> memref<1x1x128xi32, #tpu.memory_space<vmem>>
    %dma_start3A_762 = tpu.memref_squeeze %dma_start3A_761 : memref<1x1x128xi32, #tpu.memory_space<vmem>> -> memref<128xi32, #tpu.memory_space<vmem>>
    %dma_start3A_763 = arith.constant 0 : i32
    %dma_start3A_764 = arith.constant 0 : i32
    %dma_start3A_765 = tpu.memref_slice %arg2[%dma_start3A_763, %dma_start3A_764] : memref<1000000x32xf32, #tpu.memory_space<hbm>> -> memref<1000000x32xf32, #tpu.memory_space<hbm>>
    tpu.enqueue_indirect_dma source(%dma_start3A_765 : memref<1000000x32xf32, #tpu.memory_space<hbm>>) target(%dma_start3A_759 : memref<128x32xf32, #tpu.memory_space<vmem>>) offsets(%dma_start3A_762 : memref<128xi32, #tpu.memory_space<vmem>>) semaphore(%arg13 : memref<!tpu.dma_semaphore, #tpu.memory_space<semaphore_mem>>)
    %dma_start3A_766 = arith.constant 1 : i32
    %dma_start3A_767 = arith.constant 0 : i32
    %dma_start3A_768 = arith.constant 1 : i32
    %dma_start3A_769 = arith.constant 0 : i32
    %dma_start3A_770 = arith.constant 0 : i32
    %dma_start3A_771 = arith.constant 0 : i32
    %dma_start3A_772 = tpu.memref_slice %arg10[%dma_start3A_768, %dma_start3A_769, %dma_start3A_770, %dma_start3A_771] : memref<12x2x128x32xf32, #tpu.memory_space<vmem>> -> memref<1x1x128x32xf32, #tpu.memory_space<vmem>>
    %dma_start3A_773 = tpu.memref_squeeze %dma_start3A_772 : memref<1x1x128x32xf32, #tpu.memory_space<vmem>> -> memref<128x32xf32, #tpu.memory_space<vmem>>
    %dma_start3A_774 = arith.constant 0 : i32
    %dma_start3A_775 = tpu.memref_slice %arg9[%dma_start3A_766, %dma_start3A_767, %dma_start3A_774] : memref<12x2x128xi32, #tpu.memory_space<vmem>> -> memref<1x1x128xi32, #tpu.memory_space<vmem>>
    %dma_start3A_776 = tpu.memref_squeeze %dma_start3A_775 : memref<1x1x128xi32, #tpu.memory_space<vmem>> -> memref<128xi32, #tpu.memory_space<vmem>>
    %dma_start3A_777 = arith.constant 0 : i32
    %dma_start3A_778 = arith.constant 0 : i32
    %dma_start3A_779 = tpu.memref_slice %arg2[%dma_start3A_777, %dma_start3A_778] : memref<1000000x32xf32, #tpu.memory_space<hbm>> -> memref<1000000x32xf32, #tpu.memory_space<hbm>>
    tpu.enqueue_indirect_dma source(%dma_start3A_779 : memref<1000000x32xf32, #tpu.memory_space<hbm>>) target(%dma_start3A_773 : memref<128x32xf32, #tpu.memory_space<vmem>>) offsets(%dma_start3A_776 : memref<128xi32, #tpu.memory_space<vmem>>) semaphore(%arg13 : memref<!tpu.dma_semaphore, #tpu.memory_space<semaphore_mem>>)
    %dma_start3A_780 = arith.constant 1 : i32
    %dma_start3A_781 = arith.constant 1 : i32
    %dma_start3A_782 = arith.constant 1 : i32
    %dma_start3A_783 = arith.constant 1 : i32
    %dma_start3A_784 = arith.constant 0 : i32
    %dma_start3A_785 = arith.constant 0 : i32
    %dma_start3A_786 = tpu.memref_slice %arg10[%dma_start3A_782, %dma_start3A_783, %dma_start3A_784, %dma_start3A_785] : memref<12x2x128x32xf32, #tpu.memory_space<vmem>> -> memref<1x1x128x32xf32, #tpu.memory_space<vmem>>
    %dma_start3A_787 = tpu.memref_squeeze %dma_start3A_786 : memref<1x1x128x32xf32, #tpu.memory_space<vmem>> -> memref<128x32xf32, #tpu.memory_space<vmem>>
    %dma_start3A_788 = arith.constant 0 : i32
    %dma_start3A_789 = tpu.memref_slice %arg9[%dma_start3A_780, %dma_start3A_781, %dma_start3A_788] : memref<12x2x128xi32, #tpu.memory_space<vmem>> -> memref<1x1x128xi32, #tpu.memory_space<vmem>>
    %dma_start3A_790 = tpu.memref_squeeze %dma_start3A_789 : memref<1x1x128xi32, #tpu.memory_space<vmem>> -> memref<128xi32, #tpu.memory_space<vmem>>
    %dma_start3A_791 = arith.constant 0 : i32
    %dma_start3A_792 = arith.constant 0 : i32
    %dma_start3A_793 = tpu.memref_slice %arg2[%dma_start3A_791, %dma_start3A_792] : memref<1000000x32xf32, #tpu.memory_space<hbm>> -> memref<1000000x32xf32, #tpu.memory_space<hbm>>
    tpu.enqueue_indirect_dma source(%dma_start3A_793 : memref<1000000x32xf32, #tpu.memory_space<hbm>>) target(%dma_start3A_787 : memref<128x32xf32, #tpu.memory_space<vmem>>) offsets(%dma_start3A_790 : memref<128xi32, #tpu.memory_space<vmem>>) semaphore(%arg13 : memref<!tpu.dma_semaphore, #tpu.memory_space<semaphore_mem>>)
    %dma_start3A_794 = arith.constant 2 : i32
    %dma_start3A_795 = arith.constant 0 : i32
    %dma_start3A_796 = arith.constant 2 : i32
    %dma_start3A_797 = arith.constant 0 : i32
    %dma_start3A_798 = arith.constant 0 : i32
    %dma_start3A_799 = arith.constant 0 : i32
    %dma_start3A_800 = tpu.memref_slice %arg10[%dma_start3A_796, %dma_start3A_797, %dma_start3A_798, %dma_start3A_799] : memref<12x2x128x32xf32, #tpu.memory_space<vmem>> -> memref<1x1x128x32xf32, #tpu.memory_space<vmem>>
    %dma_start3A_801 = tpu.memref_squeeze %dma_start3A_800 : memref<1x1x128x32xf32, #tpu.memory_space<vmem>> -> memref<128x32xf32, #tpu.memory_space<vmem>>
    %dma_start3A_802 = arith.constant 0 : i32
    %dma_start3A_803 = tpu.memref_slice %arg9[%dma_start3A_794, %dma_start3A_795, %dma_start3A_802] : memref<12x2x128xi32, #tpu.memory_space<vmem>> -> memref<1x1x128xi32, #tpu.memory_space<vmem>>
    %dma_start3A_804 = tpu.memref_squeeze %dma_start3A_803 : memref<1x1x128xi32, #tpu.memory_space<vmem>> -> memref<128xi32, #tpu.memory_space<vmem>>
    %dma_start3A_805 = arith.constant 0 : i32
    %dma_start3A_806 = arith.constant 0 : i32
    %dma_start3A_807 = tpu.memref_slice %arg2[%dma_start3A_805, %dma_start3A_806] : memref<1000000x32xf32, #tpu.memory_space<hbm>> -> memref<1000000x32xf32, #tpu.memory_space<hbm>>
    tpu.enqueue_indirect_dma source(%dma_start3A_807 : memref<1000000x32xf32, #tpu.memory_space<hbm>>) target(%dma_start3A_801 : memref<128x32xf32, #tpu.memory_space<vmem>>) offsets(%dma_start3A_804 : memref<128xi32, #tpu.memory_space<vmem>>) semaphore(%arg13 : memref<!tpu.dma_semaphore, #tpu.memory_space<semaphore_mem>>)
    %dma_start3A_808 = arith.constant 2 : i32
    %dma_start3A_809 = arith.constant 1 : i32
    %dma_start3A_810 = arith.constant 2 : i32
    %dma_start3A_811 = arith.constant 1 : i32
    %dma_start3A_812 = arith.constant 0 : i32
    %dma_start3A_813 = arith.constant 0 : i32
    %dma_start3A_814 = tpu.memref_slice %arg10[%dma_start3A_810, %dma_start3A_811, %dma_start3A_812, %dma_start3A_813] : memref<12x2x128x32xf32, #tpu.memory_space<vmem>> -> memref<1x1x128x32xf32, #tpu.memory_space<vmem>>
    %dma_start3A_815 = tpu.memref_squeeze %dma_start3A_814 : memref<1x1x128x32xf32, #tpu.memory_space<vmem>> -> memref<128x32xf32, #tpu.memory_space<vmem>>
    %dma_start3A_816 = arith.constant 0 : i32
    %dma_start3A_817 = tpu.memref_slice %arg9[%dma_start3A_808, %dma_start3A_809, %dma_start3A_816] : memref<12x2x128xi32, #tpu.memory_space<vmem>> -> memref<1x1x128xi32, #tpu.memory_space<vmem>>
    %dma_start3A_818 = tpu.memref_squeeze %dma_start3A_817 : memref<1x1x128xi32, #tpu.memory_space<vmem>> -> memref<128xi32, #tpu.memory_space<vmem>>
    %dma_start3A_819 = arith.constant 0 : i32
    %dma_start3A_820 = arith.constant 0 : i32
    %dma_start3A_821 = tpu.memref_slice %arg2[%dma_start3A_819, %dma_start3A_820] : memref<1000000x32xf32, #tpu.memory_space<hbm>> -> memref<1000000x32xf32, #tpu.memory_space<hbm>>
    tpu.enqueue_indirect_dma source(%dma_start3A_821 : memref<1000000x32xf32, #tpu.memory_space<hbm>>) target(%dma_start3A_815 : memref<128x32xf32, #tpu.memory_space<vmem>>) offsets(%dma_start3A_818 : memref<128xi32, #tpu.memory_space<vmem>>) semaphore(%arg13 : memref<!tpu.dma_semaphore, #tpu.memory_space<semaphore_mem>>)
    %dma_start3A_822 = arith.constant 3 : i32
    %dma_start3A_823 = arith.constant 0 : i32
    %dma_start3A_824 = arith.constant 3 : i32
    %dma_start3A_825 = arith.constant 0 : i32
    %dma_start3A_826 = arith.constant 0 : i32
    %dma_start3A_827 = arith.constant 0 : i32
    %dma_start3A_828 = tpu.memref_slice %arg10[%dma_start3A_824, %dma_start3A_825, %dma_start3A_826, %dma_start3A_827] : memref<12x2x128x32xf32, #tpu.memory_space<vmem>> -> memref<1x1x128x32xf32, #tpu.memory_space<vmem>>
    %dma_start3A_829 = tpu.memref_squeeze %dma_start3A_828 : memref<1x1x128x32xf32, #tpu.memory_space<vmem>> -> memref<128x32xf32, #tpu.memory_space<vmem>>
    %dma_start3A_830 = arith.constant 0 : i32
    %dma_start3A_831 = tpu.memref_slice %arg9[%dma_start3A_822, %dma_start3A_823, %dma_start3A_830] : memref<12x2x128xi32, #tpu.memory_space<vmem>> -> memref<1x1x128xi32, #tpu.memory_space<vmem>>
    %dma_start3A_832 = tpu.memref_squeeze %dma_start3A_831 : memref<1x1x128xi32, #tpu.memory_space<vmem>> -> memref<128xi32, #tpu.memory_space<vmem>>
    %dma_start3A_833 = arith.constant 0 : i32
    %dma_start3A_834 = arith.constant 0 : i32
    %dma_start3A_835 = tpu.memref_slice %arg3[%dma_start3A_833, %dma_start3A_834] : memref<1000000x32xf32, #tpu.memory_space<hbm>> -> memref<1000000x32xf32, #tpu.memory_space<hbm>>
    tpu.enqueue_indirect_dma source(%dma_start3A_835 : memref<1000000x32xf32, #tpu.memory_space<hbm>>) target(%dma_start3A_829 : memref<128x32xf32, #tpu.memory_space<vmem>>) offsets(%dma_start3A_832 : memref<128xi32, #tpu.memory_space<vmem>>) semaphore(%arg13 : memref<!tpu.dma_semaphore, #tpu.memory_space<semaphore_mem>>)
    %dma_start3A_836 = arith.constant 3 : i32
    %dma_start3A_837 = arith.constant 1 : i32
    %dma_start3A_838 = arith.constant 3 : i32
    %dma_start3A_839 = arith.constant 1 : i32
    %dma_start3A_840 = arith.constant 0 : i32
    %dma_start3A_841 = arith.constant 0 : i32
    %dma_start3A_842 = tpu.memref_slice %arg10[%dma_start3A_838, %dma_start3A_839, %dma_start3A_840, %dma_start3A_841] : memref<12x2x128x32xf32, #tpu.memory_space<vmem>> -> memref<1x1x128x32xf32, #tpu.memory_space<vmem>>
    %dma_start3A_843 = tpu.memref_squeeze %dma_start3A_842 : memref<1x1x128x32xf32, #tpu.memory_space<vmem>> -> memref<128x32xf32, #tpu.memory_space<vmem>>
    %dma_start3A_844 = arith.constant 0 : i32
    %dma_start3A_845 = tpu.memref_slice %arg9[%dma_start3A_836, %dma_start3A_837, %dma_start3A_844] : memref<12x2x128xi32, #tpu.memory_space<vmem>> -> memref<1x1x128xi32, #tpu.memory_space<vmem>>
    %dma_start3A_846 = tpu.memref_squeeze %dma_start3A_845 : memref<1x1x128xi32, #tpu.memory_space<vmem>> -> memref<128xi32, #tpu.memory_space<vmem>>
    %dma_start3A_847 = arith.constant 0 : i32
    %dma_start3A_848 = arith.constant 0 : i32
    %dma_start3A_849 = tpu.memref_slice %arg3[%dma_start3A_847, %dma_start3A_848] : memref<1000000x32xf32, #tpu.memory_space<hbm>> -> memref<1000000x32xf32, #tpu.memory_space<hbm>>
    tpu.enqueue_indirect_dma source(%dma_start3A_849 : memref<1000000x32xf32, #tpu.memory_space<hbm>>) target(%dma_start3A_843 : memref<128x32xf32, #tpu.memory_space<vmem>>) offsets(%dma_start3A_846 : memref<128xi32, #tpu.memory_space<vmem>>) semaphore(%arg13 : memref<!tpu.dma_semaphore, #tpu.memory_space<semaphore_mem>>)
    %dma_start3A_850 = arith.constant 4 : i32
    %dma_start3A_851 = arith.constant 0 : i32
    %dma_start3A_852 = arith.constant 4 : i32
    %dma_start3A_853 = arith.constant 0 : i32
    %dma_start3A_854 = arith.constant 0 : i32
    %dma_start3A_855 = arith.constant 0 : i32
    %dma_start3A_856 = tpu.memref_slice %arg10[%dma_start3A_852, %dma_start3A_853, %dma_start3A_854, %dma_start3A_855] : memref<12x2x128x32xf32, #tpu.memory_space<vmem>> -> memref<1x1x128x32xf32, #tpu.memory_space<vmem>>
    %dma_start3A_857 = tpu.memref_squeeze %dma_start3A_856 : memref<1x1x128x32xf32, #tpu.memory_space<vmem>> -> memref<128x32xf32, #tpu.memory_space<vmem>>
    %dma_start3A_858 = arith.constant 0 : i32
    %dma_start3A_859 = tpu.memref_slice %arg9[%dma_start3A_850, %dma_start3A_851, %dma_start3A_858] : memref<12x2x128xi32, #tpu.memory_space<vmem>> -> memref<1x1x128xi32, #tpu.memory_space<vmem>>
    %dma_start3A_860 = tpu.memref_squeeze %dma_start3A_859 : memref<1x1x128xi32, #tpu.memory_space<vmem>> -> memref<128xi32, #tpu.memory_space<vmem>>
    %dma_start3A_861 = arith.constant 0 : i32
    %dma_start3A_862 = arith.constant 0 : i32
    %dma_start3A_863 = tpu.memref_slice %arg3[%dma_start3A_861, %dma_start3A_862] : memref<1000000x32xf32, #tpu.memory_space<hbm>> -> memref<1000000x32xf32, #tpu.memory_space<hbm>>
    tpu.enqueue_indirect_dma source(%dma_start3A_863 : memref<1000000x32xf32, #tpu.memory_space<hbm>>) target(%dma_start3A_857 : memref<128x32xf32, #tpu.memory_space<vmem>>) offsets(%dma_start3A_860 : memref<128xi32, #tpu.memory_space<vmem>>) semaphore(%arg13 : memref<!tpu.dma_semaphore, #tpu.memory_space<semaphore_mem>>)
    %dma_start3A_864 = arith.constant 4 : i32
    %dma_start3A_865 = arith.constant 1 : i32
    %dma_start3A_866 = arith.constant 4 : i32
    %dma_start3A_867 = arith.constant 1 : i32
    %dma_start3A_868 = arith.constant 0 : i32
    %dma_start3A_869 = arith.constant 0 : i32
    %dma_start3A_870 = tpu.memref_slice %arg10[%dma_start3A_866, %dma_start3A_867, %dma_start3A_868, %dma_start3A_869] : memref<12x2x128x32xf32, #tpu.memory_space<vmem>> -> memref<1x1x128x32xf32, #tpu.memory_space<vmem>>
    %dma_start3A_871 = tpu.memref_squeeze %dma_start3A_870 : memref<1x1x128x32xf32, #tpu.memory_space<vmem>> -> memref<128x32xf32, #tpu.memory_space<vmem>>
    %dma_start3A_872 = arith.constant 0 : i32
    %dma_start3A_873 = tpu.memref_slice %arg9[%dma_start3A_864, %dma_start3A_865, %dma_start3A_872] : memref<12x2x128xi32, #tpu.memory_space<vmem>> -> memref<1x1x128xi32, #tpu.memory_space<vmem>>
    %dma_start3A_874 = tpu.memref_squeeze %dma_start3A_873 : memref<1x1x128xi32, #tpu.memory_space<vmem>> -> memref<128xi32, #tpu.memory_space<vmem>>
    %dma_start3A_875 = arith.constant 0 : i32
    %dma_start3A_876 = arith.constant 0 : i32
    %dma_start3A_877 = tpu.memref_slice %arg3[%dma_start3A_875, %dma_start3A_876] : memref<1000000x32xf32, #tpu.memory_space<hbm>> -> memref<1000000x32xf32, #tpu.memory_space<hbm>>
    tpu.enqueue_indirect_dma source(%dma_start3A_877 : memref<1000000x32xf32, #tpu.memory_space<hbm>>) target(%dma_start3A_871 : memref<128x32xf32, #tpu.memory_space<vmem>>) offsets(%dma_start3A_874 : memref<128xi32, #tpu.memory_space<vmem>>) semaphore(%arg13 : memref<!tpu.dma_semaphore, #tpu.memory_space<semaphore_mem>>)
    %dma_start3A_878 = arith.constant 5 : i32
    %dma_start3A_879 = arith.constant 0 : i32
    %dma_start3A_880 = arith.constant 5 : i32
    %dma_start3A_881 = arith.constant 0 : i32
    %dma_start3A_882 = arith.constant 0 : i32
    %dma_start3A_883 = arith.constant 0 : i32
    %dma_start3A_884 = tpu.memref_slice %arg10[%dma_start3A_880, %dma_start3A_881, %dma_start3A_882, %dma_start3A_883] : memref<12x2x128x32xf32, #tpu.memory_space<vmem>> -> memref<1x1x128x32xf32, #tpu.memory_space<vmem>>
    %dma_start3A_885 = tpu.memref_squeeze %dma_start3A_884 : memref<1x1x128x32xf32, #tpu.memory_space<vmem>> -> memref<128x32xf32, #tpu.memory_space<vmem>>
    %dma_start3A_886 = arith.constant 0 : i32
    %dma_start3A_887 = tpu.memref_slice %arg9[%dma_start3A_878, %dma_start3A_879, %dma_start3A_886] : memref<12x2x128xi32, #tpu.memory_space<vmem>> -> memref<1x1x128xi32, #tpu.memory_space<vmem>>
    %dma_start3A_888 = tpu.memref_squeeze %dma_start3A_887 : memref<1x1x128xi32, #tpu.memory_space<vmem>> -> memref<128xi32, #tpu.memory_space<vmem>>
    %dma_start3A_889 = arith.constant 0 : i32
    %dma_start3A_890 = arith.constant 0 : i32
    %dma_start3A_891 = tpu.memref_slice %arg3[%dma_start3A_889, %dma_start3A_890] : memref<1000000x32xf32, #tpu.memory_space<hbm>> -> memref<1000000x32xf32, #tpu.memory_space<hbm>>
    tpu.enqueue_indirect_dma source(%dma_start3A_891 : memref<1000000x32xf32, #tpu.memory_space<hbm>>) target(%dma_start3A_885 : memref<128x32xf32, #tpu.memory_space<vmem>>) offsets(%dma_start3A_888 : memref<128xi32, #tpu.memory_space<vmem>>) semaphore(%arg13 : memref<!tpu.dma_semaphore, #tpu.memory_space<semaphore_mem>>)
    %dma_start3A_892 = arith.constant 5 : i32
    %dma_start3A_893 = arith.constant 1 : i32
    %dma_start3A_894 = arith.constant 5 : i32
    %dma_start3A_895 = arith.constant 1 : i32
    %dma_start3A_896 = arith.constant 0 : i32
    %dma_start3A_897 = arith.constant 0 : i32
    %dma_start3A_898 = tpu.memref_slice %arg10[%dma_start3A_894, %dma_start3A_895, %dma_start3A_896, %dma_start3A_897] : memref<12x2x128x32xf32, #tpu.memory_space<vmem>> -> memref<1x1x128x32xf32, #tpu.memory_space<vmem>>
    %dma_start3A_899 = tpu.memref_squeeze %dma_start3A_898 : memref<1x1x128x32xf32, #tpu.memory_space<vmem>> -> memref<128x32xf32, #tpu.memory_space<vmem>>
    %dma_start3A_900 = arith.constant 0 : i32
    %dma_start3A_901 = tpu.memref_slice %arg9[%dma_start3A_892, %dma_start3A_893, %dma_start3A_900] : memref<12x2x128xi32, #tpu.memory_space<vmem>> -> memref<1x1x128xi32, #tpu.memory_space<vmem>>
    %dma_start3A_902 = tpu.memref_squeeze %dma_start3A_901 : memref<1x1x128xi32, #tpu.memory_space<vmem>> -> memref<128xi32, #tpu.memory_space<vmem>>
    %dma_start3A_903 = arith.constant 0 : i32
    %dma_start3A_904 = arith.constant 0 : i32
    %dma_start3A_905 = tpu.memref_slice %arg3[%dma_start3A_903, %dma_start3A_904] : memref<1000000x32xf32, #tpu.memory_space<hbm>> -> memref<1000000x32xf32, #tpu.memory_space<hbm>>
    tpu.enqueue_indirect_dma source(%dma_start3A_905 : memref<1000000x32xf32, #tpu.memory_space<hbm>>) target(%dma_start3A_899 : memref<128x32xf32, #tpu.memory_space<vmem>>) offsets(%dma_start3A_902 : memref<128xi32, #tpu.memory_space<vmem>>) semaphore(%arg13 : memref<!tpu.dma_semaphore, #tpu.memory_space<semaphore_mem>>)
    %dma_start3A_906 = arith.constant 6 : i32
    %dma_start3A_907 = arith.constant 0 : i32
    %dma_start3A_908 = arith.constant 6 : i32
    %dma_start3A_909 = arith.constant 0 : i32
    %dma_start3A_910 = arith.constant 0 : i32
    %dma_start3A_911 = arith.constant 0 : i32
    %dma_start3A_912 = tpu.memref_slice %arg10[%dma_start3A_908, %dma_start3A_909, %dma_start3A_910, %dma_start3A_911] : memref<12x2x128x32xf32, #tpu.memory_space<vmem>> -> memref<1x1x128x32xf32, #tpu.memory_space<vmem>>
    %dma_start3A_913 = tpu.memref_squeeze %dma_start3A_912 : memref<1x1x128x32xf32, #tpu.memory_space<vmem>> -> memref<128x32xf32, #tpu.memory_space<vmem>>
    %dma_start3A_914 = arith.constant 0 : i32
    %dma_start3A_915 = tpu.memref_slice %arg9[%dma_start3A_906, %dma_start3A_907, %dma_start3A_914] : memref<12x2x128xi32, #tpu.memory_space<vmem>> -> memref<1x1x128xi32, #tpu.memory_space<vmem>>
    %dma_start3A_916 = tpu.memref_squeeze %dma_start3A_915 : memref<1x1x128xi32, #tpu.memory_space<vmem>> -> memref<128xi32, #tpu.memory_space<vmem>>
    %dma_start3A_917 = arith.constant 0 : i32
    %dma_start3A_918 = arith.constant 0 : i32
    %dma_start3A_919 = tpu.memref_slice %arg4[%dma_start3A_917, %dma_start3A_918] : memref<1000x32xf32, #tpu.memory_space<hbm>> -> memref<1000x32xf32, #tpu.memory_space<hbm>>
    tpu.enqueue_indirect_dma source(%dma_start3A_919 : memref<1000x32xf32, #tpu.memory_space<hbm>>) target(%dma_start3A_913 : memref<128x32xf32, #tpu.memory_space<vmem>>) offsets(%dma_start3A_916 : memref<128xi32, #tpu.memory_space<vmem>>) semaphore(%arg13 : memref<!tpu.dma_semaphore, #tpu.memory_space<semaphore_mem>>)
    %dma_start3A_920 = arith.constant 6 : i32
    %dma_start3A_921 = arith.constant 1 : i32
    %dma_start3A_922 = arith.constant 6 : i32
    %dma_start3A_923 = arith.constant 1 : i32
    %dma_start3A_924 = arith.constant 0 : i32
    %dma_start3A_925 = arith.constant 0 : i32
    %dma_start3A_926 = tpu.memref_slice %arg10[%dma_start3A_922, %dma_start3A_923, %dma_start3A_924, %dma_start3A_925] : memref<12x2x128x32xf32, #tpu.memory_space<vmem>> -> memref<1x1x128x32xf32, #tpu.memory_space<vmem>>
    %dma_start3A_927 = tpu.memref_squeeze %dma_start3A_926 : memref<1x1x128x32xf32, #tpu.memory_space<vmem>> -> memref<128x32xf32, #tpu.memory_space<vmem>>
    %dma_start3A_928 = arith.constant 0 : i32
    %dma_start3A_929 = tpu.memref_slice %arg9[%dma_start3A_920, %dma_start3A_921, %dma_start3A_928] : memref<12x2x128xi32, #tpu.memory_space<vmem>> -> memref<1x1x128xi32, #tpu.memory_space<vmem>>
    %dma_start3A_930 = tpu.memref_squeeze %dma_start3A_929 : memref<1x1x128xi32, #tpu.memory_space<vmem>> -> memref<128xi32, #tpu.memory_space<vmem>>
    %dma_start3A_931 = arith.constant 0 : i32
    %dma_start3A_932 = arith.constant 0 : i32
    %dma_start3A_933 = tpu.memref_slice %arg4[%dma_start3A_931, %dma_start3A_932] : memref<1000x32xf32, #tpu.memory_space<hbm>> -> memref<1000x32xf32, #tpu.memory_space<hbm>>
    tpu.enqueue_indirect_dma source(%dma_start3A_933 : memref<1000x32xf32, #tpu.memory_space<hbm>>) target(%dma_start3A_927 : memref<128x32xf32, #tpu.memory_space<vmem>>) offsets(%dma_start3A_930 : memref<128xi32, #tpu.memory_space<vmem>>) semaphore(%arg13 : memref<!tpu.dma_semaphore, #tpu.memory_space<semaphore_mem>>)
    %dma_start3A_934 = arith.constant 7 : i32
    %dma_start3A_935 = arith.constant 0 : i32
    %dma_start3A_936 = arith.constant 7 : i32
    %dma_start3A_937 = arith.constant 0 : i32
    %dma_start3A_938 = arith.constant 0 : i32
    %dma_start3A_939 = arith.constant 0 : i32
    %dma_start3A_940 = tpu.memref_slice %arg10[%dma_start3A_936, %dma_start3A_937, %dma_start3A_938, %dma_start3A_939] : memref<12x2x128x32xf32, #tpu.memory_space<vmem>> -> memref<1x1x128x32xf32, #tpu.memory_space<vmem>>
    %dma_start3A_941 = tpu.memref_squeeze %dma_start3A_940 : memref<1x1x128x32xf32, #tpu.memory_space<vmem>> -> memref<128x32xf32, #tpu.memory_space<vmem>>
    %dma_start3A_942 = arith.constant 0 : i32
    %dma_start3A_943 = tpu.memref_slice %arg9[%dma_start3A_934, %dma_start3A_935, %dma_start3A_942] : memref<12x2x128xi32, #tpu.memory_space<vmem>> -> memref<1x1x128xi32, #tpu.memory_space<vmem>>
    %dma_start3A_944 = tpu.memref_squeeze %dma_start3A_943 : memref<1x1x128xi32, #tpu.memory_space<vmem>> -> memref<128xi32, #tpu.memory_space<vmem>>
    %dma_start3A_945 = arith.constant 0 : i32
    %dma_start3A_946 = arith.constant 0 : i32
    %dma_start3A_947 = tpu.memref_slice %arg4[%dma_start3A_945, %dma_start3A_946] : memref<1000x32xf32, #tpu.memory_space<hbm>> -> memref<1000x32xf32, #tpu.memory_space<hbm>>
    tpu.enqueue_indirect_dma source(%dma_start3A_947 : memref<1000x32xf32, #tpu.memory_space<hbm>>) target(%dma_start3A_941 : memref<128x32xf32, #tpu.memory_space<vmem>>) offsets(%dma_start3A_944 : memref<128xi32, #tpu.memory_space<vmem>>) semaphore(%arg13 : memref<!tpu.dma_semaphore, #tpu.memory_space<semaphore_mem>>)
    %dma_start3A_948 = arith.constant 7 : i32
    %dma_start3A_949 = arith.constant 1 : i32
    %dma_start3A_950 = arith.constant 7 : i32
    %dma_start3A_951 = arith.constant 1 : i32
    %dma_start3A_952 = arith.constant 0 : i32
    %dma_start3A_953 = arith.constant 0 : i32
    %dma_start3A_954 = tpu.memref_slice %arg10[%dma_start3A_950, %dma_start3A_951, %dma_start3A_952, %dma_start3A_953] : memref<12x2x128x32xf32, #tpu.memory_space<vmem>> -> memref<1x1x128x32xf32, #tpu.memory_space<vmem>>
    %dma_start3A_955 = tpu.memref_squeeze %dma_start3A_954 : memref<1x1x128x32xf32, #tpu.memory_space<vmem>> -> memref<128x32xf32, #tpu.memory_space<vmem>>
    %dma_start3A_956 = arith.constant 0 : i32
    %dma_start3A_957 = tpu.memref_slice %arg9[%dma_start3A_948, %dma_start3A_949, %dma_start3A_956] : memref<12x2x128xi32, #tpu.memory_space<vmem>> -> memref<1x1x128xi32, #tpu.memory_space<vmem>>
    %dma_start3A_958 = tpu.memref_squeeze %dma_start3A_957 : memref<1x1x128xi32, #tpu.memory_space<vmem>> -> memref<128xi32, #tpu.memory_space<vmem>>
    %dma_start3A_959 = arith.constant 0 : i32
    %dma_start3A_960 = arith.constant 0 : i32
    %dma_start3A_961 = tpu.memref_slice %arg4[%dma_start3A_959, %dma_start3A_960] : memref<1000x32xf32, #tpu.memory_space<hbm>> -> memref<1000x32xf32, #tpu.memory_space<hbm>>
    tpu.enqueue_indirect_dma source(%dma_start3A_961 : memref<1000x32xf32, #tpu.memory_space<hbm>>) target(%dma_start3A_955 : memref<128x32xf32, #tpu.memory_space<vmem>>) offsets(%dma_start3A_958 : memref<128xi32, #tpu.memory_space<vmem>>) semaphore(%arg13 : memref<!tpu.dma_semaphore, #tpu.memory_space<semaphore_mem>>)
    %dma_start3A_962 = arith.constant 8 : i32
    %dma_start3A_963 = arith.constant 0 : i32
    %dma_start3A_964 = arith.constant 8 : i32
    %dma_start3A_965 = arith.constant 0 : i32
    %dma_start3A_966 = arith.constant 0 : i32
    %dma_start3A_967 = arith.constant 0 : i32
    %dma_start3A_968 = tpu.memref_slice %arg10[%dma_start3A_964, %dma_start3A_965, %dma_start3A_966, %dma_start3A_967] : memref<12x2x128x32xf32, #tpu.memory_space<vmem>> -> memref<1x1x128x32xf32, #tpu.memory_space<vmem>>
    %dma_start3A_969 = tpu.memref_squeeze %dma_start3A_968 : memref<1x1x128x32xf32, #tpu.memory_space<vmem>> -> memref<128x32xf32, #tpu.memory_space<vmem>>
    %dma_start3A_970 = arith.constant 0 : i32
    %dma_start3A_971 = tpu.memref_slice %arg9[%dma_start3A_962, %dma_start3A_963, %dma_start3A_970] : memref<12x2x128xi32, #tpu.memory_space<vmem>> -> memref<1x1x128xi32, #tpu.memory_space<vmem>>
    %dma_start3A_972 = tpu.memref_squeeze %dma_start3A_971 : memref<1x1x128xi32, #tpu.memory_space<vmem>> -> memref<128xi32, #tpu.memory_space<vmem>>
    %dma_start3A_973 = arith.constant 0 : i32
    %dma_start3A_974 = arith.constant 0 : i32
    %dma_start3A_975 = tpu.memref_slice %arg4[%dma_start3A_973, %dma_start3A_974] : memref<1000x32xf32, #tpu.memory_space<hbm>> -> memref<1000x32xf32, #tpu.memory_space<hbm>>
    tpu.enqueue_indirect_dma source(%dma_start3A_975 : memref<1000x32xf32, #tpu.memory_space<hbm>>) target(%dma_start3A_969 : memref<128x32xf32, #tpu.memory_space<vmem>>) offsets(%dma_start3A_972 : memref<128xi32, #tpu.memory_space<vmem>>) semaphore(%arg13 : memref<!tpu.dma_semaphore, #tpu.memory_space<semaphore_mem>>)
    %dma_start3A_976 = arith.constant 8 : i32
    %dma_start3A_977 = arith.constant 1 : i32
    %dma_start3A_978 = arith.constant 8 : i32
    %dma_start3A_979 = arith.constant 1 : i32
    %dma_start3A_980 = arith.constant 0 : i32
    %dma_start3A_981 = arith.constant 0 : i32
    %dma_start3A_982 = tpu.memref_slice %arg10[%dma_start3A_978, %dma_start3A_979, %dma_start3A_980, %dma_start3A_981] : memref<12x2x128x32xf32, #tpu.memory_space<vmem>> -> memref<1x1x128x32xf32, #tpu.memory_space<vmem>>
    %dma_start3A_983 = tpu.memref_squeeze %dma_start3A_982 : memref<1x1x128x32xf32, #tpu.memory_space<vmem>> -> memref<128x32xf32, #tpu.memory_space<vmem>>
    %dma_start3A_984 = arith.constant 0 : i32
    %dma_start3A_985 = tpu.memref_slice %arg9[%dma_start3A_976, %dma_start3A_977, %dma_start3A_984] : memref<12x2x128xi32, #tpu.memory_space<vmem>> -> memref<1x1x128xi32, #tpu.memory_space<vmem>>
    %dma_start3A_986 = tpu.memref_squeeze %dma_start3A_985 : memref<1x1x128xi32, #tpu.memory_space<vmem>> -> memref<128xi32, #tpu.memory_space<vmem>>
    %dma_start3A_987 = arith.constant 0 : i32
    %dma_start3A_988 = arith.constant 0 : i32
    %dma_start3A_989 = tpu.memref_slice %arg4[%dma_start3A_987, %dma_start3A_988] : memref<1000x32xf32, #tpu.memory_space<hbm>> -> memref<1000x32xf32, #tpu.memory_space<hbm>>
    tpu.enqueue_indirect_dma source(%dma_start3A_989 : memref<1000x32xf32, #tpu.memory_space<hbm>>) target(%dma_start3A_983 : memref<128x32xf32, #tpu.memory_space<vmem>>) offsets(%dma_start3A_986 : memref<128xi32, #tpu.memory_space<vmem>>) semaphore(%arg13 : memref<!tpu.dma_semaphore, #tpu.memory_space<semaphore_mem>>)
    %dma_start3A_990 = arith.constant 9 : i32
    %dma_start3A_991 = arith.constant 0 : i32
    %dma_start3A_992 = arith.constant 9 : i32
    %dma_start3A_993 = arith.constant 0 : i32
    %dma_start3A_994 = arith.constant 0 : i32
    %dma_start3A_995 = arith.constant 0 : i32
    %dma_start3A_996 = tpu.memref_slice %arg10[%dma_start3A_992, %dma_start3A_993, %dma_start3A_994, %dma_start3A_995] : memref<12x2x128x32xf32, #tpu.memory_space<vmem>> -> memref<1x1x128x32xf32, #tpu.memory_space<vmem>>
    %dma_start3A_997 = tpu.memref_squeeze %dma_start3A_996 : memref<1x1x128x32xf32, #tpu.memory_space<vmem>> -> memref<128x32xf32, #tpu.memory_space<vmem>>
    %dma_start3A_998 = arith.constant 0 : i32
    %dma_start3A_999 = tpu.memref_slice %arg9[%dma_start3A_990, %dma_start3A_991, %dma_start3A_998] : memref<12x2x128xi32, #tpu.memory_space<vmem>> -> memref<1x1x128xi32, #tpu.memory_space<vmem>>
    %dma_start3A_1000 = tpu.memref_squeeze %dma_start3A_999 : memref<1x1x128xi32, #tpu.memory_space<vmem>> -> memref<128xi32, #tpu.memory_space<vmem>>
    %dma_start3A_1001 = arith.constant 0 : i32
    %dma_start3A_1002 = arith.constant 0 : i32
    %dma_start3A_1003 = tpu.memref_slice %arg5[%dma_start3A_1001, %dma_start3A_1002] : memref<1000x32xf32, #tpu.memory_space<hbm>> -> memref<1000x32xf32, #tpu.memory_space<hbm>>
    tpu.enqueue_indirect_dma source(%dma_start3A_1003 : memref<1000x32xf32, #tpu.memory_space<hbm>>) target(%dma_start3A_997 : memref<128x32xf32, #tpu.memory_space<vmem>>) offsets(%dma_start3A_1000 : memref<128xi32, #tpu.memory_space<vmem>>) semaphore(%arg13 : memref<!tpu.dma_semaphore, #tpu.memory_space<semaphore_mem>>)
    %dma_start3A_1004 = arith.constant 9 : i32
    %dma_start3A_1005 = arith.constant 1 : i32
    %dma_start3A_1006 = arith.constant 9 : i32
    %dma_start3A_1007 = arith.constant 1 : i32
    %dma_start3A_1008 = arith.constant 0 : i32
    %dma_start3A_1009 = arith.constant 0 : i32
    %dma_start3A_1010 = tpu.memref_slice %arg10[%dma_start3A_1006, %dma_start3A_1007, %dma_start3A_1008, %dma_start3A_1009] : memref<12x2x128x32xf32, #tpu.memory_space<vmem>> -> memref<1x1x128x32xf32, #tpu.memory_space<vmem>>
    %dma_start3A_1011 = tpu.memref_squeeze %dma_start3A_1010 : memref<1x1x128x32xf32, #tpu.memory_space<vmem>> -> memref<128x32xf32, #tpu.memory_space<vmem>>
    %dma_start3A_1012 = arith.constant 0 : i32
    %dma_start3A_1013 = tpu.memref_slice %arg9[%dma_start3A_1004, %dma_start3A_1005, %dma_start3A_1012] : memref<12x2x128xi32, #tpu.memory_space<vmem>> -> memref<1x1x128xi32, #tpu.memory_space<vmem>>
    %dma_start3A_1014 = tpu.memref_squeeze %dma_start3A_1013 : memref<1x1x128xi32, #tpu.memory_space<vmem>> -> memref<128xi32, #tpu.memory_space<vmem>>
    %dma_start3A_1015 = arith.constant 0 : i32
    %dma_start3A_1016 = arith.constant 0 : i32
    %dma_start3A_1017 = tpu.memref_slice %arg5[%dma_start3A_1015, %dma_start3A_1016] : memref<1000x32xf32, #tpu.memory_space<hbm>> -> memref<1000x32xf32, #tpu.memory_space<hbm>>
    tpu.enqueue_indirect_dma source(%dma_start3A_1017 : memref<1000x32xf32, #tpu.memory_space<hbm>>) target(%dma_start3A_1011 : memref<128x32xf32, #tpu.memory_space<vmem>>) offsets(%dma_start3A_1014 : memref<128xi32, #tpu.memory_space<vmem>>) semaphore(%arg13 : memref<!tpu.dma_semaphore, #tpu.memory_space<semaphore_mem>>)
    %dma_start3A_1018 = arith.constant 10 : i32
    %dma_start3A_1019 = arith.constant 0 : i32
    %dma_start3A_1020 = arith.constant 10 : i32
    %dma_start3A_1021 = arith.constant 0 : i32
    %dma_start3A_1022 = arith.constant 0 : i32
    %dma_start3A_1023 = arith.constant 0 : i32
    %dma_start3A_1024 = tpu.memref_slice %arg10[%dma_start3A_1020, %dma_start3A_1021, %dma_start3A_1022, %dma_start3A_1023] : memref<12x2x128x32xf32, #tpu.memory_space<vmem>> -> memref<1x1x128x32xf32, #tpu.memory_space<vmem>>
    %dma_start3A_1025 = tpu.memref_squeeze %dma_start3A_1024 : memref<1x1x128x32xf32, #tpu.memory_space<vmem>> -> memref<128x32xf32, #tpu.memory_space<vmem>>
    %dma_start3A_1026 = arith.constant 0 : i32
    %dma_start3A_1027 = tpu.memref_slice %arg9[%dma_start3A_1018, %dma_start3A_1019, %dma_start3A_1026] : memref<12x2x128xi32, #tpu.memory_space<vmem>> -> memref<1x1x128xi32, #tpu.memory_space<vmem>>
    %dma_start3A_1028 = tpu.memref_squeeze %dma_start3A_1027 : memref<1x1x128xi32, #tpu.memory_space<vmem>> -> memref<128xi32, #tpu.memory_space<vmem>>
    %dma_start3A_1029 = arith.constant 0 : i32
    %dma_start3A_1030 = arith.constant 0 : i32
    %dma_start3A_1031 = tpu.memref_slice %arg5[%dma_start3A_1029, %dma_start3A_1030] : memref<1000x32xf32, #tpu.memory_space<hbm>> -> memref<1000x32xf32, #tpu.memory_space<hbm>>
    tpu.enqueue_indirect_dma source(%dma_start3A_1031 : memref<1000x32xf32, #tpu.memory_space<hbm>>) target(%dma_start3A_1025 : memref<128x32xf32, #tpu.memory_space<vmem>>) offsets(%dma_start3A_1028 : memref<128xi32, #tpu.memory_space<vmem>>) semaphore(%arg13 : memref<!tpu.dma_semaphore, #tpu.memory_space<semaphore_mem>>)
    %dma_start3A_1032 = arith.constant 10 : i32
    %dma_start3A_1033 = arith.constant 1 : i32
    %dma_start3A_1034 = arith.constant 10 : i32
    %dma_start3A_1035 = arith.constant 1 : i32
    %dma_start3A_1036 = arith.constant 0 : i32
    %dma_start3A_1037 = arith.constant 0 : i32
    %dma_start3A_1038 = tpu.memref_slice %arg10[%dma_start3A_1034, %dma_start3A_1035, %dma_start3A_1036, %dma_start3A_1037] : memref<12x2x128x32xf32, #tpu.memory_space<vmem>> -> memref<1x1x128x32xf32, #tpu.memory_space<vmem>>
    %dma_start3A_1039 = tpu.memref_squeeze %dma_start3A_1038 : memref<1x1x128x32xf32, #tpu.memory_space<vmem>> -> memref<128x32xf32, #tpu.memory_space<vmem>>
    %dma_start3A_1040 = arith.constant 0 : i32
    %dma_start3A_1041 = tpu.memref_slice %arg9[%dma_start3A_1032, %dma_start3A_1033, %dma_start3A_1040] : memref<12x2x128xi32, #tpu.memory_space<vmem>> -> memref<1x1x128xi32, #tpu.memory_space<vmem>>
    %dma_start3A_1042 = tpu.memref_squeeze %dma_start3A_1041 : memref<1x1x128xi32, #tpu.memory_space<vmem>> -> memref<128xi32, #tpu.memory_space<vmem>>
    %dma_start3A_1043 = arith.constant 0 : i32
    %dma_start3A_1044 = arith.constant 0 : i32
    %dma_start3A_1045 = tpu.memref_slice %arg5[%dma_start3A_1043, %dma_start3A_1044] : memref<1000x32xf32, #tpu.memory_space<hbm>> -> memref<1000x32xf32, #tpu.memory_space<hbm>>
    tpu.enqueue_indirect_dma source(%dma_start3A_1045 : memref<1000x32xf32, #tpu.memory_space<hbm>>) target(%dma_start3A_1039 : memref<128x32xf32, #tpu.memory_space<vmem>>) offsets(%dma_start3A_1042 : memref<128xi32, #tpu.memory_space<vmem>>) semaphore(%arg13 : memref<!tpu.dma_semaphore, #tpu.memory_space<semaphore_mem>>)
    %dma_start3A_1046 = arith.constant 11 : i32
    %dma_start3A_1047 = arith.constant 0 : i32
    %dma_start3A_1048 = arith.constant 11 : i32
    %dma_start3A_1049 = arith.constant 0 : i32
    %dma_start3A_1050 = arith.constant 0 : i32
    %dma_start3A_1051 = arith.constant 0 : i32
    %dma_start3A_1052 = tpu.memref_slice %arg10[%dma_start3A_1048, %dma_start3A_1049, %dma_start3A_1050, %dma_start3A_1051] : memref<12x2x128x32xf32, #tpu.memory_space<vmem>> -> memref<1x1x128x32xf32, #tpu.memory_space<vmem>>
    %dma_start3A_1053 = tpu.memref_squeeze %dma_start3A_1052 : memref<1x1x128x32xf32, #tpu.memory_space<vmem>> -> memref<128x32xf32, #tpu.memory_space<vmem>>
    %dma_start3A_1054 = arith.constant 0 : i32
    %dma_start3A_1055 = tpu.memref_slice %arg9[%dma_start3A_1046, %dma_start3A_1047, %dma_start3A_1054] : memref<12x2x128xi32, #tpu.memory_space<vmem>> -> memref<1x1x128xi32, #tpu.memory_space<vmem>>
    %dma_start3A_1056 = tpu.memref_squeeze %dma_start3A_1055 : memref<1x1x128xi32, #tpu.memory_space<vmem>> -> memref<128xi32, #tpu.memory_space<vmem>>
    %dma_start3A_1057 = arith.constant 0 : i32
    %dma_start3A_1058 = arith.constant 0 : i32
    %dma_start3A_1059 = tpu.memref_slice %arg5[%dma_start3A_1057, %dma_start3A_1058] : memref<1000x32xf32, #tpu.memory_space<hbm>> -> memref<1000x32xf32, #tpu.memory_space<hbm>>
    tpu.enqueue_indirect_dma source(%dma_start3A_1059 : memref<1000x32xf32, #tpu.memory_space<hbm>>) target(%dma_start3A_1053 : memref<128x32xf32, #tpu.memory_space<vmem>>) offsets(%dma_start3A_1056 : memref<128xi32, #tpu.memory_space<vmem>>) semaphore(%arg13 : memref<!tpu.dma_semaphore, #tpu.memory_space<semaphore_mem>>)
    %dma_start3A_1060 = arith.constant 11 : i32
    %dma_start3A_1061 = arith.constant 1 : i32
    %dma_start3A_1062 = arith.constant 11 : i32
    %dma_start3A_1063 = arith.constant 1 : i32
    %dma_start3A_1064 = arith.constant 0 : i32
    %dma_start3A_1065 = arith.constant 0 : i32
    %dma_start3A_1066 = tpu.memref_slice %arg10[%dma_start3A_1062, %dma_start3A_1063, %dma_start3A_1064, %dma_start3A_1065] : memref<12x2x128x32xf32, #tpu.memory_space<vmem>> -> memref<1x1x128x32xf32, #tpu.memory_space<vmem>>
    %dma_start3A_1067 = tpu.memref_squeeze %dma_start3A_1066 : memref<1x1x128x32xf32, #tpu.memory_space<vmem>> -> memref<128x32xf32, #tpu.memory_space<vmem>>
    %dma_start3A_1068 = arith.constant 0 : i32
    %dma_start3A_1069 = tpu.memref_slice %arg9[%dma_start3A_1060, %dma_start3A_1061, %dma_start3A_1068] : memref<12x2x128xi32, #tpu.memory_space<vmem>> -> memref<1x1x128xi32, #tpu.memory_space<vmem>>
    %dma_start3A_1070 = tpu.memref_squeeze %dma_start3A_1069 : memref<1x1x128xi32, #tpu.memory_space<vmem>> -> memref<128xi32, #tpu.memory_space<vmem>>
    %dma_start3A_1071 = arith.constant 0 : i32
    %dma_start3A_1072 = arith.constant 0 : i32
    %dma_start3A_1073 = tpu.memref_slice %arg5[%dma_start3A_1071, %dma_start3A_1072] : memref<1000x32xf32, #tpu.memory_space<hbm>> -> memref<1000x32xf32, #tpu.memory_space<hbm>>
    tpu.enqueue_indirect_dma source(%dma_start3A_1073 : memref<1000x32xf32, #tpu.memory_space<hbm>>) target(%dma_start3A_1067 : memref<128x32xf32, #tpu.memory_space<vmem>>) offsets(%dma_start3A_1070 : memref<128xi32, #tpu.memory_space<vmem>>) semaphore(%arg13 : memref<!tpu.dma_semaphore, #tpu.memory_space<semaphore_mem>>)
    %dma_wait3A_1074 = arith.constant 0 : i32
    %dma_wait3A_1075 = arith.constant 0 : i32
    %dma_wait3A_1076 = arith.constant 0 : i32
    %dma_wait3A_1077 = arith.constant 0 : i32
    %dma_wait3A_1078 = arith.constant 0 : i32
    %dma_wait3A_1079 = arith.constant 0 : i32
    %dma_wait3A_1080 = tpu.memref_slice %arg10[%dma_wait3A_1076, %dma_wait3A_1077, %dma_wait3A_1078, %dma_wait3A_1079] : memref<12x2x128x32xf32, #tpu.memory_space<vmem>> -> memref<1x1x128x32xf32, #tpu.memory_space<vmem>>
    %dma_wait3A_1081 = tpu.memref_squeeze %dma_wait3A_1080 : memref<1x1x128x32xf32, #tpu.memory_space<vmem>> -> memref<128x32xf32, #tpu.memory_space<vmem>>
    %dma_wait3A_1082 = arith.constant 0 : i32
    %dma_wait3A_1083 = tpu.memref_slice %arg9[%dma_wait3A_1074, %dma_wait3A_1075, %dma_wait3A_1082] : memref<12x2x128xi32, #tpu.memory_space<vmem>> -> memref<1x1x128xi32, #tpu.memory_space<vmem>>
    %dma_wait3A_1084 = tpu.memref_squeeze %dma_wait3A_1083 : memref<1x1x128xi32, #tpu.memory_space<vmem>> -> memref<128xi32, #tpu.memory_space<vmem>>
    %dma_wait3A_1085 = arith.constant 0 : i32
    %dma_wait3A_1086 = arith.constant 0 : i32
    %dma_wait3A_1087 = tpu.memref_slice %arg2[%dma_wait3A_1085, %dma_wait3A_1086] : memref<1000000x32xf32, #tpu.memory_space<hbm>> -> memref<1000000x32xf32, #tpu.memory_space<hbm>>
    tpu.wait_indirect_dma semaphore(%arg13 : memref<!tpu.dma_semaphore, #tpu.memory_space<semaphore_mem>>) src(%dma_wait3A_1087 : memref<1000000x32xf32, #tpu.memory_space<hbm>>) dst(%dma_wait3A_1081 : memref<128x32xf32, #tpu.memory_space<vmem>>)
    %dma_wait3A_1088 = arith.constant 0 : i32
    %dma_wait3A_1089 = arith.constant 1 : i32
    %dma_wait3A_1090 = arith.constant 0 : i32
    %dma_wait3A_1091 = arith.constant 1 : i32
    %dma_wait3A_1092 = arith.constant 0 : i32
    %dma_wait3A_1093 = arith.constant 0 : i32
    %dma_wait3A_1094 = tpu.memref_slice %arg10[%dma_wait3A_1090, %dma_wait3A_1091, %dma_wait3A_1092, %dma_wait3A_1093] : memref<12x2x128x32xf32, #tpu.memory_space<vmem>> -> memref<1x1x128x32xf32, #tpu.memory_space<vmem>>
    %dma_wait3A_1095 = tpu.memref_squeeze %dma_wait3A_1094 : memref<1x1x128x32xf32, #tpu.memory_space<vmem>> -> memref<128x32xf32, #tpu.memory_space<vmem>>
    %dma_wait3A_1096 = arith.constant 0 : i32
    %dma_wait3A_1097 = tpu.memref_slice %arg9[%dma_wait3A_1088, %dma_wait3A_1089, %dma_wait3A_1096] : memref<12x2x128xi32, #tpu.memory_space<vmem>> -> memref<1x1x128xi32, #tpu.memory_space<vmem>>
    %dma_wait3A_1098 = tpu.memref_squeeze %dma_wait3A_1097 : memref<1x1x128xi32, #tpu.memory_space<vmem>> -> memref<128xi32, #tpu.memory_space<vmem>>
    %dma_wait3A_1099 = arith.constant 0 : i32
    %dma_wait3A_1100 = arith.constant 0 : i32
    %dma_wait3A_1101 = tpu.memref_slice %arg2[%dma_wait3A_1099, %dma_wait3A_1100] : memref<1000000x32xf32, #tpu.memory_space<hbm>> -> memref<1000000x32xf32, #tpu.memory_space<hbm>>
    tpu.wait_indirect_dma semaphore(%arg13 : memref<!tpu.dma_semaphore, #tpu.memory_space<semaphore_mem>>) src(%dma_wait3A_1101 : memref<1000000x32xf32, #tpu.memory_space<hbm>>) dst(%dma_wait3A_1095 : memref<128x32xf32, #tpu.memory_space<vmem>>)
    %dma_wait3A_1102 = arith.constant 1 : i32
    %dma_wait3A_1103 = arith.constant 0 : i32
    %dma_wait3A_1104 = arith.constant 1 : i32
    %dma_wait3A_1105 = arith.constant 0 : i32
    %dma_wait3A_1106 = arith.constant 0 : i32
    %dma_wait3A_1107 = arith.constant 0 : i32
    %dma_wait3A_1108 = tpu.memref_slice %arg10[%dma_wait3A_1104, %dma_wait3A_1105, %dma_wait3A_1106, %dma_wait3A_1107] : memref<12x2x128x32xf32, #tpu.memory_space<vmem>> -> memref<1x1x128x32xf32, #tpu.memory_space<vmem>>
    %dma_wait3A_1109 = tpu.memref_squeeze %dma_wait3A_1108 : memref<1x1x128x32xf32, #tpu.memory_space<vmem>> -> memref<128x32xf32, #tpu.memory_space<vmem>>
    %dma_wait3A_1110 = arith.constant 0 : i32
    %dma_wait3A_1111 = tpu.memref_slice %arg9[%dma_wait3A_1102, %dma_wait3A_1103, %dma_wait3A_1110] : memref<12x2x128xi32, #tpu.memory_space<vmem>> -> memref<1x1x128xi32, #tpu.memory_space<vmem>>
    %dma_wait3A_1112 = tpu.memref_squeeze %dma_wait3A_1111 : memref<1x1x128xi32, #tpu.memory_space<vmem>> -> memref<128xi32, #tpu.memory_space<vmem>>
    %dma_wait3A_1113 = arith.constant 0 : i32
    %dma_wait3A_1114 = arith.constant 0 : i32
    %dma_wait3A_1115 = tpu.memref_slice %arg2[%dma_wait3A_1113, %dma_wait3A_1114] : memref<1000000x32xf32, #tpu.memory_space<hbm>> -> memref<1000000x32xf32, #tpu.memory_space<hbm>>
    tpu.wait_indirect_dma semaphore(%arg13 : memref<!tpu.dma_semaphore, #tpu.memory_space<semaphore_mem>>) src(%dma_wait3A_1115 : memref<1000000x32xf32, #tpu.memory_space<hbm>>) dst(%dma_wait3A_1109 : memref<128x32xf32, #tpu.memory_space<vmem>>)
    %dma_wait3A_1116 = arith.constant 1 : i32
    %dma_wait3A_1117 = arith.constant 1 : i32
    %dma_wait3A_1118 = arith.constant 1 : i32
    %dma_wait3A_1119 = arith.constant 1 : i32
    %dma_wait3A_1120 = arith.constant 0 : i32
    %dma_wait3A_1121 = arith.constant 0 : i32
    %dma_wait3A_1122 = tpu.memref_slice %arg10[%dma_wait3A_1118, %dma_wait3A_1119, %dma_wait3A_1120, %dma_wait3A_1121] : memref<12x2x128x32xf32, #tpu.memory_space<vmem>> -> memref<1x1x128x32xf32, #tpu.memory_space<vmem>>
    %dma_wait3A_1123 = tpu.memref_squeeze %dma_wait3A_1122 : memref<1x1x128x32xf32, #tpu.memory_space<vmem>> -> memref<128x32xf32, #tpu.memory_space<vmem>>
    %dma_wait3A_1124 = arith.constant 0 : i32
    %dma_wait3A_1125 = tpu.memref_slice %arg9[%dma_wait3A_1116, %dma_wait3A_1117, %dma_wait3A_1124] : memref<12x2x128xi32, #tpu.memory_space<vmem>> -> memref<1x1x128xi32, #tpu.memory_space<vmem>>
    %dma_wait3A_1126 = tpu.memref_squeeze %dma_wait3A_1125 : memref<1x1x128xi32, #tpu.memory_space<vmem>> -> memref<128xi32, #tpu.memory_space<vmem>>
    %dma_wait3A_1127 = arith.constant 0 : i32
    %dma_wait3A_1128 = arith.constant 0 : i32
    %dma_wait3A_1129 = tpu.memref_slice %arg2[%dma_wait3A_1127, %dma_wait3A_1128] : memref<1000000x32xf32, #tpu.memory_space<hbm>> -> memref<1000000x32xf32, #tpu.memory_space<hbm>>
    tpu.wait_indirect_dma semaphore(%arg13 : memref<!tpu.dma_semaphore, #tpu.memory_space<semaphore_mem>>) src(%dma_wait3A_1129 : memref<1000000x32xf32, #tpu.memory_space<hbm>>) dst(%dma_wait3A_1123 : memref<128x32xf32, #tpu.memory_space<vmem>>)
    %dma_wait3A_1130 = arith.constant 2 : i32
    %dma_wait3A_1131 = arith.constant 0 : i32
    %dma_wait3A_1132 = arith.constant 2 : i32
    %dma_wait3A_1133 = arith.constant 0 : i32
    %dma_wait3A_1134 = arith.constant 0 : i32
    %dma_wait3A_1135 = arith.constant 0 : i32
    %dma_wait3A_1136 = tpu.memref_slice %arg10[%dma_wait3A_1132, %dma_wait3A_1133, %dma_wait3A_1134, %dma_wait3A_1135] : memref<12x2x128x32xf32, #tpu.memory_space<vmem>> -> memref<1x1x128x32xf32, #tpu.memory_space<vmem>>
    %dma_wait3A_1137 = tpu.memref_squeeze %dma_wait3A_1136 : memref<1x1x128x32xf32, #tpu.memory_space<vmem>> -> memref<128x32xf32, #tpu.memory_space<vmem>>
    %dma_wait3A_1138 = arith.constant 0 : i32
    %dma_wait3A_1139 = tpu.memref_slice %arg9[%dma_wait3A_1130, %dma_wait3A_1131, %dma_wait3A_1138] : memref<12x2x128xi32, #tpu.memory_space<vmem>> -> memref<1x1x128xi32, #tpu.memory_space<vmem>>
    %dma_wait3A_1140 = tpu.memref_squeeze %dma_wait3A_1139 : memref<1x1x128xi32, #tpu.memory_space<vmem>> -> memref<128xi32, #tpu.memory_space<vmem>>
    %dma_wait3A_1141 = arith.constant 0 : i32
    %dma_wait3A_1142 = arith.constant 0 : i32
    %dma_wait3A_1143 = tpu.memref_slice %arg2[%dma_wait3A_1141, %dma_wait3A_1142] : memref<1000000x32xf32, #tpu.memory_space<hbm>> -> memref<1000000x32xf32, #tpu.memory_space<hbm>>
    tpu.wait_indirect_dma semaphore(%arg13 : memref<!tpu.dma_semaphore, #tpu.memory_space<semaphore_mem>>) src(%dma_wait3A_1143 : memref<1000000x32xf32, #tpu.memory_space<hbm>>) dst(%dma_wait3A_1137 : memref<128x32xf32, #tpu.memory_space<vmem>>)
    %dma_wait3A_1144 = arith.constant 2 : i32
    %dma_wait3A_1145 = arith.constant 1 : i32
    %dma_wait3A_1146 = arith.constant 2 : i32
    %dma_wait3A_1147 = arith.constant 1 : i32
    %dma_wait3A_1148 = arith.constant 0 : i32
    %dma_wait3A_1149 = arith.constant 0 : i32
    %dma_wait3A_1150 = tpu.memref_slice %arg10[%dma_wait3A_1146, %dma_wait3A_1147, %dma_wait3A_1148, %dma_wait3A_1149] : memref<12x2x128x32xf32, #tpu.memory_space<vmem>> -> memref<1x1x128x32xf32, #tpu.memory_space<vmem>>
    %dma_wait3A_1151 = tpu.memref_squeeze %dma_wait3A_1150 : memref<1x1x128x32xf32, #tpu.memory_space<vmem>> -> memref<128x32xf32, #tpu.memory_space<vmem>>
    %dma_wait3A_1152 = arith.constant 0 : i32
    %dma_wait3A_1153 = tpu.memref_slice %arg9[%dma_wait3A_1144, %dma_wait3A_1145, %dma_wait3A_1152] : memref<12x2x128xi32, #tpu.memory_space<vmem>> -> memref<1x1x128xi32, #tpu.memory_space<vmem>>
    %dma_wait3A_1154 = tpu.memref_squeeze %dma_wait3A_1153 : memref<1x1x128xi32, #tpu.memory_space<vmem>> -> memref<128xi32, #tpu.memory_space<vmem>>
    %dma_wait3A_1155 = arith.constant 0 : i32
    %dma_wait3A_1156 = arith.constant 0 : i32
    %dma_wait3A_1157 = tpu.memref_slice %arg2[%dma_wait3A_1155, %dma_wait3A_1156] : memref<1000000x32xf32, #tpu.memory_space<hbm>> -> memref<1000000x32xf32, #tpu.memory_space<hbm>>
    tpu.wait_indirect_dma semaphore(%arg13 : memref<!tpu.dma_semaphore, #tpu.memory_space<semaphore_mem>>) src(%dma_wait3A_1157 : memref<1000000x32xf32, #tpu.memory_space<hbm>>) dst(%dma_wait3A_1151 : memref<128x32xf32, #tpu.memory_space<vmem>>)
    %dma_wait3A_1158 = arith.constant 3 : i32
    %dma_wait3A_1159 = arith.constant 0 : i32
    %dma_wait3A_1160 = arith.constant 3 : i32
    %dma_wait3A_1161 = arith.constant 0 : i32
    %dma_wait3A_1162 = arith.constant 0 : i32
    %dma_wait3A_1163 = arith.constant 0 : i32
    %dma_wait3A_1164 = tpu.memref_slice %arg10[%dma_wait3A_1160, %dma_wait3A_1161, %dma_wait3A_1162, %dma_wait3A_1163] : memref<12x2x128x32xf32, #tpu.memory_space<vmem>> -> memref<1x1x128x32xf32, #tpu.memory_space<vmem>>
    %dma_wait3A_1165 = tpu.memref_squeeze %dma_wait3A_1164 : memref<1x1x128x32xf32, #tpu.memory_space<vmem>> -> memref<128x32xf32, #tpu.memory_space<vmem>>
    %dma_wait3A_1166 = arith.constant 0 : i32
    %dma_wait3A_1167 = tpu.memref_slice %arg9[%dma_wait3A_1158, %dma_wait3A_1159, %dma_wait3A_1166] : memref<12x2x128xi32, #tpu.memory_space<vmem>> -> memref<1x1x128xi32, #tpu.memory_space<vmem>>
    %dma_wait3A_1168 = tpu.memref_squeeze %dma_wait3A_1167 : memref<1x1x128xi32, #tpu.memory_space<vmem>> -> memref<128xi32, #tpu.memory_space<vmem>>
    %dma_wait3A_1169 = arith.constant 0 : i32
    %dma_wait3A_1170 = arith.constant 0 : i32
    %dma_wait3A_1171 = tpu.memref_slice %arg3[%dma_wait3A_1169, %dma_wait3A_1170] : memref<1000000x32xf32, #tpu.memory_space<hbm>> -> memref<1000000x32xf32, #tpu.memory_space<hbm>>
    tpu.wait_indirect_dma semaphore(%arg13 : memref<!tpu.dma_semaphore, #tpu.memory_space<semaphore_mem>>) src(%dma_wait3A_1171 : memref<1000000x32xf32, #tpu.memory_space<hbm>>) dst(%dma_wait3A_1165 : memref<128x32xf32, #tpu.memory_space<vmem>>)
    %dma_wait3A_1172 = arith.constant 3 : i32
    %dma_wait3A_1173 = arith.constant 1 : i32
    %dma_wait3A_1174 = arith.constant 3 : i32
    %dma_wait3A_1175 = arith.constant 1 : i32
    %dma_wait3A_1176 = arith.constant 0 : i32
    %dma_wait3A_1177 = arith.constant 0 : i32
    %dma_wait3A_1178 = tpu.memref_slice %arg10[%dma_wait3A_1174, %dma_wait3A_1175, %dma_wait3A_1176, %dma_wait3A_1177] : memref<12x2x128x32xf32, #tpu.memory_space<vmem>> -> memref<1x1x128x32xf32, #tpu.memory_space<vmem>>
    %dma_wait3A_1179 = tpu.memref_squeeze %dma_wait3A_1178 : memref<1x1x128x32xf32, #tpu.memory_space<vmem>> -> memref<128x32xf32, #tpu.memory_space<vmem>>
    %dma_wait3A_1180 = arith.constant 0 : i32
    %dma_wait3A_1181 = tpu.memref_slice %arg9[%dma_wait3A_1172, %dma_wait3A_1173, %dma_wait3A_1180] : memref<12x2x128xi32, #tpu.memory_space<vmem>> -> memref<1x1x128xi32, #tpu.memory_space<vmem>>
    %dma_wait3A_1182 = tpu.memref_squeeze %dma_wait3A_1181 : memref<1x1x128xi32, #tpu.memory_space<vmem>> -> memref<128xi32, #tpu.memory_space<vmem>>
    %dma_wait3A_1183 = arith.constant 0 : i32
    %dma_wait3A_1184 = arith.constant 0 : i32
    %dma_wait3A_1185 = tpu.memref_slice %arg3[%dma_wait3A_1183, %dma_wait3A_1184] : memref<1000000x32xf32, #tpu.memory_space<hbm>> -> memref<1000000x32xf32, #tpu.memory_space<hbm>>
    tpu.wait_indirect_dma semaphore(%arg13 : memref<!tpu.dma_semaphore, #tpu.memory_space<semaphore_mem>>) src(%dma_wait3A_1185 : memref<1000000x32xf32, #tpu.memory_space<hbm>>) dst(%dma_wait3A_1179 : memref<128x32xf32, #tpu.memory_space<vmem>>)
    %dma_wait3A_1186 = arith.constant 4 : i32
    %dma_wait3A_1187 = arith.constant 0 : i32
    %dma_wait3A_1188 = arith.constant 4 : i32
    %dma_wait3A_1189 = arith.constant 0 : i32
    %dma_wait3A_1190 = arith.constant 0 : i32
    %dma_wait3A_1191 = arith.constant 0 : i32
    %dma_wait3A_1192 = tpu.memref_slice %arg10[%dma_wait3A_1188, %dma_wait3A_1189, %dma_wait3A_1190, %dma_wait3A_1191] : memref<12x2x128x32xf32, #tpu.memory_space<vmem>> -> memref<1x1x128x32xf32, #tpu.memory_space<vmem>>
    %dma_wait3A_1193 = tpu.memref_squeeze %dma_wait3A_1192 : memref<1x1x128x32xf32, #tpu.memory_space<vmem>> -> memref<128x32xf32, #tpu.memory_space<vmem>>
    %dma_wait3A_1194 = arith.constant 0 : i32
    %dma_wait3A_1195 = tpu.memref_slice %arg9[%dma_wait3A_1186, %dma_wait3A_1187, %dma_wait3A_1194] : memref<12x2x128xi32, #tpu.memory_space<vmem>> -> memref<1x1x128xi32, #tpu.memory_space<vmem>>
    %dma_wait3A_1196 = tpu.memref_squeeze %dma_wait3A_1195 : memref<1x1x128xi32, #tpu.memory_space<vmem>> -> memref<128xi32, #tpu.memory_space<vmem>>
    %dma_wait3A_1197 = arith.constant 0 : i32
    %dma_wait3A_1198 = arith.constant 0 : i32
    %dma_wait3A_1199 = tpu.memref_slice %arg3[%dma_wait3A_1197, %dma_wait3A_1198] : memref<1000000x32xf32, #tpu.memory_space<hbm>> -> memref<1000000x32xf32, #tpu.memory_space<hbm>>
    tpu.wait_indirect_dma semaphore(%arg13 : memref<!tpu.dma_semaphore, #tpu.memory_space<semaphore_mem>>) src(%dma_wait3A_1199 : memref<1000000x32xf32, #tpu.memory_space<hbm>>) dst(%dma_wait3A_1193 : memref<128x32xf32, #tpu.memory_space<vmem>>)
    %dma_wait3A_1200 = arith.constant 4 : i32
    %dma_wait3A_1201 = arith.constant 1 : i32
    %dma_wait3A_1202 = arith.constant 4 : i32
    %dma_wait3A_1203 = arith.constant 1 : i32
    %dma_wait3A_1204 = arith.constant 0 : i32
    %dma_wait3A_1205 = arith.constant 0 : i32
    %dma_wait3A_1206 = tpu.memref_slice %arg10[%dma_wait3A_1202, %dma_wait3A_1203, %dma_wait3A_1204, %dma_wait3A_1205] : memref<12x2x128x32xf32, #tpu.memory_space<vmem>> -> memref<1x1x128x32xf32, #tpu.memory_space<vmem>>
    %dma_wait3A_1207 = tpu.memref_squeeze %dma_wait3A_1206 : memref<1x1x128x32xf32, #tpu.memory_space<vmem>> -> memref<128x32xf32, #tpu.memory_space<vmem>>
    %dma_wait3A_1208 = arith.constant 0 : i32
    %dma_wait3A_1209 = tpu.memref_slice %arg9[%dma_wait3A_1200, %dma_wait3A_1201, %dma_wait3A_1208] : memref<12x2x128xi32, #tpu.memory_space<vmem>> -> memref<1x1x128xi32, #tpu.memory_space<vmem>>
    %dma_wait3A_1210 = tpu.memref_squeeze %dma_wait3A_1209 : memref<1x1x128xi32, #tpu.memory_space<vmem>> -> memref<128xi32, #tpu.memory_space<vmem>>
    %dma_wait3A_1211 = arith.constant 0 : i32
    %dma_wait3A_1212 = arith.constant 0 : i32
    %dma_wait3A_1213 = tpu.memref_slice %arg3[%dma_wait3A_1211, %dma_wait3A_1212] : memref<1000000x32xf32, #tpu.memory_space<hbm>> -> memref<1000000x32xf32, #tpu.memory_space<hbm>>
    tpu.wait_indirect_dma semaphore(%arg13 : memref<!tpu.dma_semaphore, #tpu.memory_space<semaphore_mem>>) src(%dma_wait3A_1213 : memref<1000000x32xf32, #tpu.memory_space<hbm>>) dst(%dma_wait3A_1207 : memref<128x32xf32, #tpu.memory_space<vmem>>)
    %dma_wait3A_1214 = arith.constant 5 : i32
    %dma_wait3A_1215 = arith.constant 0 : i32
    %dma_wait3A_1216 = arith.constant 5 : i32
    %dma_wait3A_1217 = arith.constant 0 : i32
    %dma_wait3A_1218 = arith.constant 0 : i32
    %dma_wait3A_1219 = arith.constant 0 : i32
    %dma_wait3A_1220 = tpu.memref_slice %arg10[%dma_wait3A_1216, %dma_wait3A_1217, %dma_wait3A_1218, %dma_wait3A_1219] : memref<12x2x128x32xf32, #tpu.memory_space<vmem>> -> memref<1x1x128x32xf32, #tpu.memory_space<vmem>>
    %dma_wait3A_1221 = tpu.memref_squeeze %dma_wait3A_1220 : memref<1x1x128x32xf32, #tpu.memory_space<vmem>> -> memref<128x32xf32, #tpu.memory_space<vmem>>
    %dma_wait3A_1222 = arith.constant 0 : i32
    %dma_wait3A_1223 = tpu.memref_slice %arg9[%dma_wait3A_1214, %dma_wait3A_1215, %dma_wait3A_1222] : memref<12x2x128xi32, #tpu.memory_space<vmem>> -> memref<1x1x128xi32, #tpu.memory_space<vmem>>
    %dma_wait3A_1224 = tpu.memref_squeeze %dma_wait3A_1223 : memref<1x1x128xi32, #tpu.memory_space<vmem>> -> memref<128xi32, #tpu.memory_space<vmem>>
    %dma_wait3A_1225 = arith.constant 0 : i32
    %dma_wait3A_1226 = arith.constant 0 : i32
    %dma_wait3A_1227 = tpu.memref_slice %arg3[%dma_wait3A_1225, %dma_wait3A_1226] : memref<1000000x32xf32, #tpu.memory_space<hbm>> -> memref<1000000x32xf32, #tpu.memory_space<hbm>>
    tpu.wait_indirect_dma semaphore(%arg13 : memref<!tpu.dma_semaphore, #tpu.memory_space<semaphore_mem>>) src(%dma_wait3A_1227 : memref<1000000x32xf32, #tpu.memory_space<hbm>>) dst(%dma_wait3A_1221 : memref<128x32xf32, #tpu.memory_space<vmem>>)
    %dma_wait3A_1228 = arith.constant 5 : i32
    %dma_wait3A_1229 = arith.constant 1 : i32
    %dma_wait3A_1230 = arith.constant 5 : i32
    %dma_wait3A_1231 = arith.constant 1 : i32
    %dma_wait3A_1232 = arith.constant 0 : i32
    %dma_wait3A_1233 = arith.constant 0 : i32
    %dma_wait3A_1234 = tpu.memref_slice %arg10[%dma_wait3A_1230, %dma_wait3A_1231, %dma_wait3A_1232, %dma_wait3A_1233] : memref<12x2x128x32xf32, #tpu.memory_space<vmem>> -> memref<1x1x128x32xf32, #tpu.memory_space<vmem>>
    %dma_wait3A_1235 = tpu.memref_squeeze %dma_wait3A_1234 : memref<1x1x128x32xf32, #tpu.memory_space<vmem>> -> memref<128x32xf32, #tpu.memory_space<vmem>>
    %dma_wait3A_1236 = arith.constant 0 : i32
    %dma_wait3A_1237 = tpu.memref_slice %arg9[%dma_wait3A_1228, %dma_wait3A_1229, %dma_wait3A_1236] : memref<12x2x128xi32, #tpu.memory_space<vmem>> -> memref<1x1x128xi32, #tpu.memory_space<vmem>>
    %dma_wait3A_1238 = tpu.memref_squeeze %dma_wait3A_1237 : memref<1x1x128xi32, #tpu.memory_space<vmem>> -> memref<128xi32, #tpu.memory_space<vmem>>
    %dma_wait3A_1239 = arith.constant 0 : i32
    %dma_wait3A_1240 = arith.constant 0 : i32
    %dma_wait3A_1241 = tpu.memref_slice %arg3[%dma_wait3A_1239, %dma_wait3A_1240] : memref<1000000x32xf32, #tpu.memory_space<hbm>> -> memref<1000000x32xf32, #tpu.memory_space<hbm>>
    tpu.wait_indirect_dma semaphore(%arg13 : memref<!tpu.dma_semaphore, #tpu.memory_space<semaphore_mem>>) src(%dma_wait3A_1241 : memref<1000000x32xf32, #tpu.memory_space<hbm>>) dst(%dma_wait3A_1235 : memref<128x32xf32, #tpu.memory_space<vmem>>)
    %dma_wait3A_1242 = arith.constant 6 : i32
    %dma_wait3A_1243 = arith.constant 0 : i32
    %dma_wait3A_1244 = arith.constant 6 : i32
    %dma_wait3A_1245 = arith.constant 0 : i32
    %dma_wait3A_1246 = arith.constant 0 : i32
    %dma_wait3A_1247 = arith.constant 0 : i32
    %dma_wait3A_1248 = tpu.memref_slice %arg10[%dma_wait3A_1244, %dma_wait3A_1245, %dma_wait3A_1246, %dma_wait3A_1247] : memref<12x2x128x32xf32, #tpu.memory_space<vmem>> -> memref<1x1x128x32xf32, #tpu.memory_space<vmem>>
    %dma_wait3A_1249 = tpu.memref_squeeze %dma_wait3A_1248 : memref<1x1x128x32xf32, #tpu.memory_space<vmem>> -> memref<128x32xf32, #tpu.memory_space<vmem>>
    %dma_wait3A_1250 = arith.constant 0 : i32
    %dma_wait3A_1251 = tpu.memref_slice %arg9[%dma_wait3A_1242, %dma_wait3A_1243, %dma_wait3A_1250] : memref<12x2x128xi32, #tpu.memory_space<vmem>> -> memref<1x1x128xi32, #tpu.memory_space<vmem>>
    %dma_wait3A_1252 = tpu.memref_squeeze %dma_wait3A_1251 : memref<1x1x128xi32, #tpu.memory_space<vmem>> -> memref<128xi32, #tpu.memory_space<vmem>>
    %dma_wait3A_1253 = arith.constant 0 : i32
    %dma_wait3A_1254 = arith.constant 0 : i32
    %dma_wait3A_1255 = tpu.memref_slice %arg4[%dma_wait3A_1253, %dma_wait3A_1254] : memref<1000x32xf32, #tpu.memory_space<hbm>> -> memref<1000x32xf32, #tpu.memory_space<hbm>>
    tpu.wait_indirect_dma semaphore(%arg13 : memref<!tpu.dma_semaphore, #tpu.memory_space<semaphore_mem>>) src(%dma_wait3A_1255 : memref<1000x32xf32, #tpu.memory_space<hbm>>) dst(%dma_wait3A_1249 : memref<128x32xf32, #tpu.memory_space<vmem>>)
    %dma_wait3A_1256 = arith.constant 6 : i32
    %dma_wait3A_1257 = arith.constant 1 : i32
    %dma_wait3A_1258 = arith.constant 6 : i32
    %dma_wait3A_1259 = arith.constant 1 : i32
    %dma_wait3A_1260 = arith.constant 0 : i32
    %dma_wait3A_1261 = arith.constant 0 : i32
    %dma_wait3A_1262 = tpu.memref_slice %arg10[%dma_wait3A_1258, %dma_wait3A_1259, %dma_wait3A_1260, %dma_wait3A_1261] : memref<12x2x128x32xf32, #tpu.memory_space<vmem>> -> memref<1x1x128x32xf32, #tpu.memory_space<vmem>>
    %dma_wait3A_1263 = tpu.memref_squeeze %dma_wait3A_1262 : memref<1x1x128x32xf32, #tpu.memory_space<vmem>> -> memref<128x32xf32, #tpu.memory_space<vmem>>
    %dma_wait3A_1264 = arith.constant 0 : i32
    %dma_wait3A_1265 = tpu.memref_slice %arg9[%dma_wait3A_1256, %dma_wait3A_1257, %dma_wait3A_1264] : memref<12x2x128xi32, #tpu.memory_space<vmem>> -> memref<1x1x128xi32, #tpu.memory_space<vmem>>
    %dma_wait3A_1266 = tpu.memref_squeeze %dma_wait3A_1265 : memref<1x1x128xi32, #tpu.memory_space<vmem>> -> memref<128xi32, #tpu.memory_space<vmem>>
    %dma_wait3A_1267 = arith.constant 0 : i32
    %dma_wait3A_1268 = arith.constant 0 : i32
    %dma_wait3A_1269 = tpu.memref_slice %arg4[%dma_wait3A_1267, %dma_wait3A_1268] : memref<1000x32xf32, #tpu.memory_space<hbm>> -> memref<1000x32xf32, #tpu.memory_space<hbm>>
    tpu.wait_indirect_dma semaphore(%arg13 : memref<!tpu.dma_semaphore, #tpu.memory_space<semaphore_mem>>) src(%dma_wait3A_1269 : memref<1000x32xf32, #tpu.memory_space<hbm>>) dst(%dma_wait3A_1263 : memref<128x32xf32, #tpu.memory_space<vmem>>)
    %dma_wait3A_1270 = arith.constant 7 : i32
    %dma_wait3A_1271 = arith.constant 0 : i32
    %dma_wait3A_1272 = arith.constant 7 : i32
    %dma_wait3A_1273 = arith.constant 0 : i32
    %dma_wait3A_1274 = arith.constant 0 : i32
    %dma_wait3A_1275 = arith.constant 0 : i32
    %dma_wait3A_1276 = tpu.memref_slice %arg10[%dma_wait3A_1272, %dma_wait3A_1273, %dma_wait3A_1274, %dma_wait3A_1275] : memref<12x2x128x32xf32, #tpu.memory_space<vmem>> -> memref<1x1x128x32xf32, #tpu.memory_space<vmem>>
    %dma_wait3A_1277 = tpu.memref_squeeze %dma_wait3A_1276 : memref<1x1x128x32xf32, #tpu.memory_space<vmem>> -> memref<128x32xf32, #tpu.memory_space<vmem>>
    %dma_wait3A_1278 = arith.constant 0 : i32
    %dma_wait3A_1279 = tpu.memref_slice %arg9[%dma_wait3A_1270, %dma_wait3A_1271, %dma_wait3A_1278] : memref<12x2x128xi32, #tpu.memory_space<vmem>> -> memref<1x1x128xi32, #tpu.memory_space<vmem>>
    %dma_wait3A_1280 = tpu.memref_squeeze %dma_wait3A_1279 : memref<1x1x128xi32, #tpu.memory_space<vmem>> -> memref<128xi32, #tpu.memory_space<vmem>>
    %dma_wait3A_1281 = arith.constant 0 : i32
    %dma_wait3A_1282 = arith.constant 0 : i32
    %dma_wait3A_1283 = tpu.memref_slice %arg4[%dma_wait3A_1281, %dma_wait3A_1282] : memref<1000x32xf32, #tpu.memory_space<hbm>> -> memref<1000x32xf32, #tpu.memory_space<hbm>>
    tpu.wait_indirect_dma semaphore(%arg13 : memref<!tpu.dma_semaphore, #tpu.memory_space<semaphore_mem>>) src(%dma_wait3A_1283 : memref<1000x32xf32, #tpu.memory_space<hbm>>) dst(%dma_wait3A_1277 : memref<128x32xf32, #tpu.memory_space<vmem>>)
    %dma_wait3A_1284 = arith.constant 7 : i32
    %dma_wait3A_1285 = arith.constant 1 : i32
    %dma_wait3A_1286 = arith.constant 7 : i32
    %dma_wait3A_1287 = arith.constant 1 : i32
    %dma_wait3A_1288 = arith.constant 0 : i32
    %dma_wait3A_1289 = arith.constant 0 : i32
    %dma_wait3A_1290 = tpu.memref_slice %arg10[%dma_wait3A_1286, %dma_wait3A_1287, %dma_wait3A_1288, %dma_wait3A_1289] : memref<12x2x128x32xf32, #tpu.memory_space<vmem>> -> memref<1x1x128x32xf32, #tpu.memory_space<vmem>>
    %dma_wait3A_1291 = tpu.memref_squeeze %dma_wait3A_1290 : memref<1x1x128x32xf32, #tpu.memory_space<vmem>> -> memref<128x32xf32, #tpu.memory_space<vmem>>
    %dma_wait3A_1292 = arith.constant 0 : i32
    %dma_wait3A_1293 = tpu.memref_slice %arg9[%dma_wait3A_1284, %dma_wait3A_1285, %dma_wait3A_1292] : memref<12x2x128xi32, #tpu.memory_space<vmem>> -> memref<1x1x128xi32, #tpu.memory_space<vmem>>
    %dma_wait3A_1294 = tpu.memref_squeeze %dma_wait3A_1293 : memref<1x1x128xi32, #tpu.memory_space<vmem>> -> memref<128xi32, #tpu.memory_space<vmem>>
    %dma_wait3A_1295 = arith.constant 0 : i32
    %dma_wait3A_1296 = arith.constant 0 : i32
    %dma_wait3A_1297 = tpu.memref_slice %arg4[%dma_wait3A_1295, %dma_wait3A_1296] : memref<1000x32xf32, #tpu.memory_space<hbm>> -> memref<1000x32xf32, #tpu.memory_space<hbm>>
    tpu.wait_indirect_dma semaphore(%arg13 : memref<!tpu.dma_semaphore, #tpu.memory_space<semaphore_mem>>) src(%dma_wait3A_1297 : memref<1000x32xf32, #tpu.memory_space<hbm>>) dst(%dma_wait3A_1291 : memref<128x32xf32, #tpu.memory_space<vmem>>)
    %dma_wait3A_1298 = arith.constant 8 : i32
    %dma_wait3A_1299 = arith.constant 0 : i32
    %dma_wait3A_1300 = arith.constant 8 : i32
    %dma_wait3A_1301 = arith.constant 0 : i32
    %dma_wait3A_1302 = arith.constant 0 : i32
    %dma_wait3A_1303 = arith.constant 0 : i32
    %dma_wait3A_1304 = tpu.memref_slice %arg10[%dma_wait3A_1300, %dma_wait3A_1301, %dma_wait3A_1302, %dma_wait3A_1303] : memref<12x2x128x32xf32, #tpu.memory_space<vmem>> -> memref<1x1x128x32xf32, #tpu.memory_space<vmem>>
    %dma_wait3A_1305 = tpu.memref_squeeze %dma_wait3A_1304 : memref<1x1x128x32xf32, #tpu.memory_space<vmem>> -> memref<128x32xf32, #tpu.memory_space<vmem>>
    %dma_wait3A_1306 = arith.constant 0 : i32
    %dma_wait3A_1307 = tpu.memref_slice %arg9[%dma_wait3A_1298, %dma_wait3A_1299, %dma_wait3A_1306] : memref<12x2x128xi32, #tpu.memory_space<vmem>> -> memref<1x1x128xi32, #tpu.memory_space<vmem>>
    %dma_wait3A_1308 = tpu.memref_squeeze %dma_wait3A_1307 : memref<1x1x128xi32, #tpu.memory_space<vmem>> -> memref<128xi32, #tpu.memory_space<vmem>>
    %dma_wait3A_1309 = arith.constant 0 : i32
    %dma_wait3A_1310 = arith.constant 0 : i32
    %dma_wait3A_1311 = tpu.memref_slice %arg4[%dma_wait3A_1309, %dma_wait3A_1310] : memref<1000x32xf32, #tpu.memory_space<hbm>> -> memref<1000x32xf32, #tpu.memory_space<hbm>>
    tpu.wait_indirect_dma semaphore(%arg13 : memref<!tpu.dma_semaphore, #tpu.memory_space<semaphore_mem>>) src(%dma_wait3A_1311 : memref<1000x32xf32, #tpu.memory_space<hbm>>) dst(%dma_wait3A_1305 : memref<128x32xf32, #tpu.memory_space<vmem>>)
    %dma_wait3A_1312 = arith.constant 8 : i32
    %dma_wait3A_1313 = arith.constant 1 : i32
    %dma_wait3A_1314 = arith.constant 8 : i32
    %dma_wait3A_1315 = arith.constant 1 : i32
    %dma_wait3A_1316 = arith.constant 0 : i32
    %dma_wait3A_1317 = arith.constant 0 : i32
    %dma_wait3A_1318 = tpu.memref_slice %arg10[%dma_wait3A_1314, %dma_wait3A_1315, %dma_wait3A_1316, %dma_wait3A_1317] : memref<12x2x128x32xf32, #tpu.memory_space<vmem>> -> memref<1x1x128x32xf32, #tpu.memory_space<vmem>>
    %dma_wait3A_1319 = tpu.memref_squeeze %dma_wait3A_1318 : memref<1x1x128x32xf32, #tpu.memory_space<vmem>> -> memref<128x32xf32, #tpu.memory_space<vmem>>
    %dma_wait3A_1320 = arith.constant 0 : i32
    %dma_wait3A_1321 = tpu.memref_slice %arg9[%dma_wait3A_1312, %dma_wait3A_1313, %dma_wait3A_1320] : memref<12x2x128xi32, #tpu.memory_space<vmem>> -> memref<1x1x128xi32, #tpu.memory_space<vmem>>
    %dma_wait3A_1322 = tpu.memref_squeeze %dma_wait3A_1321 : memref<1x1x128xi32, #tpu.memory_space<vmem>> -> memref<128xi32, #tpu.memory_space<vmem>>
    %dma_wait3A_1323 = arith.constant 0 : i32
    %dma_wait3A_1324 = arith.constant 0 : i32
    %dma_wait3A_1325 = tpu.memref_slice %arg4[%dma_wait3A_1323, %dma_wait3A_1324] : memref<1000x32xf32, #tpu.memory_space<hbm>> -> memref<1000x32xf32, #tpu.memory_space<hbm>>
    tpu.wait_indirect_dma semaphore(%arg13 : memref<!tpu.dma_semaphore, #tpu.memory_space<semaphore_mem>>) src(%dma_wait3A_1325 : memref<1000x32xf32, #tpu.memory_space<hbm>>) dst(%dma_wait3A_1319 : memref<128x32xf32, #tpu.memory_space<vmem>>)
    %dma_wait3A_1326 = arith.constant 9 : i32
    %dma_wait3A_1327 = arith.constant 0 : i32
    %dma_wait3A_1328 = arith.constant 9 : i32
    %dma_wait3A_1329 = arith.constant 0 : i32
    %dma_wait3A_1330 = arith.constant 0 : i32
    %dma_wait3A_1331 = arith.constant 0 : i32
    %dma_wait3A_1332 = tpu.memref_slice %arg10[%dma_wait3A_1328, %dma_wait3A_1329, %dma_wait3A_1330, %dma_wait3A_1331] : memref<12x2x128x32xf32, #tpu.memory_space<vmem>> -> memref<1x1x128x32xf32, #tpu.memory_space<vmem>>
    %dma_wait3A_1333 = tpu.memref_squeeze %dma_wait3A_1332 : memref<1x1x128x32xf32, #tpu.memory_space<vmem>> -> memref<128x32xf32, #tpu.memory_space<vmem>>
    %dma_wait3A_1334 = arith.constant 0 : i32
    %dma_wait3A_1335 = tpu.memref_slice %arg9[%dma_wait3A_1326, %dma_wait3A_1327, %dma_wait3A_1334] : memref<12x2x128xi32, #tpu.memory_space<vmem>> -> memref<1x1x128xi32, #tpu.memory_space<vmem>>
    %dma_wait3A_1336 = tpu.memref_squeeze %dma_wait3A_1335 : memref<1x1x128xi32, #tpu.memory_space<vmem>> -> memref<128xi32, #tpu.memory_space<vmem>>
    %dma_wait3A_1337 = arith.constant 0 : i32
    %dma_wait3A_1338 = arith.constant 0 : i32
    %dma_wait3A_1339 = tpu.memref_slice %arg5[%dma_wait3A_1337, %dma_wait3A_1338] : memref<1000x32xf32, #tpu.memory_space<hbm>> -> memref<1000x32xf32, #tpu.memory_space<hbm>>
    tpu.wait_indirect_dma semaphore(%arg13 : memref<!tpu.dma_semaphore, #tpu.memory_space<semaphore_mem>>) src(%dma_wait3A_1339 : memref<1000x32xf32, #tpu.memory_space<hbm>>) dst(%dma_wait3A_1333 : memref<128x32xf32, #tpu.memory_space<vmem>>)
    %dma_wait3A_1340 = arith.constant 9 : i32
    %dma_wait3A_1341 = arith.constant 1 : i32
    %dma_wait3A_1342 = arith.constant 9 : i32
    %dma_wait3A_1343 = arith.constant 1 : i32
    %dma_wait3A_1344 = arith.constant 0 : i32
    %dma_wait3A_1345 = arith.constant 0 : i32
    %dma_wait3A_1346 = tpu.memref_slice %arg10[%dma_wait3A_1342, %dma_wait3A_1343, %dma_wait3A_1344, %dma_wait3A_1345] : memref<12x2x128x32xf32, #tpu.memory_space<vmem>> -> memref<1x1x128x32xf32, #tpu.memory_space<vmem>>
    %dma_wait3A_1347 = tpu.memref_squeeze %dma_wait3A_1346 : memref<1x1x128x32xf32, #tpu.memory_space<vmem>> -> memref<128x32xf32, #tpu.memory_space<vmem>>
    %dma_wait3A_1348 = arith.constant 0 : i32
    %dma_wait3A_1349 = tpu.memref_slice %arg9[%dma_wait3A_1340, %dma_wait3A_1341, %dma_wait3A_1348] : memref<12x2x128xi32, #tpu.memory_space<vmem>> -> memref<1x1x128xi32, #tpu.memory_space<vmem>>
    %dma_wait3A_1350 = tpu.memref_squeeze %dma_wait3A_1349 : memref<1x1x128xi32, #tpu.memory_space<vmem>> -> memref<128xi32, #tpu.memory_space<vmem>>
    %dma_wait3A_1351 = arith.constant 0 : i32
    %dma_wait3A_1352 = arith.constant 0 : i32
    %dma_wait3A_1353 = tpu.memref_slice %arg5[%dma_wait3A_1351, %dma_wait3A_1352] : memref<1000x32xf32, #tpu.memory_space<hbm>> -> memref<1000x32xf32, #tpu.memory_space<hbm>>
    tpu.wait_indirect_dma semaphore(%arg13 : memref<!tpu.dma_semaphore, #tpu.memory_space<semaphore_mem>>) src(%dma_wait3A_1353 : memref<1000x32xf32, #tpu.memory_space<hbm>>) dst(%dma_wait3A_1347 : memref<128x32xf32, #tpu.memory_space<vmem>>)
    %dma_wait3A_1354 = arith.constant 10 : i32
    %dma_wait3A_1355 = arith.constant 0 : i32
    %dma_wait3A_1356 = arith.constant 10 : i32
    %dma_wait3A_1357 = arith.constant 0 : i32
    %dma_wait3A_1358 = arith.constant 0 : i32
    %dma_wait3A_1359 = arith.constant 0 : i32
    %dma_wait3A_1360 = tpu.memref_slice %arg10[%dma_wait3A_1356, %dma_wait3A_1357, %dma_wait3A_1358, %dma_wait3A_1359] : memref<12x2x128x32xf32, #tpu.memory_space<vmem>> -> memref<1x1x128x32xf32, #tpu.memory_space<vmem>>
    %dma_wait3A_1361 = tpu.memref_squeeze %dma_wait3A_1360 : memref<1x1x128x32xf32, #tpu.memory_space<vmem>> -> memref<128x32xf32, #tpu.memory_space<vmem>>
    %dma_wait3A_1362 = arith.constant 0 : i32
    %dma_wait3A_1363 = tpu.memref_slice %arg9[%dma_wait3A_1354, %dma_wait3A_1355, %dma_wait3A_1362] : memref<12x2x128xi32, #tpu.memory_space<vmem>> -> memref<1x1x128xi32, #tpu.memory_space<vmem>>
    %dma_wait3A_1364 = tpu.memref_squeeze %dma_wait3A_1363 : memref<1x1x128xi32, #tpu.memory_space<vmem>> -> memref<128xi32, #tpu.memory_space<vmem>>
    %dma_wait3A_1365 = arith.constant 0 : i32
    %dma_wait3A_1366 = arith.constant 0 : i32
    %dma_wait3A_1367 = tpu.memref_slice %arg5[%dma_wait3A_1365, %dma_wait3A_1366] : memref<1000x32xf32, #tpu.memory_space<hbm>> -> memref<1000x32xf32, #tpu.memory_space<hbm>>
    tpu.wait_indirect_dma semaphore(%arg13 : memref<!tpu.dma_semaphore, #tpu.memory_space<semaphore_mem>>) src(%dma_wait3A_1367 : memref<1000x32xf32, #tpu.memory_space<hbm>>) dst(%dma_wait3A_1361 : memref<128x32xf32, #tpu.memory_space<vmem>>)
    %dma_wait3A_1368 = arith.constant 10 : i32
    %dma_wait3A_1369 = arith.constant 1 : i32
    %dma_wait3A_1370 = arith.constant 10 : i32
    %dma_wait3A_1371 = arith.constant 1 : i32
    %dma_wait3A_1372 = arith.constant 0 : i32
    %dma_wait3A_1373 = arith.constant 0 : i32
    %dma_wait3A_1374 = tpu.memref_slice %arg10[%dma_wait3A_1370, %dma_wait3A_1371, %dma_wait3A_1372, %dma_wait3A_1373] : memref<12x2x128x32xf32, #tpu.memory_space<vmem>> -> memref<1x1x128x32xf32, #tpu.memory_space<vmem>>
    %dma_wait3A_1375 = tpu.memref_squeeze %dma_wait3A_1374 : memref<1x1x128x32xf32, #tpu.memory_space<vmem>> -> memref<128x32xf32, #tpu.memory_space<vmem>>
    %dma_wait3A_1376 = arith.constant 0 : i32
    %dma_wait3A_1377 = tpu.memref_slice %arg9[%dma_wait3A_1368, %dma_wait3A_1369, %dma_wait3A_1376] : memref<12x2x128xi32, #tpu.memory_space<vmem>> -> memref<1x1x128xi32, #tpu.memory_space<vmem>>
    %dma_wait3A_1378 = tpu.memref_squeeze %dma_wait3A_1377 : memref<1x1x128xi32, #tpu.memory_space<vmem>> -> memref<128xi32, #tpu.memory_space<vmem>>
    %dma_wait3A_1379 = arith.constant 0 : i32
    %dma_wait3A_1380 = arith.constant 0 : i32
    %dma_wait3A_1381 = tpu.memref_slice %arg5[%dma_wait3A_1379, %dma_wait3A_1380] : memref<1000x32xf32, #tpu.memory_space<hbm>> -> memref<1000x32xf32, #tpu.memory_space<hbm>>
    tpu.wait_indirect_dma semaphore(%arg13 : memref<!tpu.dma_semaphore, #tpu.memory_space<semaphore_mem>>) src(%dma_wait3A_1381 : memref<1000x32xf32, #tpu.memory_space<hbm>>) dst(%dma_wait3A_1375 : memref<128x32xf32, #tpu.memory_space<vmem>>)
    %dma_wait3A_1382 = arith.constant 11 : i32
    %dma_wait3A_1383 = arith.constant 0 : i32
    %dma_wait3A_1384 = arith.constant 11 : i32
    %dma_wait3A_1385 = arith.constant 0 : i32
    %dma_wait3A_1386 = arith.constant 0 : i32
    %dma_wait3A_1387 = arith.constant 0 : i32
    %dma_wait3A_1388 = tpu.memref_slice %arg10[%dma_wait3A_1384, %dma_wait3A_1385, %dma_wait3A_1386, %dma_wait3A_1387] : memref<12x2x128x32xf32, #tpu.memory_space<vmem>> -> memref<1x1x128x32xf32, #tpu.memory_space<vmem>>
    %dma_wait3A_1389 = tpu.memref_squeeze %dma_wait3A_1388 : memref<1x1x128x32xf32, #tpu.memory_space<vmem>> -> memref<128x32xf32, #tpu.memory_space<vmem>>
    %dma_wait3A_1390 = arith.constant 0 : i32
    %dma_wait3A_1391 = tpu.memref_slice %arg9[%dma_wait3A_1382, %dma_wait3A_1383, %dma_wait3A_1390] : memref<12x2x128xi32, #tpu.memory_space<vmem>> -> memref<1x1x128xi32, #tpu.memory_space<vmem>>
    %dma_wait3A_1392 = tpu.memref_squeeze %dma_wait3A_1391 : memref<1x1x128xi32, #tpu.memory_space<vmem>> -> memref<128xi32, #tpu.memory_space<vmem>>
    %dma_wait3A_1393 = arith.constant 0 : i32
    %dma_wait3A_1394 = arith.constant 0 : i32
    %dma_wait3A_1395 = tpu.memref_slice %arg5[%dma_wait3A_1393, %dma_wait3A_1394] : memref<1000x32xf32, #tpu.memory_space<hbm>> -> memref<1000x32xf32, #tpu.memory_space<hbm>>
    tpu.wait_indirect_dma semaphore(%arg13 : memref<!tpu.dma_semaphore, #tpu.memory_space<semaphore_mem>>) src(%dma_wait3A_1395 : memref<1000x32xf32, #tpu.memory_space<hbm>>) dst(%dma_wait3A_1389 : memref<128x32xf32, #tpu.memory_space<vmem>>)
    %dma_wait3A_1396 = arith.constant 11 : i32
    %dma_wait3A_1397 = arith.constant 1 : i32
    %dma_wait3A_1398 = arith.constant 11 : i32
    %dma_wait3A_1399 = arith.constant 1 : i32
    %dma_wait3A_1400 = arith.constant 0 : i32
    %dma_wait3A_1401 = arith.constant 0 : i32
    %dma_wait3A_1402 = tpu.memref_slice %arg10[%dma_wait3A_1398, %dma_wait3A_1399, %dma_wait3A_1400, %dma_wait3A_1401] : memref<12x2x128x32xf32, #tpu.memory_space<vmem>> -> memref<1x1x128x32xf32, #tpu.memory_space<vmem>>
    %dma_wait3A_1403 = tpu.memref_squeeze %dma_wait3A_1402 : memref<1x1x128x32xf32, #tpu.memory_space<vmem>> -> memref<128x32xf32, #tpu.memory_space<vmem>>
    %dma_wait3A_1404 = arith.constant 0 : i32
    %dma_wait3A_1405 = tpu.memref_slice %arg9[%dma_wait3A_1396, %dma_wait3A_1397, %dma_wait3A_1404] : memref<12x2x128xi32, #tpu.memory_space<vmem>> -> memref<1x1x128xi32, #tpu.memory_space<vmem>>
    %dma_wait3A_1406 = tpu.memref_squeeze %dma_wait3A_1405 : memref<1x1x128xi32, #tpu.memory_space<vmem>> -> memref<128xi32, #tpu.memory_space<vmem>>
    %dma_wait3A_1407 = arith.constant 0 : i32
    %dma_wait3A_1408 = arith.constant 0 : i32
    %dma_wait3A_1409 = tpu.memref_slice %arg5[%dma_wait3A_1407, %dma_wait3A_1408] : memref<1000x32xf32, #tpu.memory_space<hbm>> -> memref<1000x32xf32, #tpu.memory_space<hbm>>
    tpu.wait_indirect_dma semaphore(%arg13 : memref<!tpu.dma_semaphore, #tpu.memory_space<semaphore_mem>>) src(%dma_wait3A_1409 : memref<1000x32xf32, #tpu.memory_space<hbm>>) dst(%dma_wait3A_1403 : memref<128x32xf32, #tpu.memory_space<vmem>>)
    %scan3A_1410 = arith.constant 0 : i32
    %scan3A_1411 = arith.constant 128 : i32
    %scan3A_1412 = arith.addi %scan3A_1410, %scan3A_1411 : i32
    %scan3A_1413 = arith.constant 1 : i32
    %scan3A_1414 = scf.for %scan3A_1429 = %scan3A_1410 to %scan3A_1412 step %scan3A_1413 iter_args(%scan3A_1430 = %scan3A_708) -> (vector<16xf32>)  : i32 {
      %get3A = arith.constant 0 : i32
      %get3A_1431 = arith.constant 0 : i32
      %get3A_1432 = arith.index_cast %get3A : i32 to index
      %get3A_1433 = arith.index_cast %get3A_1431 : i32 to index
      %get3A_1434 = arith.index_cast %scan3A_1429 : i32 to index
      %get3A_1435 = arith.constant 0 : index
      %get3A_1436 = tpu.vector_load %arg10[%get3A_1432, %get3A_1433, %get3A_1434, %get3A_1435] {strides = array<i32>} : memref<12x2x128x32xf32, #tpu.memory_space<vmem>>, vector<1x1x1x16xf32>,
      %get3A_1437 = vector.shape_cast %get3A_1436 : vector<1x1x1x16xf32> to vector<16xf32>
      %get3A_1438 = arith.constant 1 : i32
      %get3A_1439 = arith.constant 0 : i32
      %get3A_1440 = arith.index_cast %get3A_1438 : i32 to index
      %get3A_1441 = arith.index_cast %get3A_1439 : i32 to index
      %get3A_1442 = arith.index_cast %scan3A_1429 : i32 to index
      %get3A_1443 = arith.constant 0 : index
      %get3A_1444 = tpu.vector_load %arg10[%get3A_1440, %get3A_1441, %get3A_1442, %get3A_1443] {strides = array<i32>} : memref<12x2x128x32xf32, #tpu.memory_space<vmem>>, vector<1x1x1x16xf32>,
      %get3A_1445 = vector.shape_cast %get3A_1444 : vector<1x1x1x16xf32> to vector<16xf32>
      %get3A_1446 = arith.constant 2 : i32
      %get3A_1447 = arith.constant 0 : i32
      %get3A_1448 = arith.index_cast %get3A_1446 : i32 to index
      %get3A_1449 = arith.index_cast %get3A_1447 : i32 to index
      %get3A_1450 = arith.index_cast %scan3A_1429 : i32 to index
      %get3A_1451 = arith.constant 0 : index
      %get3A_1452 = tpu.vector_load %arg10[%get3A_1448, %get3A_1449, %get3A_1450, %get3A_1451] {strides = array<i32>} : memref<12x2x128x32xf32, #tpu.memory_space<vmem>>, vector<1x1x1x16xf32>,
      %get3A_1453 = vector.shape_cast %get3A_1452 : vector<1x1x1x16xf32> to vector<16xf32>
      %get3A_1454 = arith.constant 3 : i32
      %get3A_1455 = arith.constant 0 : i32
      %get3A_1456 = arith.index_cast %get3A_1454 : i32 to index
      %get3A_1457 = arith.index_cast %get3A_1455 : i32 to index
      %get3A_1458 = arith.index_cast %scan3A_1429 : i32 to index
      %get3A_1459 = arith.constant 0 : index
      %get3A_1460 = tpu.vector_load %arg10[%get3A_1456, %get3A_1457, %get3A_1458, %get3A_1459] {strides = array<i32>} : memref<12x2x128x32xf32, #tpu.memory_space<vmem>>, vector<1x1x1x16xf32>,
      %get3A_1461 = vector.shape_cast %get3A_1460 : vector<1x1x1x16xf32> to vector<16xf32>
      %get3A_1462 = arith.constant 4 : i32
      %get3A_1463 = arith.constant 0 : i32
      %get3A_1464 = arith.index_cast %get3A_1462 : i32 to index
      %get3A_1465 = arith.index_cast %get3A_1463 : i32 to index
      %get3A_1466 = arith.index_cast %scan3A_1429 : i32 to index
      %get3A_1467 = arith.constant 0 : index
      %get3A_1468 = tpu.vector_load %arg10[%get3A_1464, %get3A_1465, %get3A_1466, %get3A_1467] {strides = array<i32>} : memref<12x2x128x32xf32, #tpu.memory_space<vmem>>, vector<1x1x1x16xf32>,
      %get3A_1469 = vector.shape_cast %get3A_1468 : vector<1x1x1x16xf32> to vector<16xf32>
      %get3A_1470 = arith.constant 5 : i32
      %get3A_1471 = arith.constant 0 : i32
      %get3A_1472 = arith.index_cast %get3A_1470 : i32 to index
      %get3A_1473 = arith.index_cast %get3A_1471 : i32 to index
      %get3A_1474 = arith.index_cast %scan3A_1429 : i32 to index
      %get3A_1475 = arith.constant 0 : index
      %get3A_1476 = tpu.vector_load %arg10[%get3A_1472, %get3A_1473, %get3A_1474, %get3A_1475] {strides = array<i32>} : memref<12x2x128x32xf32, #tpu.memory_space<vmem>>, vector<1x1x1x16xf32>,
      %get3A_1477 = vector.shape_cast %get3A_1476 : vector<1x1x1x16xf32> to vector<16xf32>
      %get3A_1478 = arith.constant 6 : i32
      %get3A_1479 = arith.constant 0 : i32
      %get3A_1480 = arith.index_cast %get3A_1478 : i32 to index
      %get3A_1481 = arith.index_cast %get3A_1479 : i32 to index
      %get3A_1482 = arith.index_cast %scan3A_1429 : i32 to index
      %get3A_1483 = arith.constant 0 : index
      %get3A_1484 = tpu.vector_load %arg10[%get3A_1480, %get3A_1481, %get3A_1482, %get3A_1483] {strides = array<i32>} : memref<12x2x128x32xf32, #tpu.memory_space<vmem>>, vector<1x1x1x16xf32>,
      %get3A_1485 = vector.shape_cast %get3A_1484 : vector<1x1x1x16xf32> to vector<16xf32>
      %get3A_1486 = arith.constant 7 : i32
      %get3A_1487 = arith.constant 0 : i32
      %get3A_1488 = arith.index_cast %get3A_1486 : i32 to index
      %get3A_1489 = arith.index_cast %get3A_1487 : i32 to index
      %get3A_1490 = arith.index_cast %scan3A_1429 : i32 to index
      %get3A_1491 = arith.constant 0 : index
      %get3A_1492 = tpu.vector_load %arg10[%get3A_1488, %get3A_1489, %get3A_1490, %get3A_1491] {strides = array<i32>} : memref<12x2x128x32xf32, #tpu.memory_space<vmem>>, vector<1x1x1x16xf32>,
      %get3A_1493 = vector.shape_cast %get3A_1492 : vector<1x1x1x16xf32> to vector<16xf32>
      %get3A_1494 = arith.constant 8 : i32
      %get3A_1495 = arith.constant 0 : i32
      %get3A_1496 = arith.index_cast %get3A_1494 : i32 to index
      %get3A_1497 = arith.index_cast %get3A_1495 : i32 to index
      %get3A_1498 = arith.index_cast %scan3A_1429 : i32 to index
      %get3A_1499 = arith.constant 0 : index
      %get3A_1500 = tpu.vector_load %arg10[%get3A_1496, %get3A_1497, %get3A_1498, %get3A_1499] {strides = array<i32>} : memref<12x2x128x32xf32, #tpu.memory_space<vmem>>, vector<1x1x1x16xf32>,
      %get3A_1501 = vector.shape_cast %get3A_1500 : vector<1x1x1x16xf32> to vector<16xf32>
      %get3A_1502 = arith.constant 9 : i32
      %get3A_1503 = arith.constant 0 : i32
      %get3A_1504 = arith.index_cast %get3A_1502 : i32 to index
      %get3A_1505 = arith.index_cast %get3A_1503 : i32 to index
      %get3A_1506 = arith.index_cast %scan3A_1429 : i32 to index
      %get3A_1507 = arith.constant 0 : index
      %get3A_1508 = tpu.vector_load %arg10[%get3A_1504, %get3A_1505, %get3A_1506, %get3A_1507] {strides = array<i32>} : memref<12x2x128x32xf32, #tpu.memory_space<vmem>>, vector<1x1x1x16xf32>,
      %get3A_1509 = vector.shape_cast %get3A_1508 : vector<1x1x1x16xf32> to vector<16xf32>
      %get3A_1510 = arith.constant 10 : i32
      %get3A_1511 = arith.constant 0 : i32
      %get3A_1512 = arith.index_cast %get3A_1510 : i32 to index
      %get3A_1513 = arith.index_cast %get3A_1511 : i32 to index
      %get3A_1514 = arith.index_cast %scan3A_1429 : i32 to index
      %get3A_1515 = arith.constant 0 : index
      %get3A_1516 = tpu.vector_load %arg10[%get3A_1512, %get3A_1513, %get3A_1514, %get3A_1515] {strides = array<i32>} : memref<12x2x128x32xf32, #tpu.memory_space<vmem>>, vector<1x1x1x16xf32>,
      %get3A_1517 = vector.shape_cast %get3A_1516 : vector<1x1x1x16xf32> to vector<16xf32>
      %get3A_1518 = arith.constant 11 : i32
      %get3A_1519 = arith.constant 0 : i32
      %get3A_1520 = arith.index_cast %get3A_1518 : i32 to index
      %get3A_1521 = arith.index_cast %get3A_1519 : i32 to index
      %get3A_1522 = arith.index_cast %scan3A_1429 : i32 to index
      %get3A_1523 = arith.constant 0 : index
      %get3A_1524 = tpu.vector_load %arg10[%get3A_1520, %get3A_1521, %get3A_1522, %get3A_1523] {strides = array<i32>} : memref<12x2x128x32xf32, #tpu.memory_space<vmem>>, vector<1x1x1x16xf32>,
      %get3A_1525 = vector.shape_cast %get3A_1524 : vector<1x1x1x16xf32> to vector<16xf32>
      %get3A_1526 = arith.constant 0 : i32
      %get3A_1527 = arith.constant 0 : i32
      %get3A_1528 = arith.index_cast %get3A_1526 : i32 to index
      %get3A_1529 = arith.index_cast %get3A_1527 : i32 to index
      %get3A_1530 = arith.index_cast %scan3A_1429 : i32 to index
      %get3A_1531 = arith.constant 16 : index
      %get3A_1532 = tpu.vector_load %arg10[%get3A_1528, %get3A_1529, %get3A_1530, %get3A_1531] {strides = array<i32>} : memref<12x2x128x32xf32, #tpu.memory_space<vmem>>, vector<1x1x1x16xf32>,
      %get3A_1533 = vector.shape_cast %get3A_1532 : vector<1x1x1x16xf32> to vector<16xf32>
      %get3A_1534 = arith.constant 1 : i32
      %get3A_1535 = arith.constant 0 : i32
      %get3A_1536 = arith.index_cast %get3A_1534 : i32 to index
      %get3A_1537 = arith.index_cast %get3A_1535 : i32 to index
      %get3A_1538 = arith.index_cast %scan3A_1429 : i32 to index
      %get3A_1539 = arith.constant 16 : index
      %get3A_1540 = tpu.vector_load %arg10[%get3A_1536, %get3A_1537, %get3A_1538, %get3A_1539] {strides = array<i32>} : memref<12x2x128x32xf32, #tpu.memory_space<vmem>>, vector<1x1x1x16xf32>,
      %get3A_1541 = vector.shape_cast %get3A_1540 : vector<1x1x1x16xf32> to vector<16xf32>
      %get3A_1542 = arith.constant 2 : i32
      %get3A_1543 = arith.constant 0 : i32
      %get3A_1544 = arith.index_cast %get3A_1542 : i32 to index
      %get3A_1545 = arith.index_cast %get3A_1543 : i32 to index
      %get3A_1546 = arith.index_cast %scan3A_1429 : i32 to index
      %get3A_1547 = arith.constant 16 : index
      %get3A_1548 = tpu.vector_load %arg10[%get3A_1544, %get3A_1545, %get3A_1546, %get3A_1547] {strides = array<i32>} : memref<12x2x128x32xf32, #tpu.memory_space<vmem>>, vector<1x1x1x16xf32>,
      %get3A_1549 = vector.shape_cast %get3A_1548 : vector<1x1x1x16xf32> to vector<16xf32>
      %get3A_1550 = arith.constant 3 : i32
      %get3A_1551 = arith.constant 0 : i32
      %get3A_1552 = arith.index_cast %get3A_1550 : i32 to index
      %get3A_1553 = arith.index_cast %get3A_1551 : i32 to index
      %get3A_1554 = arith.index_cast %scan3A_1429 : i32 to index
      %get3A_1555 = arith.constant 16 : index
      %get3A_1556 = tpu.vector_load %arg10[%get3A_1552, %get3A_1553, %get3A_1554, %get3A_1555] {strides = array<i32>} : memref<12x2x128x32xf32, #tpu.memory_space<vmem>>, vector<1x1x1x16xf32>,
      %get3A_1557 = vector.shape_cast %get3A_1556 : vector<1x1x1x16xf32> to vector<16xf32>
      %get3A_1558 = arith.constant 4 : i32
      %get3A_1559 = arith.constant 0 : i32
      %get3A_1560 = arith.index_cast %get3A_1558 : i32 to index
      %get3A_1561 = arith.index_cast %get3A_1559 : i32 to index
      %get3A_1562 = arith.index_cast %scan3A_1429 : i32 to index
      %get3A_1563 = arith.constant 16 : index
      %get3A_1564 = tpu.vector_load %arg10[%get3A_1560, %get3A_1561, %get3A_1562, %get3A_1563] {strides = array<i32>} : memref<12x2x128x32xf32, #tpu.memory_space<vmem>>, vector<1x1x1x16xf32>,
      %get3A_1565 = vector.shape_cast %get3A_1564 : vector<1x1x1x16xf32> to vector<16xf32>
      %get3A_1566 = arith.constant 5 : i32
      %get3A_1567 = arith.constant 0 : i32
      %get3A_1568 = arith.index_cast %get3A_1566 : i32 to index
      %get3A_1569 = arith.index_cast %get3A_1567 : i32 to index
      %get3A_1570 = arith.index_cast %scan3A_1429 : i32 to index
      %get3A_1571 = arith.constant 16 : index
      %get3A_1572 = tpu.vector_load %arg10[%get3A_1568, %get3A_1569, %get3A_1570, %get3A_1571] {strides = array<i32>} : memref<12x2x128x32xf32, #tpu.memory_space<vmem>>, vector<1x1x1x16xf32>,
      %get3A_1573 = vector.shape_cast %get3A_1572 : vector<1x1x1x16xf32> to vector<16xf32>
      %get3A_1574 = arith.constant 6 : i32
      %get3A_1575 = arith.constant 0 : i32
      %get3A_1576 = arith.index_cast %get3A_1574 : i32 to index
      %get3A_1577 = arith.index_cast %get3A_1575 : i32 to index
      %get3A_1578 = arith.index_cast %scan3A_1429 : i32 to index
      %get3A_1579 = arith.constant 16 : index
      %get3A_1580 = tpu.vector_load %arg10[%get3A_1576, %get3A_1577, %get3A_1578, %get3A_1579] {strides = array<i32>} : memref<12x2x128x32xf32, #tpu.memory_space<vmem>>, vector<1x1x1x16xf32>,
      %get3A_1581 = vector.shape_cast %get3A_1580 : vector<1x1x1x16xf32> to vector<16xf32>
      %get3A_1582 = arith.constant 7 : i32
      %get3A_1583 = arith.constant 0 : i32
      %get3A_1584 = arith.index_cast %get3A_1582 : i32 to index
      %get3A_1585 = arith.index_cast %get3A_1583 : i32 to index
      %get3A_1586 = arith.index_cast %scan3A_1429 : i32 to index
      %get3A_1587 = arith.constant 16 : index
      %get3A_1588 = tpu.vector_load %arg10[%get3A_1584, %get3A_1585, %get3A_1586, %get3A_1587] {strides = array<i32>} : memref<12x2x128x32xf32, #tpu.memory_space<vmem>>, vector<1x1x1x16xf32>,
      %get3A_1589 = vector.shape_cast %get3A_1588 : vector<1x1x1x16xf32> to vector<16xf32>
      %get3A_1590 = arith.constant 8 : i32
      %get3A_1591 = arith.constant 0 : i32
      %get3A_1592 = arith.index_cast %get3A_1590 : i32 to index
      %get3A_1593 = arith.index_cast %get3A_1591 : i32 to index
      %get3A_1594 = arith.index_cast %scan3A_1429 : i32 to index
      %get3A_1595 = arith.constant 16 : index
      %get3A_1596 = tpu.vector_load %arg10[%get3A_1592, %get3A_1593, %get3A_1594, %get3A_1595] {strides = array<i32>} : memref<12x2x128x32xf32, #tpu.memory_space<vmem>>, vector<1x1x1x16xf32>,
      %get3A_1597 = vector.shape_cast %get3A_1596 : vector<1x1x1x16xf32> to vector<16xf32>
      %get3A_1598 = arith.constant 9 : i32
      %get3A_1599 = arith.constant 0 : i32
      %get3A_1600 = arith.index_cast %get3A_1598 : i32 to index
      %get3A_1601 = arith.index_cast %get3A_1599 : i32 to index
      %get3A_1602 = arith.index_cast %scan3A_1429 : i32 to index
      %get3A_1603 = arith.constant 16 : index
      %get3A_1604 = tpu.vector_load %arg10[%get3A_1600, %get3A_1601, %get3A_1602, %get3A_1603] {strides = array<i32>} : memref<12x2x128x32xf32, #tpu.memory_space<vmem>>, vector<1x1x1x16xf32>,
      %get3A_1605 = vector.shape_cast %get3A_1604 : vector<1x1x1x16xf32> to vector<16xf32>
      %get3A_1606 = arith.constant 10 : i32
      %get3A_1607 = arith.constant 0 : i32
      %get3A_1608 = arith.index_cast %get3A_1606 : i32 to index
      %get3A_1609 = arith.index_cast %get3A_1607 : i32 to index
      %get3A_1610 = arith.index_cast %scan3A_1429 : i32 to index
      %get3A_1611 = arith.constant 16 : index
      %get3A_1612 = tpu.vector_load %arg10[%get3A_1608, %get3A_1609, %get3A_1610, %get3A_1611] {strides = array<i32>} : memref<12x2x128x32xf32, #tpu.memory_space<vmem>>, vector<1x1x1x16xf32>,
      %get3A_1613 = vector.shape_cast %get3A_1612 : vector<1x1x1x16xf32> to vector<16xf32>
      %get3A_1614 = arith.constant 11 : i32
      %get3A_1615 = arith.constant 0 : i32
      %get3A_1616 = arith.index_cast %get3A_1614 : i32 to index
      %get3A_1617 = arith.index_cast %get3A_1615 : i32 to index
      %get3A_1618 = arith.index_cast %scan3A_1429 : i32 to index
      %get3A_1619 = arith.constant 16 : index
      %get3A_1620 = tpu.vector_load %arg10[%get3A_1616, %get3A_1617, %get3A_1618, %get3A_1619] {strides = array<i32>} : memref<12x2x128x32xf32, #tpu.memory_space<vmem>>, vector<1x1x1x16xf32>,
      %get3A_1621 = vector.shape_cast %get3A_1620 : vector<1x1x1x16xf32> to vector<16xf32>
      %add3A_1622 = arith.addf %get3A_1437, %get3A_1461 : vector<16xf32>
      %add3A_1623 = arith.addf %add3A_1622, %get3A_1485 : vector<16xf32>
      %add3A_1624 = arith.addf %add3A_1623, %get3A_1509 : vector<16xf32>
      %add3A_1625 = arith.addf %get3A_1533, %get3A_1557 : vector<16xf32>
      %add3A_1626 = arith.addf %add3A_1625, %get3A_1581 : vector<16xf32>
      %add3A_1627 = arith.addf %add3A_1626, %get3A_1605 : vector<16xf32>
      %add3A_1628 = arith.addf %get3A_1445, %get3A_1469 : vector<16xf32>
      %add3A_1629 = arith.addf %add3A_1628, %get3A_1493 : vector<16xf32>
      %add3A_1630 = arith.addf %add3A_1629, %get3A_1517 : vector<16xf32>
      %add3A_1631 = arith.addf %get3A_1541, %get3A_1565 : vector<16xf32>
      %add3A_1632 = arith.addf %add3A_1631, %get3A_1589 : vector<16xf32>
      %add3A_1633 = arith.addf %add3A_1632, %get3A_1613 : vector<16xf32>
      %add3A_1634 = arith.addf %get3A_1453, %get3A_1477 : vector<16xf32>
      %add3A_1635 = arith.addf %add3A_1634, %get3A_1501 : vector<16xf32>
      %add3A_1636 = arith.addf %add3A_1635, %get3A_1525 : vector<16xf32>
      %add3A_1637 = arith.addf %get3A_1549, %get3A_1573 : vector<16xf32>
      %add3A_1638 = arith.addf %add3A_1637, %get3A_1597 : vector<16xf32>
      %add3A_1639 = arith.addf %add3A_1638, %get3A_1621 : vector<16xf32>
      %sub3A = arith.subf %add3A_1636, %add3A_1630 : vector<16xf32>
      %mul3A_1640 = arith.mulf %add3A_1624, %sub3A : vector<16xf32>
      %sub3A_1641 = arith.subf %add3A_1639, %add3A_1633 : vector<16xf32>
      %mul3A_1642 = arith.mulf %add3A_1627, %sub3A_1641 : vector<16xf32>
      %add3A_1643 = arith.addf %mul3A_1640, %mul3A_1642 : vector<16xf32>
      %add3A_1644 = arith.constant 256 : i32
      %add3A_1645 = arith.addi %add3A_1644, %scan3A_1429 : i32
      %swap3A_1646 = arith.index_cast %add3A_1645 : i32 to index
      %swap3A_1647 = arith.constant 0 : index
      %swap3A_1648 = tpu.vector_load %arg11[%swap3A_1646, %swap3A_1647] {strides = array<i32>} : memref<512x16xf32, #tpu.memory_space<vmem>>, vector<1x16xf32>,
      %swap3A_1649 = vector.shape_cast %swap3A_1648 : vector<1x16xf32> to vector<16xf32>
      %swap3A_1650 = vector.shape_cast %add3A_1643 : vector<16xf32> to vector<1x16xf32>
      tpu.vector_store %arg11[%swap3A_1646, %swap3A_1647], %swap3A_1650 {strides = array<i32>} : memref<512x16xf32, #tpu.memory_space<vmem>>, vector<1x16xf32>,
      %mul3A_1651 = arith.mulf %get3A_1437, %get3A_1437 : vector<16xf32>
      %add3A_1652 = arith.addf %scan3A_1430, %mul3A_1651 : vector<16xf32>
      %mul3A_1653 = arith.mulf %get3A_1445, %get3A_1445 : vector<16xf32>
      %add3A_1654 = arith.addf %add3A_1652, %mul3A_1653 : vector<16xf32>
      %mul3A_1655 = arith.mulf %get3A_1453, %get3A_1453 : vector<16xf32>
      %add3A_1656 = arith.addf %add3A_1654, %mul3A_1655 : vector<16xf32>
      %mul3A_1657 = arith.mulf %get3A_1461, %get3A_1461 : vector<16xf32>
      %add3A_1658 = arith.addf %add3A_1656, %mul3A_1657 : vector<16xf32>
      %mul3A_1659 = arith.mulf %get3A_1469, %get3A_1469 : vector<16xf32>
      %add3A_1660 = arith.addf %add3A_1658, %mul3A_1659 : vector<16xf32>
      %mul3A_1661 = arith.mulf %get3A_1477, %get3A_1477 : vector<16xf32>
      %add3A_1662 = arith.addf %add3A_1660, %mul3A_1661 : vector<16xf32>
      %mul3A_1663 = arith.mulf %get3A_1485, %get3A_1485 : vector<16xf32>
      %add3A_1664 = arith.addf %add3A_1662, %mul3A_1663 : vector<16xf32>
      %mul3A_1665 = arith.mulf %get3A_1493, %get3A_1493 : vector<16xf32>
      %add3A_1666 = arith.addf %add3A_1664, %mul3A_1665 : vector<16xf32>
      %mul3A_1667 = arith.mulf %get3A_1501, %get3A_1501 : vector<16xf32>
      %add3A_1668 = arith.addf %add3A_1666, %mul3A_1667 : vector<16xf32>
      %mul3A_1669 = arith.mulf %get3A_1509, %get3A_1509 : vector<16xf32>
      %add3A_1670 = arith.addf %add3A_1668, %mul3A_1669 : vector<16xf32>
      %mul3A_1671 = arith.mulf %get3A_1517, %get3A_1517 : vector<16xf32>
      %add3A_1672 = arith.addf %add3A_1670, %mul3A_1671 : vector<16xf32>
      %mul3A_1673 = arith.mulf %get3A_1525, %get3A_1525 : vector<16xf32>
      %add3A_1674 = arith.addf %add3A_1672, %mul3A_1673 : vector<16xf32>
      %mul3A_1675 = arith.mulf %get3A_1533, %get3A_1533 : vector<16xf32>
      %add3A_1676 = arith.addf %add3A_1674, %mul3A_1675 : vector<16xf32>
      %mul3A_1677 = arith.mulf %get3A_1541, %get3A_1541 : vector<16xf32>
      %add3A_1678 = arith.addf %add3A_1676, %mul3A_1677 : vector<16xf32>
      %mul3A_1679 = arith.mulf %get3A_1549, %get3A_1549 : vector<16xf32>
      %add3A_1680 = arith.addf %add3A_1678, %mul3A_1679 : vector<16xf32>
      %mul3A_1681 = arith.mulf %get3A_1557, %get3A_1557 : vector<16xf32>
      %add3A_1682 = arith.addf %add3A_1680, %mul3A_1681 : vector<16xf32>
      %mul3A_1683 = arith.mulf %get3A_1565, %get3A_1565 : vector<16xf32>
      %add3A_1684 = arith.addf %add3A_1682, %mul3A_1683 : vector<16xf32>
      %mul3A_1685 = arith.mulf %get3A_1573, %get3A_1573 : vector<16xf32>
      %add3A_1686 = arith.addf %add3A_1684, %mul3A_1685 : vector<16xf32>
      %mul3A_1687 = arith.mulf %get3A_1581, %get3A_1581 : vector<16xf32>
      %add3A_1688 = arith.addf %add3A_1686, %mul3A_1687 : vector<16xf32>
      %mul3A_1689 = arith.mulf %get3A_1589, %get3A_1589 : vector<16xf32>
      %add3A_1690 = arith.addf %add3A_1688, %mul3A_1689 : vector<16xf32>
      %mul3A_1691 = arith.mulf %get3A_1597, %get3A_1597 : vector<16xf32>
      %add3A_1692 = arith.addf %add3A_1690, %mul3A_1691 : vector<16xf32>
      %mul3A_1693 = arith.mulf %get3A_1605, %get3A_1605 : vector<16xf32>
      %add3A_1694 = arith.addf %add3A_1692, %mul3A_1693 : vector<16xf32>
      %mul3A_1695 = arith.mulf %get3A_1613, %get3A_1613 : vector<16xf32>
      %add3A_1696 = arith.addf %add3A_1694, %mul3A_1695 : vector<16xf32>
      %mul3A_1697 = arith.mulf %get3A_1621, %get3A_1621 : vector<16xf32>
      %add3A_1698 = arith.addf %add3A_1696, %mul3A_1697 : vector<16xf32>
      scf.yield %add3A_1698 : vector<16xf32>
    }
    %scan3A_1415 = arith.constant 128 : i32
    %scan3A_1416 = arith.constant 0 : i32
    %scan3A_1417 = arith.constant 128 : i32
    %scan3A_1418 = arith.addi %scan3A_1416, %scan3A_1417 : i32
    %scan3A_1419 = arith.constant 1 : i32
    %scan3A_1420 = scf.for %scan3A_1429 = %scan3A_1416 to %scan3A_1418 step %scan3A_1419 iter_args(%scan3A_1430 = %scan3A_1414) -> (vector<16xf32>)  : i32 {
      %get3A = arith.constant 0 : i32
      %get3A_1431 = arith.constant 1 : i32
      %get3A_1432 = arith.index_cast %get3A : i32 to index
      %get3A_1433 = arith.index_cast %get3A_1431 : i32 to index
      %get3A_1434 = arith.index_cast %scan3A_1429 : i32 to index
      %get3A_1435 = arith.constant 0 : index
      %get3A_1436 = tpu.vector_load %arg10[%get3A_1432, %get3A_1433, %get3A_1434, %get3A_1435] {strides = array<i32>} : memref<12x2x128x32xf32, #tpu.memory_space<vmem>>, vector<1x1x1x16xf32>,
      %get3A_1437 = vector.shape_cast %get3A_1436 : vector<1x1x1x16xf32> to vector<16xf32>
      %get3A_1438 = arith.constant 1 : i32
      %get3A_1439 = arith.constant 1 : i32
      %get3A_1440 = arith.index_cast %get3A_1438 : i32 to index
      %get3A_1441 = arith.index_cast %get3A_1439 : i32 to index
      %get3A_1442 = arith.index_cast %scan3A_1429 : i32 to index
      %get3A_1443 = arith.constant 0 : index
      %get3A_1444 = tpu.vector_load %arg10[%get3A_1440, %get3A_1441, %get3A_1442, %get3A_1443] {strides = array<i32>} : memref<12x2x128x32xf32, #tpu.memory_space<vmem>>, vector<1x1x1x16xf32>,
      %get3A_1445 = vector.shape_cast %get3A_1444 : vector<1x1x1x16xf32> to vector<16xf32>
      %get3A_1446 = arith.constant 2 : i32
      %get3A_1447 = arith.constant 1 : i32
      %get3A_1448 = arith.index_cast %get3A_1446 : i32 to index
      %get3A_1449 = arith.index_cast %get3A_1447 : i32 to index
      %get3A_1450 = arith.index_cast %scan3A_1429 : i32 to index
      %get3A_1451 = arith.constant 0 : index
      %get3A_1452 = tpu.vector_load %arg10[%get3A_1448, %get3A_1449, %get3A_1450, %get3A_1451] {strides = array<i32>} : memref<12x2x128x32xf32, #tpu.memory_space<vmem>>, vector<1x1x1x16xf32>,
      %get3A_1453 = vector.shape_cast %get3A_1452 : vector<1x1x1x16xf32> to vector<16xf32>
      %get3A_1454 = arith.constant 3 : i32
      %get3A_1455 = arith.constant 1 : i32
      %get3A_1456 = arith.index_cast %get3A_1454 : i32 to index
      %get3A_1457 = arith.index_cast %get3A_1455 : i32 to index
      %get3A_1458 = arith.index_cast %scan3A_1429 : i32 to index
      %get3A_1459 = arith.constant 0 : index
      %get3A_1460 = tpu.vector_load %arg10[%get3A_1456, %get3A_1457, %get3A_1458, %get3A_1459] {strides = array<i32>} : memref<12x2x128x32xf32, #tpu.memory_space<vmem>>, vector<1x1x1x16xf32>,
      %get3A_1461 = vector.shape_cast %get3A_1460 : vector<1x1x1x16xf32> to vector<16xf32>
      %get3A_1462 = arith.constant 4 : i32
      %get3A_1463 = arith.constant 1 : i32
      %get3A_1464 = arith.index_cast %get3A_1462 : i32 to index
      %get3A_1465 = arith.index_cast %get3A_1463 : i32 to index
      %get3A_1466 = arith.index_cast %scan3A_1429 : i32 to index
      %get3A_1467 = arith.constant 0 : index
      %get3A_1468 = tpu.vector_load %arg10[%get3A_1464, %get3A_1465, %get3A_1466, %get3A_1467] {strides = array<i32>} : memref<12x2x128x32xf32, #tpu.memory_space<vmem>>, vector<1x1x1x16xf32>,
      %get3A_1469 = vector.shape_cast %get3A_1468 : vector<1x1x1x16xf32> to vector<16xf32>
      %get3A_1470 = arith.constant 5 : i32
      %get3A_1471 = arith.constant 1 : i32
      %get3A_1472 = arith.index_cast %get3A_1470 : i32 to index
      %get3A_1473 = arith.index_cast %get3A_1471 : i32 to index
      %get3A_1474 = arith.index_cast %scan3A_1429 : i32 to index
      %get3A_1475 = arith.constant 0 : index
      %get3A_1476 = tpu.vector_load %arg10[%get3A_1472, %get3A_1473, %get3A_1474, %get3A_1475] {strides = array<i32>} : memref<12x2x128x32xf32, #tpu.memory_space<vmem>>, vector<1x1x1x16xf32>,
      %get3A_1477 = vector.shape_cast %get3A_1476 : vector<1x1x1x16xf32> to vector<16xf32>
      %get3A_1478 = arith.constant 6 : i32
      %get3A_1479 = arith.constant 1 : i32
      %get3A_1480 = arith.index_cast %get3A_1478 : i32 to index
      %get3A_1481 = arith.index_cast %get3A_1479 : i32 to index
      %get3A_1482 = arith.index_cast %scan3A_1429 : i32 to index
      %get3A_1483 = arith.constant 0 : index
      %get3A_1484 = tpu.vector_load %arg10[%get3A_1480, %get3A_1481, %get3A_1482, %get3A_1483] {strides = array<i32>} : memref<12x2x128x32xf32, #tpu.memory_space<vmem>>, vector<1x1x1x16xf32>,
      %get3A_1485 = vector.shape_cast %get3A_1484 : vector<1x1x1x16xf32> to vector<16xf32>
      %get3A_1486 = arith.constant 7 : i32
      %get3A_1487 = arith.constant 1 : i32
      %get3A_1488 = arith.index_cast %get3A_1486 : i32 to index
      %get3A_1489 = arith.index_cast %get3A_1487 : i32 to index
      %get3A_1490 = arith.index_cast %scan3A_1429 : i32 to index
      %get3A_1491 = arith.constant 0 : index
      %get3A_1492 = tpu.vector_load %arg10[%get3A_1488, %get3A_1489, %get3A_1490, %get3A_1491] {strides = array<i32>} : memref<12x2x128x32xf32, #tpu.memory_space<vmem>>, vector<1x1x1x16xf32>,
      %get3A_1493 = vector.shape_cast %get3A_1492 : vector<1x1x1x16xf32> to vector<16xf32>
      %get3A_1494 = arith.constant 8 : i32
      %get3A_1495 = arith.constant 1 : i32
      %get3A_1496 = arith.index_cast %get3A_1494 : i32 to index
      %get3A_1497 = arith.index_cast %get3A_1495 : i32 to index
      %get3A_1498 = arith.index_cast %scan3A_1429 : i32 to index
      %get3A_1499 = arith.constant 0 : index
      %get3A_1500 = tpu.vector_load %arg10[%get3A_1496, %get3A_1497, %get3A_1498, %get3A_1499] {strides = array<i32>} : memref<12x2x128x32xf32, #tpu.memory_space<vmem>>, vector<1x1x1x16xf32>,
      %get3A_1501 = vector.shape_cast %get3A_1500 : vector<1x1x1x16xf32> to vector<16xf32>
      %get3A_1502 = arith.constant 9 : i32
      %get3A_1503 = arith.constant 1 : i32
      %get3A_1504 = arith.index_cast %get3A_1502 : i32 to index
      %get3A_1505 = arith.index_cast %get3A_1503 : i32 to index
      %get3A_1506 = arith.index_cast %scan3A_1429 : i32 to index
      %get3A_1507 = arith.constant 0 : index
      %get3A_1508 = tpu.vector_load %arg10[%get3A_1504, %get3A_1505, %get3A_1506, %get3A_1507] {strides = array<i32>} : memref<12x2x128x32xf32, #tpu.memory_space<vmem>>, vector<1x1x1x16xf32>,
      %get3A_1509 = vector.shape_cast %get3A_1508 : vector<1x1x1x16xf32> to vector<16xf32>
      %get3A_1510 = arith.constant 10 : i32
      %get3A_1511 = arith.constant 1 : i32
      %get3A_1512 = arith.index_cast %get3A_1510 : i32 to index
      %get3A_1513 = arith.index_cast %get3A_1511 : i32 to index
      %get3A_1514 = arith.index_cast %scan3A_1429 : i32 to index
      %get3A_1515 = arith.constant 0 : index
      %get3A_1516 = tpu.vector_load %arg10[%get3A_1512, %get3A_1513, %get3A_1514, %get3A_1515] {strides = array<i32>} : memref<12x2x128x32xf32, #tpu.memory_space<vmem>>, vector<1x1x1x16xf32>,
      %get3A_1517 = vector.shape_cast %get3A_1516 : vector<1x1x1x16xf32> to vector<16xf32>
      %get3A_1518 = arith.constant 11 : i32
      %get3A_1519 = arith.constant 1 : i32
      %get3A_1520 = arith.index_cast %get3A_1518 : i32 to index
      %get3A_1521 = arith.index_cast %get3A_1519 : i32 to index
      %get3A_1522 = arith.index_cast %scan3A_1429 : i32 to index
      %get3A_1523 = arith.constant 0 : index
      %get3A_1524 = tpu.vector_load %arg10[%get3A_1520, %get3A_1521, %get3A_1522, %get3A_1523] {strides = array<i32>} : memref<12x2x128x32xf32, #tpu.memory_space<vmem>>, vector<1x1x1x16xf32>,
      %get3A_1525 = vector.shape_cast %get3A_1524 : vector<1x1x1x16xf32> to vector<16xf32>
      %get3A_1526 = arith.constant 0 : i32
      %get3A_1527 = arith.constant 1 : i32
      %get3A_1528 = arith.index_cast %get3A_1526 : i32 to index
      %get3A_1529 = arith.index_cast %get3A_1527 : i32 to index
      %get3A_1530 = arith.index_cast %scan3A_1429 : i32 to index
      %get3A_1531 = arith.constant 16 : index
      %get3A_1532 = tpu.vector_load %arg10[%get3A_1528, %get3A_1529, %get3A_1530, %get3A_1531] {strides = array<i32>} : memref<12x2x128x32xf32, #tpu.memory_space<vmem>>, vector<1x1x1x16xf32>,
      %get3A_1533 = vector.shape_cast %get3A_1532 : vector<1x1x1x16xf32> to vector<16xf32>
      %get3A_1534 = arith.constant 1 : i32
      %get3A_1535 = arith.constant 1 : i32
      %get3A_1536 = arith.index_cast %get3A_1534 : i32 to index
      %get3A_1537 = arith.index_cast %get3A_1535 : i32 to index
      %get3A_1538 = arith.index_cast %scan3A_1429 : i32 to index
      %get3A_1539 = arith.constant 16 : index
      %get3A_1540 = tpu.vector_load %arg10[%get3A_1536, %get3A_1537, %get3A_1538, %get3A_1539] {strides = array<i32>} : memref<12x2x128x32xf32, #tpu.memory_space<vmem>>, vector<1x1x1x16xf32>,
      %get3A_1541 = vector.shape_cast %get3A_1540 : vector<1x1x1x16xf32> to vector<16xf32>
      %get3A_1542 = arith.constant 2 : i32
      %get3A_1543 = arith.constant 1 : i32
      %get3A_1544 = arith.index_cast %get3A_1542 : i32 to index
      %get3A_1545 = arith.index_cast %get3A_1543 : i32 to index
      %get3A_1546 = arith.index_cast %scan3A_1429 : i32 to index
      %get3A_1547 = arith.constant 16 : index
      %get3A_1548 = tpu.vector_load %arg10[%get3A_1544, %get3A_1545, %get3A_1546, %get3A_1547] {strides = array<i32>} : memref<12x2x128x32xf32, #tpu.memory_space<vmem>>, vector<1x1x1x16xf32>,
      %get3A_1549 = vector.shape_cast %get3A_1548 : vector<1x1x1x16xf32> to vector<16xf32>
      %get3A_1550 = arith.constant 3 : i32
      %get3A_1551 = arith.constant 1 : i32
      %get3A_1552 = arith.index_cast %get3A_1550 : i32 to index
      %get3A_1553 = arith.index_cast %get3A_1551 : i32 to index
      %get3A_1554 = arith.index_cast %scan3A_1429 : i32 to index
      %get3A_1555 = arith.constant 16 : index
      %get3A_1556 = tpu.vector_load %arg10[%get3A_1552, %get3A_1553, %get3A_1554, %get3A_1555] {strides = array<i32>} : memref<12x2x128x32xf32, #tpu.memory_space<vmem>>, vector<1x1x1x16xf32>,
      %get3A_1557 = vector.shape_cast %get3A_1556 : vector<1x1x1x16xf32> to vector<16xf32>
      %get3A_1558 = arith.constant 4 : i32
      %get3A_1559 = arith.constant 1 : i32
      %get3A_1560 = arith.index_cast %get3A_1558 : i32 to index
      %get3A_1561 = arith.index_cast %get3A_1559 : i32 to index
      %get3A_1562 = arith.index_cast %scan3A_1429 : i32 to index
      %get3A_1563 = arith.constant 16 : index
      %get3A_1564 = tpu.vector_load %arg10[%get3A_1560, %get3A_1561, %get3A_1562, %get3A_1563] {strides = array<i32>} : memref<12x2x128x32xf32, #tpu.memory_space<vmem>>, vector<1x1x1x16xf32>,
      %get3A_1565 = vector.shape_cast %get3A_1564 : vector<1x1x1x16xf32> to vector<16xf32>
      %get3A_1566 = arith.constant 5 : i32
      %get3A_1567 = arith.constant 1 : i32
      %get3A_1568 = arith.index_cast %get3A_1566 : i32 to index
      %get3A_1569 = arith.index_cast %get3A_1567 : i32 to index
      %get3A_1570 = arith.index_cast %scan3A_1429 : i32 to index
      %get3A_1571 = arith.constant 16 : index
      %get3A_1572 = tpu.vector_load %arg10[%get3A_1568, %get3A_1569, %get3A_1570, %get3A_1571] {strides = array<i32>} : memref<12x2x128x32xf32, #tpu.memory_space<vmem>>, vector<1x1x1x16xf32>,
      %get3A_1573 = vector.shape_cast %get3A_1572 : vector<1x1x1x16xf32> to vector<16xf32>
      %get3A_1574 = arith.constant 6 : i32
      %get3A_1575 = arith.constant 1 : i32
      %get3A_1576 = arith.index_cast %get3A_1574 : i32 to index
      %get3A_1577 = arith.index_cast %get3A_1575 : i32 to index
      %get3A_1578 = arith.index_cast %scan3A_1429 : i32 to index
      %get3A_1579 = arith.constant 16 : index
      %get3A_1580 = tpu.vector_load %arg10[%get3A_1576, %get3A_1577, %get3A_1578, %get3A_1579] {strides = array<i32>} : memref<12x2x128x32xf32, #tpu.memory_space<vmem>>, vector<1x1x1x16xf32>,
      %get3A_1581 = vector.shape_cast %get3A_1580 : vector<1x1x1x16xf32> to vector<16xf32>
      %get3A_1582 = arith.constant 7 : i32
      %get3A_1583 = arith.constant 1 : i32
      %get3A_1584 = arith.index_cast %get3A_1582 : i32 to index
      %get3A_1585 = arith.index_cast %get3A_1583 : i32 to index
      %get3A_1586 = arith.index_cast %scan3A_1429 : i32 to index
      %get3A_1587 = arith.constant 16 : index
      %get3A_1588 = tpu.vector_load %arg10[%get3A_1584, %get3A_1585, %get3A_1586, %get3A_1587] {strides = array<i32>} : memref<12x2x128x32xf32, #tpu.memory_space<vmem>>, vector<1x1x1x16xf32>,
      %get3A_1589 = vector.shape_cast %get3A_1588 : vector<1x1x1x16xf32> to vector<16xf32>
      %get3A_1590 = arith.constant 8 : i32
      %get3A_1591 = arith.constant 1 : i32
      %get3A_1592 = arith.index_cast %get3A_1590 : i32 to index
      %get3A_1593 = arith.index_cast %get3A_1591 : i32 to index
      %get3A_1594 = arith.index_cast %scan3A_1429 : i32 to index
      %get3A_1595 = arith.constant 16 : index
      %get3A_1596 = tpu.vector_load %arg10[%get3A_1592, %get3A_1593, %get3A_1594, %get3A_1595] {strides = array<i32>} : memref<12x2x128x32xf32, #tpu.memory_space<vmem>>, vector<1x1x1x16xf32>,
      %get3A_1597 = vector.shape_cast %get3A_1596 : vector<1x1x1x16xf32> to vector<16xf32>
      %get3A_1598 = arith.constant 9 : i32
      %get3A_1599 = arith.constant 1 : i32
      %get3A_1600 = arith.index_cast %get3A_1598 : i32 to index
      %get3A_1601 = arith.index_cast %get3A_1599 : i32 to index
      %get3A_1602 = arith.index_cast %scan3A_1429 : i32 to index
      %get3A_1603 = arith.constant 16 : index
      %get3A_1604 = tpu.vector_load %arg10[%get3A_1600, %get3A_1601, %get3A_1602, %get3A_1603] {strides = array<i32>} : memref<12x2x128x32xf32, #tpu.memory_space<vmem>>, vector<1x1x1x16xf32>,
      %get3A_1605 = vector.shape_cast %get3A_1604 : vector<1x1x1x16xf32> to vector<16xf32>
      %get3A_1606 = arith.constant 10 : i32
      %get3A_1607 = arith.constant 1 : i32
      %get3A_1608 = arith.index_cast %get3A_1606 : i32 to index
      %get3A_1609 = arith.index_cast %get3A_1607 : i32 to index
      %get3A_1610 = arith.index_cast %scan3A_1429 : i32 to index
      %get3A_1611 = arith.constant 16 : index
      %get3A_1612 = tpu.vector_load %arg10[%get3A_1608, %get3A_1609, %get3A_1610, %get3A_1611] {strides = array<i32>} : memref<12x2x128x32xf32, #tpu.memory_space<vmem>>, vector<1x1x1x16xf32>,
      %get3A_1613 = vector.shape_cast %get3A_1612 : vector<1x1x1x16xf32> to vector<16xf32>
      %get3A_1614 = arith.constant 11 : i32
      %get3A_1615 = arith.constant 1 : i32
      %get3A_1616 = arith.index_cast %get3A_1614 : i32 to index
      %get3A_1617 = arith.index_cast %get3A_1615 : i32 to index
      %get3A_1618 = arith.index_cast %scan3A_1429 : i32 to index
      %get3A_1619 = arith.constant 16 : index
      %get3A_1620 = tpu.vector_load %arg10[%get3A_1616, %get3A_1617, %get3A_1618, %get3A_1619] {strides = array<i32>} : memref<12x2x128x32xf32, #tpu.memory_space<vmem>>, vector<1x1x1x16xf32>,
      %get3A_1621 = vector.shape_cast %get3A_1620 : vector<1x1x1x16xf32> to vector<16xf32>
      %add3A_1622 = arith.addf %get3A_1437, %get3A_1461 : vector<16xf32>
      %add3A_1623 = arith.addf %add3A_1622, %get3A_1485 : vector<16xf32>
      %add3A_1624 = arith.addf %add3A_1623, %get3A_1509 : vector<16xf32>
      %add3A_1625 = arith.addf %get3A_1533, %get3A_1557 : vector<16xf32>
      %add3A_1626 = arith.addf %add3A_1625, %get3A_1581 : vector<16xf32>
      %add3A_1627 = arith.addf %add3A_1626, %get3A_1605 : vector<16xf32>
      %add3A_1628 = arith.addf %get3A_1445, %get3A_1469 : vector<16xf32>
      %add3A_1629 = arith.addf %add3A_1628, %get3A_1493 : vector<16xf32>
      %add3A_1630 = arith.addf %add3A_1629, %get3A_1517 : vector<16xf32>
      %add3A_1631 = arith.addf %get3A_1541, %get3A_1565 : vector<16xf32>
      %add3A_1632 = arith.addf %add3A_1631, %get3A_1589 : vector<16xf32>
      %add3A_1633 = arith.addf %add3A_1632, %get3A_1613 : vector<16xf32>
      %add3A_1634 = arith.addf %get3A_1453, %get3A_1477 : vector<16xf32>
      %add3A_1635 = arith.addf %add3A_1634, %get3A_1501 : vector<16xf32>
      %add3A_1636 = arith.addf %add3A_1635, %get3A_1525 : vector<16xf32>
      %add3A_1637 = arith.addf %get3A_1549, %get3A_1573 : vector<16xf32>
      %add3A_1638 = arith.addf %add3A_1637, %get3A_1597 : vector<16xf32>
      %add3A_1639 = arith.addf %add3A_1638, %get3A_1621 : vector<16xf32>
      %sub3A = arith.subf %add3A_1636, %add3A_1630 : vector<16xf32>
      %mul3A_1640 = arith.mulf %add3A_1624, %sub3A : vector<16xf32>
      %sub3A_1641 = arith.subf %add3A_1639, %add3A_1633 : vector<16xf32>
      %mul3A_1642 = arith.mulf %add3A_1627, %sub3A_1641 : vector<16xf32>
      %add3A_1643 = arith.addf %mul3A_1640, %mul3A_1642 : vector<16xf32>
      %add3A_1644 = arith.constant 384 : i32
      %add3A_1645 = arith.addi %add3A_1644, %scan3A_1429 : i32
      %swap3A_1646 = arith.index_cast %add3A_1645 : i32 to index
      %swap3A_1647 = arith.constant 0 : index
      %swap3A_1648 = tpu.vector_load %arg11[%swap3A_1646, %swap3A_1647] {strides = array<i32>} : memref<512x16xf32, #tpu.memory_space<vmem>>, vector<1x16xf32>,
      %swap3A_1649 = vector.shape_cast %swap3A_1648 : vector<1x16xf32> to vector<16xf32>
      %swap3A_1650 = vector.shape_cast %add3A_1643 : vector<16xf32> to vector<1x16xf32>
      tpu.vector_store %arg11[%swap3A_1646, %swap3A_1647], %swap3A_1650 {strides = array<i32>} : memref<512x16xf32, #tpu.memory_space<vmem>>, vector<1x16xf32>,
      %mul3A_1651 = arith.mulf %get3A_1437, %get3A_1437 : vector<16xf32>
      %add3A_1652 = arith.addf %scan3A_1430, %mul3A_1651 : vector<16xf32>
      %mul3A_1653 = arith.mulf %get3A_1445, %get3A_1445 : vector<16xf32>
      %add3A_1654 = arith.addf %add3A_1652, %mul3A_1653 : vector<16xf32>
      %mul3A_1655 = arith.mulf %get3A_1453, %get3A_1453 : vector<16xf32>
      %add3A_1656 = arith.addf %add3A_1654, %mul3A_1655 : vector<16xf32>
      %mul3A_1657 = arith.mulf %get3A_1461, %get3A_1461 : vector<16xf32>
      %add3A_1658 = arith.addf %add3A_1656, %mul3A_1657 : vector<16xf32>
      %mul3A_1659 = arith.mulf %get3A_1469, %get3A_1469 : vector<16xf32>
      %add3A_1660 = arith.addf %add3A_1658, %mul3A_1659 : vector<16xf32>
      %mul3A_1661 = arith.mulf %get3A_1477, %get3A_1477 : vector<16xf32>
      %add3A_1662 = arith.addf %add3A_1660, %mul3A_1661 : vector<16xf32>
      %mul3A_1663 = arith.mulf %get3A_1485, %get3A_1485 : vector<16xf32>
      %add3A_1664 = arith.addf %add3A_1662, %mul3A_1663 : vector<16xf32>
      %mul3A_1665 = arith.mulf %get3A_1493, %get3A_1493 : vector<16xf32>
      %add3A_1666 = arith.addf %add3A_1664, %mul3A_1665 : vector<16xf32>
      %mul3A_1667 = arith.mulf %get3A_1501, %get3A_1501 : vector<16xf32>
      %add3A_1668 = arith.addf %add3A_1666, %mul3A_1667 : vector<16xf32>
      %mul3A_1669 = arith.mulf %get3A_1509, %get3A_1509 : vector<16xf32>
      %add3A_1670 = arith.addf %add3A_1668, %mul3A_1669 : vector<16xf32>
      %mul3A_1671 = arith.mulf %get3A_1517, %get3A_1517 : vector<16xf32>
      %add3A_1672 = arith.addf %add3A_1670, %mul3A_1671 : vector<16xf32>
      %mul3A_1673 = arith.mulf %get3A_1525, %get3A_1525 : vector<16xf32>
      %add3A_1674 = arith.addf %add3A_1672, %mul3A_1673 : vector<16xf32>
      %mul3A_1675 = arith.mulf %get3A_1533, %get3A_1533 : vector<16xf32>
      %add3A_1676 = arith.addf %add3A_1674, %mul3A_1675 : vector<16xf32>
      %mul3A_1677 = arith.mulf %get3A_1541, %get3A_1541 : vector<16xf32>
      %add3A_1678 = arith.addf %add3A_1676, %mul3A_1677 : vector<16xf32>
      %mul3A_1679 = arith.mulf %get3A_1549, %get3A_1549 : vector<16xf32>
      %add3A_1680 = arith.addf %add3A_1678, %mul3A_1679 : vector<16xf32>
      %mul3A_1681 = arith.mulf %get3A_1557, %get3A_1557 : vector<16xf32>
      %add3A_1682 = arith.addf %add3A_1680, %mul3A_1681 : vector<16xf32>
      %mul3A_1683 = arith.mulf %get3A_1565, %get3A_1565 : vector<16xf32>
      %add3A_1684 = arith.addf %add3A_1682, %mul3A_1683 : vector<16xf32>
      %mul3A_1685 = arith.mulf %get3A_1573, %get3A_1573 : vector<16xf32>
      %add3A_1686 = arith.addf %add3A_1684, %mul3A_1685 : vector<16xf32>
      %mul3A_1687 = arith.mulf %get3A_1581, %get3A_1581 : vector<16xf32>
      %add3A_1688 = arith.addf %add3A_1686, %mul3A_1687 : vector<16xf32>
      %mul3A_1689 = arith.mulf %get3A_1589, %get3A_1589 : vector<16xf32>
      %add3A_1690 = arith.addf %add3A_1688, %mul3A_1689 : vector<16xf32>
      %mul3A_1691 = arith.mulf %get3A_1597, %get3A_1597 : vector<16xf32>
      %add3A_1692 = arith.addf %add3A_1690, %mul3A_1691 : vector<16xf32>
      %mul3A_1693 = arith.mulf %get3A_1605, %get3A_1605 : vector<16xf32>
      %add3A_1694 = arith.addf %add3A_1692, %mul3A_1693 : vector<16xf32>
      %mul3A_1695 = arith.mulf %get3A_1613, %get3A_1613 : vector<16xf32>
      %add3A_1696 = arith.addf %add3A_1694, %mul3A_1695 : vector<16xf32>
      %mul3A_1697 = arith.mulf %get3A_1621, %get3A_1621 : vector<16xf32>
      %add3A_1698 = arith.addf %add3A_1696, %mul3A_1697 : vector<16xf32>
      scf.yield %add3A_1698 : vector<16xf32>
    }
    %scan3A_1421 = arith.constant 128 : i32
    %swap3A = arith.constant 0 : index
    %swap3A_1422 = tpu.vector_load %arg12[%swap3A] {strides = array<i32>} : memref<16xf32, #tpu.memory_space<vmem>>, vector<16xf32>,
    %swap3A_1423 = vector.shape_cast %swap3A_1422 : vector<16xf32> to vector<16xf32>
    %swap3A_1424 = vector.shape_cast %scan3A_1420 : vector<16xf32> to vector<16xf32>
    tpu.vector_store %arg12[%swap3A], %swap3A_1424 {strides = array<i32>} : memref<16xf32, #tpu.memory_space<vmem>>, vector<16xf32>,
    %mul3A_1425 = arith.constant 512 : i32
    %mul3A_1426 = arith.muli %add3A, %mul3A_1425 : i32
    "tpu.region"() ({
      %run_scoped3A_1429 = tpu.sem_alloc : memref<!tpu.dma_semaphore, #tpu.memory_space<semaphore_mem>>
      %dma_start3A_1430 = arith.constant 0 : i32
      %dma_start3A_1431 = tpu.memref_slice %arg7[%mul3A_1426, %dma_start3A_1430] : memref<16384x16xf32, #tpu.memory_space<hbm>> -> memref<512x16xf32, #tpu.memory_space<hbm>>
      %dma_start3A_1432 = arith.constant 0 : i32
      %dma_start3A_1433 = tpu.memref_slice %arg7[%mul3A_1426, %dma_start3A_1432] : memref<16384x16xf32, #tpu.memory_space<hbm>> -> memref<512x16xf32, #tpu.memory_space<hbm>>
      tpu.enqueue_dma source(%arg11 : memref<512x16xf32, #tpu.memory_space<vmem>>) target(%dma_start3A_1433 : memref<512x16xf32, #tpu.memory_space<hbm>>) target_semaphore(%run_scoped3A_1429 : memref<!tpu.dma_semaphore, #tpu.memory_space<semaphore_mem>>)
      %dma_wait3A_1434 = arith.constant 0 : i32
      %dma_wait3A_1435 = tpu.memref_slice %arg7[%mul3A_1426, %dma_wait3A_1434] : memref<16384x16xf32, #tpu.memory_space<hbm>> -> memref<512x16xf32, #tpu.memory_space<hbm>>
      %dma_wait3A_1436 = arith.constant 0 : i32
      %dma_wait3A_1437 = tpu.memref_slice %arg7[%mul3A_1426, %dma_wait3A_1436] : memref<16384x16xf32, #tpu.memory_space<hbm>> -> memref<512x16xf32, #tpu.memory_space<hbm>>
      tpu.wait_dma2 semaphore(%run_scoped3A_1429 : memref<!tpu.dma_semaphore, #tpu.memory_space<semaphore_mem>>) src(%arg11 : memref<512x16xf32, #tpu.memory_space<vmem>>) dst(%dma_wait3A_1437 : memref<512x16xf32, #tpu.memory_space<hbm>>)
      tpu.yield
    }) : () -> ()
    %mul3A_1427 = arith.constant 16 : i32
    %mul3A_1428 = arith.muli %add3A, %mul3A_1427 : i32
    "tpu.region"() ({
      %run_scoped3A_1429 = tpu.sem_alloc : memref<!tpu.dma_semaphore, #tpu.memory_space<semaphore_mem>>
      %dma_start3A_1430 = tpu.memref_slice %arg8[%mul3A_1428] : memref<512xf32, #tpu.memory_space<hbm>> -> memref<16xf32, #tpu.memory_space<hbm>>
      %dma_start3A_1431 = tpu.memref_slice %arg8[%mul3A_1428] : memref<512xf32, #tpu.memory_space<hbm>> -> memref<16xf32, #tpu.memory_space<hbm>>
      tpu.enqueue_dma source(%arg12 : memref<16xf32, #tpu.memory_space<vmem>>) target(%dma_start3A_1431 : memref<16xf32, #tpu.memory_space<hbm>>) target_semaphore(%run_scoped3A_1429 : memref<!tpu.dma_semaphore, #tpu.memory_space<semaphore_mem>>)
      %dma_wait3A_1432 = tpu.memref_slice %arg8[%mul3A_1428] : memref<512xf32, #tpu.memory_space<hbm>> -> memref<16xf32, #tpu.memory_space<hbm>>
      %dma_wait3A_1433 = tpu.memref_slice %arg8[%mul3A_1428] : memref<512xf32, #tpu.memory_space<hbm>> -> memref<16xf32, #tpu.memory_space<hbm>>
      tpu.wait_dma2 semaphore(%run_scoped3A_1429 : memref<!tpu.dma_semaphore, #tpu.memory_space<semaphore_mem>>) src(%arg12 : memref<16xf32, #tpu.memory_space<vmem>>) dst(%dma_wait3A_1433 : memref<16xf32, #tpu.memory_space<hbm>>)
      tpu.yield
    }) : () -> ()
    return
  }
}

module attributes {stable_mosaic.version = 14 : i64} {
  func.func @_finalize_body(%arg0: memref<16384x16xf32, #tpu.memory_space<vmem>>, %arg1: memref<4x128xf32, #tpu.memory_space<vmem>>, %arg2: memref<1x1xf32, #tpu.memory_space<smem>>, %arg3: memref<1x1xf32, #tpu.memory_space<smem>>) attributes {dimension_semantics = [], scalar_prefetch = 0 : i64, scratch_operands = 0 : i64, tpu.core_type = #tpu.core_type<tc>} {
    %get3A = arith.constant 0 : index
    %get3A_0 = arith.constant 0 : index
    %get3A_1 = vector.load %arg0[%get3A, %get3A_0] : memref<16384x16xf32, #tpu.memory_space<vmem>>, vector<16384x16xf32>
    %reduce_sum3A = arith.constant dense<0.000000e+00> : vector<16384xf32>
    %reduce_sum3A_2 = vector.multi_reduction <add>, %get3A_1, %reduce_sum3A [1] : vector<16384x16xf32> to vector<16384xf32>
    %max3A = arith.constant 0.000000e+00 : f32
    %max3A_3 = vector.broadcast %max3A : f32 to vector<16384xf32>
    %max3A_4 = arith.maximumf %reduce_sum3A_2, %max3A_3 : vector<16384xf32>
    %abs3A = math.absf %reduce_sum3A_2 : vector<16384xf32>
    %neg3A = arith.constant 0.000000e+00 : f32
    %neg3A_5 = vector.broadcast %neg3A : f32 to vector<16384xf32>
    %neg3A_6 = arith.subf %neg3A_5, %abs3A : vector<16384xf32>
    %exp3A = math.exp %neg3A_6 : vector<16384xf32>
    %log1p3A = math.log1p %exp3A : vector<16384xf32>
    %add3A = arith.addf %max3A_4, %log1p3A : vector<16384xf32>
    %reduce_sum3A_7 = vector.shape_cast %add3A : vector<16384xf32> to vector<1x16384xf32>
    %reduce_sum3A_8 = arith.constant dense<0.000000e+00> : vector<1xf32>
    %reduce_sum3A_9 = vector.multi_reduction <add>, %reduce_sum3A_7, %reduce_sum3A_8 [1] : vector<1x16384xf32> to vector<1xf32>
    %reduce_sum3A_10 = vector.shape_cast %reduce_sum3A_9 : vector<1xf32> to vector<1x1xf32>
    %reduce_sum3A_11 = vector.extract %reduce_sum3A_10[0, 0] : f32 from vector<1x1xf32>
    %div3A = arith.constant 1.638400e+04 : f32
    %div3A_12 = arith.divf %reduce_sum3A_11, %div3A : f32
    %swap3A = arith.constant 0 : index
    %swap3A_13 = arith.constant 0 : index
    %swap3A_14 = memref.load %arg2[%swap3A, %swap3A_13] : memref<1x1xf32, #tpu.memory_space<smem>>
    memref.store %div3A_12, %arg2[%swap3A, %swap3A_13] : memref<1x1xf32, #tpu.memory_space<smem>>
    %get3A_15 = arith.constant 0 : index
    %get3A_16 = arith.constant 0 : index
    %get3A_17 = vector.load %arg1[%get3A_15, %get3A_16] : memref<4x128xf32, #tpu.memory_space<vmem>>, vector<4x128xf32>
    %reduce_sum3A_18 = vector.shape_cast %get3A_17 : vector<4x128xf32> to vector<1x4x128xf32>
    %reduce_sum3A_19 = arith.constant dense<0.000000e+00> : vector<1xf32>
    %reduce_sum3A_20 = vector.multi_reduction <add>, %reduce_sum3A_18, %reduce_sum3A_19 [1, 2] : vector<1x4x128xf32> to vector<1xf32>
    %reduce_sum3A_21 = vector.shape_cast %reduce_sum3A_20 : vector<1xf32> to vector<1x1x1xf32>
    %reduce_sum3A_22 = vector.extract %reduce_sum3A_21[0, 0, 0] : f32 from vector<1x1x1xf32>
    %mul3A = arith.constant 5.000000e-01 : f32
    %mul3A_23 = arith.mulf %mul3A, %reduce_sum3A_22 : f32
    %div3A_24 = arith.constant 1.638400e+04 : f32
    %div3A_25 = arith.divf %mul3A_23, %div3A_24 : f32
    %swap3A_26 = arith.constant 0 : index
    %swap3A_27 = arith.constant 0 : index
    %swap3A_28 = memref.load %arg3[%swap3A_26, %swap3A_27] : memref<1x1xf32, #tpu.memory_space<smem>>
    memref.store %div3A_25, %arg3[%swap3A_26, %swap3A_27] : memref<1x1xf32, #tpu.memory_space<smem>>
    return
  }
}

</mosaic_0001>

<sc_bundles>
// kernel: kernel.4.cloned.1.call-start
scs
__scs_entry_jumppad:
0x0: {  	(pc) =	sbr.rel $0x88, $3  }
0x1: {  	(tag) =	ssettag $0x0;
	lr =	simm.s32 $0x1  }
0x2: {  	[smem:$0x3F91] =	sst lr;
	_ =	strace $0xD0000000  }
0x3: {  	_ = 	snop  }
0x4: {  	_ = 	snop  }
0x5: {  	_ = 	snop  }
0x6: {  	_ = 	snop  }
0x7: {  	_ = 	snop  }
__scs_overlays_trampoline_lowered:
0x8: {  	[smem:$0x3FA0] =	sst s0  }
0x9: {  	[smem:$0x3FA1] =	sst s1  }
0xa: {  	[smem:$0x3FA2] =	sst s2  }
0xb: {  	[smem:$0x3FA3] =	sst s3  }
0xc: {  	[smem:$0x3FA4] =	sst s4  }
0xd: {  	[smem:$0x3FA5] =	sst s5  }
0xe: {  	[smem:$0x3FA6] =	sst s6  }
0xf: {  	[smem:$0x3FA7] =	sst s7  }
0x10: {  	[smem:$0x3FA8] =	sst s8  }
0x11: {  	[smem:$0x3FA9] =	sst s9;
	s0 =	simm.s32 @!p0 $0x0  }
0x12: {  	s1 =	sld [smem:$0x3F8F];
	s0 =	simm.s32 @p0 $0x1  }
0x13: {  	[smem:$0x3FAA] =	sst s0;
	s0 =	simm.s32 @!p1 $0x0  }
0x14: {  	s2 =	sld [smem:$0x3F8E];
	s0 =	simm.s32 @p1 $0x1  }
0x15: {  	[smem:$0x3FAB] =	sst s0;
	s0 =	simm.s32 @!p2 $0x0  }
0x16: {  	s3 =	sld [smem:$0x3FDB];
	s0 =	simm.s32 @p2 $0x1  }
0x17: {  	s4 =	simm.s32 $0x1BF5;
	[smem:$0x3FAD] =	sst s0  }
0x18: {  	s0 =	sld [smem:$0x3F90];
	_ =	swait.ge [sflag:s4], $0x0  }
0x19: {  	s7 =	sld [smem:$0x3F91]  }
0x1a: {  	s8 =	sadd.s32 $0xFFFFE003, lr  }
0x1b: {  	s9 =	sadd.s32 $0xFFFFFEF7, lr;
	s5 =	simm.s32 $0xFFFFFFFF;
	p2 =	slt.u32 s8, $0xFFFFF086  }
0x1c: {  	p1 =	slt.u32 s9, $0xF7A;
	s5 =	simm.s32 @!p2 $0x0  }
0x1d: {  	s5 =	simm.s32 @p1 $0x1;
	p0 =	seq.s32 s7, s2  }
0x1e: {  	s7 =	smul.u32 @!p0 $0xF7A, s2;
	p2 =	seq.s32 @!p0 s5, $0x0  }
0x1f: {  	s9 =	smul.u32 $0xF7A, s1;
	s8 =	simm.s32 @!p0 $0x1BF5;
	p2 =	por !p2, p0  }
0x20: {  	[sflag:s8] =	ssyncset.s32 @!p0 $0xFFFFF086;
	s6 =	sadd.s32 @!p0 s3, s7;
	s7 =	simm.s32 @!p0 $0x108  }
0x21: {  	s3 =	sadd.s32 s3, s9;
	s6 =	sadd.s32 @!p0 $0x88, s6;
	s7 =	simm.s32 @p2 $0x1082  }
0x22: {  	[simem:s7], [sflag:s8] =	dma.local @!p0 [hbm:s6], $0xF7A  }
0x23: {  	s9 =	sor.u32 $0xD0000000, s2;
	s6 =	simm.s32 $0x108;
	_ =	swait.ge @!p0 [sflag:s8], $0x0  }
0x24: {  	s3 =	sadd.s32 $0x88, s3;
	s6 =	simm.s32 @!p1 $0x1082;
	[sflag:s4] =	ssyncset.s32 $0xFFFFF086  }
0x25: {  	[simem:s6], [sflag:s4] =	dma.local [hbm:s3], $0xF7A  }
0x26: {  	[smem:$0x3F91] =	sst s1;
	(tag) =	ssettag s2;
	_ =	strace s9  }
0x27: {  	s1 =	sld [smem:$0x3FA1]  }
0x28: {  	s2 =	sld [smem:$0x3FA2]  }
0x29: {  	s4 =	sld [smem:$0x3FA4]  }
0x2a: {  	p0 =	seq.s32 s5, $0x0;
	s5 =	sld [smem:$0x3FA5]  }
0x2b: {  	s6 =	sld [smem:$0x3FA6]  }
0x2c: {  	s7 =	sld [smem:$0x3FA7]  }
0x2d: {  	s3 =	simm.s32 $0x108;
	s8 =	sld [smem:$0x3FA8]  }
0x2e: {  	s3 =	simm.s32 @!p0 $0x1082;
	s9 =	sld [smem:$0x3FA9]  }
0x2f: {  	lr =	sadd.s32 s0, s3;
	s0 =	sld [smem:$0x3FA0]  }
0x30: {  	s3 =	sld [smem:$0x3FA3]  }
0x31: {  	[smem:$0x3FAC] =	sst s10  }
0x32: {  	s10 =	sld [smem:$0x3FAA];
	_ =	sdelay $0x3  }
0x33: {  	p0 =	seq.s32 s10, $0x1;
	s10 =	sld [smem:$0x3FAC];
	_ =	sdelay $0x3  }
0x34: {  	[smem:$0x3FAC] =	sst s10  }
0x35: {  	s10 =	sld [smem:$0x3FAB];
	_ =	sdelay $0x3  }
0x36: {  	p1 =	seq.s32 s10, $0x1;
	s10 =	sld [smem:$0x3FAC];
	_ =	sdelay $0x3  }
0x37: {  	[smem:$0x3FAC] =	sst s10  }
0x38: {  	s10 =	sld [smem:$0x3FAD]  }
0x39: {  	_ = 	snop;
	(pc) =	sbr.ind lr, $3  }
0x3a: {  	_ = 	snop  }
0x3b: {  	_ = 	snop  }
0x3c: {  	p2 =	seq.s32 s10, $0x1;
	s10 =	sld [smem:$0x3FAC]  }
0x3d: {  	_ =	shalt  }
0x3e: {  	_ =	shalt  }
0x3f: {  	_ =	shalt  }
0x40: {  	_ =	shalt  }
0x41: {  	_ =	shalt  }
0x42: {  	_ =	shalt  }
0x43: {  	_ =	shalt  }
0x44: {  	_ =	shalt  }
0x45: {  	_ =	shalt  }
0x46: {  	_ =	shalt  }
0x47: {  	_ =	shalt  }
0x48: {  	_ =	shalt  }
0x49: {  	_ =	shalt  }
0x4a: {  	_ =	shalt  }
0x4b: {  	_ =	shalt  }
0x4c: {  	_ =	shalt  }
0x4d: {  	_ =	shalt  }
0x4e: {  	_ =	shalt  }
0x4f: {  	_ =	shalt  }
0x50: {  	_ =	shalt  }
0x51: {  	_ =	shalt  }
0x52: {  	_ =	shalt  }
0x53: {  	_ =	shalt  }
0x54: {  	_ =	shalt  }
0x55: {  	_ =	shalt  }
0x56: {  	_ =	shalt  }
0x57: {  	_ =	shalt  }
0x58: {  	_ =	shalt  }
0x59: {  	_ =	shalt  }
0x5a: {  	_ =	shalt  }
0x5b: {  	_ =	shalt  }
0x5c: {  	_ =	shalt  }
0x5d: {  	_ =	shalt  }
0x5e: {  	_ =	shalt  }
0x5f: {  	_ =	shalt  }
0x60: {  	_ =	shalt  }
0x61: {  	_ =	shalt  }
0x62: {  	_ =	shalt  }
0x63: {  	_ =	shalt  }
0x64: {  	_ =	shalt  }
0x65: {  	_ =	shalt  }
0x66: {  	_ =	shalt  }
0x67: {  	_ =	shalt  }
0x68: {  	_ =	shalt  }
0x69: {  	_ =	shalt  }
0x6a: {  	_ =	shalt  }
0x6b: {  	_ =	shalt  }
0x6c: {  	_ =	shalt  }
0x6d: {  	_ =	shalt  }
0x6e: {  	_ =	shalt  }
0x6f: {  	_ =	shalt  }
0x70: {  	_ =	shalt  }
0x71: {  	_ =	shalt  }
0x72: {  	_ =	shalt  }
0x73: {  	_ =	shalt  }
0x74: {  	_ =	shalt  }
0x75: {  	_ =	shalt  }
0x76: {  	_ =	shalt  }
0x77: {  	_ =	shalt  }
0x78: {  	_ =	shalt  }
0x79: {  	_ =	shalt  }
0x7a: {  	_ =	shalt  }
0x7b: {  	_ =	shalt  }
0x7c: {  	_ =	shalt  }
0x7d: {  	_ =	shalt  }
0x7e: {  	_ =	shalt  }
0x7f: {  	_ =	shalt  }
0x80: {  	_ =	shalt  }
0x81: {  	_ =	shalt  }
0x82: {  	_ =	shalt  }
0x83: {  	_ =	shalt  }
0x84: {  	_ =	shalt  }
0x85: {  	_ =	shalt  }
0x86: {  	_ =	shalt  }
0x87: {  	_ =	shalt  }
.Lfunc_end0:
.L_simem_size_0:
called_computation_lowered:
.L_overlay_start_0:
0x88: {  	s2 =	sld [smem:$0x3FD9]  }
0x89: {  	s3 =	sld [smem:$0x3FFE];
	_ =	sdelay $0x1  }
0x8a: {  	s1 =	srdreg.scid  }
0x8b: {  	s0 =	sand.u32 $0x1, s1  }
0x8c: {  	s16 =	sshll.u32 s0, $0xA;
	s2 =	sadd.s32 s3, s2  }
0x8d: {  	s2 =	sadd.s32 s2, s16  }
0x8e: {  	[smem:$0x3FB8] =	sst s2  }
0x8f: {  	_ = 	snop  }
0x90: {  	(tm) =	ssettm $0x1  }
0x91: {  	s17 =	sld [smem:$0x3FFB];
	_ =	sdelay $0x3  }
0x92: {  	_ =	strace s17  }
0x93: {  	s2 =	sld [smem:$0x3FFC];
	_ =	sdelay $0x3  }
0x94: {  	_ =	strace s2  }
0x95: {  	s2 =	sld [smem:$0x3FFD];
	_ =	sdelay $0x3  }
0x96: {  	_ =	strace s2  }
0x97: {  	_ =	strace $0x8FFFFFFF  }
0x98: {  	s18 =	sld [smem:$0x3FDB];
	_ =	sdelay $0x1  }
0x99: {  	s19 =	simm.s32 $_scs_section_size  }
0x9a: {  	s4 =	simm.s32 $_size__tile_overlayer_lowered;
	s5 =	simm.s32 $_tile_overlayer_lowered  }
0x9b: {  	s22 =	simm.s32 $0x1BFF;
	s21 =	sshll.u32 s5, $0x1;
	s2 =	sadd.s32 s19, s18  }
0x9c: {  	s6 =	simm.s32 $0x0;
	s20 =	sshll.u32 s4, $0x1;
	s4 =	sadd.s32 s21, s2  }
0x9d: {  	[timem:s6], [sflag:s22] =	dma.local [hbm:s4], s20  }
0x9e: {  	_ =	swait.ge [sflag:s22], s20  }
0x9f: {  	s3 =	ssub.s32 $0x0, s20;
	[sflag:s22] =	ssyncset.done $0x0  }
0xa0: {  	[sflag:s22] =	ssyncadd.s32 s3;
	_ =	sdelay $0x1  }
0xa1: {  	s23 =	simm.s32 $0x1B8B  }
0xa2: {  	_ =	swait.ge [sflag:s23], $0x1  }
0xa3: {  	[sflag:s23] =	ssyncset.done $0x0  }
0xa4: {  	s25 =	simm.s32 $0x1B8E;
	s24 =	sld [smem:$0x3FFE];
	[sflag:s23] =	ssyncadd.s32 $0xFFFFFFFF  }
0xa5: {  	s26 =	simm.s32 $execute0_lowered;
	[smem:$0x3FD2] =	sst s25  }
0xa6: {  	s4 =	sshll.u32 s26, $0x1;
	_ =	strace $0x80000046;
	[dreg:$0x1] =	wrdreg $0xFFFFFFFF  }
0xa7: {  	s28 =	simm.s32 $_size_execute0_lowered;
	s2 =	sadd.s32 s2, s4;
	[dreg:$0x0] =	wrdreg $0x0  }
0xa8: {  	s4 =	sshll.u32 s28, $0x1;
	[dreg:$0x2] =	wrdreg s2  }
0xa9: {  	[dreg:$0x3] =	wrdreg s4  }
0xaa: {  	[dreg:$0x4] =	wrdreg $0xC0  }
0xab: {  	_ =	task [dreg:s6], $0x5FFFF  }
0xac: {  	[dreg:$0x1] =	wrdreg $0xFFFFFFFF  }
0xad: {  	[dreg:$0x0] =	wrdreg $0x60  }
0xae: {  	[dreg:$0x2] =	wrdreg s24  }
0xaf: {  	[dreg:$0x3] =	wrdreg $0x9  }
0xb0: {  	_ =	task.clear_ibuf [dreg:s6], $0x4FFFF;
	_ =	strace $0x90000046  }
0xb1: {  	s29 =	simm.s32 $0x9;
	_ =	strace $0x80000048  }
0xb2: {  	_ =	swait.ge [sflag:s29], $0x1  }
0xb3: {  	[sflag:s29] =	ssyncadd.s32 $0xFFFFFFFF  }
0xb4: {  	_ =	strace $0x90000048  }
0xb5: {  	_ =	sfence  }
0xb6: {  	s30 =	sld [smem:$0x0];
	_ =	sdelay $0x2  }
0xb7: {  	s31 =	sshll.u32 s1, $0xD;
	s1 =	sshrl.u32 s1, $0x2  }
0xb8: {  	s3 =	sand.u32 $0x4000, s31;
	s1 =	sadd.s32 s1, s30  }
0xb9: {  	s0 =	sor.u32 s3, s0;
	s1 =	sshll.u32 s1, $0x11  }
0xba: {  	s0 =	sor.u32 s1, s0  }
0xbb: {  	s0 =	sadd.s32 $0x8F2B, s0  }
0xbc: {  	[sflag:s0] =	ssyncadd.remote.s32 $0x1  }
0xbd: {  	_ =	sfence.sel $0xFFFF  }
0xbe: {  	[dreg:$0x0] =	wrdreg $0xFFFFFFFF;
	(pc) =	sbr.abs _section_cstart, $3  }
0xbf: {  	[dreg:$0x1] =	wrdreg $0xFFFFFFFF  }
0xc0: {  	_ =	task.clear_ibuf [dreg:s6], $0x2FFFF;
	_ =	strace $0x9FFFFFFF  }
0xc1: {  	(tm) =	ssettm $0x7FFFFFFF  }
tec
execute0_lowered:
.L_overlay_start_1:
0x0: {  	(tag) =	ssettag $0x1  }
0x1: {  	s1 =	srdreg.scid;
	s3 =	stileid.u32  }
0x2: {  	s1 =	sand.u32 $0x1, s1;
	s5 =	sshll.u32 s3, $0x1  }
0x3: {  	s7 =	sor.u32 s1, s5  }
0x4: {  	s0 =	rddreg [dreg:$0x0];
	s8 =	sshll.u32 s7, $0x6  }
0x5: {  	s2 =	simm.s32 $0x0;
	s8 =	sadd.s32 s8, s0  }
0x6: {  	[smem:$0x7FF] =	sst s2;
	s20 =	sadd.s32 $0x4A00, s8  }
0x7: {  	_ =	strace $0x80000047;
	s21 =	sadd.s32 $0x5200, s8;
	[dreg:$0x2] =	wrdreg s20  }
0x8: {  	s22 =	sadd.s32 $0x5A00, s8;
	[dreg:$0x3] =	wrdreg s21  }
0x9: {  	s23 =	sadd.s32 $0x6200, s8;
	[dreg:$0x4] =	wrdreg s22  }
0xa: {  	s24 =	sadd.s32 $0x6A00, s8;
	[dreg:$0x5] =	wrdreg s23  }
0xb: {  	s29 =	simm.s32 $0xC00;
	s25 =	sadd.s32 $0x7200, s8;
	[dreg:$0x6] =	wrdreg s24  }
0xc: {  	s1 =	ssub.s32 $0x2, s1;
	s26 =	sadd.s32 $0x7A00, s8;
	[dreg:$0x7] =	wrdreg s25  }
0xd: {  	s10 =	sshrl.u32 s1, $0x1;
	s28 =	sadd.s32 $0x8200, s8;
	[dreg:$0x8] =	wrdreg s26  }
0xe: {  	s1 =	ssub.s32 s1, s10;
	s10 =	sadd.s32 $0x8A00, s8;
	[dreg:$0x9] =	wrdreg s28  }
0xf: {  	s30 =	simm.s32 $0x15C00;
	s11 =	sadd.s32 $0x9200, s8;
	[dreg:$0xa] =	wrdreg s10  }
0x10: {  	s3 =	sadd.s32 $0x1315800, s0;
	s12 =	sadd.s32 $0x9A00, s8;
	[dreg:$0xb] =	wrdreg s11  }
0x11: {  	s4 =	sadd.s32 $0xF44E00, s0;
	s13 =	sadd.s32 $0xA200, s8;
	[dreg:$0xc] =	wrdreg s12  }
0x12: {  	s6 =	sadd.s32 $0x2A00, s0;
	s14 =	sadd.s32 $0x4A20, s8;
	[dreg:$0xd] =	wrdreg s13  }
0x13: {  	s5 =	sadd.s32 $0x3A00, s0;
	s15 =	sadd.s32 $0x5220, s8;
	[dreg:$0xe] =	wrdreg s14  }
0x14: {  	s9 =	sshll.u32 s7, $0xA;
	s16 =	sadd.s32 $0x5A20, s8;
	[dreg:$0xf] =	wrdreg s15  }
0x15: {  	s7 =	sshll.u32 s7, $0x1;
	s17 =	sadd.s32 $0x6220, s8;
	[dreg:$0x10] =	wrdreg s16  }
0x16: {  	s9 =	sadd.s32 s9, s0;
	s18 =	sadd.s32 $0x6A20, s8;
	[dreg:$0x11] =	wrdreg s17  }
0x17: {  	s0 =	sadd.s32 s7, s0;
	s19 =	sadd.s32 $0x7220, s8;
	[dreg:$0x12] =	wrdreg s18  }
0x18: {  	s31 =	simm.s32 $0xB80;
	s0 =	sadd.s32 $0x12A00, s0;
	[dreg:$0x13] =	wrdreg s19  }
0x19: {  	s20 =	sadd.s32 $0x7A20, s8;
	s21 =	sadd.s32 $0x8220, s8;
	s22 =	sadd.s32 $0x8A20, s8  }
0x1a: {  	s23 =	sadd.s32 $0x9220, s8;
	s24 =	sadd.s32 $0x9A20, s8;
	s25 =	sadd.s32 $0xA220, s8  }
0x1b: {  	s26 =	sadd.s32 $0xAA00, s9;
	[dreg:$0x1b] =	wrdreg s0;
	s28 =	smax.u32 s1, $0x1  }
0x1c: {  	s8 =	simm.s32 $0x2;
	s9 =	simm.s32 $0x100;
	[dreg:$0x14] =	wrdreg s20  }
0x1d: {  	s10 =	simm.s32 $0x200;
	s11 =	simm.s32 $0x300;
	[dreg:$0x15] =	wrdreg s21  }
0x1e: {  	s12 =	simm.s32 $0x400;
	s13 =	simm.s32 $0x500;
	[dreg:$0x16] =	wrdreg s22  }
0x1f: {  	s14 =	simm.s32 $0x600;
	s15 =	simm.s32 $0x700;
	[dreg:$0x17] =	wrdreg s23  }
0x20: {  	s16 =	simm.s32 $0x800;
	s17 =	simm.s32 $0x900;
	[dreg:$0x18] =	wrdreg s24  }
0x21: {  	s18 =	simm.s32 $0xA00;
	s19 =	simm.s32 $0xB00;
	[dreg:$0x19] =	wrdreg s25  }
0x22: {  	s0 =	simm.s32 $0x1;
	s1 =	simm.s32 $0x0;
	[dreg:$0x1a] =	wrdreg s26  }
0x23: {  	[dreg:$0x1c] =	wrdreg s28;
	s20 =	simm.s32 $0x80;
	s21 =	simm.s32 $0xA80  }
0x24: {  	s25 =	simm.s32 $0x16C00;
	s23 =	simm.s32 $0x17C00;
	s26 =	simm.s32 $0x18C00  }
.LBB2_1:
0x25: {  	s7 =	rddreg [dreg:$0x2]  }
0x26: {  	[tilespmem:s2], [sflag:$0x2] =	stream.linear.gather [hbm4b:s7+s2], $0x100, $0x38;
	[tilespmem:$0x1AC10] =	vst v63  }
0x27: {  	_ =	swait.ge [sflag:s8], $0x100  }
0x28: {  	[sflag:s8] =	ssyncset.done $0x0  }
0x29: {  	s22 =	rddreg [dreg:$0x3];
	[sflag:s8] =	ssyncadd.s32 $0xFFFFFF00  }
0x2a: {  	[tilespmem:s9], [sflag:$0x2] =	stream.linear.gather [hbm4b:s22+s2], $0x100, $0x38;
	[tilespmem:$0x1AC10] =	vst v63  }
0x2b: {  	_ =	swait.ge [sflag:s8], $0x100  }
0x2c: {  	[sflag:s8] =	ssyncset.done $0x0  }
0x2d: {  	s24 =	rddreg [dreg:$0x4];
	[sflag:s8] =	ssyncadd.s32 $0xFFFFFF00  }
0x2e: {  	[tilespmem:s10], [sflag:$0x2] =	stream.linear.gather [hbm4b:s24+s2], $0x100, $0x38;
	[tilespmem:$0x1AC10] =	vst v63  }
0x2f: {  	_ =	swait.ge [sflag:s8], $0x100  }
0x30: {  	[sflag:s8] =	ssyncset.done $0x0  }
0x31: {  	s22 =	rddreg [dreg:$0x5];
	[sflag:s8] =	ssyncadd.s32 $0xFFFFFF00  }
0x32: {  	[tilespmem:s11], [sflag:$0x2] =	stream.linear.gather [hbm4b:s22+s2], $0x100, $0x38;
	[tilespmem:$0x1AC10] =	vst v63  }
0x33: {  	_ =	swait.ge [sflag:s8], $0x100  }
0x34: {  	[sflag:s8] =	ssyncset.done $0x0  }
0x35: {  	s24 =	rddreg [dreg:$0x6];
	[sflag:s8] =	ssyncadd.s32 $0xFFFFFF00  }
0x36: {  	[tilespmem:s12], [sflag:$0x2] =	stream.linear.gather [hbm4b:s24+s2], $0x100, $0x38;
	[tilespmem:$0x1AC10] =	vst v63  }
0x37: {  	_ =	swait.ge [sflag:s8], $0x100  }
0x38: {  	[sflag:s8] =	ssyncset.done $0x0  }
0x39: {  	s22 =	rddreg [dreg:$0x7];
	[sflag:s8] =	ssyncadd.s32 $0xFFFFFF00  }
0x3a: {  	[tilespmem:s13], [sflag:$0x2] =	stream.linear.gather [hbm4b:s22+s2], $0x100, $0x38;
	[tilespmem:$0x1AC10] =	vst v63  }
0x3b: {  	_ =	swait.ge [sflag:s8], $0x100  }
0x3c: {  	[sflag:s8] =	ssyncset.done $0x0  }
0x3d: {  	s24 =	rddreg [dreg:$0x8];
	[sflag:s8] =	ssyncadd.s32 $0xFFFFFF00  }
0x3e: {  	[tilespmem:s14], [sflag:$0x2] =	stream.linear.gather [hbm4b:s24+s2], $0x100, $0x38;
	[tilespmem:$0x1AC10] =	vst v63  }
0x3f: {  	_ =	swait.ge [sflag:s8], $0x100  }
0x40: {  	[sflag:s8] =	ssyncset.done $0x0  }
0x41: {  	s22 =	rddreg [dreg:$0x9];
	[sflag:s8] =	ssyncadd.s32 $0xFFFFFF00  }
0x42: {  	[tilespmem:s15], [sflag:$0x2] =	stream.linear.gather [hbm4b:s22+s2], $0x100, $0x38;
	[tilespmem:$0x1AC10] =	vst v63  }
0x43: {  	_ =	swait.ge [sflag:s8], $0x100  }
0x44: {  	[sflag:s8] =	ssyncset.done $0x0  }
0x45: {  	s24 =	rddreg [dreg:$0xa];
	[sflag:s8] =	ssyncadd.s32 $0xFFFFFF00  }
0x46: {  	[tilespmem:s16], [sflag:$0x2] =	stream.linear.gather [hbm4b:s24+s2], $0x100, $0x38;
	[tilespmem:$0x1AC10] =	vst v63  }
0x47: {  	_ =	swait.ge [sflag:s8], $0x100  }
0x48: {  	[sflag:s8] =	ssyncset.done $0x0  }
0x49: {  	s22 =	rddreg [dreg:$0xb];
	[sflag:s8] =	ssyncadd.s32 $0xFFFFFF00  }
0x4a: {  	[tilespmem:s17], [sflag:$0x2] =	stream.linear.gather [hbm4b:s22+s2], $0x100, $0x38;
	[tilespmem:$0x1AC10] =	vst v63  }
0x4b: {  	_ =	swait.ge [sflag:s8], $0x100  }
0x4c: {  	[sflag:s8] =	ssyncset.done $0x0  }
0x4d: {  	s24 =	rddreg [dreg:$0xc];
	[sflag:s8] =	ssyncadd.s32 $0xFFFFFF00  }
0x4e: {  	[tilespmem:s18], [sflag:$0x2] =	stream.linear.gather [hbm4b:s24+s2], $0x100, $0x38;
	[tilespmem:$0x1AC10] =	vst v63  }
0x4f: {  	_ =	swait.ge [sflag:s8], $0x100  }
0x50: {  	[sflag:s8] =	ssyncset.done $0x0  }
0x51: {  	s22 =	rddreg [dreg:$0xd];
	[sflag:s8] =	ssyncadd.s32 $0xFFFFFF00  }
0x52: {  	[tilespmem:s19], [sflag:$0x2] =	stream.linear.gather [hbm4b:s22+s2], $0x100, $0x38;
	[tilespmem:$0x1AC10] =	vst v63  }
0x53: {  	_ =	swait.ge [sflag:s8], $0x100  }
0x54: {  	[sflag:s8] =	ssyncset.done $0x0  }
0x55: {  	[sflag:s8] =	ssyncadd.s32 $0xFFFFFF00  }
0x56: {  	[tilespmem:s29], [sflag:$0x1] =	stream.indirect.gather [hbm4b:s3+s20], $0x20, s2, s20, $0xb8;
	[tilespmem:$0x1AC10] =	vst v63  }
0x57: {  	s24 =	simm.s32 $0x1C00  }
0x58: {  	[tilespmem:s24], [sflag:$0x1] =	stream.indirect.gather [hbm4b:s3+s20], $0x20, s20, s20, $0xb8;
	[tilespmem:$0x1AC10] =	vst v63  }
0x59: {  	s22 =	simm.s32 $0x2C00  }
0x5a: {  	[tilespmem:s22], [sflag:$0x1] =	stream.indirect.gather [hbm4b:s3+s20], $0x20, s9, s20, $0xb8;
	[tilespmem:$0x1AC10] =	vst v63  }
0x5b: {  	s24 =	simm.s32 $0x180;
	s22 =	simm.s32 $0x3C00  }
0x5c: {  	[tilespmem:s22], [sflag:$0x1] =	stream.indirect.gather [hbm4b:s3+s20], $0x20, s24, s20, $0xb8;
	[tilespmem:$0x1AC10] =	vst v63  }
0x5d: {  	s24 =	simm.s32 $0x4C00  }
0x5e: {  	[tilespmem:s24], [sflag:$0x1] =	stream.indirect.gather [hbm4b:s3+s20], $0x20, s10, s20, $0xb8;
	[tilespmem:$0x1AC10] =	vst v63  }
0x5f: {  	s22 =	simm.s32 $0x280;
	s24 =	simm.s32 $0x5C00  }
0x60: {  	[tilespmem:s24], [sflag:$0x1] =	stream.indirect.gather [hbm4b:s3+s20], $0x20, s22, s20, $0xb8;
	[tilespmem:$0x1AC10] =	vst v63  }
0x61: {  	s24 =	simm.s32 $0x6C00  }
0x62: {  	[tilespmem:s24], [sflag:$0x1] =	stream.indirect.gather [hbm4b:s4+s20], $0x20, s11, s20, $0xb8;
	[tilespmem:$0x1AC10] =	vst v63  }
0x63: {  	s22 =	simm.s32 $0x380;
	s24 =	simm.s32 $0x7C00  }
0x64: {  	[tilespmem:s24], [sflag:$0x1] =	stream.indirect.gather [hbm4b:s4+s20], $0x20, s22, s20, $0xb8;
	[tilespmem:$0x1AC10] =	vst v63  }
0x65: {  	s24 =	simm.s32 $0x8C00  }
0x66: {  	[tilespmem:s24], [sflag:$0x1] =	stream.indirect.gather [hbm4b:s4+s20], $0x20, s12, s20, $0xb8;
	[tilespmem:$0x1AC10] =	vst v63  }
0x67: {  	s22 =	simm.s32 $0x480;
	s24 =	simm.s32 $0x9C00  }
0x68: {  	[tilespmem:s24], [sflag:$0x1] =	stream.indirect.gather [hbm4b:s4+s20], $0x20, s22, s20, $0xb8;
	[tilespmem:$0x1AC10] =	vst v63  }
0x69: {  	s24 =	simm.s32 $0xAC00  }
0x6a: {  	[tilespmem:s24], [sflag:$0x1] =	stream.indirect.gather [hbm4b:s4+s20], $0x20, s13, s20, $0xb8;
	[tilespmem:$0x1AC10] =	vst v63  }
0x6b: {  	s22 =	simm.s32 $0x580;
	s24 =	simm.s32 $0xBC00  }
0x6c: {  	[tilespmem:s24], [sflag:$0x1] =	stream.indirect.gather [hbm4b:s4+s20], $0x20, s22, s20, $0xb8;
	[tilespmem:$0x1AC10] =	vst v63  }
0x6d: {  	s24 =	simm.s32 $0xCC00  }
0x6e: {  	[tilespmem:s24], [sflag:$0x1] =	stream.indirect.gather [hbm4b:s5+s20], $0x20, s14, s20, $0xb8;
	[tilespmem:$0x1AC10] =	vst v63  }
0x6f: {  	s22 =	simm.s32 $0x680;
	s24 =	simm.s32 $0xDC00  }
0x70: {  	[tilespmem:s24], [sflag:$0x1] =	stream.indirect.gather [hbm4b:s5+s20], $0x20, s22, s20, $0xb8;
	[tilespmem:$0x1AC10] =	vst v63  }
0x71: {  	s24 =	simm.s32 $0xEC00  }
0x72: {  	[tilespmem:s24], [sflag:$0x1] =	stream.indirect.gather [hbm4b:s5+s20], $0x20, s15, s20, $0xb8;
	[tilespmem:$0x1AC10] =	vst v63  }
0x73: {  	s22 =	simm.s32 $0x780;
	s24 =	simm.s32 $0xFC00  }
0x74: {  	[tilespmem:s24], [sflag:$0x1] =	stream.indirect.gather [hbm4b:s5+s20], $0x20, s22, s20, $0xb8;
	[tilespmem:$0x1AC10] =	vst v63  }
0x75: {  	s24 =	simm.s32 $0x10C00  }
0x76: {  	[tilespmem:s24], [sflag:$0x1] =	stream.indirect.gather [hbm4b:s5+s20], $0x20, s16, s20, $0xb8;
	[tilespmem:$0x1AC10] =	vst v63  }
0x77: {  	s22 =	simm.s32 $0x880;
	s24 =	simm.s32 $0x11C00  }
0x78: {  	[tilespmem:s24], [sflag:$0x1] =	stream.indirect.gather [hbm4b:s5+s20], $0x20, s22, s20, $0xb8;
	[tilespmem:$0x1AC10] =	vst v63  }
0x79: {  	s24 =	simm.s32 $0x12C00  }
0x7a: {  	[tilespmem:s24], [sflag:$0x1] =	stream.indirect.gather [hbm4b:s6+s20], $0x20, s17, s20, $0xb8;
	[tilespmem:$0x1AC10] =	vst v63  }
0x7b: {  	s22 =	simm.s32 $0x980;
	s24 =	simm.s32 $0x13C00  }
0x7c: {  	[tilespmem:s24], [sflag:$0x1] =	stream.indirect.gather [hbm4b:s6+s20], $0x20, s22, s20, $0xb8;
	[tilespmem:$0x1AC10] =	vst v63  }
0x7d: {  	s22 =	simm.s32 $0x14C00  }
0x7e: {  	[tilespmem:s22], [sflag:$0x1] =	stream.indirect.gather [hbm4b:s6+s20], $0x20, s18, s20, $0xb8;
	[tilespmem:$0x1AC10] =	vst v63  }
0x7f: {  	_ = 	snop  }
0x80: {  	[tilespmem:s30], [sflag:$0x1] =	stream.indirect.gather [hbm4b:s6+s20], $0x20, s21, s20, $0xb8;
	[tilespmem:$0x1AC10] =	vst v63  }
0x81: {  	_ = 	snop  }
0x82: {  	[tilespmem:s25], [sflag:$0x1] =	stream.indirect.gather [hbm4b:s6+s20], $0x20, s19, s20, $0xb8;
	[tilespmem:$0x1AC10] =	vst v63  }
0x83: {  	_ = 	snop  }
0x84: {  	[tilespmem:s23], [sflag:$0x1] =	stream.indirect.gather [hbm4b:s6+s20], $0x20, s31, s20, $0xb8;
	[tilespmem:$0x1AC10] =	vst v63  }
0x85: {  	_ =	swait.ge [sflag:s0], $0x1000  }
0x86: {  	[sflag:s0] =	ssyncset.done $0x0  }
0x87: {  	[sflag:s0] =	ssyncadd.s32 $0xFFFFF000  }
0x88: {  	_ =	swait.ge [sflag:s0], $0x1000  }
0x89: {  	[sflag:s0] =	ssyncset.done $0x0  }
0x8a: {  	[sflag:s0] =	ssyncadd.s32 $0xFFFFF000  }
0x8b: {  	_ =	swait.ge [sflag:s0], $0x1000  }
0x8c: {  	[sflag:s0] =	ssyncset.done $0x0  }
0x8d: {  	[sflag:s0] =	ssyncadd.s32 $0xFFFFF000  }
0x8e: {  	_ =	swait.ge [sflag:s0], $0x1000  }
0x8f: {  	[sflag:s0] =	ssyncset.done $0x0  }
0x90: {  	[sflag:s0] =	ssyncadd.s32 $0xFFFFF000  }
0x91: {  	_ =	swait.ge [sflag:s0], $0x1000  }
0x92: {  	[sflag:s0] =	ssyncset.done $0x0  }
0x93: {  	[sflag:s0] =	ssyncadd.s32 $0xFFFFF000  }
0x94: {  	_ =	swait.ge [sflag:s0], $0x1000  }
0x95: {  	[sflag:s0] =	ssyncset.done $0x0  }
0x96: {  	[sflag:s0] =	ssyncadd.s32 $0xFFFFF000  }
0x97: {  	_ =	swait.ge [sflag:s0], $0x1000  }
0x98: {  	[sflag:s0] =	ssyncset.done $0x0  }
0x99: {  	[sflag:s0] =	ssyncadd.s32 $0xFFFFF000  }
0x9a: {  	_ =	swait.ge [sflag:s0], $0x1000  }
0x9b: {  	[sflag:s0] =	ssyncset.done $0x0  }
0x9c: {  	[sflag:s0] =	ssyncadd.s32 $0xFFFFF000  }
0x9d: {  	_ =	swait.ge [sflag:s0], $0x1000  }
0x9e: {  	[sflag:s0] =	ssyncset.done $0x0  }
0x9f: {  	[sflag:s0] =	ssyncadd.s32 $0xFFFFF000  }
0xa0: {  	_ =	swait.ge [sflag:s0], $0x1000  }
0xa1: {  	[sflag:s0] =	ssyncset.done $0x0  }
0xa2: {  	[sflag:s0] =	ssyncadd.s32 $0xFFFFF000  }
0xa3: {  	_ =	swait.ge [sflag:s0], $0x1000  }
0xa4: {  	[sflag:s0] =	ssyncset.done $0x0  }
0xa5: {  	[sflag:s0] =	ssyncadd.s32 $0xFFFFF000  }
0xa6: {  	_ =	swait.ge [sflag:s0], $0x1000  }
0xa7: {  	[sflag:s0] =	ssyncset.done $0x0  }
0xa8: {  	[sflag:s0] =	ssyncadd.s32 $0xFFFFF000  }
0xa9: {  	_ =	swait.ge [sflag:s0], $0x1000  }
0xaa: {  	[sflag:s0] =	ssyncset.done $0x0  }
0xab: {  	[sflag:s0] =	ssyncadd.s32 $0xFFFFF000  }
0xac: {  	_ =	swait.ge [sflag:s0], $0x1000  }
0xad: {  	[sflag:s0] =	ssyncset.done $0x0  }
0xae: {  	[sflag:s0] =	ssyncadd.s32 $0xFFFFF000  }
0xaf: {  	_ =	swait.ge [sflag:s0], $0x1000  }
0xb0: {  	[sflag:s0] =	ssyncset.done $0x0  }
0xb1: {  	[sflag:s0] =	ssyncadd.s32 $0xFFFFF000  }
0xb2: {  	_ =	swait.ge [sflag:s0], $0x1000  }
0xb3: {  	[sflag:s0] =	ssyncset.done $0x0  }
0xb4: {  	[sflag:s0] =	ssyncadd.s32 $0xFFFFF000  }
0xb5: {  	_ =	swait.ge [sflag:s0], $0x1000  }
0xb6: {  	[sflag:s0] =	ssyncset.done $0x0  }
0xb7: {  	[sflag:s0] =	ssyncadd.s32 $0xFFFFF000  }
0xb8: {  	_ =	swait.ge [sflag:s0], $0x1000  }
0xb9: {  	[sflag:s0] =	ssyncset.done $0x0  }
0xba: {  	[sflag:s0] =	ssyncadd.s32 $0xFFFFF000  }
0xbb: {  	_ =	swait.ge [sflag:s0], $0x1000  }
0xbc: {  	[sflag:s0] =	ssyncset.done $0x0  }
0xbd: {  	[sflag:s0] =	ssyncadd.s32 $0xFFFFF000  }
0xbe: {  	_ =	swait.ge [sflag:s0], $0x1000  }
0xbf: {  	[sflag:s0] =	ssyncset.done $0x0  }
0xc0: {  	[sflag:s0] =	ssyncadd.s32 $0xFFFFF000  }
0xc1: {  	_ =	swait.ge [sflag:s0], $0x1000  }
0xc2: {  	[sflag:s0] =	ssyncset.done $0x0  }
0xc3: {  	[sflag:s0] =	ssyncadd.s32 $0xFFFFF000  }
0xc4: {  	_ =	swait.ge [sflag:s0], $0x1000  }
0xc5: {  	[sflag:s0] =	ssyncset.done $0x0  }
0xc6: {  	[sflag:s0] =	ssyncadd.s32 $0xFFFFF000  }
0xc7: {  	_ =	swait.ge [sflag:s0], $0x1000  }
0xc8: {  	[sflag:s0] =	ssyncset.done $0x0  }
0xc9: {  	[sflag:s0] =	ssyncadd.s32 $0xFFFFF000  }
0xca: {  	_ =	swait.ge [sflag:s0], $0x1000  }
0xcb: {  	[sflag:s0] =	ssyncset.done $0x0  }
0xcc: {  	s24 =	simm.s32 $0x0;
	[sflag:s0] =	ssyncadd.s32 $0xFFFFF000  }
0xcd: {  	v1 =	vld [tilespmem:s24+$0x12C10]  }
0xce: {  	v7 =	vld [tilespmem:s24+$0xEC00]  }
0xcf: {  	v2 =	vld [tilespmem:s24+$0xCC10]  }
0xd0: {  	v19 =	vld [tilespmem:s24+$0xC10]  }
0xd1: {  	v0 =	vld [tilespmem:s24+$0x16C10]  }
0xd2: {  	v12 =	vld [tilespmem:s24+$0x10C00]  }
0xd3: {  	v4 =	vld [tilespmem:s24+$0x6C10]  }
0xd4: {  	v5 =	vld [tilespmem:s24+$0xAC10]  }
0xd5: {  	v11 =	vld [tilespmem:s24+$0x6C00]  }
0xd6: {  	v6 =	vld [tilespmem:s24+$0x8C10]  }
0xd7: {  	v9 =	vld [tilespmem:s24+$0x4C10]  }
0xd8: {  	v14 =	vld [tilespmem:s24+$0x8C00]  }
0xd9: {  	v15 =	vld [tilespmem:s24+$0xAC00]  }
0xda: {  	v16 =	vld [tilespmem:s24+$0x4C00]  }
0xdb: {  	v17 =	vld [tilespmem:s24+$0x2C00]  }
0xdc: {  	v18 =	vld [tilespmem:s24+$0xC00]  }
0xdd: {  	v13 =	vld [tilespmem:s24+$0x2C10]  }
0xde: {  	v3 =	vld [tilespmem:s24+$0x10C10]  }
0xdf: {  	v20 =	vld [tilespmem:s24+$0xCC00];
	v8 =	vadd.f32 v4, v19  }
0xe0: {  	v10 =	vld [tilespmem:s24+$0xEC10];
	v21 =	vadd.f32 v5, v9;
	v24 =	vadd.f32 v14, v17  }
0xe1: {  	v22 =	vld [tilespmem:s24+$0x14C00];
	v25 =	vadd.f32 v15, v16;
	v8 =	vadd.f32 v2, v8  }
0xe2: {  	v26 =	vld [tilespmem:s24+$0x16C00];
	v27 =	vadd.f32 v11, v18;
	v28 =	vadd.f32 v6, v13  }
0xe3: {  	v18 =	vmul.f32 v18, v18;
	v21 =	vadd.f32 v3, v21;
	v23 =	vadd.f32 v1, v8;
	v8 =	vld [tilespmem:s24+$0x14C10]  }
0xe4: {  	v29 =	vimm.f32 $0.0e+00;
	v30 =	vld [tilespmem:s24+$0x12C00];
	v25 =	vadd.f32 v12, v25;
	v24 =	vadd.f32 v7, v24  }
0xe5: {  	v17 =	vmul.f32 v17, v17;
	v28 =	vadd.f32 v10, v28;
	v18 =	vadd.f32 v18, v29  }
0xe6: {  	v27 =	vadd.f32 v20, v27;
	v21 =	vadd.f32 v0, v21  }
0xe7: {  	v16 =	vmul.f32 v16, v16;
	v17 =	vadd.f32 v17, v18;
	v18 =	vadd.f32 v22, v24  }
0xe8: {  	v63 =	vadd.f32 v26, v25;
	v28 =	vadd.f32 v8, v28  }
0xe9: {  	v11 =	vmul.f32 v11, v11;
	v16 =	vadd.f32 v16, v17;
	v17 =	vadd.f32 v30, v27  }
0xea: {  	v18 =	vsub.f32 v63, v18;
	v21 =	vsub.f32 v21, v28  }
0xeb: {  	v14 =	vmul.f32 v14, v14;
	v11 =	vadd.f32 v11, v16  }
0xec: {  	v17 =	vmul.f32 v18, v17;
	v16 =	vmul.f32 v21, v23  }
0xed: {  	v15 =	vmul.f32 v15, v15;
	v11 =	vadd.f32 v14, v11  }
0xee: {  	v14 =	vadd.f32 v16, v17  }
0xef: {  	v11 =	vadd.f32 v15, v11;
	v16 =	vmul.f32 v20, v20  }
0xf0: {  	s22 =	simm.s32 $0x20;
	[tilespmem:s26+$0x0] =	vst v14  }
0xf1: {  	v7 =	vmul.f32 v7, v7;
	v14 =	vadd.f32 v16, v11;
	v11 =	vld [tilespmem:s22+$0x12C10]  }
0xf2: {  	v15 =	vld [tilespmem:s22+$0xEC00]  }
0xf3: {  	v20 =	vmul.f32 v12, v12;
	v12 =	vld [tilespmem:s22+$0xC10];
	v7 =	vadd.f32 v7, v14  }
0xf4: {  	v19 =	vmul.f32 v19, v19;
	v18 =	vmul.f32 v26, v26;
	v14 =	vld [tilespmem:s22+$0xCC10]  }
0xf5: {  	s28 =	simm.s32 $0x100;
	s7 =	simm.s32 $0x18C00;
	v17 =	vmul.f32 v22, v22;
	v16 =	vmul.f32 v30, v30;
	v20 =	vadd.f32 v20, v7;
	v7 =	vld [tilespmem:s22+$0x16C10]  }
.LBB2_2:
0xf6: {  	p0 =	sne.s32 s28, $0x3F80  }
0xf7: {  	v21 =	vld [tilespmem:s22+$0x10C00];
	v16 =	vadd.f32 v16, v20;
	s7 =	sadd.s32 $0x10, s7;
	s24 =	smov.u32 s28;
	s28 =	sadd.s32 $0x80, s28  }
0xf8: {  	v20 =	vld [tilespmem:s22+$0x6C10]  }
0xf9: {  	v22 =	vld [tilespmem:s22+$0x10C10];
	v16 =	vadd.f32 v17, v16  }
0xfa: {  	v17 =	vld [tilespmem:s22+$0xAC10]  }
0xfb: {  	v23 =	vld [tilespmem:s22+$0xCC00];
	v16 =	vadd.f32 v18, v16  }
0xfc: {  	v18 =	vld [tilespmem:s22+$0x6C00]  }
0xfd: {  	v13 =	vmul.f32 v13, v13;
	v24 =	vld [tilespmem:s22+$0x8C10];
	v16 =	vadd.f32 v19, v16  }
0xfe: {  	v19 =	vld [tilespmem:s22+$0x4C10]  }
0xff: {  	v9 =	vmul.f32 v9, v9;
	v25 =	vld [tilespmem:s22+$0x8C00];
	v13 =	vadd.f32 v13, v16  }
0x100: {  	v26 =	vld [tilespmem:s22+$0xAC00]  }
0x101: {  	v27 =	vld [tilespmem:s22+$0x4C00];
	v31 =	vadd.f32 v9, v13;
	v13 =	vmul.f32 v4, v4;
	v4 =	vmov v20  }
0x102: {  	v16 =	vmul.f32 v6, v6;
	v20 =	vld [tilespmem:s22+$0x2C00];
	v6 =	vmov v24  }
0x103: {  	v29 =	vmul.f32 v23, v23;
	v28 =	vadd.f32 v4, v12;
	v24 =	vld [tilespmem:s22+$0xC00];
	v30 =	vadd.f32 v13, v31;
	v9 =	vmovc v19  }
0x104: {  	v32 =	vmul.f32 v5, v5;
	v33 =	vmul.f32 v1, v1;
	v5 =	vmovc v17;
	v31 =	vld [tilespmem:s22+$0x12C00];
	v19 =	vadd.f32 v17, v9  }
0x105: {  	v1 =	vmovc v11;
	v17 =	vadd.f32 v14, v28;
	v28 =	vmul.f32 v15, v15;
	v13 =	vld [tilespmem:s22+$0x2C10];
	v16 =	vadd.f32 v16, v30  }
0x106: {  	v34 =	vmul.f32 v2, v2;
	v2 =	vmov v14;
	v30 =	vmul.f32 v18, v18;
	v11 =	vld [tilespmem:s22+$0x14C00]  }
0x107: {  	v36 =	vmul.f32 v21, v21;
	v35 =	vadd.f32 v1, v17;
	v14 =	vld [tilespmem:s22+$0xEC10];
	v17 =	vadd.f32 v32, v16  }
0x108: {  	v10 =	vmul.f32 v10, v10;
	v19 =	vadd.f32 v22, v19;
	v37 =	vadd.f32 v25, v20;
	v32 =	vld [tilespmem:s22+$0x16C00]  }
0x109: {  	v38 =	vadd.f32 v26, v27;
	v16 =	vmul.f32 v31, v31;
	v34 =	vadd.f32 v34, v17  }
0x10a: {  	v41 =	vmul.f32 v3, v3;
	v3 =	vmovc v22;
	v40 =	vadd.f32 v18, v24;
	v39 =	vld [tilespmem:s22+$0x14C10];
	v18 =	vadd.f32 v6, v13  }
0x10b: {  	v21 =	vadd.f32 v21, v38;
	v17 =	vmul.f32 v11, v11;
	v22 =	vadd.f32 v10, v34  }
0x10c: {  	v25 =	vmul.f32 v25, v25;
	v15 =	vadd.f32 v15, v37;
	v34 =	vadd.f32 v7, v19;
	v10 =	vmovc v14  }
0x10d: {  	v14 =	vadd.f32 v10, v18;
	v18 =	vmul.f32 v32, v32;
	v22 =	vadd.f32 v41, v22  }
0x10e: {  	v38 =	vmul.f32 v0, v0;
	v0 =	vmovc v7;
	v37 =	vmul.f32 v8, v8;
	v23 =	vadd.f32 v23, v40  }
0x10f: {  	v19 =	vmul.f32 v12, v12;
	v7 =	vadd.f32 v39, v14;
	v12 =	vadd.f32 v33, v22;
	v8 =	vmovc v39  }
0x110: {  	v11 =	vadd.f32 v11, v15;
	v15 =	vmul.f32 v26, v26;
	v14 =	vadd.f32 v32, v21  }
0x111: {  	v7 =	vsub.f32 v34, v7;
	v12 =	vadd.f32 v37, v12  }
0x112: {  	v21 =	vadd.f32 v31, v23;
	v22 =	vmul.f32 v24, v24  }
0x113: {  	v11 =	vsub.f32 v14, v11;
	v7 =	vmul.f32 v7, v35;
	v12 =	vadd.f32 v38, v12  }
0x114: {  	v14 =	vmul.f32 v20, v20  }
0x115: {  	v11 =	vmul.f32 v11, v21;
	v12 =	vadd.f32 v22, v12;
	_ =	sdelay $0x1  }
0x116: {  	v7 =	vadd.f32 v7, v11;
	v11 =	vadd.f32 v14, v12;
	v12 =	vmul.f32 v27, v27;
	_ =	sdelay $0x1  }
0x117: {  	[tilespmem:s7+$0x0] =	vst v7;
	v7 =	vadd.f32 v12, v11;
	_ =	sdelay $0x1  }
0x118: {  	v7 =	vadd.f32 v30, v7;
	_ =	sdelay $0x1  }
0x119: {  	v7 =	vadd.f32 v25, v7;
	_ =	sdelay $0x1  }
0x11a: {  	v7 =	vadd.f32 v15, v7;
	_ =	sdelay $0x1  }
0x11b: {  	s22 =	sshra.s32 s24, $0x2;
	v7 =	vadd.f32 v29, v7  }
.Ltmp0:
0x11c: {  	v11 =	vld [tilespmem:s22+$0x12C10];
	(pc) =	sbr.rel @p0 .LBB2_2-.Ltmp0, $4  }
0x11d: {  	v15 =	vld [tilespmem:s22+$0xEC00];
	v7 =	vadd.f32 v28, v7  }
0x11e: {  	v14 =	vld [tilespmem:s22+$0xCC10]  }
0x11f: {  	v12 =	vld [tilespmem:s22+$0xC10];
	v20 =	vadd.f32 v36, v7  }
0x120: {  	v7 =	vld [tilespmem:s22+$0x16C10]  }
0x121: {  	v16 =	vadd.f32 v16, v20;
	_ =	sdelay $0x1  }
0x122: {  	v16 =	vadd.f32 v17, v16;
	_ =	sdelay $0x1  }
0x123: {  	v16 =	vadd.f32 v18, v16;
	_ =	sdelay $0x1  }
0x124: {  	v13 =	vmul.f32 v13, v13;
	v16 =	vadd.f32 v19, v16;
	_ =	sdelay $0x1  }
0x125: {  	v9 =	vmul.f32 v9, v9;
	v13 =	vadd.f32 v13, v16;
	_ =	sdelay $0x1  }
0x126: {  	v4 =	vmul.f32 v4, v4;
	v9 =	vadd.f32 v9, v13;
	_ =	sdelay $0x1  }
0x127: {  	v6 =	vmul.f32 v6, v6;
	v4 =	vadd.f32 v4, v9;
	_ =	sdelay $0x1  }
0x128: {  	v5 =	vmul.f32 v5, v5;
	v4 =	vadd.f32 v6, v4;
	_ =	sdelay $0x1  }
0x129: {  	v2 =	vmul.f32 v2, v2;
	v4 =	vadd.f32 v5, v4;
	_ =	sdelay $0x1  }
0x12a: {  	v5 =	vmul.f32 v10, v10;
	v2 =	vadd.f32 v2, v4;
	_ =	sdelay $0x1  }
0x12b: {  	v3 =	vmul.f32 v3, v3;
	v2 =	vadd.f32 v5, v2;
	_ =	sdelay $0x1  }
0x12c: {  	v1 =	vmul.f32 v1, v1;
	v2 =	vadd.f32 v3, v2  }
0x12d: {  	v3 =	vld [tilespmem:s22+$0xC00]  }
0x12e: {  	v4 =	vmul.f32 v8, v8;
	v1 =	vadd.f32 v1, v2  }
0x12f: {  	v2 =	vld [tilespmem:s22+$0x2C00]  }
0x130: {  	v0 =	vmul.f32 v0, v0;
	v60 =	vld [tilespmem:s22+$0x10C10];
	v1 =	vadd.f32 v4, v1  }
0x131: {  	v4 =	vld [tilespmem:s22+$0x4C00]  }
0x132: {  	v16 =	vld [tilespmem:s22+$0x4C10];
	v6 =	vmul.f32 v3, v3;
	v0 =	vadd.f32 v0, v1  }
0x133: {  	v1 =	vld [tilespmem:s22+$0x6C00]  }
0x134: {  	v8 =	vld [tilespmem:s22+$0x6C10];
	v9 =	vmul.f32 v2, v2;
	v0 =	vadd.f32 v6, v0  }
0x135: {  	v6 =	vld [tilespmem:s22+$0x8C00]  }
0x136: {  	v10 =	vld [tilespmem:s22+$0xAC10];
	v0 =	vadd.f32 v9, v0;
	v9 =	vmul.f32 v4, v4  }
0x137: {  	v13 =	vld [tilespmem:s22+$0xAC00]  }
0x138: {  	v21 =	vld [tilespmem:s22+$0x2C10];
	v17 =	vmul.f32 v1, v1;
	v0 =	vadd.f32 v9, v0  }
0x139: {  	v9 =	vld [tilespmem:s22+$0xCC00]  }
0x13a: {  	v5 =	vld [tilespmem:s22+$0x10C00];
	v59 =	vadd.f32 v8, v12;
	v20 =	vmul.f32 v6, v6;
	v0 =	vadd.f32 v17, v0  }
0x13b: {  	v25 =	vld [tilespmem:s22+$0xEC10];
	v23 =	vadd.f32 v10, v16  }
0x13c: {  	v22 =	vmul.f32 v13, v13;
	v18 =	vadd.f32 v14, v59;
	v17 =	vld [tilespmem:s22+$0x8C10];
	v0 =	vadd.f32 v20, v0  }
0x13d: {  	v4 =	vadd.f32 v13, v4;
	v1 =	vadd.f32 v1, v3;
	v3 =	vld [tilespmem:s22+$0x16C00]  }
0x13e: {  	v2 =	vadd.f32 v6, v2;
	v6 =	vld [tilespmem:s22+$0x14C00];
	v24 =	vmul.f32 v9, v9;
	v0 =	vadd.f32 v22, v0  }
0x13f: {  	v18 =	vadd.f32 v11, v18;
	v4 =	vadd.f32 v5, v4;
	v20 =	vld [tilespmem:s22+$0x12C00]  }
0x140: {  	v13 =	vmul.f32 v15, v15;
	v22 =	vadd.f32 v60, v23;
	v23 =	vld [tilespmem:s22+$0x14C10];
	v0 =	vadd.f32 v24, v0  }
0x141: {  	v2 =	vadd.f32 v15, v2;
	v24 =	vadd.f32 v17, v21  }
0x142: {  	v5 =	vmul.f32 v5, v5;
	v4 =	vadd.f32 v3, v4;
	v0 =	vadd.f32 v13, v0  }
0x143: {  	v2 =	vadd.f32 v6, v2;
	v15 =	vadd.f32 v25, v24  }
0x144: {  	v13 =	vadd.f32 v7, v22;
	v22 =	vmul.f32 v20, v20;
	v0 =	vadd.f32 v5, v0  }
0x145: {  	v1 =	vadd.f32 v9, v1;
	v5 =	vadd.f32 v23, v15  }
0x146: {  	v6 =	vmul.f32 v6, v6;
	v2 =	vsub.f32 v4, v2;
	v0 =	vadd.f32 v22, v0  }
0x147: {  	v1 =	vadd.f32 v20, v1;
	v5 =	vsub.f32 v13, v5  }
0x148: {  	v3 =	vmul.f32 v3, v3;
	v0 =	vadd.f32 v6, v0  }
0x149: {  	v1 =	vmul.f32 v2, v1;
	v5 =	vmul.f32 v5, v18  }
0x14a: {  	v4 =	vmul.f32 v12, v12;
	v0 =	vadd.f32 v3, v0  }
0x14b: {  	v1 =	vadd.f32 v5, v1  }
0x14c: {  	s7 =	sadd.s32 $0x10, s7;
	v2 =	vmul.f32 v21, v21;
	v0 =	vadd.f32 v4, v0  }
0x14d: {  	s24 =	simm.s32 $0x0;
	[tilespmem:s7+$0x0] =	vst v1  }
0x14e: {  	v1 =	vld [tilespmem:s24+$0x13C10];
	v0 =	vadd.f32 v2, v0;
	v2 =	vmul.f32 v16, v16  }
0x14f: {  	v12 =	vld [tilespmem:s24+$0xFC00]  }
0x150: {  	v3 =	vmul.f32 v8, v8;
	v13 =	vld [tilespmem:s24+$0x11C00];
	v0 =	vadd.f32 v2, v0  }
0x151: {  	v5 =	vld [tilespmem:s24+$0x7C10]  }
0x152: {  	v4 =	vmul.f32 v17, v17;
	v15 =	vld [tilespmem:s24+$0x7C00];
	v3 =	vadd.f32 v3, v0  }
0x153: {  	v17 =	vld [tilespmem:s24+$0x9C00]  }
0x154: {  	v6 =	vmul.f32 v10, v10;
	v61 =	vld [tilespmem:s24+$0xBC00];
	v3 =	vadd.f32 v4, v3  }
0x155: {  	v62 =	vld [tilespmem:s24+$0x5C00]  }
0x156: {  	v8 =	vmul.f32 v14, v14;
	v20 =	vld [tilespmem:s24+$0x1C00];
	v6 =	vadd.f32 v6, v3  }
0x157: {  	v14 =	vld [tilespmem:s24+$0x3C10]  }
0x158: {  	v9 =	vmul.f32 v25, v25;
	v22 =	vld [tilespmem:s24+$0xDC00];
	v8 =	vadd.f32 v8, v6  }
0x159: {  	v16 =	vld [tilespmem:s24+$0x1C10]  }
0x15a: {  	v10 =	vmul.f32 v60, v60;
	v2 =	vld [tilespmem:s24+$0xDC10];
	v8 =	vadd.f32 v9, v8  }
0x15b: {  	v4 =	vld [tilespmem:s24+$0xBC10]  }
0x15c: {  	v11 =	vmul.f32 v11, v11;
	v3 =	vld [tilespmem:s24+$0x11C10];
	v8 =	vadd.f32 v10, v8  }
0x15d: {  	v9 =	vld [tilespmem:s24+$0x5C10]  }
0x15e: {  	v6 =	vld [tilespmem:s24+$0x9C10];
	v10 =	vmul.f32 v23, v23;
	v8 =	vadd.f32 v11, v8  }
0x15f: {  	v26 =	vadd.f32 v61, v62;
	v11 =	vld [tilespmem:s24+$0x3C00]  }
0x160: {  	v7 =	vmul.f32 v7, v7;
	v24 =	vld [tilespmem:s24+$0x15C00];
	v28 =	vadd.f32 v15, v20;
	v8 =	vadd.f32 v10, v8  }
0x161: {  	v21 =	vadd.f32 v5, v16;
	v26 =	vadd.f32 v13, v26;
	v10 =	vld [tilespmem:s24+$0xFC10]  }
0x162: {  	v0 =	vld [tilespmem:s24+$0x17C10];
	v7 =	vadd.f32 v7, v8;
	v8 =	vadd.f32 v4, v9  }
0x163: {  	v27 =	vld [tilespmem:s24+$0x17C00];
	v20 =	vmul.f32 v20, v20;
	v21 =	vadd.f32 v2, v21;
	v29 =	vadd.f32 v6, v14  }
0x164: {  	v23 =	vadd.f32 v17, v11;
	v25 =	vadd.f32 v3, v8;
	v8 =	vld [tilespmem:s24+$0x15C10]  }
0x165: {  	v30 =	vld [tilespmem:s24+$0x13C00];
	v21 =	vadd.f32 v1, v21;
	v7 =	vadd.f32 v20, v7  }
0x166: {  	v11 =	vmul.f32 v11, v11;
	v23 =	vadd.f32 v12, v23;
	v29 =	vadd.f32 v10, v29  }
0x167: {  	v20 =	vadd.f32 v0, v25;
	v25 =	vadd.f32 v22, v28  }
0x168: {  	v7 =	vadd.f32 v11, v7;
	v11 =	vmul.f32 v62, v62;
	v63 =	vadd.f32 v24, v23  }
0x169: {  	v23 =	vadd.f32 v27, v26;
	v28 =	vadd.f32 v8, v29  }
0x16a: {  	v15 =	vmul.f32 v15, v15;
	v7 =	vadd.f32 v11, v7;
	v11 =	vadd.f32 v30, v25  }
0x16b: {  	v19 =	vsub.f32 v23, v63;
	v20 =	vsub.f32 v20, v28  }
0x16c: {  	v17 =	vmul.f32 v17, v17;
	v7 =	vadd.f32 v15, v7  }
0x16d: {  	v11 =	vmul.f32 v19, v11;
	v15 =	vmul.f32 v20, v21  }
0x16e: {  	v18 =	vmul.f32 v61, v61;
	v7 =	vadd.f32 v17, v7  }
0x16f: {  	v11 =	vadd.f32 v15, v11  }
0x170: {  	s7 =	simm.s32 $0x19400;
	v7 =	vadd.f32 v18, v7;
	v15 =	vmul.f32 v22, v22  }
0x171: {  	s28 =	simm.s32 $0x20;
	[tilespmem:s7+$0x0] =	vst v11  }
0x172: {  	v12 =	vmul.f32 v12, v12;
	v7 =	vadd.f32 v15, v7;
	v11 =	vld [tilespmem:s28+$0x13C10]  }
0x173: {  	v15 =	vld [tilespmem:s28+$0xFC00]  }
0x174: {  	v17 =	vmul.f32 v13, v13;
	v13 =	vld [tilespmem:s28+$0xDC10];
	v7 =	vadd.f32 v12, v7  }
0x175: {  	v24 =	vmul.f32 v24, v24;
	v26 =	vmul.f32 v27, v27;
	v12 =	vld [tilespmem:s28+$0x1C10]  }
0x176: {  	s22 =	simm.s32 $0x100;
	v27 =	vmul.f32 v16, v16;
	v23 =	vmul.f32 v30, v30;
	v39 =	vadd.f32 v17, v7;
	v7 =	vld [tilespmem:s28+$0x17C10]  }
.LBB2_4:
0x177: {  	p0 =	sne.s32 s22, $0x3F80  }
0x178: {  	v16 =	vld [tilespmem:s28+$0x11C00];
	v17 =	vadd.f32 v23, v39;
	s7 =	sadd.s32 $0x10, s7;
	s24 =	smov.u32 s22;
	s22 =	sadd.s32 $0x80, s22  }
0x179: {  	v18 =	vld [tilespmem:s28+$0x7C10]  }
0x17a: {  	v19 =	vld [tilespmem:s28+$0x11C10];
	v17 =	vadd.f32 v24, v17  }
0x17b: {  	v20 =	vld [tilespmem:s28+$0xBC10]  }
0x17c: {  	v21 =	vld [tilespmem:s28+$0xDC00];
	v17 =	vadd.f32 v26, v17  }
0x17d: {  	v22 =	vld [tilespmem:s28+$0x7C00]  }
0x17e: {  	v14 =	vmul.f32 v14, v14;
	v23 =	vld [tilespmem:s28+$0x9C10];
	v17 =	vadd.f32 v27, v17  }
0x17f: {  	v24 =	vld [tilespmem:s28+$0x5C10]  }
0x180: {  	v9 =	vmul.f32 v9, v9;
	v25 =	vld [tilespmem:s28+$0x9C00];
	v14 =	vadd.f32 v14, v17  }
0x181: {  	v17 =	vld [tilespmem:s28+$0xBC00]  }
0x182: {  	v28 =	vld [tilespmem:s28+$0x5C00];
	v31 =	vadd.f32 v9, v14;
	v14 =	vmul.f32 v5, v5;
	v5 =	vmov v18  }
0x183: {  	v26 =	vmul.f32 v6, v6;
	v18 =	vld [tilespmem:s28+$0x3C00];
	v6 =	vmov v23  }
0x184: {  	v30 =	vmul.f32 v21, v21;
	v23 =	vadd.f32 v5, v12;
	v29 =	vld [tilespmem:s28+$0x1C00];
	v27 =	vadd.f32 v14, v31;
	v9 =	vmovc v24  }
0x185: {  	v32 =	vmul.f32 v4, v4;
	v33 =	vmul.f32 v1, v1;
	v4 =	vmovc v20;
	v31 =	vld [tilespmem:s28+$0x13C00];
	v24 =	vadd.f32 v20, v9  }
0x186: {  	v1 =	vmovc v11;
	v34 =	vmul.f32 v15, v15;
	v20 =	vadd.f32 v13, v23;
	v14 =	vld [tilespmem:s28+$0x3C10];
	v23 =	vadd.f32 v26, v27  }
0x187: {  	v35 =	vmul.f32 v22, v22;
	v26 =	vmul.f32 v2, v2;
	v2 =	vmov v13;
	v11 =	vld [tilespmem:s28+$0x15C00]  }
0x188: {  	v36 =	vmul.f32 v16, v16;
	v20 =	vadd.f32 v1, v20;
	v13 =	vld [tilespmem:s28+$0xFC10];
	v27 =	vadd.f32 v32, v23  }
0x189: {  	v10 =	vmul.f32 v10, v10;
	v38 =	vadd.f32 v19, v24;
	v37 =	vadd.f32 v25, v18;
	v32 =	vld [tilespmem:s28+$0x17C00]  }
0x18a: {  	v24 =	vadd.f32 v17, v28;
	v23 =	vmul.f32 v31, v31;
	v26 =	vadd.f32 v26, v27  }
0x18b: {  	v40 =	vmul.f32 v3, v3;
	v3 =	vmovc v19;
	v22 =	vadd.f32 v22, v29;
	v39 =	vld [tilespmem:s28+$0x15C10];
	v27 =	vadd.f32 v6, v14  }
0x18c: {  	v16 =	vadd.f32 v16, v24;
	v24 =	vmul.f32 v11, v11;
	v19 =	vadd.f32 v10, v26  }
0x18d: {  	v25 =	vmul.f32 v25, v25;
	v15 =	vadd.f32 v15, v37;
	v37 =	vadd.f32 v7, v38;
	v10 =	vmovc v13  }
0x18e: {  	v13 =	vadd.f32 v10, v27;
	v26 =	vmul.f32 v32, v32;
	v19 =	vadd.f32 v40, v19  }
0x18f: {  	v38 =	vmul.f32 v0, v0;
	v0 =	vmovc v7;
	v21 =	vadd.f32 v21, v22;
	v22 =	vmul.f32 v8, v8  }
0x190: {  	v27 =	vmul.f32 v12, v12;
	v7 =	vadd.f32 v39, v13;
	v12 =	vadd.f32 v33, v19;
	v8 =	vmovc v39  }
0x191: {  	v11 =	vadd.f32 v11, v15;
	v15 =	vmul.f32 v17, v17;
	v13 =	vadd.f32 v32, v16  }
0x192: {  	v7 =	vsub.f32 v37, v7;
	v12 =	vadd.f32 v22, v12  }
0x193: {  	v17 =	vmul.f32 v29, v29;
	v16 =	vadd.f32 v31, v21  }
0x194: {  	v11 =	vsub.f32 v13, v11;
	v7 =	vmul.f32 v7, v20;
	v12 =	vadd.f32 v38, v12  }
0x195: {  	v13 =	vmul.f32 v18, v18  }
0x196: {  	v11 =	vmul.f32 v11, v16;
	v12 =	vadd.f32 v17, v12;
	_ =	sdelay $0x1  }
0x197: {  	v7 =	vadd.f32 v7, v11;
	v11 =	vadd.f32 v13, v12;
	v12 =	vmul.f32 v28, v28;
	_ =	sdelay $0x1  }
0x198: {  	[tilespmem:s7+$0x0] =	vst v7;
	v7 =	vadd.f32 v12, v11;
	_ =	sdelay $0x1  }
0x199: {  	v7 =	vadd.f32 v35, v7;
	_ =	sdelay $0x1  }
0x19a: {  	v7 =	vadd.f32 v25, v7;
	_ =	sdelay $0x1  }
0x19b: {  	v7 =	vadd.f32 v15, v7;
	_ =	sdelay $0x1  }
0x19c: {  	s28 =	sshra.s32 s24, $0x2;
	v7 =	vadd.f32 v30, v7  }
.Ltmp1:
0x19d: {  	v11 =	vld [tilespmem:s28+$0x13C10];
	(pc) =	sbr.rel @p0 .LBB2_4-.Ltmp1, $4  }
0x19e: {  	v15 =	vld [tilespmem:s28+$0xFC00];
	v7 =	vadd.f32 v34, v7  }
0x19f: {  	v13 =	vld [tilespmem:s28+$0xDC10]  }
0x1a0: {  	v12 =	vld [tilespmem:s28+$0x1C10];
	v39 =	vadd.f32 v36, v7  }
0x1a1: {  	v7 =	vld [tilespmem:s28+$0x17C10]  }
0x1a2: {  	v28 =	vld [tilespmem:s28+$0x11C00]  }
0x1a3: {  	v20 =	vld [tilespmem:s28+$0x7C10]  }
0x1a4: {  	v16 =	vld [tilespmem:s28+$0x11C10]  }
0x1a5: {  	v18 =	vld [tilespmem:s28+$0xBC10]  }
0x1a6: {  	v34 =	vld [tilespmem:s28+$0x7C00]  }
0x1a7: {  	v21 =	vld [tilespmem:s28+$0x9C10]  }
0x1a8: {  	v22 =	vld [tilespmem:s28+$0x5C10]  }
0x1a9: {  	v33 =	vld [tilespmem:s28+$0x9C00]  }
0x1aa: {  	v31 =	vld [tilespmem:s28+$0xBC00]  }
0x1ab: {  	v36 =	vld [tilespmem:s28+$0x5C00]  }
0x1ac: {  	v37 =	vld [tilespmem:s28+$0x3C00]  }
0x1ad: {  	v25 =	vld [tilespmem:s28+$0x3C10]  }
0x1ae: {  	v38 =	vld [tilespmem:s28+$0x1C00]  }
0x1af: {  	v19 =	vld [tilespmem:s28+$0xFC10]  }
0x1b0: {  	v29 =	vld [tilespmem:s28+$0x15C00]  }
0x1b1: {  	v35 =	vld [tilespmem:s28+$0xDC00];
	v40 =	vadd.f32 v20, v12;
	v32 =	vadd.f32 v18, v22  }
0x1b2: {  	v17 =	vld [tilespmem:s28+$0x15C10];
	v41 =	vadd.f32 v33, v37;
	v42 =	vadd.f32 v21, v25  }
0x1b3: {  	v30 =	vld [tilespmem:s28+$0x17C00];
	v44 =	vadd.f32 v31, v36;
	v45 =	vadd.f32 v34, v38  }
0x1b4: {  	v52 =	vld [tilespmem:s28+$0x13C00];
	v43 =	vadd.f32 v16, v32;
	v42 =	vadd.f32 v19, v42  }
0x1b5: {  	v44 =	vadd.f32 v28, v44;
	v41 =	vadd.f32 v15, v41  }
0x1b6: {  	v40 =	vadd.f32 v13, v40;
	v45 =	vadd.f32 v35, v45  }
0x1b7: {  	v43 =	vadd.f32 v7, v43;
	v42 =	vadd.f32 v17, v42  }
0x1b8: {  	v41 =	vadd.f32 v29, v41;
	v44 =	vadd.f32 v30, v44  }
0x1b9: {  	v40 =	vadd.f32 v11, v40;
	v53 =	vadd.f32 v52, v45  }
0x1ba: {  	v42 =	vsub.f32 v43, v42;
	v41 =	vsub.f32 v44, v41;
	_ =	sdelay $0x1  }
0x1bb: {  	v40 =	vmul.f32 v42, v40;
	v41 =	vmul.f32 v41, v53;
	_ =	sdelay $0x1  }
0x1bc: {  	v40 =	vadd.f32 v40, v41  }
0x1bd: {  	s7 =	sadd.s32 $0x10, s7  }
0x1be: {  	s22 =	rddreg [dreg:$0xe];
	[tilespmem:s7+$0x0] =	vst v40;
	s7 =	simm.s32 $0x0  }
0x1bf: {  	[tilespmem:s7], [sflag:$0x2] =	stream.linear.gather [hbm4b:s22+s7], $0x100, $0x38;
	[tilespmem:$0x1AC10] =	vst v63  }
0x1c0: {  	_ =	swait.ge [sflag:s8], $0x100  }
0x1c1: {  	[sflag:s8] =	ssyncset.done $0x0  }
0x1c2: {  	s24 =	rddreg [dreg:$0xf];
	[sflag:s8] =	ssyncadd.s32 $0xFFFFFF00  }
0x1c3: {  	[tilespmem:s9], [sflag:$0x2] =	stream.linear.gather [hbm4b:s24+s7], $0x100, $0x38;
	[tilespmem:$0x1AC10] =	vst v63  }
0x1c4: {  	_ =	swait.ge [sflag:s8], $0x100  }
0x1c5: {  	[sflag:s8] =	ssyncset.done $0x0  }
0x1c6: {  	s24 =	rddreg [dreg:$0x10];
	[sflag:s8] =	ssyncadd.s32 $0xFFFFFF00  }
0x1c7: {  	[tilespmem:s10], [sflag:$0x2] =	stream.linear.gather [hbm4b:s24+s7], $0x100, $0x38;
	[tilespmem:$0x1AC10] =	vst v63  }
0x1c8: {  	_ =	swait.ge [sflag:s8], $0x100  }
0x1c9: {  	[sflag:s8] =	ssyncset.done $0x0  }
0x1ca: {  	s24 =	rddreg [dreg:$0x11];
	[sflag:s8] =	ssyncadd.s32 $0xFFFFFF00  }
0x1cb: {  	[tilespmem:s11], [sflag:$0x2] =	stream.linear.gather [hbm4b:s24+s7], $0x100, $0x38;
	[tilespmem:$0x1AC10] =	vst v63  }
0x1cc: {  	_ =	swait.ge [sflag:s8], $0x100  }
0x1cd: {  	[sflag:s8] =	ssyncset.done $0x0  }
0x1ce: {  	s24 =	rddreg [dreg:$0x12];
	[sflag:s8] =	ssyncadd.s32 $0xFFFFFF00  }
0x1cf: {  	[tilespmem:s12], [sflag:$0x2] =	stream.linear.gather [hbm4b:s24+s7], $0x100, $0x38;
	[tilespmem:$0x1AC10] =	vst v63  }
0x1d0: {  	_ =	swait.ge [sflag:s8], $0x100  }
0x1d1: {  	[sflag:s8] =	ssyncset.done $0x0  }
0x1d2: {  	s24 =	rddreg [dreg:$0x13];
	[sflag:s8] =	ssyncadd.s32 $0xFFFFFF00  }
0x1d3: {  	[tilespmem:s13], [sflag:$0x2] =	stream.linear.gather [hbm4b:s24+s7], $0x100, $0x38;
	[tilespmem:$0x1AC10] =	vst v63  }
0x1d4: {  	_ =	swait.ge [sflag:s8], $0x100  }
0x1d5: {  	[sflag:s8] =	ssyncset.done $0x0  }
0x1d6: {  	s24 =	rddreg [dreg:$0x14];
	[sflag:s8] =	ssyncadd.s32 $0xFFFFFF00  }
0x1d7: {  	[tilespmem:s14], [sflag:$0x2] =	stream.linear.gather [hbm4b:s24+s7], $0x100, $0x38;
	[tilespmem:$0x1AC10] =	vst v63  }
0x1d8: {  	_ =	swait.ge [sflag:s8], $0x100  }
0x1d9: {  	[sflag:s8] =	ssyncset.done $0x0  }
0x1da: {  	s24 =	rddreg [dreg:$0x15];
	[sflag:s8] =	ssyncadd.s32 $0xFFFFFF00  }
0x1db: {  	[tilespmem:s15], [sflag:$0x2] =	stream.linear.gather [hbm4b:s24+s7], $0x100, $0x38;
	[tilespmem:$0x1AC10] =	vst v63  }
0x1dc: {  	_ =	swait.ge [sflag:s8], $0x100  }
0x1dd: {  	[sflag:s8] =	ssyncset.done $0x0  }
0x1de: {  	s24 =	rddreg [dreg:$0x16];
	[sflag:s8] =	ssyncadd.s32 $0xFFFFFF00  }
0x1df: {  	[tilespmem:s16], [sflag:$0x2] =	stream.linear.gather [hbm4b:s24+s7], $0x100, $0x38;
	[tilespmem:$0x1AC10] =	vst v63  }
0x1e0: {  	_ =	swait.ge [sflag:s8], $0x100  }
0x1e1: {  	[sflag:s8] =	ssyncset.done $0x0  }
0x1e2: {  	s24 =	rddreg [dreg:$0x17];
	[sflag:s8] =	ssyncadd.s32 $0xFFFFFF00  }
0x1e3: {  	[tilespmem:s17], [sflag:$0x2] =	stream.linear.gather [hbm4b:s24+s7], $0x100, $0x38;
	[tilespmem:$0x1AC10] =	vst v63  }
0x1e4: {  	_ =	swait.ge [sflag:s8], $0x100  }
0x1e5: {  	[sflag:s8] =	ssyncset.done $0x0  }
0x1e6: {  	s24 =	rddreg [dreg:$0x18];
	[sflag:s8] =	ssyncadd.s32 $0xFFFFFF00  }
0x1e7: {  	[tilespmem:s18], [sflag:$0x2] =	stream.linear.gather [hbm4b:s24+s7], $0x100, $0x38;
	[tilespmem:$0x1AC10] =	vst v63  }
0x1e8: {  	_ =	swait.ge [sflag:s8], $0x100  }
0x1e9: {  	[sflag:s8] =	ssyncset.done $0x0  }
0x1ea: {  	s24 =	rddreg [dreg:$0x19];
	[sflag:s8] =	ssyncadd.s32 $0xFFFFFF00  }
0x1eb: {  	[tilespmem:s19], [sflag:$0x2] =	stream.linear.gather [hbm4b:s24+s7], $0x100, $0x38;
	[tilespmem:$0x1AC10] =	vst v63  }
0x1ec: {  	_ =	swait.ge [sflag:s8], $0x100  }
0x1ed: {  	[sflag:s8] =	ssyncset.done $0x0  }
0x1ee: {  	[sflag:s8] =	ssyncadd.s32 $0xFFFFFF00  }
0x1ef: {  	[tilespmem:s29], [sflag:$0x1] =	stream.indirect.gather [hbm4b:s3+s20], $0x20, s7, s20, $0xb8;
	[tilespmem:$0x1AC10] =	vst v63  }
0x1f0: {  	s24 =	simm.s32 $0x1C00  }
0x1f1: {  	[tilespmem:s24], [sflag:$0x1] =	stream.indirect.gather [hbm4b:s3+s20], $0x20, s20, s20, $0xb8;
	[tilespmem:$0x1AC10] =	vst v63  }
0x1f2: {  	s29 =	simm.s32 $0x2C00  }
0x1f3: {  	[tilespmem:s29], [sflag:$0x1] =	stream.indirect.gather [hbm4b:s3+s20], $0x20, s9, s20, $0xb8;
	[tilespmem:$0x1AC10] =	vst v63  }
0x1f4: {  	s22 =	simm.s32 $0x180;
	s24 =	simm.s32 $0x3C00  }
0x1f5: {  	[tilespmem:s24], [sflag:$0x1] =	stream.indirect.gather [hbm4b:s3+s20], $0x20, s22, s20, $0xb8;
	[tilespmem:$0x1AC10] =	vst v63  }
0x1f6: {  	s29 =	simm.s32 $0x4C00  }
0x1f7: {  	[tilespmem:s29], [sflag:$0x1] =	stream.indirect.gather [hbm4b:s3+s20], $0x20, s10, s20, $0xb8;
	[tilespmem:$0x1AC10] =	vst v63  }
0x1f8: {  	s22 =	simm.s32 $0x280;
	s24 =	simm.s32 $0x5C00  }
0x1f9: {  	[tilespmem:s24], [sflag:$0x1] =	stream.indirect.gather [hbm4b:s3+s20], $0x20, s22, s20, $0xb8;
	[tilespmem:$0x1AC10] =	vst v63  }
0x1fa: {  	s29 =	simm.s32 $0x6C00  }
0x1fb: {  	[tilespmem:s29], [sflag:$0x1] =	stream.indirect.gather [hbm4b:s4+s20], $0x20, s11, s20, $0xb8;
	[tilespmem:$0x1AC10] =	vst v63  }
0x1fc: {  	s22 =	simm.s32 $0x380;
	s24 =	simm.s32 $0x7C00  }
0x1fd: {  	[tilespmem:s24], [sflag:$0x1] =	stream.indirect.gather [hbm4b:s4+s20], $0x20, s22, s20, $0xb8;
	[tilespmem:$0x1AC10] =	vst v63  }
0x1fe: {  	s29 =	simm.s32 $0x8C00  }
0x1ff: {  	[tilespmem:s29], [sflag:$0x1] =	stream.indirect.gather [hbm4b:s4+s20], $0x20, s12, s20, $0xb8;
	[tilespmem:$0x1AC10] =	vst v63  }
0x200: {  	s22 =	simm.s32 $0x480;
	s24 =	simm.s32 $0x9C00  }
0x201: {  	[tilespmem:s24], [sflag:$0x1] =	stream.indirect.gather [hbm4b:s4+s20], $0x20, s22, s20, $0xb8;
	[tilespmem:$0x1AC10] =	vst v63  }
0x202: {  	s29 =	simm.s32 $0xAC00  }
0x203: {  	[tilespmem:s29], [sflag:$0x1] =	stream.indirect.gather [hbm4b:s4+s20], $0x20, s13, s20, $0xb8;
	[tilespmem:$0x1AC10] =	vst v63  }
0x204: {  	s22 =	simm.s32 $0x580;
	s24 =	simm.s32 $0xBC00  }
0x205: {  	[tilespmem:s24], [sflag:$0x1] =	stream.indirect.gather [hbm4b:s4+s20], $0x20, s22, s20, $0xb8;
	[tilespmem:$0x1AC10] =	vst v63  }
0x206: {  	s29 =	simm.s32 $0xCC00  }
0x207: {  	[tilespmem:s29], [sflag:$0x1] =	stream.indirect.gather [hbm4b:s5+s20], $0x20, s14, s20, $0xb8;
	[tilespmem:$0x1AC10] =	vst v63  }
0x208: {  	s22 =	simm.s32 $0x680;
	s24 =	simm.s32 $0xDC00  }
0x209: {  	[tilespmem:s24], [sflag:$0x1] =	stream.indirect.gather [hbm4b:s5+s20], $0x20, s22, s20, $0xb8;
	[tilespmem:$0x1AC10] =	vst v63  }
0x20a: {  	s29 =	simm.s32 $0xEC00  }
0x20b: {  	[tilespmem:s29], [sflag:$0x1] =	stream.indirect.gather [hbm4b:s5+s20], $0x20, s15, s20, $0xb8;
	[tilespmem:$0x1AC10] =	vst v63  }
0x20c: {  	s22 =	simm.s32 $0x780;
	s24 =	simm.s32 $0xFC00  }
0x20d: {  	[tilespmem:s24], [sflag:$0x1] =	stream.indirect.gather [hbm4b:s5+s20], $0x20, s22, s20, $0xb8;
	[tilespmem:$0x1AC10] =	vst v63  }
0x20e: {  	s29 =	simm.s32 $0x10C00  }
0x20f: {  	[tilespmem:s29], [sflag:$0x1] =	stream.indirect.gather [hbm4b:s5+s20], $0x20, s16, s20, $0xb8;
	[tilespmem:$0x1AC10] =	vst v63  }
0x210: {  	s22 =	simm.s32 $0x880;
	s24 =	simm.s32 $0x11C00  }
0x211: {  	[tilespmem:s24], [sflag:$0x1] =	stream.indirect.gather [hbm4b:s5+s20], $0x20, s22, s20, $0xb8;
	[tilespmem:$0x1AC10] =	vst v63  }
0x212: {  	s29 =	simm.s32 $0x12C00  }
0x213: {  	[tilespmem:s29], [sflag:$0x1] =	stream.indirect.gather [hbm4b:s6+s20], $0x20, s17, s20, $0xb8;
	[tilespmem:$0x1AC10] =	vst v63  }
0x214: {  	s22 =	simm.s32 $0x980;
	s24 =	simm.s32 $0x13C00  }
0x215: {  	[tilespmem:s24], [sflag:$0x1] =	stream.indirect.gather [hbm4b:s6+s20], $0x20, s22, s20, $0xb8;
	[tilespmem:$0x1AC10] =	vst v63  }
0x216: {  	s29 =	simm.s32 $0x14C00  }
0x217: {  	[tilespmem:s29], [sflag:$0x1] =	stream.indirect.gather [hbm4b:s6+s20], $0x20, s18, s20, $0xb8;
	[tilespmem:$0x1AC10] =	vst v63  }
0x218: {  	_ = 	snop  }
0x219: {  	[tilespmem:s30], [sflag:$0x1] =	stream.indirect.gather [hbm4b:s6+s20], $0x20, s21, s20, $0xb8;
	[tilespmem:$0x1AC10] =	vst v63  }
0x21a: {  	_ = 	snop  }
0x21b: {  	[tilespmem:s25], [sflag:$0x1] =	stream.indirect.gather [hbm4b:s6+s20], $0x20, s19, s20, $0xb8;
	[tilespmem:$0x1AC10] =	vst v63  }
0x21c: {  	_ = 	snop  }
0x21d: {  	[tilespmem:s23], [sflag:$0x1] =	stream.indirect.gather [hbm4b:s6+s20], $0x20, s31, s20, $0xb8;
	[tilespmem:$0x1AC10] =	vst v63  }
0x21e: {  	_ =	swait.ge [sflag:s0], $0x1000  }
0x21f: {  	[sflag:s0] =	ssyncset.done $0x0  }
0x220: {  	[sflag:s0] =	ssyncadd.s32 $0xFFFFF000  }
0x221: {  	_ =	swait.ge [sflag:s0], $0x1000  }
0x222: {  	[sflag:s0] =	ssyncset.done $0x0  }
0x223: {  	[sflag:s0] =	ssyncadd.s32 $0xFFFFF000  }
0x224: {  	_ =	swait.ge [sflag:s0], $0x1000  }
0x225: {  	[sflag:s0] =	ssyncset.done $0x0  }
0x226: {  	[sflag:s0] =	ssyncadd.s32 $0xFFFFF000  }
0x227: {  	_ =	swait.ge [sflag:s0], $0x1000  }
0x228: {  	[sflag:s0] =	ssyncset.done $0x0  }
0x229: {  	[sflag:s0] =	ssyncadd.s32 $0xFFFFF000  }
0x22a: {  	_ =	swait.ge [sflag:s0], $0x1000  }
0x22b: {  	[sflag:s0] =	ssyncset.done $0x0  }
0x22c: {  	v23 =	vadd.f32 v23, v39;
	[sflag:s0] =	ssyncadd.s32 $0xFFFFF000  }
0x22d: {  	_ =	swait.ge [sflag:s0], $0x1000  }
0x22e: {  	v23 =	vadd.f32 v24, v23;
	[sflag:s0] =	ssyncset.done $0x0  }
0x22f: {  	[sflag:s0] =	ssyncadd.s32 $0xFFFFF000  }
0x230: {  	v23 =	vadd.f32 v26, v23;
	_ =	swait.ge [sflag:s0], $0x1000  }
0x231: {  	[sflag:s0] =	ssyncset.done $0x0  }
0x232: {  	v14 =	vmul.f32 v14, v14;
	v23 =	vadd.f32 v27, v23;
	[sflag:s0] =	ssyncadd.s32 $0xFFFFF000  }
0x233: {  	_ =	swait.ge [sflag:s0], $0x1000  }
0x234: {  	v9 =	vmul.f32 v9, v9;
	v14 =	vadd.f32 v14, v23;
	[sflag:s0] =	ssyncset.done $0x0  }
0x235: {  	[sflag:s0] =	ssyncadd.s32 $0xFFFFF000  }
0x236: {  	v5 =	vmul.f32 v5, v5;
	v9 =	vadd.f32 v9, v14;
	_ =	swait.ge [sflag:s0], $0x1000  }
0x237: {  	[sflag:s0] =	ssyncset.done $0x0  }
0x238: {  	v6 =	vmul.f32 v6, v6;
	v5 =	vadd.f32 v5, v9;
	[sflag:s0] =	ssyncadd.s32 $0xFFFFF000  }
0x239: {  	_ =	swait.ge [sflag:s0], $0x1000  }
0x23a: {  	v4 =	vmul.f32 v4, v4;
	v5 =	vadd.f32 v6, v5;
	[sflag:s0] =	ssyncset.done $0x0  }
0x23b: {  	[sflag:s0] =	ssyncadd.s32 $0xFFFFF000  }
0x23c: {  	v2 =	vmul.f32 v2, v2;
	v4 =	vadd.f32 v4, v5;
	_ =	swait.ge [sflag:s0], $0x1000  }
0x23d: {  	[sflag:s0] =	ssyncset.done $0x0  }
0x23e: {  	v5 =	vmul.f32 v10, v10;
	v2 =	vadd.f32 v2, v4;
	[sflag:s0] =	ssyncadd.s32 $0xFFFFF000  }
0x23f: {  	_ =	swait.ge [sflag:s0], $0x1000  }
0x240: {  	v3 =	vmul.f32 v3, v3;
	v2 =	vadd.f32 v5, v2;
	[sflag:s0] =	ssyncset.done $0x0  }
0x241: {  	[sflag:s0] =	ssyncadd.s32 $0xFFFFF000  }
0x242: {  	v1 =	vmul.f32 v1, v1;
	v2 =	vadd.f32 v3, v2;
	_ =	swait.ge [sflag:s0], $0x1000  }
0x243: {  	[sflag:s0] =	ssyncset.done $0x0  }
0x244: {  	v3 =	vmul.f32 v8, v8;
	v1 =	vadd.f32 v1, v2;
	[sflag:s0] =	ssyncadd.s32 $0xFFFFF000  }
0x245: {  	_ =	swait.ge [sflag:s0], $0x1000  }
0x246: {  	v0 =	vmul.f32 v0, v0;
	v1 =	vadd.f32 v3, v1;
	[sflag:s0] =	ssyncset.done $0x0  }
0x247: {  	[sflag:s0] =	ssyncadd.s32 $0xFFFFF000  }
0x248: {  	v2 =	vmul.f32 v38, v38;
	v0 =	vadd.f32 v0, v1;
	_ =	swait.ge [sflag:s0], $0x1000  }
0x249: {  	[sflag:s0] =	ssyncset.done $0x0  }
0x24a: {  	v1 =	vmul.f32 v37, v37;
	v0 =	vadd.f32 v2, v0;
	[sflag:s0] =	ssyncadd.s32 $0xFFFFF000  }
0x24b: {  	_ =	swait.ge [sflag:s0], $0x1000  }
0x24c: {  	v0 =	vadd.f32 v1, v0;
	v1 =	vmul.f32 v36, v36;
	[sflag:s0] =	ssyncset.done $0x0  }
0x24d: {  	[sflag:s0] =	ssyncadd.s32 $0xFFFFF000  }
0x24e: {  	v2 =	vmul.f32 v34, v34;
	v0 =	vadd.f32 v1, v0;
	_ =	swait.ge [sflag:s0], $0x1000  }
0x24f: {  	[sflag:s0] =	ssyncset.done $0x0  }
0x250: {  	v1 =	vmul.f32 v33, v33;
	v0 =	vadd.f32 v2, v0;
	[sflag:s0] =	ssyncadd.s32 $0xFFFFF000  }
0x251: {  	_ =	swait.ge [sflag:s0], $0x1000  }
0x252: {  	v2 =	vmul.f32 v31, v31;
	v0 =	vadd.f32 v1, v0;
	[sflag:s0] =	ssyncset.done $0x0  }
0x253: {  	[sflag:s0] =	ssyncadd.s32 $0xFFFFF000  }
0x254: {  	v1 =	vmul.f32 v35, v35;
	v0 =	vadd.f32 v2, v0;
	_ =	swait.ge [sflag:s0], $0x1000  }
0x255: {  	[sflag:s0] =	ssyncset.done $0x0  }
0x256: {  	v2 =	vmul.f32 v15, v15;
	v0 =	vadd.f32 v1, v0;
	[sflag:s0] =	ssyncadd.s32 $0xFFFFF000  }
0x257: {  	_ =	swait.ge [sflag:s0], $0x1000  }
0x258: {  	v1 =	vmul.f32 v28, v28;
	v0 =	vadd.f32 v2, v0;
	[sflag:s0] =	ssyncset.done $0x0  }
0x259: {  	[sflag:s0] =	ssyncadd.s32 $0xFFFFF000  }
0x25a: {  	v2 =	vmul.f32 v52, v52;
	v0 =	vadd.f32 v1, v0;
	_ =	swait.ge [sflag:s0], $0x1000  }
0x25b: {  	[sflag:s0] =	ssyncset.done $0x0  }
0x25c: {  	v1 =	vmul.f32 v29, v29;
	v0 =	vadd.f32 v2, v0;
	[sflag:s0] =	ssyncadd.s32 $0xFFFFF000  }
0x25d: {  	_ =	swait.ge [sflag:s0], $0x1000  }
0x25e: {  	v2 =	vmul.f32 v30, v30;
	v0 =	vadd.f32 v1, v0;
	[sflag:s0] =	ssyncset.done $0x0  }
0x25f: {  	[sflag:s0] =	ssyncadd.s32 $0xFFFFF000  }
0x260: {  	v1 =	vmul.f32 v12, v12;
	v0 =	vadd.f32 v2, v0;
	_ =	swait.ge [sflag:s0], $0x1000  }
0x261: {  	[sflag:s0] =	ssyncset.done $0x0  }
0x262: {  	v0 =	vadd.f32 v1, v0;
	v1 =	vmul.f32 v25, v25;
	[sflag:s0] =	ssyncadd.s32 $0xFFFFF000  }
0x263: {  	_ =	swait.ge [sflag:s0], $0x1000  }
0x264: {  	v2 =	vmul.f32 v22, v22;
	v0 =	vadd.f32 v1, v0;
	[sflag:s0] =	ssyncset.done $0x0  }
0x265: {  	s22 =	simm.s32 $0x0;
	[sflag:s0] =	ssyncadd.s32 $0xFFFFF000  }
0x266: {  	v3 =	vmul.f32 v20, v20;
	v0 =	vadd.f32 v2, v0;
	v1 =	vld [tilespmem:s22+$0x12C10]  }
0x267: {  	v12 =	vld [tilespmem:s22+$0xEC00]  }
0x268: {  	v4 =	vmul.f32 v21, v21;
	v3 =	vadd.f32 v3, v0;
	v2 =	vld [tilespmem:s22+$0xCC10]  }
0x269: {  	v20 =	vld [tilespmem:s22+$0xC10]  }
0x26a: {  	v5 =	vmul.f32 v18, v18;
	v3 =	vadd.f32 v4, v3;
	v0 =	vld [tilespmem:s22+$0x16C10]  }
0x26b: {  	v14 =	vld [tilespmem:s22+$0x10C00]  }
0x26c: {  	v6 =	vmul.f32 v13, v13;
	v8 =	vadd.f32 v5, v3;
	v4 =	vld [tilespmem:s22+$0x6C10]  }
0x26d: {  	v5 =	vld [tilespmem:s22+$0xAC10]  }
0x26e: {  	v9 =	vmul.f32 v19, v19;
	v8 =	vadd.f32 v6, v8;
	v15 =	vld [tilespmem:s22+$0x6C00]  }
0x26f: {  	v6 =	vld [tilespmem:s22+$0x8C10]  }
0x270: {  	v10 =	vmul.f32 v16, v16;
	v8 =	vadd.f32 v9, v8;
	v9 =	vld [tilespmem:s22+$0x4C10]  }
0x271: {  	v16 =	vld [tilespmem:s22+$0x8C00]  }
0x272: {  	v11 =	vmul.f32 v11, v11;
	v8 =	vadd.f32 v10, v8;
	v18 =	vld [tilespmem:s22+$0xAC00]  }
0x273: {  	v19 =	vld [tilespmem:s22+$0x4C00]  }
0x274: {  	v10 =	vmul.f32 v17, v17;
	v8 =	vadd.f32 v11, v8;
	v11 =	vld [tilespmem:s22+$0x2C00]  }
0x275: {  	v17 =	vld [tilespmem:s22+$0xC00]  }
0x276: {  	v7 =	vmul.f32 v7, v7;
	v8 =	vadd.f32 v10, v8;
	v13 =	vld [tilespmem:s22+$0x2C10]  }
0x277: {  	v3 =	vld [tilespmem:s22+$0x10C10]  }
0x278: {  	v7 =	vadd.f32 v7, v8;
	v10 =	vld [tilespmem:s22+$0xEC10];
	v21 =	vadd.f32 v4, v20  }
0x279: {  	v22 =	vld [tilespmem:s22+$0xCC00];
	v8 =	vadd.f32 v5, v9;
	v54 =	vadd.f32 v16, v11  }
0x27a: {  	v23 =	vld [tilespmem:s22+$0x14C00];
	v56 =	vadd.f32 v18, v19;
	v58 =	vadd.f32 v15, v17  }
0x27b: {  	v57 =	vld [tilespmem:s22+$0x16C00];
	v59 =	vadd.f32 v6, v13;
	v21 =	vadd.f32 v2, v21  }
0x27c: {  	v17 =	vmul.f32 v17, v17;
	v55 =	vadd.f32 v3, v8;
	v8 =	vld [tilespmem:s22+$0x14C10];
	v26 =	vadd.f32 v14, v56  }
0x27d: {  	v60 =	vld [tilespmem:s22+$0x12C00];
	v24 =	vadd.f32 v12, v54;
	v29 =	vadd.f32 v10, v59  }
0x27e: {  	v11 =	vmul.f32 v11, v11;
	v7 =	vadd.f32 v17, v7;
	v61 =	vadd.f32 v22, v58  }
0x27f: {  	v21 =	vadd.f32 v1, v21;
	v17 =	vadd.f32 v0, v55  }
0x280: {  	v7 =	vadd.f32 v11, v7;
	v11 =	vmul.f32 v19, v19;
	v19 =	vadd.f32 v23, v24  }
0x281: {  	v63 =	vadd.f32 v57, v26;
	v62 =	vadd.f32 v8, v29  }
0x282: {  	v15 =	vmul.f32 v15, v15;
	v7 =	vadd.f32 v11, v7;
	v11 =	vadd.f32 v60, v61  }
0x283: {  	v19 =	vsub.f32 v63, v19;
	v17 =	vsub.f32 v17, v62  }
0x284: {  	v16 =	vmul.f32 v16, v16;
	v7 =	vadd.f32 v15, v7  }
0x285: {  	v11 =	vmul.f32 v19, v11;
	v15 =	vmul.f32 v17, v21  }
0x286: {  	v7 =	vadd.f32 v16, v7;
	v17 =	vmul.f32 v18, v18  }
0x287: {  	v11 =	vadd.f32 v15, v11  }
0x288: {  	s7 =	simm.s32 $0x19C00;
	v15 =	vmul.f32 v22, v22;
	v7 =	vadd.f32 v17, v7  }
0x289: {  	s28 =	simm.s32 $0x20;
	[tilespmem:s7+$0x0] =	vst v11  }
0x28a: {  	v12 =	vmul.f32 v12, v12;
	v7 =	vadd.f32 v15, v7;
	v11 =	vld [tilespmem:s28+$0x12C10]  }
0x28b: {  	v15 =	vld [tilespmem:s28+$0xEC00]  }
0x28c: {  	v21 =	vmul.f32 v14, v14;
	v14 =	vld [tilespmem:s28+$0xCC10];
	v7 =	vadd.f32 v12, v7  }
0x28d: {  	v19 =	vmul.f32 v20, v20;
	v16 =	vmul.f32 v60, v60;
	v12 =	vld [tilespmem:s28+$0xC10]  }
0x28e: {  	s24 =	simm.s32 $0x100;
	v18 =	vmul.f32 v57, v57;
	v17 =	vmul.f32 v23, v23;
	v20 =	vadd.f32 v21, v7;
	v7 =	vld [tilespmem:s28+$0x16C10]  }
.LBB2_6:
0x28f: {  	p0 =	sne.s32 s24, $0x3F80  }
0x290: {  	v21 =	vld [tilespmem:s28+$0x10C00];
	v16 =	vadd.f32 v16, v20;
	s7 =	sadd.s32 $0x10, s7;
	s29 =	smov.u32 s24;
	s24 =	sadd.s32 $0x80, s24  }
0x291: {  	v20 =	vld [tilespmem:s28+$0x6C10]  }
0x292: {  	v22 =	vld [tilespmem:s28+$0x10C10];
	v16 =	vadd.f32 v17, v16  }
0x293: {  	v17 =	vld [tilespmem:s28+$0xAC10]  }
0x294: {  	v23 =	vld [tilespmem:s28+$0xCC00];
	v16 =	vadd.f32 v18, v16  }
0x295: {  	v18 =	vld [tilespmem:s28+$0x6C00]  }
0x296: {  	v13 =	vmul.f32 v13, v13;
	v24 =	vld [tilespmem:s28+$0x8C10];
	v16 =	vadd.f32 v19, v16  }
0x297: {  	v19 =	vld [tilespmem:s28+$0x4C10]  }
0x298: {  	v9 =	vmul.f32 v9, v9;
	v25 =	vld [tilespmem:s28+$0x8C00];
	v13 =	vadd.f32 v13, v16  }
0x299: {  	v26 =	vld [tilespmem:s28+$0xAC00]  }
0x29a: {  	v27 =	vld [tilespmem:s28+$0x4C00];
	v31 =	vadd.f32 v9, v13;
	v13 =	vmul.f32 v4, v4;
	v4 =	vmov v20  }
0x29b: {  	v16 =	vmul.f32 v6, v6;
	v20 =	vld [tilespmem:s28+$0x2C00];
	v6 =	vmov v24  }
0x29c: {  	v29 =	vmul.f32 v23, v23;
	v28 =	vadd.f32 v4, v12;
	v24 =	vld [tilespmem:s28+$0xC00];
	v30 =	vadd.f32 v13, v31;
	v9 =	vmovc v19  }
0x29d: {  	v32 =	vmul.f32 v5, v5;
	v33 =	vmul.f32 v1, v1;
	v5 =	vmovc v17;
	v31 =	vld [tilespmem:s28+$0x12C00];
	v19 =	vadd.f32 v17, v9  }
0x29e: {  	v1 =	vmovc v11;
	v17 =	vadd.f32 v14, v28;
	v28 =	vmul.f32 v15, v15;
	v13 =	vld [tilespmem:s28+$0x2C10];
	v16 =	vadd.f32 v16, v30  }
0x29f: {  	v34 =	vmul.f32 v2, v2;
	v2 =	vmov v14;
	v30 =	vmul.f32 v18, v18;
	v11 =	vld [tilespmem:s28+$0x14C00]  }
0x2a0: {  	v36 =	vmul.f32 v21, v21;
	v35 =	vadd.f32 v1, v17;
	v14 =	vld [tilespmem:s28+$0xEC10];
	v17 =	vadd.f32 v32, v16  }
0x2a1: {  	v10 =	vmul.f32 v10, v10;
	v19 =	vadd.f32 v22, v19;
	v37 =	vadd.f32 v25, v20;
	v32 =	vld [tilespmem:s28+$0x16C00]  }
0x2a2: {  	v38 =	vadd.f32 v26, v27;
	v16 =	vmul.f32 v31, v31;
	v34 =	vadd.f32 v34, v17  }
0x2a3: {  	v41 =	vmul.f32 v3, v3;
	v3 =	vmovc v22;
	v40 =	vadd.f32 v18, v24;
	v39 =	vld [tilespmem:s28+$0x14C10];
	v18 =	vadd.f32 v6, v13  }
0x2a4: {  	v21 =	vadd.f32 v21, v38;
	v17 =	vmul.f32 v11, v11;
	v22 =	vadd.f32 v10, v34  }
0x2a5: {  	v25 =	vmul.f32 v25, v25;
	v15 =	vadd.f32 v15, v37;
	v34 =	vadd.f32 v7, v19;
	v10 =	vmovc v14  }
0x2a6: {  	v14 =	vadd.f32 v10, v18;
	v18 =	vmul.f32 v32, v32;
	v22 =	vadd.f32 v41, v22  }
0x2a7: {  	v38 =	vmul.f32 v0, v0;
	v0 =	vmovc v7;
	v37 =	vmul.f32 v8, v8;
	v23 =	vadd.f32 v23, v40  }
0x2a8: {  	v19 =	vmul.f32 v12, v12;
	v7 =	vadd.f32 v39, v14;
	v12 =	vadd.f32 v33, v22;
	v8 =	vmovc v39  }
0x2a9: {  	v11 =	vadd.f32 v11, v15;
	v15 =	vmul.f32 v26, v26;
	v14 =	vadd.f32 v32, v21  }
0x2aa: {  	v7 =	vsub.f32 v34, v7;
	v12 =	vadd.f32 v37, v12  }
0x2ab: {  	v21 =	vadd.f32 v31, v23;
	v22 =	vmul.f32 v24, v24  }
0x2ac: {  	v11 =	vsub.f32 v14, v11;
	v7 =	vmul.f32 v7, v35;
	v12 =	vadd.f32 v38, v12  }
0x2ad: {  	v14 =	vmul.f32 v20, v20  }
0x2ae: {  	v11 =	vmul.f32 v11, v21;
	v12 =	vadd.f32 v22, v12;
	_ =	sdelay $0x1  }
0x2af: {  	v7 =	vadd.f32 v7, v11;
	v11 =	vadd.f32 v14, v12;
	v12 =	vmul.f32 v27, v27;
	_ =	sdelay $0x1  }
0x2b0: {  	[tilespmem:s7+$0x0] =	vst v7;
	v7 =	vadd.f32 v12, v11;
	_ =	sdelay $0x1  }
0x2b1: {  	v7 =	vadd.f32 v30, v7;
	_ =	sdelay $0x1  }
0x2b2: {  	v7 =	vadd.f32 v25, v7;
	_ =	sdelay $0x1  }
0x2b3: {  	v7 =	vadd.f32 v15, v7;
	_ =	sdelay $0x1  }
0x2b4: {  	s28 =	sshra.s32 s29, $0x2;
	v7 =	vadd.f32 v29, v7  }
.Ltmp2:
0x2b5: {  	v11 =	vld [tilespmem:s28+$0x12C10];
	(pc) =	sbr.rel @p0 .LBB2_6-.Ltmp2, $4  }
0x2b6: {  	v15 =	vld [tilespmem:s28+$0xEC00];
	v7 =	vadd.f32 v28, v7  }
0x2b7: {  	v14 =	vld [tilespmem:s28+$0xCC10]  }
0x2b8: {  	v12 =	vld [tilespmem:s28+$0xC10];
	v20 =	vadd.f32 v36, v7  }
0x2b9: {  	v7 =	vld [tilespmem:s28+$0x16C10]  }
0x2ba: {  	v16 =	vadd.f32 v16, v20;
	_ =	sdelay $0x1  }
0x2bb: {  	v16 =	vadd.f32 v17, v16;
	_ =	sdelay $0x1  }
0x2bc: {  	v16 =	vadd.f32 v18, v16;
	_ =	sdelay $0x1  }
0x2bd: {  	v13 =	vmul.f32 v13, v13;
	v16 =	vadd.f32 v19, v16;
	_ =	sdelay $0x1  }
0x2be: {  	v9 =	vmul.f32 v9, v9;
	v13 =	vadd.f32 v13, v16;
	_ =	sdelay $0x1  }
0x2bf: {  	v4 =	vmul.f32 v4, v4;
	v9 =	vadd.f32 v9, v13;
	_ =	sdelay $0x1  }
0x2c0: {  	v6 =	vmul.f32 v6, v6;
	v4 =	vadd.f32 v4, v9;
	_ =	sdelay $0x1  }
0x2c1: {  	v5 =	vmul.f32 v5, v5;
	v4 =	vadd.f32 v6, v4;
	_ =	sdelay $0x1  }
0x2c2: {  	v2 =	vmul.f32 v2, v2;
	v4 =	vadd.f32 v5, v4;
	_ =	sdelay $0x1  }
0x2c3: {  	v5 =	vmul.f32 v10, v10;
	v2 =	vadd.f32 v2, v4;
	_ =	sdelay $0x1  }
0x2c4: {  	v3 =	vmul.f32 v3, v3;
	v2 =	vadd.f32 v5, v2;
	_ =	sdelay $0x1  }
0x2c5: {  	v1 =	vmul.f32 v1, v1;
	v2 =	vadd.f32 v3, v2  }
0x2c6: {  	v3 =	vld [tilespmem:s28+$0xC00]  }
0x2c7: {  	v4 =	vmul.f32 v8, v8;
	v1 =	vadd.f32 v1, v2  }
0x2c8: {  	v2 =	vld [tilespmem:s28+$0x2C00]  }
0x2c9: {  	v0 =	vmul.f32 v0, v0;
	v21 =	vld [tilespmem:s28+$0x2C10];
	v1 =	vadd.f32 v4, v1  }
0x2ca: {  	v4 =	vld [tilespmem:s28+$0x4C00]  }
0x2cb: {  	v16 =	vld [tilespmem:s28+$0x4C10];
	v6 =	vmul.f32 v3, v3;
	v0 =	vadd.f32 v0, v1  }
0x2cc: {  	v1 =	vld [tilespmem:s28+$0x6C00]  }
0x2cd: {  	v8 =	vld [tilespmem:s28+$0x6C10];
	v9 =	vmul.f32 v2, v2;
	v0 =	vadd.f32 v6, v0  }
0x2ce: {  	v6 =	vld [tilespmem:s28+$0x8C00]  }
0x2cf: {  	v10 =	vld [tilespmem:s28+$0xAC10];
	v0 =	vadd.f32 v9, v0;
	v9 =	vmul.f32 v4, v4  }
0x2d0: {  	v13 =	vld [tilespmem:s28+$0xAC00]  }
0x2d1: {  	v25 =	vld [tilespmem:s28+$0xEC10];
	v17 =	vmul.f32 v1, v1;
	v0 =	vadd.f32 v9, v0  }
0x2d2: {  	v9 =	vld [tilespmem:s28+$0xCC00]  }
0x2d3: {  	v5 =	vld [tilespmem:s28+$0x10C00];
	v18 =	vadd.f32 v8, v12;
	v20 =	vmul.f32 v6, v6;
	v0 =	vadd.f32 v17, v0  }
0x2d4: {  	v19 =	vld [tilespmem:s28+$0x10C10];
	v23 =	vadd.f32 v10, v16  }
0x2d5: {  	v22 =	vmul.f32 v13, v13;
	v18 =	vadd.f32 v14, v18;
	v17 =	vld [tilespmem:s28+$0x8C10];
	v0 =	vadd.f32 v20, v0  }
0x2d6: {  	v4 =	vadd.f32 v13, v4;
	v1 =	vadd.f32 v1, v3;
	v3 =	vld [tilespmem:s28+$0x16C00]  }
0x2d7: {  	v2 =	vadd.f32 v6, v2;
	v6 =	vld [tilespmem:s28+$0x14C00];
	v24 =	vmul.f32 v9, v9;
	v0 =	vadd.f32 v22, v0  }
0x2d8: {  	v18 =	vadd.f32 v11, v18;
	v4 =	vadd.f32 v5, v4;
	v20 =	vld [tilespmem:s28+$0x12C00]  }
0x2d9: {  	v13 =	vmul.f32 v15, v15;
	v22 =	vadd.f32 v19, v23;
	v23 =	vld [tilespmem:s28+$0x14C10];
	v0 =	vadd.f32 v24, v0  }
0x2da: {  	v2 =	vadd.f32 v15, v2;
	v58 =	vadd.f32 v17, v21  }
0x2db: {  	v5 =	vmul.f32 v5, v5;
	v4 =	vadd.f32 v3, v4;
	v0 =	vadd.f32 v13, v0  }
0x2dc: {  	v2 =	vadd.f32 v6, v2;
	v15 =	vadd.f32 v25, v58  }
0x2dd: {  	v13 =	vadd.f32 v7, v22;
	v22 =	vmul.f32 v20, v20;
	v0 =	vadd.f32 v5, v0  }
0x2de: {  	v1 =	vadd.f32 v9, v1;
	v5 =	vadd.f32 v23, v15  }
0x2df: {  	v6 =	vmul.f32 v6, v6;
	v2 =	vsub.f32 v4, v2;
	v0 =	vadd.f32 v22, v0  }
0x2e0: {  	v1 =	vadd.f32 v20, v1;
	v5 =	vsub.f32 v13, v5  }
0x2e1: {  	v3 =	vmul.f32 v3, v3;
	v0 =	vadd.f32 v6, v0  }
0x2e2: {  	v1 =	vmul.f32 v2, v1;
	v5 =	vmul.f32 v5, v18  }
0x2e3: {  	v4 =	vmul.f32 v12, v12;
	v0 =	vadd.f32 v3, v0  }
0x2e4: {  	v1 =	vadd.f32 v5, v1  }
0x2e5: {  	s7 =	sadd.s32 $0x10, s7;
	v2 =	vmul.f32 v21, v21;
	v0 =	vadd.f32 v4, v0  }
0x2e6: {  	[tilespmem:s7+$0x0] =	vst v1  }
0x2e7: {  	v1 =	vld [tilespmem:s22+$0x13C10];
	v0 =	vadd.f32 v2, v0;
	v2 =	vmul.f32 v16, v16  }
0x2e8: {  	v9 =	vld [tilespmem:s22+$0xFC00]  }
0x2e9: {  	v3 =	vmul.f32 v8, v8;
	v20 =	vld [tilespmem:s22+$0x1C10];
	v0 =	vadd.f32 v2, v0  }
0x2ea: {  	v13 =	vld [tilespmem:s22+$0x11C00]  }
0x2eb: {  	v6 =	vmul.f32 v14, v14;
	v4 =	vmul.f32 v17, v17;
	v14 =	vld [tilespmem:s22+$0x7C00];
	v3 =	vadd.f32 v3, v0  }
0x2ec: {  	v15 =	vld [tilespmem:s22+$0x9C00]  }
0x2ed: {  	v5 =	vmul.f32 v10, v10;
	v17 =	vld [tilespmem:s22+$0x5C00];
	v3 =	vadd.f32 v4, v3  }
0x2ee: {  	v18 =	vld [tilespmem:s22+$0x1C00]  }
0x2ef: {  	v21 =	vld [tilespmem:s22+$0xDC00];
	v8 =	vadd.f32 v5, v3  }
0x2f0: {  	v27 =	vld [tilespmem:s22+$0x17C00]  }
0x2f1: {  	v10 =	vmul.f32 v25, v25;
	v16 =	vld [tilespmem:s22+$0xBC00];
	v8 =	vadd.f32 v6, v8  }
0x2f2: {  	v2 =	vld [tilespmem:s22+$0xDC10]  }
0x2f3: {  	v12 =	vmul.f32 v19, v19;
	v4 =	vld [tilespmem:s22+$0x7C10];
	v10 =	vadd.f32 v10, v8  }
0x2f4: {  	v3 =	vld [tilespmem:s22+$0x11C10]  }
0x2f5: {  	v11 =	vmul.f32 v11, v11;
	v5 =	vld [tilespmem:s22+$0xBC10];
	v10 =	vadd.f32 v12, v10  }
0x2f6: {  	v8 =	vld [tilespmem:s22+$0x5C10]  }
0x2f7: {  	v6 =	vld [tilespmem:s22+$0x9C10];
	v12 =	vmul.f32 v23, v23;
	v10 =	vadd.f32 v11, v10  }
0x2f8: {  	v26 =	vadd.f32 v16, v17;
	v11 =	vld [tilespmem:s22+$0x3C00]  }
0x2f9: {  	v7 =	vmul.f32 v7, v7;
	v28 =	vadd.f32 v14, v18;
	v10 =	vadd.f32 v12, v10;
	v12 =	vld [tilespmem:s22+$0x3C10]  }
0x2fa: {  	v0 =	vld [tilespmem:s22+$0x17C10];
	v26 =	vadd.f32 v13, v26;
	v19 =	vadd.f32 v4, v20  }
0x2fb: {  	v22 =	vadd.f32 v7, v10;
	v7 =	vadd.f32 v5, v8;
	v10 =	vld [tilespmem:s22+$0xFC10]  }
0x2fc: {  	v61 =	vadd.f32 v21, v28;
	v63 =	vadd.f32 v27, v26;
	v23 =	vld [tilespmem:s22+$0x15C00]  }
0x2fd: {  	v18 =	vmul.f32 v18, v18;
	v19 =	vadd.f32 v2, v19;
	v60 =	vadd.f32 v3, v7;
	v7 =	vld [tilespmem:s22+$0x15C10]  }
0x2fe: {  	v30 =	vld [tilespmem:s22+$0x13C00];
	v59 =	vadd.f32 v15, v11;
	v29 =	vadd.f32 v6, v12  }
0x2ff: {  	v19 =	vadd.f32 v1, v19;
	v11 =	vmul.f32 v11, v11;
	v18 =	vadd.f32 v18, v22  }
0x300: {  	v24 =	vadd.f32 v9, v59;
	v29 =	vadd.f32 v10, v29  }
0x301: {  	v17 =	vmul.f32 v17, v17;
	v22 =	vadd.f32 v0, v60;
	v11 =	vadd.f32 v11, v18  }
0x302: {  	v18 =	vadd.f32 v23, v24;
	v62 =	vadd.f32 v7, v29  }
0x303: {  	v14 =	vmul.f32 v14, v14;
	v11 =	vadd.f32 v17, v11;
	v17 =	vadd.f32 v30, v61  }
0x304: {  	v18 =	vsub.f32 v63, v18;
	v22 =	vsub.f32 v22, v62  }
0x305: {  	v15 =	vmul.f32 v15, v15;
	v11 =	vadd.f32 v14, v11  }
0x306: {  	v17 =	vmul.f32 v18, v17;
	v14 =	vmul.f32 v22, v19  }
0x307: {  	v16 =	vmul.f32 v16, v16;
	v11 =	vadd.f32 v15, v11  }
0x308: {  	v14 =	vadd.f32 v14, v17  }
0x309: {  	s22 =	simm.s32 $0x1A400;
	v15 =	vmul.f32 v21, v21;
	v11 =	vadd.f32 v16, v11  }
0x30a: {  	s7 =	simm.s32 $0x20;
	[tilespmem:s22+$0x0] =	vst v14  }
0x30b: {  	v9 =	vmul.f32 v9, v9;
	v15 =	vadd.f32 v15, v11;
	v14 =	vld [tilespmem:s7+$0x13C10]  }
0x30c: {  	v11 =	vld [tilespmem:s7+$0xFC00]  }
0x30d: {  	v21 =	vmul.f32 v13, v13;
	v9 =	vadd.f32 v9, v15;
	v15 =	vld [tilespmem:s7+$0xDC10]  }
0x30e: {  	v18 =	vmul.f32 v27, v27;
	v19 =	vmul.f32 v20, v20;
	v13 =	vld [tilespmem:s7+$0x1C10]  }
0x30f: {  	s28 =	simm.s32 $0x100;
	v16 =	vmul.f32 v30, v30;
	v17 =	vmul.f32 v23, v23;
	v20 =	vadd.f32 v21, v9;
	v9 =	vld [tilespmem:s7+$0x17C10]  }
.LBB2_8:
0x310: {  	p0 =	sne.s32 s28, $0x3F80  }
0x311: {  	v21 =	vld [tilespmem:s7+$0x11C00];
	v16 =	vadd.f32 v16, v20;
	s22 =	sadd.s32 $0x10, s22;
	s24 =	smov.u32 s28;
	s28 =	sadd.s32 $0x80, s28  }
0x312: {  	v20 =	vld [tilespmem:s7+$0x7C10]  }
0x313: {  	v22 =	vld [tilespmem:s7+$0x11C10];
	v16 =	vadd.f32 v17, v16  }
0x314: {  	v17 =	vld [tilespmem:s7+$0xBC10]  }
0x315: {  	v23 =	vld [tilespmem:s7+$0xDC00];
	v16 =	vadd.f32 v18, v16  }
0x316: {  	v18 =	vld [tilespmem:s7+$0x7C00]  }
0x317: {  	v12 =	vmul.f32 v12, v12;
	v24 =	vld [tilespmem:s7+$0x9C10];
	v16 =	vadd.f32 v19, v16  }
0x318: {  	v19 =	vld [tilespmem:s7+$0x5C10]  }
0x319: {  	v8 =	vmul.f32 v8, v8;
	v25 =	vld [tilespmem:s7+$0x9C00];
	v12 =	vadd.f32 v12, v16  }
0x31a: {  	v26 =	vld [tilespmem:s7+$0xBC00]  }
0x31b: {  	v27 =	vld [tilespmem:s7+$0x5C00];
	v31 =	vadd.f32 v8, v12;
	v12 =	vmul.f32 v4, v4;
	v4 =	vmov v20  }
0x31c: {  	v16 =	vmul.f32 v6, v6;
	v20 =	vld [tilespmem:s7+$0x3C00];
	v6 =	vmov v24  }
0x31d: {  	v29 =	vmul.f32 v23, v23;
	v28 =	vadd.f32 v4, v13;
	v24 =	vld [tilespmem:s7+$0x1C00];
	v30 =	vadd.f32 v12, v31;
	v8 =	vmovc v19  }
0x31e: {  	v32 =	vmul.f32 v5, v5;
	v33 =	vmul.f32 v1, v1;
	v5 =	vmovc v17;
	v31 =	vld [tilespmem:s7+$0x13C00];
	v19 =	vadd.f32 v17, v8  }
0x31f: {  	v1 =	vmovc v14;
	v17 =	vadd.f32 v15, v28;
	v28 =	vmul.f32 v11, v11;
	v12 =	vld [tilespmem:s7+$0x3C10];
	v16 =	vadd.f32 v16, v30  }
0x320: {  	v34 =	vmul.f32 v2, v2;
	v2 =	vmov v15;
	v30 =	vmul.f32 v18, v18;
	v14 =	vld [tilespmem:s7+$0x15C00]  }
0x321: {  	v36 =	vmul.f32 v21, v21;
	v35 =	vadd.f32 v1, v17;
	v15 =	vld [tilespmem:s7+$0xFC10];
	v17 =	vadd.f32 v32, v16  }
0x322: {  	v10 =	vmul.f32 v10, v10;
	v19 =	vadd.f32 v22, v19;
	v37 =	vadd.f32 v25, v20;
	v32 =	vld [tilespmem:s7+$0x17C00]  }
0x323: {  	v38 =	vadd.f32 v26, v27;
	v16 =	vmul.f32 v31, v31;
	v34 =	vadd.f32 v34, v17  }
0x324: {  	v41 =	vmul.f32 v3, v3;
	v3 =	vmovc v22;
	v40 =	vadd.f32 v18, v24;
	v39 =	vld [tilespmem:s7+$0x15C10];
	v18 =	vadd.f32 v6, v12  }
0x325: {  	v21 =	vadd.f32 v21, v38;
	v17 =	vmul.f32 v14, v14;
	v22 =	vadd.f32 v10, v34  }
0x326: {  	v25 =	vmul.f32 v25, v25;
	v11 =	vadd.f32 v11, v37;
	v34 =	vadd.f32 v9, v19;
	v10 =	vmovc v15  }
0x327: {  	v15 =	vadd.f32 v10, v18;
	v18 =	vmul.f32 v32, v32;
	v22 =	vadd.f32 v41, v22  }
0x328: {  	v38 =	vmul.f32 v0, v0;
	v0 =	vmovc v9;
	v37 =	vmul.f32 v7, v7;
	v23 =	vadd.f32 v23, v40  }
0x329: {  	v19 =	vmul.f32 v13, v13;
	v9 =	vadd.f32 v39, v15;
	v13 =	vadd.f32 v33, v22;
	v7 =	vmovc v39  }
0x32a: {  	v11 =	vadd.f32 v14, v11;
	v14 =	vadd.f32 v32, v21;
	v15 =	vmul.f32 v26, v26  }
0x32b: {  	v9 =	vsub.f32 v34, v9;
	v13 =	vadd.f32 v37, v13  }
0x32c: {  	v21 =	vadd.f32 v31, v23;
	v22 =	vmul.f32 v24, v24  }
0x32d: {  	v11 =	vsub.f32 v14, v11;
	v9 =	vmul.f32 v9, v35;
	v13 =	vadd.f32 v38, v13  }
0x32e: {  	v14 =	vmul.f32 v20, v20  }
0x32f: {  	v11 =	vmul.f32 v11, v21;
	v13 =	vadd.f32 v22, v13;
	_ =	sdelay $0x1  }
0x330: {  	v9 =	vadd.f32 v9, v11;
	v11 =	vadd.f32 v14, v13;
	v13 =	vmul.f32 v27, v27;
	_ =	sdelay $0x1  }
0x331: {  	[tilespmem:s22+$0x0] =	vst v9;
	v9 =	vadd.f32 v13, v11;
	_ =	sdelay $0x1  }
0x332: {  	v9 =	vadd.f32 v30, v9;
	_ =	sdelay $0x1  }
0x333: {  	v9 =	vadd.f32 v25, v9;
	_ =	sdelay $0x1  }
0x334: {  	v9 =	vadd.f32 v15, v9;
	_ =	sdelay $0x1  }
0x335: {  	s7 =	sshra.s32 s24, $0x2;
	v9 =	vadd.f32 v29, v9  }
.Ltmp3:
0x336: {  	v14 =	vld [tilespmem:s7+$0x13C10];
	(pc) =	sbr.rel @p0 .LBB2_8-.Ltmp3, $4  }
0x337: {  	v11 =	vld [tilespmem:s7+$0xFC00];
	v9 =	vadd.f32 v28, v9  }
0x338: {  	v15 =	vld [tilespmem:s7+$0xDC10]  }
0x339: {  	v13 =	vld [tilespmem:s7+$0x1C10];
	v20 =	vadd.f32 v36, v9  }
0x33a: {  	v9 =	vld [tilespmem:s7+$0x17C10]  }
0x33b: {  	v16 =	vadd.f32 v16, v20;
	_ =	sdelay $0x1  }
0x33c: {  	v16 =	vadd.f32 v17, v16;
	_ =	sdelay $0x1  }
0x33d: {  	v16 =	vadd.f32 v18, v16;
	_ =	sdelay $0x1  }
0x33e: {  	v12 =	vmul.f32 v12, v12;
	v16 =	vadd.f32 v19, v16;
	_ =	sdelay $0x1  }
0x33f: {  	v8 =	vmul.f32 v8, v8;
	v12 =	vadd.f32 v12, v16;
	_ =	sdelay $0x1  }
0x340: {  	v4 =	vmul.f32 v4, v4;
	v8 =	vadd.f32 v8, v12;
	_ =	sdelay $0x1  }
0x341: {  	v6 =	vmul.f32 v6, v6;
	v4 =	vadd.f32 v4, v8;
	_ =	sdelay $0x1  }
0x342: {  	v5 =	vmul.f32 v5, v5;
	v4 =	vadd.f32 v6, v4;
	_ =	sdelay $0x1  }
0x343: {  	v2 =	vmul.f32 v2, v2;
	v4 =	vadd.f32 v5, v4;
	_ =	sdelay $0x1  }
0x344: {  	v60 =	vmul.f32 v10, v10;
	v2 =	vadd.f32 v2, v4;
	_ =	sdelay $0x1  }
0x345: {  	v3 =	vmul.f32 v3, v3;
	v2 =	vadd.f32 v60, v2;
	_ =	sdelay $0x1  }
0x346: {  	v1 =	vmul.f32 v1, v1;
	v2 =	vadd.f32 v3, v2  }
0x347: {  	v61 =	vld [tilespmem:s7+$0x1C00]  }
0x348: {  	v62 =	vmul.f32 v7, v7;
	v1 =	vadd.f32 v1, v2  }
0x349: {  	v63 =	vld [tilespmem:s7+$0x3C00]  }
0x34a: {  	v0 =	vmul.f32 v0, v0;
	v1 =	vadd.f32 v62, v1  }
0x34b: {  	v24 =	vld [tilespmem:s7+$0x5C00]  }
0x34c: {  	v25 =	vmul.f32 v61, v61;
	v0 =	vadd.f32 v0, v1  }
0x34d: {  	v26 =	vld [tilespmem:s7+$0x7C00]  }
0x34e: {  	v27 =	vmul.f32 v63, v63;
	v0 =	vadd.f32 v25, v0  }
0x34f: {  	v28 =	vld [tilespmem:s7+$0x9C00]  }
0x350: {  	v29 =	vmul.f32 v24, v24;
	v0 =	vadd.f32 v27, v0  }
0x351: {  	v30 =	vld [tilespmem:s7+$0xBC00]  }
0x352: {  	v31 =	vmul.f32 v26, v26;
	v0 =	vadd.f32 v29, v0  }
0x353: {  	v32 =	vld [tilespmem:s7+$0xDC00]  }
0x354: {  	v33 =	vmul.f32 v28, v28;
	v0 =	vadd.f32 v31, v0;
	_ =	sdelay $0x1  }
0x355: {  	v34 =	vmul.f32 v30, v30;
	v0 =	vadd.f32 v33, v0  }
0x356: {  	v35 =	vld [tilespmem:s7+$0x11C00]  }
0x357: {  	v36 =	vmul.f32 v32, v32;
	v0 =	vadd.f32 v34, v0  }
0x358: {  	v37 =	vld [tilespmem:s7+$0x13C00]  }
0x359: {  	v38 =	vmul.f32 v11, v11;
	v0 =	vadd.f32 v36, v0  }
0x35a: {  	v39 =	vld [tilespmem:s7+$0x15C00]  }
0x35b: {  	v40 =	vmul.f32 v35, v35;
	v0 =	vadd.f32 v38, v0  }
0x35c: {  	v41 =	vld [tilespmem:s7+$0x17C00]  }
0x35d: {  	v42 =	vmul.f32 v37, v37;
	v0 =	vadd.f32 v40, v0;
	_ =	sdelay $0x1  }
0x35e: {  	v43 =	vmul.f32 v39, v39;
	v0 =	vadd.f32 v42, v0  }
0x35f: {  	v44 =	vld [tilespmem:s7+$0x3C10]  }
0x360: {  	v45 =	vmul.f32 v41, v41;
	v0 =	vadd.f32 v43, v0  }
0x361: {  	v46 =	vld [tilespmem:s7+$0x5C10]  }
0x362: {  	v21 =	vmul.f32 v13, v13;
	v0 =	vadd.f32 v45, v0  }
0x363: {  	v47 =	vld [tilespmem:s7+$0x7C10]  }
0x364: {  	v48 =	vld [tilespmem:s7+$0xBC10];
	v49 =	vmul.f32 v44, v44;
	v0 =	vadd.f32 v21, v0  }
0x365: {  	v22 =	vld [tilespmem:s7+$0x9C10]  }
0x366: {  	v23 =	vld [tilespmem:s7+$0x11C10];
	v50 =	vmul.f32 v46, v46;
	v0 =	vadd.f32 v49, v0;
	_ =	sdelay $0x1  }
0x367: {  	v20 =	vmul.f32 v47, v47;
	v0 =	vadd.f32 v50, v0  }
0x368: {  	v51 =	vadd.f32 v47, v13;
	v17 =	vadd.f32 v48, v46  }
0x369: {  	v53 =	vld [tilespmem:s7+$0xFC10];
	v52 =	vmul.f32 v22, v22;
	v57 =	vadd.f32 v22, v44;
	v0 =	vadd.f32 v20, v0  }
0x36a: {  	v13 =	vadd.f32 v15, v51;
	v54 =	vadd.f32 v23, v17  }
0x36b: {  	v55 =	vmul.f32 v48, v48;
	v4 =	vadd.f32 v30, v24;
	v0 =	vadd.f32 v52, v0  }
0x36c: {  	v56 =	vld [tilespmem:s7+$0x15C10];
	v13 =	vadd.f32 v14, v13;
	v5 =	vadd.f32 v9, v54  }
0x36d: {  	v58 =	vmul.f32 v15, v15;
	v4 =	vadd.f32 v35, v4;
	v0 =	vadd.f32 v55, v0  }
0x36e: {  	v3 =	vadd.f32 v53, v57;
	v2 =	vadd.f32 v28, v63  }
0x36f: {  	v59 =	vmul.f32 v53, v53;
	v4 =	vadd.f32 v41, v4;
	v0 =	vadd.f32 v58, v0  }
0x370: {  	v2 =	vadd.f32 v11, v2;
	v1 =	vadd.f32 v26, v61  }
0x371: {  	v60 =	vmul.f32 v23, v23;
	v3 =	vadd.f32 v56, v3;
	v0 =	vadd.f32 v59, v0  }
0x372: {  	v2 =	vadd.f32 v39, v2;
	v1 =	vadd.f32 v32, v1  }
0x373: {  	v3 =	vsub.f32 v5, v3;
	v61 =	vmul.f32 v14, v14;
	v0 =	vadd.f32 v60, v0  }
0x374: {  	v2 =	vsub.f32 v4, v2;
	v1 =	vadd.f32 v37, v1  }
0x375: {  	v62 =	vmul.f32 v56, v56;
	v0 =	vadd.f32 v61, v0  }
0x376: {  	v3 =	vmul.f32 v3, v13;
	v1 =	vmul.f32 v2, v1  }
0x377: {  	v63 =	vmul.f32 v9, v9;
	v0 =	vadd.f32 v62, v0  }
0x378: {  	v1 =	vadd.f32 v3, v1  }
0x379: {  	s24 =	sadd.s32 $0x10, s22;
	v0 =	vadd.f32 v63, v0  }
0x37a: {  	[tilespmem:s24+$0x0] =	vst v1  }
0x37b: {  	s28 =	rddreg [dreg:$0x1a];
	[tilespmem:$0x1AC00] =	vst v0  }
0x37c: {  	[hbm4b:s28+s2] =	stream.linear.scatter [tilespmem:s26], [sflag:$0x2], $0x2000, $0x38;
	[tilespmem:$0x1AC10] =	vst v63  }
0x37d: {  	_ =	swait.ge [sflag:s8], $0x2000  }
0x37e: {  	[sflag:s8] =	ssyncset.done $0x0  }
0x37f: {  	s24 =	simm.s32 $0x1AC00;
	s22 =	rddreg [dreg:$0x1b];
	[sflag:s8] =	ssyncadd.s32 $0xFFFFE000  }
0x380: {  	[hbm4b:s22+s2] =	stream.linear.scatter [tilespmem:s24], [sflag:$0x2], $0x10, $0x38;
	[tilespmem:$0x1AC10] =	vst v63  }
0x381: {  	_ =	swait.ge [sflag:s8], $0x10  }
0x382: {  	s1 =	sadd.s32 $0x1, s1;
	s28 =	rddreg [dreg:$0x1c]  }
0x383: {  	p0 =	sne.s32 s1, s28  }
.Ltmp4:
0x384: {  	_ = 	snop;
	(pc) =	sbr.rel @p0 .LBB2_1-.Ltmp4, $3  }
0x385: {  	_ =	sdelay $0x1  }
0x386: {  	[sflag:s8] =	ssyncset.done $0x0  }
0x387: {  	s29 =	simm.s32 $0xC00;
	[sflag:s8] =	ssyncadd.s32 $0xFFFFFFF0  }
0x388: {  	_ =	sfence.sel $0x180000  }
0x389: {  	[bflag:$0x0] =	sbarrier.arrive $0xFFFF  }
0x38a: {  	_ =	strace $0x90000047  }
0x38b: {  	s0 =	stileid.u32;
	[bflag:$0x2] =	sbarrier.arrive $0xFFFF  }
0x38c: {  	p0 =	sne.s32 s0, $0x0;
	s0 =	rddreg [dreg:$0x1]  }
0x38d: {  	s0 =	sadd.s32 @!p0 $0x100000, s0  }
0x38e: {  	[sflag:s0] =	ssyncadd.tile.s32 @!p0 $0x1;
	_ =	shalt  }
.Lfunc_end2:
_tile_overlayer_lowered:
.L_overlay_start_2:
0x38f: {  	(tag) =	ssettag $0x2  }
0x390: {  	s0 =	rddreg [dreg:$0x0];
	s2 =	stileid.u32  }
0x391: {  	s1 =	rddreg [dreg:$0x1];
	p0 =	sne.s32 s2, $0x0  }
0x392: {  	s3 =	rddreg [dreg:$0x2];
	[bflag:$0x3] =	sbarrier.arrive $0xFFFF;
	s2 =	simm.s32 @!p0 $0x1C02  }
0x393: {  	[timem:s3], [sflag:s2] =	dma.local @!p0 [hbm:s0], s1  }
0x394: {  	s0 =	simm.s32 @!p0 $0x2  }
0x395: {  	_ =	swait.ge @!p0 [sflag:s0], s1  }
0x396: {  	s1 =	ssub.s32 @!p0 $0x0, s1;
	[sflag:s0] =	ssyncset.done @!p0 $0x0  }
0x397: {  	[sflag:s0] =	ssyncadd.s32 @!p0 s1  }
0x398: {  	[bflag:$0x3] =	sbarrier.arrive $0xFFFF  }
0x399: {  	_ =	shalt  }

</sc_bundles>
